<compile_context>
chip_gen: v7x
topology: tpu7x:2x2x1
jax: 0.10.2.dev20260603
libtpu: 0.0.44.dev20260713+nightly
codegen_flags: <defaults>
</compile_context>

<pallas_src>
import jax
import jax.numpy as jnp
from jax.experimental import pallas as pl
from functools import partial


def _gat_dense_body(x_ref, w_ref, asrc_ref, adst_ref, xw_ref, as_ref, ad_ref,
                    *, heads, out_ch):
    x = x_ref[...]
    w = w_ref[...]
    xw = jnp.dot(x, w, preferred_element_type=jnp.float32)
    xw_ref[...] = xw
    b = xw.shape[0]
    xwh = xw.reshape(b, heads, out_ch)
    as_ref[...] = (xwh * asrc_ref[...]).sum(-1)
    ad_ref[...] = (xwh * adst_ref[...]).sum(-1)


def _gat_dense(x, W, a_src, a_dst, heads, out_ch, block_n=1000):
    n, in_ch = x.shape
    hc = heads * out_ch
    grid = (n // block_n,)
    out_shapes = (
        jax.ShapeDtypeStruct((n, hc), jnp.float32),
        jax.ShapeDtypeStruct((n, heads), jnp.float32),
        jax.ShapeDtypeStruct((n, heads), jnp.float32),
    )
    return pl.pallas_call(
        partial(_gat_dense_body, heads=heads, out_ch=out_ch),
        grid=grid,
        in_specs=[
            pl.BlockSpec((block_n, in_ch), lambda i: (i, 0)),
            pl.BlockSpec((in_ch, hc), lambda i: (0, 0)),
            pl.BlockSpec((1, heads, out_ch), lambda i: (0, 0, 0)),
            pl.BlockSpec((1, heads, out_ch), lambda i: (0, 0, 0)),
        ],
        out_specs=(
            pl.BlockSpec((block_n, hc), lambda i: (i, 0)),
            pl.BlockSpec((block_n, heads), lambda i: (i, 0)),
            pl.BlockSpec((block_n, heads), lambda i: (i, 0)),
        ),
        out_shape=out_shapes,
    )(x, W, a_src, a_dst)


def _gat_layer(x, src, dst, W, a_src, a_dst, bias, heads, out_ch, concat, n):
    xw, alpha_src, alpha_dst = _gat_dense(x, W, a_src, a_dst, heads, out_ch)
    alpha = alpha_src[src] + alpha_dst[dst]
    alpha = jax.nn.leaky_relu(alpha, negative_slope=0.2)
    amax = jax.ops.segment_max(alpha, dst, num_segments=n,
                               indices_are_sorted=True)
    amax = jnp.where(jnp.isfinite(amax), amax, 0.0)
    ex = jnp.exp(alpha - amax[dst])
    denom = jax.ops.segment_sum(ex, dst, num_segments=n,
                                indices_are_sorted=True)
    attn = ex / (denom[dst] + 1e-16)
    xwh = xw.reshape(n, heads, out_ch)
    msg = xwh[src] * attn[:, :, None]
    out = jax.ops.segment_sum(msg, dst, num_segments=n,
                              indices_are_sorted=True)
    if concat:
        out = out.reshape(n, heads * out_ch)
    else:
        out = out.mean(axis=1)
    return out + bias


def kernel(x, edge_index, W1, a_src1, a_dst1, b1, W2, a_src2, a_dst2, b2):
    n = x.shape[0]
    loop = jnp.arange(n, dtype=edge_index.dtype)
    src = jnp.concatenate([edge_index[0], loop])
    dst = jnp.concatenate([edge_index[1], loop])
    order = jnp.argsort(dst)
    src = src[order]
    dst = dst[order]
    heads1 = a_src1.shape[1]
    hid1 = a_src1.shape[2]
    heads2 = a_src2.shape[1]
    hid2 = a_src2.shape[2]
    h = _gat_layer(x, src, dst, W1, a_src1, a_dst1, b1, heads1, hid1, True, n)
    h = jax.nn.elu(h)
    out = _gat_layer(h, src, dst, W2, a_src2, a_dst2, b2, heads2, hid2, False, n)
    return out

# --- scband reference (transcript-rebuilt; emitter-appended) ---
"""Pipeline reference for scband-gat-9998683865368 (READ-ONLY COPY).

The authoritative reference and input builder live on the scoring server;
editing this copy changes nothing except your own understanding.
"""

import jax, jax.numpy as jnp
import numpy as np

N = 10000
E = 160000
IN_CH = 256
HIDDEN = 256
HEADS = 4
OUT_CH = 256
OUT_HEADS = 1


def setup_inputs(seed: int = 0) -> dict:
    key = jax.random.key(seed)
    ks = jax.random.split(key, 12)
    x = jax.random.normal(ks[0], (N, IN_CH), dtype=jnp.float32)
    edge_index = jax.random.randint(ks[1], (2, E), 0, N, dtype=jnp.int64)
    W1 = jax.random.normal(ks[2], (IN_CH, HEADS * HIDDEN), dtype=jnp.float32) * 0.05
    a_src1 = jax.random.normal(ks[3], (1, HEADS, HIDDEN), dtype=jnp.float32) * 0.05
    a_dst1 = jax.random.normal(ks[4], (1, HEADS, HIDDEN), dtype=jnp.float32) * 0.05
    b1 = jnp.zeros((HEADS * HIDDEN,), dtype=jnp.float32)
    W2 = jax.random.normal(ks[5], (HEADS * HIDDEN, OUT_HEADS * OUT_CH), dtype=jnp.float32) * 0.05
    a_src2 = jax.random.normal(ks[6], (1, OUT_HEADS, OUT_CH), dtype=jnp.float32) * 0.05
    a_dst2 = jax.random.normal(ks[7], (1, OUT_HEADS, OUT_CH), dtype=jnp.float32) * 0.05
    b2 = jnp.zeros((OUT_CH,), dtype=jnp.float32)
    return {"x": x, "edge_index": edge_index, "W1": W1, "a_src1": a_src1, "a_dst1": a_dst1, "b1": b1, "W2": W2, "a_src2": a_src2, "a_dst2": a_dst2, "b2": b2}


def gat_conv(x, src, dst, W, a_src, a_dst, bias, heads, out_ch, concat, n):
    xw = (x @ W).reshape(-1, heads, out_ch)  # [N, H, C]
    alpha_src = (xw * a_src).sum(-1)  # [N, H]
    alpha_dst = (xw * a_dst).sum(-1)  # [N, H]
    alpha = alpha_src[src] + alpha_dst[dst]  # [E', H]
    alpha = jax.nn.leaky_relu(alpha, negative_slope=0.2)
    # segment softmax over destination nodes
    amax = jax.ops.segment_max(alpha, dst, num_segments=n)
    amax = jnp.where(jnp.isfinite(amax), amax, 0.0)
    ex = jnp.exp(alpha - amax[dst])
    denom = jax.ops.segment_sum(ex, dst, num_segments=n)
    attn = ex / (denom[dst] + 1e-16)
    # dropout p=0.0 / eval mode -> identity
    msg = xw[src] * attn[:, :, None]  # [E', H, C]
    out = jax.ops.segment_sum(msg, dst, num_segments=n)  # [N, H, C]
    if concat:
        out = out.reshape(n, heads * out_ch)
    else:
        out = out.mean(axis=1)
    return out + bias


def reference(x, edge_index, W1, a_src1, a_dst1, b1, W2, a_src2, a_dst2, b2):
    n = x.shape[0]
    # PyG GATConv adds self-loops by default
    loop = jnp.arange(n, dtype=edge_index.dtype)
    src = jnp.concatenate([edge_index[0], loop])
    dst = jnp.concatenate([edge_index[1], loop])
    # dropout(p=0.0) on features -> identity
    h = gat_conv(x, src, dst, W1, a_src1, a_dst1, b1, HEADS, HIDDEN, True, n)
    h = jax.nn.elu(h)
    out = gat_conv(h, src, dst, W2, a_src2, a_dst2, b2, OUT_HEADS, OUT_CH, False, n)
    return out

if __name__ == "__main__":
    import jax
    _d = setup_inputs()
    print(jax.jit(kernel)(*tuple(_d.values())))

</pallas_src>

<mosaic_0001>
module attributes {stable_mosaic.version = 14 : i64} {
  func.func @_gat_dense_body(%arg0: i32, %arg1: memref<1000x256xf32, #tpu.memory_space<vmem>>, %arg2: memref<256x1024xf32, #tpu.memory_space<vmem>>, %arg3: memref<1x4x256xf32, #tpu.memory_space<vmem>>, %arg4: memref<1x4x256xf32, #tpu.memory_space<vmem>>, %arg5: memref<1000x1024xf32, #tpu.memory_space<vmem>>, %arg6: memref<1000x4xf32, #tpu.memory_space<vmem>>, %arg7: memref<1000x4xf32, #tpu.memory_space<vmem>>) attributes {dimension_semantics = [#tpu.dimension_semantics<arbitrary>], iteration_bounds = array<i64: 10>, scalar_prefetch = 0 : i64, scratch_operands = 0 : i64, tpu.core_type = #tpu.core_type<tc>, window_params = [{transform_indices = @transform_0, window_bounds = array<i64: 1000, 256>}, {pipeline_mode = #tpu.pipeline_mode<synchronous>, transform_indices = @transform_1, window_bounds = array<i64: 256, 1024>}, {pipeline_mode = #tpu.pipeline_mode<synchronous>, transform_indices = @transform_2, window_bounds = array<i64: 1, 4, 256>}, {pipeline_mode = #tpu.pipeline_mode<synchronous>, transform_indices = @transform_3, window_bounds = array<i64: 1, 4, 256>}, {transform_indices = @transform_4, window_bounds = array<i64: 1000, 1024>}, {transform_indices = @transform_5, window_bounds = array<i64: 1000, 4>}, {transform_indices = @transform_6, window_bounds = array<i64: 1000, 4>}]} {
    %get3A = arith.constant 0 : index
    %get3A_0 = arith.constant 0 : index
    %get3A_1 = vector.load %arg1[%get3A, %get3A_0] : memref<1000x256xf32, #tpu.memory_space<vmem>>, vector<1000x256xf32>
    %get3A_2 = arith.constant 0 : index
    %get3A_3 = arith.constant 0 : index
    %get3A_4 = vector.load %arg2[%get3A_2, %get3A_3] : memref<256x1024xf32, #tpu.memory_space<vmem>>, vector<256x1024xf32>
    %dot_general3A = arith.constant dense<0.000000e+00> : vector<1000x1024xf32>
    %dot_general3A_5 = tpu.matmul %get3A_1, %get3A_4, %dot_general3A {dimension_numbers = #tpu.dot_dimension_numbers<[1], [0], [0], [1], [0, 0, 1, 1], [], []>, transpose_lhs_hint = false} : vector<1000x256xf32>, vector<256x1024xf32>, vector<1000x1024xf32> -> vector<1000x1024xf32>
    %swap3A = arith.constant 0 : index
    %swap3A_6 = arith.constant 0 : index
    %swap3A_7 = vector.load %arg5[%swap3A, %swap3A_6] : memref<1000x1024xf32, #tpu.memory_space<vmem>>, vector<1000x1024xf32>
    tpu.vector_store %arg5[%swap3A, %swap3A_6], %dot_general3A_5 {strides = array<i32>} : memref<1000x1024xf32, #tpu.memory_space<vmem>>, vector<1000x1024xf32>,
    %reshape3A = vector.shape_cast %dot_general3A_5 : vector<1000x1024xf32> to vector<1000x4x256xf32>
    %get3A_8 = arith.constant 0 : index
    %get3A_9 = arith.constant 0 : index
    %get3A_10 = arith.constant 0 : index
    %get3A_11 = vector.load %arg3[%get3A_8, %get3A_9, %get3A_10] : memref<1x4x256xf32, #tpu.memory_space<vmem>>, vector<1x4x256xf32>
    %mul3A = vector.broadcast %get3A_11 : vector<1x4x256xf32> to vector<1000x4x256xf32>
    %mul3A_12 = arith.mulf %reshape3A, %mul3A : vector<1000x4x256xf32>
    %reduce_sum3A = arith.constant dense<0.000000e+00> : vector<1000x4xf32>
    %reduce_sum3A_13 = vector.multi_reduction <add>, %mul3A_12, %reduce_sum3A [2] : vector<1000x4x256xf32> to vector<1000x4xf32>
    %swap3A_14 = arith.constant 0 : index
    %swap3A_15 = arith.constant 0 : index
    %swap3A_16 = vector.load %arg6[%swap3A_14, %swap3A_15] : memref<1000x4xf32, #tpu.memory_space<vmem>>, vector<1000x4xf32>
    tpu.vector_store %arg6[%swap3A_14, %swap3A_15], %reduce_sum3A_13 {strides = array<i32>} : memref<1000x4xf32, #tpu.memory_space<vmem>>, vector<1000x4xf32>,
    %get3A_17 = arith.constant 0 : index
    %get3A_18 = arith.constant 0 : index
    %get3A_19 = arith.constant 0 : index
    %get3A_20 = vector.load %arg4[%get3A_17, %get3A_18, %get3A_19] : memref<1x4x256xf32, #tpu.memory_space<vmem>>, vector<1x4x256xf32>
    %mul3A_21 = vector.broadcast %get3A_20 : vector<1x4x256xf32> to vector<1000x4x256xf32>
    %mul3A_22 = arith.mulf %reshape3A, %mul3A_21 : vector<1000x4x256xf32>
    %reduce_sum3A_23 = arith.constant dense<0.000000e+00> : vector<1000x4xf32>
    %reduce_sum3A_24 = vector.multi_reduction <add>, %mul3A_22, %reduce_sum3A_23 [2] : vector<1000x4x256xf32> to vector<1000x4xf32>
    %swap3A_25 = arith.constant 0 : index
    %swap3A_26 = arith.constant 0 : index
    %swap3A_27 = vector.load %arg7[%swap3A_25, %swap3A_26] : memref<1000x4xf32, #tpu.memory_space<vmem>>, vector<1000x4xf32>
    tpu.vector_store %arg7[%swap3A_25, %swap3A_26], %reduce_sum3A_24 {strides = array<i32>} : memref<1000x4xf32, #tpu.memory_space<vmem>>, vector<1000x4xf32>,
    return
  }
  func.func @transform_0(%arg0: i32) -> (i32, i32) {
    %c0_i32 = arith.constant 0 : i32
    %c0_i32_0 = arith.constant 0 : i32
    return %arg0, %c0_i32 : i32, i32
  }
  func.func @transform_1(%arg0: i32) -> (i32, i32) {
    %c0_i32 = arith.constant 0 : i32
    %c0_i32_0 = arith.constant 0 : i32
    %c0_i32_1 = arith.constant 0 : i32
    return %c0_i32, %c0_i32_0 : i32, i32
  }
  func.func @transform_2(%arg0: i32) -> (i32, i32, i32) {
    %c0_i32 = arith.constant 0 : i32
    %c0_i32_0 = arith.constant 0 : i32
    %c0_i32_1 = arith.constant 0 : i32
    %c0_i32_2 = arith.constant 0 : i32
    return %c0_i32, %c0_i32_0, %c0_i32_1 : i32, i32, i32
  }
  func.func @transform_3(%arg0: i32) -> (i32, i32, i32) {
    %c0_i32 = arith.constant 0 : i32
    %c0_i32_0 = arith.constant 0 : i32
    %c0_i32_1 = arith.constant 0 : i32
    %c0_i32_2 = arith.constant 0 : i32
    return %c0_i32, %c0_i32_0, %c0_i32_1 : i32, i32, i32
  }
  func.func @transform_4(%arg0: i32) -> (i32, i32) {
    %c0_i32 = arith.constant 0 : i32
    %c0_i32_0 = arith.constant 0 : i32
    return %arg0, %c0_i32 : i32, i32
  }
  func.func @transform_5(%arg0: i32) -> (i32, i32) {
    %c0_i32 = arith.constant 0 : i32
    %c0_i32_0 = arith.constant 0 : i32
    return %arg0, %c0_i32 : i32, i32
  }
  func.func @transform_6(%arg0: i32) -> (i32, i32) {
    %c0_i32 = arith.constant 0 : i32
    %c0_i32_0 = arith.constant 0 : i32
    return %arg0, %c0_i32 : i32, i32
  }
}

module attributes {stable_mosaic.version = 14 : i64} {
  func.func @_gat_dense_body(%arg0: i32, %arg1: memref<1000x1024xf32, #tpu.memory_space<vmem>>, %arg2: memref<1024x256xf32, #tpu.memory_space<vmem>>, %arg3: memref<1x1x256xf32, #tpu.memory_space<vmem>>, %arg4: memref<1x1x256xf32, #tpu.memory_space<vmem>>, %arg5: memref<1000x256xf32, #tpu.memory_space<vmem>>, %arg6: memref<1000x1xf32, #tpu.memory_space<vmem>>, %arg7: memref<1000x1xf32, #tpu.memory_space<vmem>>) attributes {dimension_semantics = [#tpu.dimension_semantics<arbitrary>], iteration_bounds = array<i64: 10>, scalar_prefetch = 0 : i64, scratch_operands = 0 : i64, tpu.core_type = #tpu.core_type<tc>, window_params = [{transform_indices = @transform_0, window_bounds = array<i64: 1000, 1024>}, {pipeline_mode = #tpu.pipeline_mode<synchronous>, transform_indices = @transform_1, window_bounds = array<i64: 1024, 256>}, {pipeline_mode = #tpu.pipeline_mode<synchronous>, transform_indices = @transform_2, window_bounds = array<i64: 1, 1, 256>}, {pipeline_mode = #tpu.pipeline_mode<synchronous>, transform_indices = @transform_3, window_bounds = array<i64: 1, 1, 256>}, {transform_indices = @transform_4, window_bounds = array<i64: 1000, 256>}, {transform_indices = @transform_5, window_bounds = array<i64: 1000, 1>}, {transform_indices = @transform_6, window_bounds = array<i64: 1000, 1>}]} {
    %get3A = arith.constant 0 : index
    %get3A_0 = arith.constant 0 : index
    %get3A_1 = vector.load %arg1[%get3A, %get3A_0] : memref<1000x1024xf32, #tpu.memory_space<vmem>>, vector<1000x1024xf32>
    %get3A_2 = arith.constant 0 : index
    %get3A_3 = arith.constant 0 : index
    %get3A_4 = vector.load %arg2[%get3A_2, %get3A_3] : memref<1024x256xf32, #tpu.memory_space<vmem>>, vector<1024x256xf32>
    %dot_general3A = arith.constant dense<0.000000e+00> : vector<1000x256xf32>
    %dot_general3A_5 = tpu.matmul %get3A_1, %get3A_4, %dot_general3A {dimension_numbers = #tpu.dot_dimension_numbers<[1], [0], [0], [1], [0, 0, 1, 1], [], []>, transpose_lhs_hint = false} : vector<1000x1024xf32>, vector<1024x256xf32>, vector<1000x256xf32> -> vector<1000x256xf32>
    %swap3A = arith.constant 0 : index
    %swap3A_6 = arith.constant 0 : index
    %swap3A_7 = vector.load %arg5[%swap3A, %swap3A_6] : memref<1000x256xf32, #tpu.memory_space<vmem>>, vector<1000x256xf32>
    tpu.vector_store %arg5[%swap3A, %swap3A_6], %dot_general3A_5 {strides = array<i32>} : memref<1000x256xf32, #tpu.memory_space<vmem>>, vector<1000x256xf32>,
    %reshape3A = vector.shape_cast %dot_general3A_5 : vector<1000x256xf32> to vector<1000x1x256xf32>
    %get3A_8 = arith.constant 0 : index
    %get3A_9 = arith.constant 0 : index
    %get3A_10 = arith.constant 0 : index
    %get3A_11 = vector.load %arg3[%get3A_8, %get3A_9, %get3A_10] : memref<1x1x256xf32, #tpu.memory_space<vmem>>, vector<1x1x256xf32>
    %mul3A = vector.broadcast %get3A_11 : vector<1x1x256xf32> to vector<1000x1x256xf32>
    %mul3A_12 = arith.mulf %reshape3A, %mul3A : vector<1000x1x256xf32>
    %reduce_sum3A = arith.constant dense<0.000000e+00> : vector<1000x1xf32>
    %reduce_sum3A_13 = vector.multi_reduction <add>, %mul3A_12, %reduce_sum3A [2] : vector<1000x1x256xf32> to vector<1000x1xf32>
    %swap3A_14 = arith.constant 0 : index
    %swap3A_15 = arith.constant 0 : index
    %swap3A_16 = vector.load %arg6[%swap3A_14, %swap3A_15] : memref<1000x1xf32, #tpu.memory_space<vmem>>, vector<1000x1xf32>
    tpu.vector_store %arg6[%swap3A_14, %swap3A_15], %reduce_sum3A_13 {strides = array<i32>} : memref<1000x1xf32, #tpu.memory_space<vmem>>, vector<1000x1xf32>,
    %get3A_17 = arith.constant 0 : index
    %get3A_18 = arith.constant 0 : index
    %get3A_19 = arith.constant 0 : index
    %get3A_20 = vector.load %arg4[%get3A_17, %get3A_18, %get3A_19] : memref<1x1x256xf32, #tpu.memory_space<vmem>>, vector<1x1x256xf32>
    %mul3A_21 = vector.broadcast %get3A_20 : vector<1x1x256xf32> to vector<1000x1x256xf32>
    %mul3A_22 = arith.mulf %reshape3A, %mul3A_21 : vector<1000x1x256xf32>
    %reduce_sum3A_23 = arith.constant dense<0.000000e+00> : vector<1000x1xf32>
    %reduce_sum3A_24 = vector.multi_reduction <add>, %mul3A_22, %reduce_sum3A_23 [2] : vector<1000x1x256xf32> to vector<1000x1xf32>
    %swap3A_25 = arith.constant 0 : index
    %swap3A_26 = arith.constant 0 : index
    %swap3A_27 = vector.load %arg7[%swap3A_25, %swap3A_26] : memref<1000x1xf32, #tpu.memory_space<vmem>>, vector<1000x1xf32>
    tpu.vector_store %arg7[%swap3A_25, %swap3A_26], %reduce_sum3A_24 {strides = array<i32>} : memref<1000x1xf32, #tpu.memory_space<vmem>>, vector<1000x1xf32>,
    return
  }
  func.func @transform_0(%arg0: i32) -> (i32, i32) {
    %c0_i32 = arith.constant 0 : i32
    %c0_i32_0 = arith.constant 0 : i32
    return %arg0, %c0_i32 : i32, i32
  }
  func.func @transform_1(%arg0: i32) -> (i32, i32) {
    %c0_i32 = arith.constant 0 : i32
    %c0_i32_0 = arith.constant 0 : i32
    %c0_i32_1 = arith.constant 0 : i32
    return %c0_i32, %c0_i32_0 : i32, i32
  }
  func.func @transform_2(%arg0: i32) -> (i32, i32, i32) {
    %c0_i32 = arith.constant 0 : i32
    %c0_i32_0 = arith.constant 0 : i32
    %c0_i32_1 = arith.constant 0 : i32
    %c0_i32_2 = arith.constant 0 : i32
    return %c0_i32, %c0_i32_0, %c0_i32_1 : i32, i32, i32
  }
  func.func @transform_3(%arg0: i32) -> (i32, i32, i32) {
    %c0_i32 = arith.constant 0 : i32
    %c0_i32_0 = arith.constant 0 : i32
    %c0_i32_1 = arith.constant 0 : i32
    %c0_i32_2 = arith.constant 0 : i32
    return %c0_i32, %c0_i32_0, %c0_i32_1 : i32, i32, i32
  }
  func.func @transform_4(%arg0: i32) -> (i32, i32) {
    %c0_i32 = arith.constant 0 : i32
    %c0_i32_0 = arith.constant 0 : i32
    return %arg0, %c0_i32 : i32, i32
  }
  func.func @transform_5(%arg0: i32) -> (i32, i32) {
    %c0_i32 = arith.constant 0 : i32
    %c0_i32_0 = arith.constant 0 : i32
    return %arg0, %c0_i32 : i32, i32
  }
  func.func @transform_6(%arg0: i32) -> (i32, i32) {
    %c0_i32 = arith.constant 0 : i32
    %c0_i32_0 = arith.constant 0 : i32
    return %arg0, %c0_i32 : i32, i32
  }
}

</mosaic_0001>

<sc_bundles>
// kernel: gather_offload_async_start.1
scs
__scs_entry_jumppad:
0x0: {  	(pc) =	sbr.rel $0x88, $3  }
0x1: {  	(tag) =	ssettag $0x0;
	lr =	simm.s32 $0x1  }
0x2: {  	[smem:$0x3F97] =	sst lr;
	_ =	strace $0xD0000000  }
0x3: {  	_ = 	snop  }
0x4: {  	_ = 	snop  }
0x5: {  	_ = 	snop  }
0x6: {  	_ = 	snop  }
0x7: {  	_ = 	snop  }
__scs_overlays_trampoline_lowered:
0x8: {  	[smem:$0x3FA6] =	sst s0  }
0x9: {  	[smem:$0x3FA7] =	sst s1  }
0xa: {  	[smem:$0x3FA8] =	sst s2  }
0xb: {  	[smem:$0x3FA9] =	sst s3  }
0xc: {  	[smem:$0x3FAA] =	sst s4  }
0xd: {  	[smem:$0x3FAB] =	sst s5  }
0xe: {  	[smem:$0x3FAC] =	sst s6  }
0xf: {  	[smem:$0x3FAD] =	sst s7  }
0x10: {  	[smem:$0x3FAE] =	sst s8  }
0x11: {  	[smem:$0x3FAF] =	sst s9;
	s0 =	simm.s32 @!p0 $0x0  }
0x12: {  	s1 =	sld [smem:$0x3F95];
	s0 =	simm.s32 @p0 $0x1  }
0x13: {  	[smem:$0x3FB0] =	sst s0;
	s0 =	simm.s32 @!p1 $0x0  }
0x14: {  	s2 =	sld [smem:$0x3F94];
	s0 =	simm.s32 @p1 $0x1  }
0x15: {  	[smem:$0x3FB1] =	sst s0;
	s0 =	simm.s32 @!p2 $0x0  }
0x16: {  	s3 =	sld [smem:$0x3FDB];
	s0 =	simm.s32 @p2 $0x1  }
0x17: {  	s4 =	simm.s32 $0x1BF5;
	[smem:$0x3FB3] =	sst s0  }
0x18: {  	s0 =	sld [smem:$0x3F96];
	_ =	swait.ge [sflag:s4], $0x0  }
0x19: {  	s7 =	sld [smem:$0x3F97]  }
0x1a: {  	s8 =	sadd.s32 $0xFFFFE003, lr  }
0x1b: {  	s9 =	sadd.s32 $0xFFFFFEF7, lr;
	s5 =	simm.s32 $0xFFFFFFFF;
	p2 =	slt.u32 s8, $0xFFFFF086  }
0x1c: {  	p1 =	slt.u32 s9, $0xF7A;
	s5 =	simm.s32 @!p2 $0x0  }
0x1d: {  	s5 =	simm.s32 @p1 $0x1;
	p0 =	seq.s32 s7, s2  }
0x1e: {  	s7 =	smul.u32 @!p0 $0xF7A, s2;
	p2 =	seq.s32 @!p0 s5, $0x0  }
0x1f: {  	s9 =	smul.u32 $0xF7A, s1;
	s8 =	simm.s32 @!p0 $0x1BF5;
	p2 =	por !p2, p0  }
0x20: {  	[sflag:s8] =	ssyncset.s32 @!p0 $0xFFFFF086;
	s6 =	sadd.s32 @!p0 s3, s7;
	s7 =	simm.s32 @!p0 $0x108  }
0x21: {  	s3 =	sadd.s32 s3, s9;
	s6 =	sadd.s32 @!p0 $0x88, s6;
	s7 =	simm.s32 @p2 $0x1082  }
0x22: {  	[simem:s7], [sflag:s8] =	dma.local @!p0 [hbm:s6], $0xF7A  }
0x23: {  	s9 =	sor.u32 $0xD0000000, s2;
	s6 =	simm.s32 $0x108;
	_ =	swait.ge @!p0 [sflag:s8], $0x0  }
0x24: {  	s3 =	sadd.s32 $0x88, s3;
	s6 =	simm.s32 @!p1 $0x1082;
	[sflag:s4] =	ssyncset.s32 $0xFFFFF086  }
0x25: {  	[simem:s6], [sflag:s4] =	dma.local [hbm:s3], $0xF7A  }
0x26: {  	[smem:$0x3F97] =	sst s1;
	(tag) =	ssettag s2;
	_ =	strace s9  }
0x27: {  	s1 =	sld [smem:$0x3FA7]  }
0x28: {  	s2 =	sld [smem:$0x3FA8]  }
0x29: {  	s4 =	sld [smem:$0x3FAA]  }
0x2a: {  	p0 =	seq.s32 s5, $0x0;
	s5 =	sld [smem:$0x3FAB]  }
0x2b: {  	s6 =	sld [smem:$0x3FAC]  }
0x2c: {  	s7 =	sld [smem:$0x3FAD]  }
0x2d: {  	s3 =	simm.s32 $0x108;
	s8 =	sld [smem:$0x3FAE]  }
0x2e: {  	s3 =	simm.s32 @!p0 $0x1082;
	s9 =	sld [smem:$0x3FAF]  }
0x2f: {  	lr =	sadd.s32 s0, s3;
	s0 =	sld [smem:$0x3FA6]  }
0x30: {  	s3 =	sld [smem:$0x3FA9]  }
0x31: {  	[smem:$0x3FB2] =	sst s10  }
0x32: {  	s10 =	sld [smem:$0x3FB0];
	_ =	sdelay $0x3  }
0x33: {  	p0 =	seq.s32 s10, $0x1;
	s10 =	sld [smem:$0x3FB2];
	_ =	sdelay $0x3  }
0x34: {  	[smem:$0x3FB2] =	sst s10  }
0x35: {  	s10 =	sld [smem:$0x3FB1];
	_ =	sdelay $0x3  }
0x36: {  	p1 =	seq.s32 s10, $0x1;
	s10 =	sld [smem:$0x3FB2];
	_ =	sdelay $0x3  }
0x37: {  	[smem:$0x3FB2] =	sst s10  }
0x38: {  	s10 =	sld [smem:$0x3FB3]  }
0x39: {  	_ = 	snop;
	(pc) =	sbr.ind lr, $3  }
0x3a: {  	_ = 	snop  }
0x3b: {  	_ = 	snop  }
0x3c: {  	p2 =	seq.s32 s10, $0x1;
	s10 =	sld [smem:$0x3FB2]  }
0x3d: {  	_ =	shalt  }
0x3e: {  	_ =	shalt  }
0x3f: {  	_ =	shalt  }
0x40: {  	_ =	shalt  }
0x41: {  	_ =	shalt  }
0x42: {  	_ =	shalt  }
0x43: {  	_ =	shalt  }
0x44: {  	_ =	shalt  }
0x45: {  	_ =	shalt  }
0x46: {  	_ =	shalt  }
0x47: {  	_ =	shalt  }
0x48: {  	_ =	shalt  }
0x49: {  	_ =	shalt  }
0x4a: {  	_ =	shalt  }
0x4b: {  	_ =	shalt  }
0x4c: {  	_ =	shalt  }
0x4d: {  	_ =	shalt  }
0x4e: {  	_ =	shalt  }
0x4f: {  	_ =	shalt  }
0x50: {  	_ =	shalt  }
0x51: {  	_ =	shalt  }
0x52: {  	_ =	shalt  }
0x53: {  	_ =	shalt  }
0x54: {  	_ =	shalt  }
0x55: {  	_ =	shalt  }
0x56: {  	_ =	shalt  }
0x57: {  	_ =	shalt  }
0x58: {  	_ =	shalt  }
0x59: {  	_ =	shalt  }
0x5a: {  	_ =	shalt  }
0x5b: {  	_ =	shalt  }
0x5c: {  	_ =	shalt  }
0x5d: {  	_ =	shalt  }
0x5e: {  	_ =	shalt  }
0x5f: {  	_ =	shalt  }
0x60: {  	_ =	shalt  }
0x61: {  	_ =	shalt  }
0x62: {  	_ =	shalt  }
0x63: {  	_ =	shalt  }
0x64: {  	_ =	shalt  }
0x65: {  	_ =	shalt  }
0x66: {  	_ =	shalt  }
0x67: {  	_ =	shalt  }
0x68: {  	_ =	shalt  }
0x69: {  	_ =	shalt  }
0x6a: {  	_ =	shalt  }
0x6b: {  	_ =	shalt  }
0x6c: {  	_ =	shalt  }
0x6d: {  	_ =	shalt  }
0x6e: {  	_ =	shalt  }
0x6f: {  	_ =	shalt  }
0x70: {  	_ =	shalt  }
0x71: {  	_ =	shalt  }
0x72: {  	_ =	shalt  }
0x73: {  	_ =	shalt  }
0x74: {  	_ =	shalt  }
0x75: {  	_ =	shalt  }
0x76: {  	_ =	shalt  }
0x77: {  	_ =	shalt  }
0x78: {  	_ =	shalt  }
0x79: {  	_ =	shalt  }
0x7a: {  	_ =	shalt  }
0x7b: {  	_ =	shalt  }
0x7c: {  	_ =	shalt  }
0x7d: {  	_ =	shalt  }
0x7e: {  	_ =	shalt  }
0x7f: {  	_ =	shalt  }
0x80: {  	_ =	shalt  }
0x81: {  	_ =	shalt  }
0x82: {  	_ =	shalt  }
0x83: {  	_ =	shalt  }
0x84: {  	_ =	shalt  }
0x85: {  	_ =	shalt  }
0x86: {  	_ =	shalt  }
0x87: {  	_ =	shalt  }
.Lfunc_end0:
.L_simem_size_0:
called_computation.7_lowered:
.L_overlay_start_0:
0x88: {  	s0 =	sld [smem:$0x3FD9]  }
0x89: {  	s1 =	sld [smem:$0x3FFE];
	_ =	sdelay $0x3  }
0x8a: {  	s0 =	sadd.s32 s1, s0  }
0x8b: {  	[smem:$0x3FBE] =	sst s0  }
0x8c: {  	_ = 	snop  }
0x8d: {  	(tm) =	ssettm $0x1  }
0x8e: {  	s15 =	sld [smem:$0x3FFB];
	_ =	sdelay $0x3  }
0x8f: {  	_ =	strace s15  }
0x90: {  	s0 =	sld [smem:$0x3FFC];
	_ =	sdelay $0x3  }
0x91: {  	_ =	strace s0  }
0x92: {  	s0 =	sld [smem:$0x3FFD];
	_ =	sdelay $0x3  }
0x93: {  	_ =	strace s0  }
0x94: {  	_ =	strace $0x8FFFFFFF  }
0x95: {  	s16 =	sld [smem:$0x3FDB];
	_ =	sdelay $0x1  }
0x96: {  	s17 =	simm.s32 $_scs_section_size  }
0x97: {  	s2 =	simm.s32 $_size__tile_overlayer_lowered;
	s3 =	simm.s32 $_tile_overlayer_lowered  }
0x98: {  	s20 =	simm.s32 $0x1BFF;
	s19 =	sshll.u32 s3, $0x1;
	s0 =	sadd.s32 s17, s16  }
0x99: {  	s4 =	simm.s32 $0x0;
	s18 =	sshll.u32 s2, $0x1;
	s2 =	sadd.s32 s19, s0  }
0x9a: {  	[timem:s4], [sflag:s20] =	dma.local [hbm:s2], s18  }
0x9b: {  	_ =	swait.ge [sflag:s20], s18  }
0x9c: {  	s1 =	ssub.s32 $0x0, s18;
	[sflag:s20] =	ssyncset.done $0x0  }
0x9d: {  	[sflag:s20] =	ssyncadd.s32 s1;
	_ =	sdelay $0x1  }
0x9e: {  	s21 =	simm.s32 $0x1B8B  }
0x9f: {  	_ =	swait.ge [sflag:s21], $0x1  }
0xa0: {  	[sflag:s21] =	ssyncset.done $0x0  }
0xa1: {  	s23 =	simm.s32 $0x1B8E;
	s22 =	sld [smem:$0x3FFE];
	[sflag:s21] =	ssyncadd.s32 $0xFFFFFFFF  }
0xa2: {  	s24 =	simm.s32 $execute0_lowered;
	[smem:$0x3FD2] =	sst s23  }
0xa3: {  	s2 =	sshll.u32 s24, $0x1;
	_ =	strace $0x80000046;
	[dreg:$0x1] =	wrdreg $0xFFFFFFFF  }
0xa4: {  	s25 =	simm.s32 $_size_execute0_lowered;
	s0 =	sadd.s32 s0, s2;
	[dreg:$0x0] =	wrdreg $0x0  }
0xa5: {  	s2 =	sshll.u32 s25, $0x1;
	[dreg:$0x2] =	wrdreg s0  }
0xa6: {  	[dreg:$0x3] =	wrdreg s2  }
0xa7: {  	[dreg:$0x4] =	wrdreg $0xC0  }
0xa8: {  	_ =	task [dreg:s4], $0x5FFFF  }
0xa9: {  	[dreg:$0x1] =	wrdreg $0xFFFFFFFF  }
0xaa: {  	[dreg:$0x0] =	wrdreg $0x60  }
0xab: {  	[dreg:$0x2] =	wrdreg s22  }
0xac: {  	[dreg:$0x3] =	wrdreg $0x9  }
0xad: {  	_ =	task.clear_ibuf [dreg:s4], $0x4FFFF;
	_ =	strace $0x90000046  }
0xae: {  	s26 =	simm.s32 $0x9;
	_ =	strace $0x80000048  }
0xaf: {  	_ =	swait.ge [sflag:s26], $0x1  }
0xb0: {  	[sflag:s26] =	ssyncadd.s32 $0xFFFFFFFF  }
0xb1: {  	_ =	strace $0x90000048  }
0xb2: {  	_ =	sfence  }
0xb3: {  	s28 =	sld [smem:$0x0];
	_ =	sdelay $0x1  }
0xb4: {  	s29 =	srdreg.scid  }
0xb5: {  	s30 =	sshll.u32 s29, $0xD;
	s31 =	sshrl.u32 s29, $0x2  }
0xb6: {  	s1 =	sand.u32 $0x1, s29;
	s2 =	sand.u32 $0x4000, s30;
	s0 =	sadd.s32 s31, s28  }
0xb7: {  	s1 =	sor.u32 s2, s1;
	s0 =	sshll.u32 s0, $0x11  }
0xb8: {  	s0 =	sor.u32 s0, s1  }
0xb9: {  	s0 =	sadd.s32 $0x8F2B, s0  }
0xba: {  	[sflag:s0] =	ssyncadd.remote.s32 $0x1  }
0xbb: {  	_ =	sfence.sel $0xFFFF  }
0xbc: {  	[dreg:$0x0] =	wrdreg $0xFFFFFFFF;
	(pc) =	sbr.abs _section_cstart, $3  }
0xbd: {  	[dreg:$0x1] =	wrdreg $0xFFFFFFFF  }
0xbe: {  	_ =	task.clear_ibuf [dreg:s4], $0x2FFFF;
	_ =	strace $0x9FFFFFFF  }
0xbf: {  	(tm) =	ssettm $0x7FFFFFFF  }
tec
execute0_lowered:
.L_overlay_start_1:
0x0: {  	(tag) =	ssettag $0x1  }
0x1: {  	s8 =	rddreg [dreg:$0x0]  }
0x2: {  	s0 =	rddreg [dreg:$0x1];
	_ =	strace $0x80000047  }
0x3: {  	s1 =	stileid.u32;
	s5 =	simm.s32 $0x1;
	s6 =	simm.s32 $0x27100  }
0x4: {  	s9 =	simm.s32 $0x1;
	s10 =	simm.s32 $0x3;
	s13 =	simm.s32 $0x0  }
0x5: {  	s12 =	simm.s32 $0x0;
	s2 =	sadd.s32 $0x5600, s8;
	s4 =	smul.u32 $0x2710, s1  }
0x6: {  	s3 =	sadd.s32 $0xAA00, s8;
	p0 =	slt.u32 s1, $0x2;
	[sflag:s5] =	ssyncpa.u1 $0x0  }
.Ltmp0:
0x7: {  	s6 =	simm.s32 @!p0 $0x0;
	s7 =	ssub.s32 $0x29810, s4;
	(pc) =	sbr.rel .LBB2_1-.Ltmp0, $4  }
0x8: {  	s9 =	simm.s32 @!p0 $0x0;
	p0 =	sne.s32 s7, s6;
	s7 =	simm.s32 $0x1  }
0x9: {  	s8 =	sadd.s32 $0xFE00, s8;
	s6 =	simm.s32 $0x2;
	s7 =	simm.s32 @!p0 $0x0  }
0xa: {  	s11 =	smov.u32 s4;
	[sflag:s6] =	ssyncpa.u1 $0x0;
	s7 =	sadd.s32 s9, s7  }
0xb: {  	vm0 =	vmmov $0xffff;
	[sflag:s10] =	ssyncpa.u1 $0x0;
	s10 =	simm.s32 $0x0;
	s9 =	sadd.s32 $0x1, s7  }
.LBB2_4:
0xc: {  	v2 =	vnsel vm1, $0x0, v2  }
0xd: {  	vm1 =	vgt.s32 v0, $0x0;
	v2 =	vmin.u32 v2, $0x2980F  }
0xe: {  	v0 =	vnsel vm1, $0x0, v0  }
0xf: {  	v0 =	vmin.u32 v0, $0x2980F  }
0x10: {  	[tilespmem:s18], [sflag:$0x1] =	stream.indirect_vreg.gather [hbm4b:s2+s10], $0x1, v1, vm0, $0x4038;
	[tilespmem:$0x9C40] =	vst v63  }
0x11: {  	(ifvalue) =	ssetifvalue $0x7FFFFFFF  }
0x12: {  	[tilespmem:s15], [sflag:$0x1] =	stream.indirect_vreg.gather [hbm4b:s2+s10], $0x1, v2, vm0, $0x4038;
	[tilespmem:$0x9C40] =	vst v63  }
0x13: {  	s29 =	sadd.s32 $0x10, s15;
	(ifvalue) =	ssetifvalue $0x7FFFFFFF  }
0x14: {  	[tilespmem:s29], [sflag:$0x1] =	stream.indirect_vreg.gather [hbm4b:s2+s10], $0x1, v0, vm0, $0x4038;
	[tilespmem:$0x9C40] =	vst v63  }
0x15: {  	_ =	swait.ge [sflag:s5], $0x2710  }
0x16: {  	s30 =	sshrl.u32 s13, $0x3;
	[sflag:s5] =	ssyncset.done $0x0  }
0x17: {  	s31 =	sand.u32 $0x7, s13;
	s15 =	sadd.s32 s8, s30;
	[sflag:s5] =	ssyncadd.s32 $0xFFFFD8F0  }
0x18: {  	[hbm4b:s15+s31] =	stream.linear.scatter [tilespmem:s14], [sflag:$0x3], $0x2710, $0x38;
	[tilespmem:$0x9C40] =	vst v63  }
.LBB2_5:
0x19: {  	s15 =	sadd.s32 $0x27100, s11  }
0x1a: {  	p1 =	sgt.s32 s15, $0x2980F  }
0x1b: {  	s15 =	smov.u32 @p1 s4;
	p1 =	sne.s32 s12, s9  }
.Ltmp1:
0x1c: {  	p0 =	slt.u32 s12, $0x2;
	(pc) =	sbr.rel @!p1 .LBB2_6-.Ltmp1, $4  }
0x1d: {  	s14 =	simm.s32 @!p0 $0x3  }
0x1e: {  	_ =	swait.ge @!p0 [sflag:s14], $0x2710  }
0x1f: {  	s16 =	sadd.s32 $0x1, s12;
	s13 =	smov.u32 s11;
	[sflag:s14] =	ssyncset.done @!p0 $0x0  }
0x20: {  	s12 =	smov.u32 s16;
	s11 =	smov.u32 s15;
	[sflag:s14] =	ssyncadd.s32 @!p0 $0xFFFFD8F0  }
.LBB2_1:
0x21: {  	p0 =	sge.u32 s12, s7  }
0x22: {  	s14 =	sxor.u32 @!p0 $0x1, s12  }
0x23: {  	s14 =	smul.u32 @!p0 $0x9C40, s14  }
0x24: {  	s31 =	sadd.s32 $0xFFFFFFFF, s12;
	s15 =	sshrl.u32 @!p0 s11, $0x3  }
0x25: {  	s16 =	sand.u32 @!p0 $0x7, s11;
	s15 =	sadd.s32 @!p0 s3, s15;
	s14 =	sshra.s32 @!p0 s14, $0x2  }
0x26: {  	[tilespmem:s14], [sflag:$0x2] =	stream.linear.gather @!p0 [hbm4b:s15+s16], $0x2710, $0x38;
	[tilespmem:$0x9C40] =	vst v63  }
0x27: {  	p0 =	sge.u32 s31, s7  }
.Ltmp2:
0x28: {  	_ = 	snop;
	(pc) =	sbr.rel @p0 .LBB2_5-.Ltmp2, $1  }
0x29: {  	_ =	sdelay $0x3  }
0x2a: {  	s14 =	sand.u32 $0x1, s12  }
0x2b: {  	_ =	swait.ge [sflag:s6], $0x2710;
	p0 =	seq.s32 s14, $0x1;
	s14 =	simm.s32 $0x2710  }
0x2c: {  	[sflag:s6] =	ssyncset.done $0x0;
	s14 =	simm.s32 @!p0 $0x0  }
0x2d: {  	[sflag:s6] =	ssyncadd.s32 $0xFFFFD8F0;
	(ifvalue) =	ssetifvalue $0x7FFFFFFF;
	v0 =	vld.msk [tilespmem:s14+$0x0 ss:$0x1], $0xffff;
	_ =	sdelay $0x4  }
0x2e: {  	s15 =	sadd.s32 $0x10, s14;
	vm1 =	vgt.s32 v0, $0x0  }
0x2f: {  	v2 =	vld.msk [tilespmem:s15+$0x0 ss:$0x1], $0xffff;
	v1 =	vnsel vm1, $0x0, v0  }
0x30: {  	v1 =	vmin.u32 v1, $0x2980F;
	_ =	sdelay $0x2  }
0x31: {  	s17 =	simm.s32 $0x20;
	s14 =	sadd.s32 $0x4E20, s14;
	s16 =	sadd.s32 $0x10, s15  }
0x32: {  	s15 =	sadd.s32 $0x10, s14;
	s18 =	smov.u32 s14;
	v0 =	vld.msk [tilespmem:s16+$0x0 ss:$0x1], $0xffff;
	vm1 =	vgt.s32 v2, $0x0;
	(ifvalue) =	ssetifvalue $0x7FFFFFFF  }
.LBB2_3:
0x33: {  	[tilespmem:s18], [sflag:$0x1] =	stream.indirect_vreg.gather [hbm4b:s2+s10], $0x1, v1, vm0, $0x4038;
	[tilespmem:$0x9C40] =	vst v63  }
0x34: {  	s17 =	sadd.s32 $0x10, s17  }
0x35: {  	v2 =	vnsel vm1, $0x0, v2;
	p0 =	slt.u32 s17, $0x2700  }
.Ltmp3:
0x36: {  	s18 =	smov.u32 s15;
	v1 =	vmin.u32 v2, $0x2980F;
	(pc) =	sbr.rel @p0 .LBB2_3-.Ltmp3, $3  }
0x37: {  	_ =	sdelay $0x1  }
0x38: {  	s16 =	sadd.s32 $0x10, s16  }
0x39: {  	vm1 =	vgt.s32 v0, $0x0;
	s15 =	sadd.s32 $0x10, s15;
	v2 =	vmov v0;
	(ifvalue) =	ssetifvalue $0x7FFFFFFF;
	v0 =	vld.msk [tilespmem:s16+$0x0 ss:$0x1], $0xffff  }
.Ltmp4:
0x3a: {  	_ = 	snop;
	(pc) =	sbr.rel .LBB2_4-.Ltmp4, $1  }
0x3b: {  	_ =	sdelay $0x3  }
.LBB2_6:
0x3c: {  	_ =	sfence.sel $0x180000  }
0x3d: {  	s2 =	simm.s32 $0x2;
	[bflag:$0x0] =	sbarrier.arrive $0xFFFF  }
0x3e: {  	s30 =	simm.s32 $0x3;
	[sflag:s2] =	ssyncpa.u1 $0x1  }
0x3f: {  	s31 =	simm.s32 $0x1;
	[sflag:s30] =	ssyncpa.u1 $0x1  }
0x40: {  	[sflag:s31] =	ssyncpa.u1 $0x1  }
0x41: {  	p0 =	sne.s32 s1, $0x0;
	_ =	strace $0x90000047  }
0x42: {  	s0 =	sadd.s32 @!p0 $0x100000, s0;
	[bflag:$0x2] =	sbarrier.arrive $0xFFFF  }
0x43: {  	[sflag:s0] =	ssyncadd.tile.s32 @!p0 $0x1;
	_ =	shalt  }
.Lfunc_end2:
_tile_overlayer_lowered:
.L_overlay_start_2:
0x44: {  	(tag) =	ssettag $0x2  }
0x45: {  	s0 =	rddreg [dreg:$0x0];
	s2 =	stileid.u32  }
0x46: {  	s1 =	rddreg [dreg:$0x1];
	p0 =	sne.s32 s2, $0x0  }
0x47: {  	s3 =	rddreg [dreg:$0x2];
	[bflag:$0x3] =	sbarrier.arrive $0xFFFF;
	s2 =	simm.s32 @!p0 $0x1C01  }
0x48: {  	[timem:s3], [sflag:s2] =	dma.local @!p0 [hbm:s0], s1  }
0x49: {  	s0 =	simm.s32 @!p0 $0x1  }
0x4a: {  	_ =	swait.ge @!p0 [sflag:s0], s1  }
0x4b: {  	s1 =	ssub.s32 @!p0 $0x0, s1;
	[sflag:s0] =	ssyncset.done @!p0 $0x0  }
0x4c: {  	[sflag:s0] =	ssyncadd.s32 @!p0 s1  }
0x4d: {  	[bflag:$0x3] =	sbarrier.arrive $0xFFFF  }
0x4e: {  	_ =	shalt  }

// kernel: gather_offload_async_start.2
scs
__scs_entry_jumppad:
0x0: {  	(pc) =	sbr.rel $0x88, $3  }
0x1: {  	(tag) =	ssettag $0x0;
	lr =	simm.s32 $0x1  }
0x2: {  	[smem:$0x3F97] =	sst lr;
	_ =	strace $0xD0000000  }
0x3: {  	_ = 	snop  }
0x4: {  	_ = 	snop  }
0x5: {  	_ = 	snop  }
0x6: {  	_ = 	snop  }
0x7: {  	_ = 	snop  }
__scs_overlays_trampoline_lowered:
0x8: {  	[smem:$0x3FA6] =	sst s0  }
0x9: {  	[smem:$0x3FA7] =	sst s1  }
0xa: {  	[smem:$0x3FA8] =	sst s2  }
0xb: {  	[smem:$0x3FA9] =	sst s3  }
0xc: {  	[smem:$0x3FAA] =	sst s4  }
0xd: {  	[smem:$0x3FAB] =	sst s5  }
0xe: {  	[smem:$0x3FAC] =	sst s6  }
0xf: {  	[smem:$0x3FAD] =	sst s7  }
0x10: {  	[smem:$0x3FAE] =	sst s8  }
0x11: {  	[smem:$0x3FAF] =	sst s9;
	s0 =	simm.s32 @!p0 $0x0  }
0x12: {  	s1 =	sld [smem:$0x3F95];
	s0 =	simm.s32 @p0 $0x1  }
0x13: {  	[smem:$0x3FB0] =	sst s0;
	s0 =	simm.s32 @!p1 $0x0  }
0x14: {  	s2 =	sld [smem:$0x3F94];
	s0 =	simm.s32 @p1 $0x1  }
0x15: {  	[smem:$0x3FB1] =	sst s0;
	s0 =	simm.s32 @!p2 $0x0  }
0x16: {  	s3 =	sld [smem:$0x3FDB];
	s0 =	simm.s32 @p2 $0x1  }
0x17: {  	s4 =	simm.s32 $0x1BF5;
	[smem:$0x3FB3] =	sst s0  }
0x18: {  	s0 =	sld [smem:$0x3F96];
	_ =	swait.ge [sflag:s4], $0x0  }
0x19: {  	s7 =	sld [smem:$0x3F97]  }
0x1a: {  	s8 =	sadd.s32 $0xFFFFE003, lr  }
0x1b: {  	s9 =	sadd.s32 $0xFFFFFEF7, lr;
	s5 =	simm.s32 $0xFFFFFFFF;
	p2 =	slt.u32 s8, $0xFFFFF086  }
0x1c: {  	p1 =	slt.u32 s9, $0xF7A;
	s5 =	simm.s32 @!p2 $0x0  }
0x1d: {  	s5 =	simm.s32 @p1 $0x1;
	p0 =	seq.s32 s7, s2  }
0x1e: {  	s7 =	smul.u32 @!p0 $0xF7A, s2;
	p2 =	seq.s32 @!p0 s5, $0x0  }
0x1f: {  	s9 =	smul.u32 $0xF7A, s1;
	s8 =	simm.s32 @!p0 $0x1BF5;
	p2 =	por !p2, p0  }
0x20: {  	[sflag:s8] =	ssyncset.s32 @!p0 $0xFFFFF086;
	s6 =	sadd.s32 @!p0 s3, s7;
	s7 =	simm.s32 @!p0 $0x108  }
0x21: {  	s3 =	sadd.s32 s3, s9;
	s6 =	sadd.s32 @!p0 $0x88, s6;
	s7 =	simm.s32 @p2 $0x1082  }
0x22: {  	[simem:s7], [sflag:s8] =	dma.local @!p0 [hbm:s6], $0xF7A  }
0x23: {  	s9 =	sor.u32 $0xD0000000, s2;
	s6 =	simm.s32 $0x108;
	_ =	swait.ge @!p0 [sflag:s8], $0x0  }
0x24: {  	s3 =	sadd.s32 $0x88, s3;
	s6 =	simm.s32 @!p1 $0x1082;
	[sflag:s4] =	ssyncset.s32 $0xFFFFF086  }
0x25: {  	[simem:s6], [sflag:s4] =	dma.local [hbm:s3], $0xF7A  }
0x26: {  	[smem:$0x3F97] =	sst s1;
	(tag) =	ssettag s2;
	_ =	strace s9  }
0x27: {  	s1 =	sld [smem:$0x3FA7]  }
0x28: {  	s2 =	sld [smem:$0x3FA8]  }
0x29: {  	s4 =	sld [smem:$0x3FAA]  }
0x2a: {  	p0 =	seq.s32 s5, $0x0;
	s5 =	sld [smem:$0x3FAB]  }
0x2b: {  	s6 =	sld [smem:$0x3FAC]  }
0x2c: {  	s7 =	sld [smem:$0x3FAD]  }
0x2d: {  	s3 =	simm.s32 $0x108;
	s8 =	sld [smem:$0x3FAE]  }
0x2e: {  	s3 =	simm.s32 @!p0 $0x1082;
	s9 =	sld [smem:$0x3FAF]  }
0x2f: {  	lr =	sadd.s32 s0, s3;
	s0 =	sld [smem:$0x3FA6]  }
0x30: {  	s3 =	sld [smem:$0x3FA9]  }
0x31: {  	[smem:$0x3FB2] =	sst s10  }
0x32: {  	s10 =	sld [smem:$0x3FB0];
	_ =	sdelay $0x3  }
0x33: {  	p0 =	seq.s32 s10, $0x1;
	s10 =	sld [smem:$0x3FB2];
	_ =	sdelay $0x3  }
0x34: {  	[smem:$0x3FB2] =	sst s10  }
0x35: {  	s10 =	sld [smem:$0x3FB1];
	_ =	sdelay $0x3  }
0x36: {  	p1 =	seq.s32 s10, $0x1;
	s10 =	sld [smem:$0x3FB2];
	_ =	sdelay $0x3  }
0x37: {  	[smem:$0x3FB2] =	sst s10  }
0x38: {  	s10 =	sld [smem:$0x3FB3]  }
0x39: {  	_ = 	snop;
	(pc) =	sbr.ind lr, $3  }
0x3a: {  	_ = 	snop  }
0x3b: {  	_ = 	snop  }
0x3c: {  	p2 =	seq.s32 s10, $0x1;
	s10 =	sld [smem:$0x3FB2]  }
0x3d: {  	_ =	shalt  }
0x3e: {  	_ =	shalt  }
0x3f: {  	_ =	shalt  }
0x40: {  	_ =	shalt  }
0x41: {  	_ =	shalt  }
0x42: {  	_ =	shalt  }
0x43: {  	_ =	shalt  }
0x44: {  	_ =	shalt  }
0x45: {  	_ =	shalt  }
0x46: {  	_ =	shalt  }
0x47: {  	_ =	shalt  }
0x48: {  	_ =	shalt  }
0x49: {  	_ =	shalt  }
0x4a: {  	_ =	shalt  }
0x4b: {  	_ =	shalt  }
0x4c: {  	_ =	shalt  }
0x4d: {  	_ =	shalt  }
0x4e: {  	_ =	shalt  }
0x4f: {  	_ =	shalt  }
0x50: {  	_ =	shalt  }
0x51: {  	_ =	shalt  }
0x52: {  	_ =	shalt  }
0x53: {  	_ =	shalt  }
0x54: {  	_ =	shalt  }
0x55: {  	_ =	shalt  }
0x56: {  	_ =	shalt  }
0x57: {  	_ =	shalt  }
0x58: {  	_ =	shalt  }
0x59: {  	_ =	shalt  }
0x5a: {  	_ =	shalt  }
0x5b: {  	_ =	shalt  }
0x5c: {  	_ =	shalt  }
0x5d: {  	_ =	shalt  }
0x5e: {  	_ =	shalt  }
0x5f: {  	_ =	shalt  }
0x60: {  	_ =	shalt  }
0x61: {  	_ =	shalt  }
0x62: {  	_ =	shalt  }
0x63: {  	_ =	shalt  }
0x64: {  	_ =	shalt  }
0x65: {  	_ =	shalt  }
0x66: {  	_ =	shalt  }
0x67: {  	_ =	shalt  }
0x68: {  	_ =	shalt  }
0x69: {  	_ =	shalt  }
0x6a: {  	_ =	shalt  }
0x6b: {  	_ =	shalt  }
0x6c: {  	_ =	shalt  }
0x6d: {  	_ =	shalt  }
0x6e: {  	_ =	shalt  }
0x6f: {  	_ =	shalt  }
0x70: {  	_ =	shalt  }
0x71: {  	_ =	shalt  }
0x72: {  	_ =	shalt  }
0x73: {  	_ =	shalt  }
0x74: {  	_ =	shalt  }
0x75: {  	_ =	shalt  }
0x76: {  	_ =	shalt  }
0x77: {  	_ =	shalt  }
0x78: {  	_ =	shalt  }
0x79: {  	_ =	shalt  }
0x7a: {  	_ =	shalt  }
0x7b: {  	_ =	shalt  }
0x7c: {  	_ =	shalt  }
0x7d: {  	_ =	shalt  }
0x7e: {  	_ =	shalt  }
0x7f: {  	_ =	shalt  }
0x80: {  	_ =	shalt  }
0x81: {  	_ =	shalt  }
0x82: {  	_ =	shalt  }
0x83: {  	_ =	shalt  }
0x84: {  	_ =	shalt  }
0x85: {  	_ =	shalt  }
0x86: {  	_ =	shalt  }
0x87: {  	_ =	shalt  }
.Lfunc_end0:
.L_simem_size_0:
called_computation.8_lowered:
.L_overlay_start_0:
0x88: {  	s0 =	sld [smem:$0x3FD9]  }
0x89: {  	s1 =	sld [smem:$0x3FFE];
	_ =	sdelay $0x3  }
0x8a: {  	s0 =	sadd.s32 s1, s0  }
0x8b: {  	[smem:$0x3FBE] =	sst s0  }
0x8c: {  	_ = 	snop  }
0x8d: {  	(tm) =	ssettm $0x1  }
0x8e: {  	s15 =	sld [smem:$0x3FFB];
	_ =	sdelay $0x3  }
0x8f: {  	_ =	strace s15  }
0x90: {  	s0 =	sld [smem:$0x3FFC];
	_ =	sdelay $0x3  }
0x91: {  	_ =	strace s0  }
0x92: {  	s0 =	sld [smem:$0x3FFD];
	_ =	sdelay $0x3  }
0x93: {  	_ =	strace s0  }
0x94: {  	_ =	strace $0x8FFFFFFF  }
0x95: {  	s16 =	sld [smem:$0x3FDB];
	_ =	sdelay $0x1  }
0x96: {  	s17 =	simm.s32 $_scs_section_size  }
0x97: {  	s2 =	simm.s32 $_size__tile_overlayer_lowered;
	s3 =	simm.s32 $_tile_overlayer_lowered  }
0x98: {  	s20 =	simm.s32 $0x1BFF;
	s19 =	sshll.u32 s3, $0x1;
	s0 =	sadd.s32 s17, s16  }
0x99: {  	s4 =	simm.s32 $0x0;
	s18 =	sshll.u32 s2, $0x1;
	s2 =	sadd.s32 s19, s0  }
0x9a: {  	[timem:s4], [sflag:s20] =	dma.local [hbm:s2], s18  }
0x9b: {  	_ =	swait.ge [sflag:s20], s18  }
0x9c: {  	s1 =	ssub.s32 $0x0, s18;
	[sflag:s20] =	ssyncset.done $0x0  }
0x9d: {  	[sflag:s20] =	ssyncadd.s32 s1;
	_ =	sdelay $0x1  }
0x9e: {  	s21 =	simm.s32 $0x1B8B  }
0x9f: {  	_ =	swait.ge [sflag:s21], $0x1  }
0xa0: {  	[sflag:s21] =	ssyncset.done $0x0  }
0xa1: {  	s23 =	simm.s32 $0x1B8E;
	s22 =	sld [smem:$0x3FFE];
	[sflag:s21] =	ssyncadd.s32 $0xFFFFFFFF  }
0xa2: {  	s24 =	simm.s32 $execute0_lowered;
	[smem:$0x3FD2] =	sst s23  }
0xa3: {  	s2 =	sshll.u32 s24, $0x1;
	_ =	strace $0x80000052;
	[dreg:$0x1] =	wrdreg $0xFFFFFFFF  }
0xa4: {  	s25 =	simm.s32 $_size_execute0_lowered;
	s0 =	sadd.s32 s0, s2;
	[dreg:$0x0] =	wrdreg $0x0  }
0xa5: {  	s2 =	sshll.u32 s25, $0x1;
	[dreg:$0x2] =	wrdreg s0  }
0xa6: {  	[dreg:$0x3] =	wrdreg s2  }
0xa7: {  	[dreg:$0x4] =	wrdreg $0xC0  }
0xa8: {  	_ =	task [dreg:s4], $0x5FFFF  }
0xa9: {  	[dreg:$0x1] =	wrdreg $0xFFFFFFFF  }
0xaa: {  	[dreg:$0x0] =	wrdreg $0x60  }
0xab: {  	[dreg:$0x2] =	wrdreg s22  }
0xac: {  	[dreg:$0x3] =	wrdreg $0x9  }
0xad: {  	_ =	task.clear_ibuf [dreg:s4], $0x4FFFF;
	_ =	strace $0x90000052  }
0xae: {  	s26 =	simm.s32 $0x9;
	_ =	strace $0x80000054  }
0xaf: {  	_ =	swait.ge [sflag:s26], $0x1  }
0xb0: {  	[sflag:s26] =	ssyncadd.s32 $0xFFFFFFFF  }
0xb1: {  	_ =	strace $0x90000054  }
0xb2: {  	_ =	sfence  }
0xb3: {  	s28 =	sld [smem:$0x0];
	_ =	sdelay $0x1  }
0xb4: {  	s29 =	srdreg.scid  }
0xb5: {  	s30 =	sshll.u32 s29, $0xD;
	s31 =	sshrl.u32 s29, $0x2  }
0xb6: {  	s1 =	sand.u32 $0x1, s29;
	s2 =	sand.u32 $0x4000, s30;
	s0 =	sadd.s32 s31, s28  }
0xb7: {  	s1 =	sor.u32 s2, s1;
	s0 =	sshll.u32 s0, $0x11  }
0xb8: {  	s0 =	sor.u32 s0, s1  }
0xb9: {  	s0 =	sadd.s32 $0x8F2B, s0  }
0xba: {  	[sflag:s0] =	ssyncadd.remote.s32 $0x1  }
0xbb: {  	_ =	sfence.sel $0xFFFF  }
0xbc: {  	[dreg:$0x0] =	wrdreg $0xFFFFFFFF;
	(pc) =	sbr.abs _section_cstart, $3  }
0xbd: {  	[dreg:$0x1] =	wrdreg $0xFFFFFFFF  }
0xbe: {  	_ =	task.clear_ibuf [dreg:s4], $0x2FFFF;
	_ =	strace $0x9FFFFFFF  }
0xbf: {  	(tm) =	ssettm $0x7FFFFFFF  }
tec
execute0_lowered:
.L_overlay_start_1:
0x0: {  	(tag) =	ssettag $0x1  }
0x1: {  	s0 =	stileid.u32  }
0x2: {  	s1 =	smul.u32 $0x84, s0  }
0x3: {  	s2 =	smin.u32 s0, $0xD  }
0x4: {  	s1 =	sadd.s32 s2, s1  }
0x5: {  	p0 =	slt.u32 s0, $0xD;
	s2 =	smul.u32 $0x50, s1;
	s1 =	simm.s32 $0x2990  }
0x6: {  	s1 =	simm.s32 @!p0 $0x2940  }
0x7: {  	s1 =	sadd.s32 s1, s2  }
0x8: {  	s3 =	smin.u32 s1, $0x29810  }
0x9: {  	s8 =	ssub.s32 s3, s2  }
0xa: {  	s9 =	rddreg [dreg:$0x0];
	p0 =	sgt.s32 s8, $0x0  }
0xb: {  	s7 =	simm.s32 $0x2;
	s12 =	simm.s32 $0x3;
	s8 =	simm.s32 @!p0 $0x0  }
0xc: {  	s16 =	simm.s32 $0x0;
	s17 =	simm.s32 $0x0;
	s4 =	smulhi.u32 $0x66666667, s8  }
0xd: {  	s15 =	simm.s32 $0x0;
	s14 =	simm.s32 $0x0;
	s5 =	sadd.s32 $0x14DA00, s9  }
0xe: {  	s6 =	sadd.s32 $0x200, s9;
	s1 =	rddreg [dreg:$0x1];
	s10 =	sshrl.u32 s4, $0x5  }
0xf: {  	_ =	strace $0x80000053;
	s4 =	simm.s32 $0x1;
	s11 =	smul.u32 $0x50, s10  }
.Ltmp0:
0x10: {  	s13 =	smov.u32 s2;
	[sflag:s4] =	ssyncpa.u1 $0x0;
	(pc) =	sbr.rel .LBB2_1-.Ltmp0, $4  }
0x11: {  	[sflag:s7] =	ssyncpa.u1 $0x0;
	p0 =	sne.s32 s8, s11;
	s11 =	simm.s32 $0x1  }
0x12: {  	s8 =	sadd.s32 $0x93D200, s9;
	[sflag:s12] =	ssyncpa.u1 $0x0;
	s11 =	simm.s32 @!p0 $0x0  }
0x13: {  	s12 =	simm.s32 $0x0;
	p0 =	por $0x0, $0x0;
	s10 =	sadd.s32 s11, s10  }
0x14: {  	vm0 =	vmmov $0xffff;
	s11 =	simm.s32 $0x0;
	s9 =	sshll.u32 s10, $0x1;
	s10 =	sshllo.u32 s10, $0x1  }
.LBB2_6:
0x15: {  	[hbm:s19] =	stream.linear.scatter [tilespmem:s16], [sflag:$0x3], $0x200, $0x38;
	[tilespmem:$0x140A0] =	vst v63  }
.LBB2_7:
0x16: {  	s18 =	sadd.s32 $0x80, s11;
	s15 =	sadd.s32 $0x4, s12  }
0x17: {  	s19 =	smov.u32 s12;
	p1 =	slt.u32 s14, $0x2;
	s16 =	smov.u32 s13  }
0x18: {  	s21 =	smov.u32 s2;
	s17 =	smov.u32 s12;
	p2 =	sgt.s32 s18, $0xFF  }
0x19: {  	p0 =	por !p0, !p0;
	s20 =	simm.s32 @!p1 $0x3;
	s19 =	smov.u32 @p2 s15  }
0x1a: {  	s15 =	sadd.s32 $0x50, s13;
	s18 =	simm.s32 @p2 $0x0;
	p2 =	sne.s32 s14, s10  }
.Ltmp1:
0x1b: {  	_ =	swait.ge @!p1 [sflag:s20], $0xA000;
	p3 =	sgt.s32 s19, $0x3;
	(pc) =	sbr.rel @!p2 .LBB2_8-.Ltmp1, $4  }
0x1c: {  	s14 =	sadd.s32 $0x1, s14;
	[sflag:s20] =	ssyncset.done @!p1 $0x0;
	s16 =	smov.u32 @p3 s15  }
0x1d: {  	s19 =	simm.s32 @p3 $0x0;
	s15 =	smov.u32 s13;
	p4 =	slt.s32 s16, s3  }
0x1e: {  	[sflag:s20] =	ssyncadd.s32 @!p1 $0xFFFF6000;
	s12 =	smov.u32 s19;
	s21 =	smov.u32 @p4 s16  }
0x1f: {  	s16 =	smov.u32 s11;
	s11 =	smov.u32 s18;
	s13 =	smov.u32 s21  }
.LBB2_1:
0x20: {  	p1 =	sge.u32 s14, s9  }
0x21: {  	s18 =	sxor.u32 @!p1 $0xFFFFFFFF, s14  }
0x22: {  	s18 =	sand.u32 @!p1 $0x1, s18  }
0x23: {  	s18 =	smul.u32 @!p1 $0x140, s18  }
0x24: {  	s31 =	sadd.s32 $0xFFFFFFFF, s14;
	s19 =	sshrl.u32 @!p1 s13, $0x3  }
0x25: {  	s20 =	sand.u32 @!p1 $0x7, s13;
	s19 =	sadd.s32 @!p1 s6, s19;
	s18 =	sshrl.u32 @!p1 s18, $0x2  }
0x26: {  	[tilespmem:s18], [sflag:$0x2] =	stream.linear.gather @!p1 [hbm4b:s19+s20], $0x50, $0x38;
	[tilespmem:$0x140A0] =	vst v63  }
0x27: {  	p1 =	sge.u32 s31, s9  }
.Ltmp2:
0x28: {  	_ = 	snop;
	(pc) =	sbr.rel @p1 .LBB2_7-.Ltmp2, $1  }
0x29: {  	_ =	sdelay $0x3  }
0x2a: {  	s20 =	simm.s32 $0x1  }
0x2b: {  	s20 =	simm.s32 @!p0 $0x0  }
0x2c: {  	s18 =	smul.u32 $0x140, s20  }
0x2d: {  	_ =	swait.ge [sflag:s7], $0x50  }
0x2e: {  	[sflag:s7] =	ssyncset.done $0x0;
	s19 =	sshrl.u32 s18, $0x2  }
0x2f: {  	[sflag:s7] =	ssyncadd.s32 $0xFFFFFFB0;
	s18 =	sadd.s32 $0x0, s19  }
0x30: {  	v0 =	vld.msk [tilespmem:s18+$0x0 ss:$0x1], $0xffff;
	_ =	sdelay $0x4  }
0x31: {  	s17 =	sshll.u32 s17, $0x5;
	s16 =	sshrl.u32 s16, $0x1;
	vm1 =	vgt.s32 v0, $0x0  }
0x32: {  	s18 =	sand.u32 $0xFFFFFF80, s17;
	s17 =	sand.u32 $0x7FFFFFC0, s16;
	v0 =	vnsel vm1, $0x0, v0  }
0x33: {  	s16 =	sadd.s32 s18, s17;
	v1 =	vmin.u32 v0, $0x270F  }
0x34: {  	v0 =	vmov s16;
	v1 =	vshll.u32 v1, $0x7  }
0x35: {  	v1 =	vadd.s32 v0, v1  }
0x36: {  	s30 =	smul.u32 $0x28000, s20;
	_ =	sdelay $0x1  }
0x37: {  	s16 =	sshrl.u32 s30, $0x2  }
0x38: {  	s31 =	sadd.s32 $0x10, s19;
	s16 =	sor.u32 $0xA0, s16  }
0x39: {  	[tilespmem:s16], [sflag:$0x1] =	stream.indirect_vreg.gather [hbm:s5], $0x200, v1, vm0, $0x38;
	[tilespmem:$0x140A0] =	vst v63  }
0x3a: {  	s21 =	simm.s32 $0x80;
	s20 =	smov.u32 s16;
	v1 =	vld.msk [tilespmem:s31+$0x0 ss:$0x1], $0xffff  }
.LBB2_3:
0x3b: {  	p1 =	sne.s32 s21, $0x100;
	_ =	sdelay $0x4  }
0x3c: {  	vm1 =	vgt.s32 v1, $0x0  }
0x3d: {  	v1 =	vnsel vm1, $0x0, v1  }
0x3e: {  	v1 =	vmin.u32 v1, $0x270F  }
0x3f: {  	v1 =	vshll.u32 v1, $0x7  }
0x40: {  	v1 =	vadd.s32 v0, v1;
	_ =	sdelay $0x1  }
.Ltmp3:
0x41: {  	(pc) =	sbr.rel @p1 .LBB2_3-.Ltmp3, $4  }
0x42: {  	s22 =	sshra.s32 s21, $0x2  }
0x43: {  	s20 =	sadd.s32 $0x2000, s20;
	s22 =	sadd.s32 s22, s19  }
0x44: {  	[tilespmem:s20], [sflag:$0x1] =	stream.indirect_vreg.gather [hbm:s5], $0x200, v1, vm0, $0x38;
	[tilespmem:$0x140A0] =	vst v63  }
0x45: {  	s21 =	sadd.s32 $0x40, s21;
	v1 =	vld.msk [tilespmem:s22+$0x0 ss:$0x1], $0xffff  }
0x46: {  	_ =	sdelay $0x3  }
0x47: {  	vm1 =	vgt.s32 v1, $0x0  }
0x48: {  	v1 =	vnsel vm1, $0x0, v1  }
0x49: {  	v1 =	vmin.u32 v1, $0x270F  }
0x4a: {  	v1 =	vshll.u32 v1, $0x7  }
0x4b: {  	v0 =	vadd.s32 v0, v1;
	_ =	sdelay $0x2  }
0x4c: {  	s15 =	sshll.u32 s15, $0x7  }
0x4d: {  	s19 =	sadd.s32 $0x2000, s20;
	s15 =	sadd.s32 s15, s8  }
0x4e: {  	[tilespmem:s19], [sflag:$0x1] =	stream.indirect_vreg.gather [hbm:s5], $0x200, v0, vm0, $0x38;
	[tilespmem:$0x140A0] =	vst v63  }
0x4f: {  	s15 =	sadd.s32 s18, s15;
	_ =	swait.ge [sflag:s4], $0xA000  }
0x50: {  	s18 =	sadd.s32 $0x200, s16;
	s15 =	sadd.s32 s17, s15;
	[sflag:s4] =	ssyncset.done $0x0  }
0x51: {  	s17 =	simm.s32 $0x80;
	s19 =	sadd.s32 $0x0, s15;
	[sflag:s4] =	ssyncadd.s32 $0xFFFF6000  }
.LBB2_5:
0x52: {  	[hbm:s19] =	stream.linear.scatter [tilespmem:s16], [sflag:$0x3], $0x200, $0x38;
	[tilespmem:$0x140A0] =	vst v63  }
0x53: {  	s19 =	smov.u32 s17;
	s16 =	smov.u32 s18;
	p1 =	sne.s32 s17, $0x2780  }
.Ltmp4:
0x54: {  	s17 =	sadd.s32 $0x80, s17;
	(pc) =	sbr.rel @p1 .LBB2_5-.Ltmp4, $2  }
0x55: {  	_ =	sdelay $0x2  }
0x56: {  	s18 =	sadd.s32 $0x200, s18;
	s19 =	sadd.s32 s19, s15  }
.Ltmp5:
0x57: {  	_ = 	snop;
	(pc) =	sbr.rel .LBB2_6-.Ltmp5, $1  }
0x58: {  	_ =	sdelay $0x3  }
.LBB2_8:
0x59: {  	_ =	sfence.sel $0x180000  }
0x5a: {  	s2 =	simm.s32 $0x2;
	[bflag:$0x0] =	sbarrier.arrive $0xFFFF  }
0x5b: {  	s30 =	simm.s32 $0x3;
	[sflag:s2] =	ssyncpa.u1 $0x1  }
0x5c: {  	s31 =	simm.s32 $0x1;
	[sflag:s30] =	ssyncpa.u1 $0x1  }
0x5d: {  	[sflag:s31] =	ssyncpa.u1 $0x1  }
0x5e: {  	p0 =	sne.s32 s0, $0x0;
	_ =	strace $0x90000053  }
0x5f: {  	s0 =	sadd.s32 @!p0 $0x100000, s1;
	[bflag:$0x2] =	sbarrier.arrive $0xFFFF  }
0x60: {  	[sflag:s0] =	ssyncadd.tile.s32 @!p0 $0x1;
	_ =	shalt  }
.Lfunc_end2:
_tile_overlayer_lowered:
.L_overlay_start_2:
0x61: {  	(tag) =	ssettag $0x2  }
0x62: {  	s0 =	rddreg [dreg:$0x0];
	s2 =	stileid.u32  }
0x63: {  	s1 =	rddreg [dreg:$0x1];
	p0 =	sne.s32 s2, $0x0  }
0x64: {  	s3 =	rddreg [dreg:$0x2];
	[bflag:$0x3] =	sbarrier.arrive $0xFFFF;
	s2 =	simm.s32 @!p0 $0x1C01  }
0x65: {  	[timem:s3], [sflag:s2] =	dma.local @!p0 [hbm:s0], s1  }
0x66: {  	s0 =	simm.s32 @!p0 $0x1  }
0x67: {  	_ =	swait.ge @!p0 [sflag:s0], s1  }
0x68: {  	s1 =	ssub.s32 @!p0 $0x0, s1;
	[sflag:s0] =	ssyncset.done @!p0 $0x0  }
0x69: {  	[sflag:s0] =	ssyncadd.s32 @!p0 s1  }
0x6a: {  	[bflag:$0x3] =	sbarrier.arrive $0xFFFF  }
0x6b: {  	_ =	shalt  }

// kernel: gather_offload_async_start
scs
__scs_entry_jumppad:
0x0: {  	(pc) =	sbr.rel $0x88, $3  }
0x1: {  	(tag) =	ssettag $0x0;
	lr =	simm.s32 $0x1  }
0x2: {  	[smem:$0x3F97] =	sst lr;
	_ =	strace $0xD0000000  }
0x3: {  	_ = 	snop  }
0x4: {  	_ = 	snop  }
0x5: {  	_ = 	snop  }
0x6: {  	_ = 	snop  }
0x7: {  	_ = 	snop  }
__scs_overlays_trampoline_lowered:
0x8: {  	[smem:$0x3FA6] =	sst s0  }
0x9: {  	[smem:$0x3FA7] =	sst s1  }
0xa: {  	[smem:$0x3FA8] =	sst s2  }
0xb: {  	[smem:$0x3FA9] =	sst s3  }
0xc: {  	[smem:$0x3FAA] =	sst s4  }
0xd: {  	[smem:$0x3FAB] =	sst s5  }
0xe: {  	[smem:$0x3FAC] =	sst s6  }
0xf: {  	[smem:$0x3FAD] =	sst s7  }
0x10: {  	[smem:$0x3FAE] =	sst s8  }
0x11: {  	[smem:$0x3FAF] =	sst s9;
	s0 =	simm.s32 @!p0 $0x0  }
0x12: {  	s1 =	sld [smem:$0x3F95];
	s0 =	simm.s32 @p0 $0x1  }
0x13: {  	[smem:$0x3FB0] =	sst s0;
	s0 =	simm.s32 @!p1 $0x0  }
0x14: {  	s2 =	sld [smem:$0x3F94];
	s0 =	simm.s32 @p1 $0x1  }
0x15: {  	[smem:$0x3FB1] =	sst s0;
	s0 =	simm.s32 @!p2 $0x0  }
0x16: {  	s3 =	sld [smem:$0x3FDB];
	s0 =	simm.s32 @p2 $0x1  }
0x17: {  	s4 =	simm.s32 $0x1BF5;
	[smem:$0x3FB3] =	sst s0  }
0x18: {  	s0 =	sld [smem:$0x3F96];
	_ =	swait.ge [sflag:s4], $0x0  }
0x19: {  	s7 =	sld [smem:$0x3F97]  }
0x1a: {  	s8 =	sadd.s32 $0xFFFFE003, lr  }
0x1b: {  	s9 =	sadd.s32 $0xFFFFFEF7, lr;
	s5 =	simm.s32 $0xFFFFFFFF;
	p2 =	slt.u32 s8, $0xFFFFF086  }
0x1c: {  	p1 =	slt.u32 s9, $0xF7A;
	s5 =	simm.s32 @!p2 $0x0  }
0x1d: {  	s5 =	simm.s32 @p1 $0x1;
	p0 =	seq.s32 s7, s2  }
0x1e: {  	s7 =	smul.u32 @!p0 $0xF7A, s2;
	p2 =	seq.s32 @!p0 s5, $0x0  }
0x1f: {  	s9 =	smul.u32 $0xF7A, s1;
	s8 =	simm.s32 @!p0 $0x1BF5;
	p2 =	por !p2, p0  }
0x20: {  	[sflag:s8] =	ssyncset.s32 @!p0 $0xFFFFF086;
	s6 =	sadd.s32 @!p0 s3, s7;
	s7 =	simm.s32 @!p0 $0x108  }
0x21: {  	s3 =	sadd.s32 s3, s9;
	s6 =	sadd.s32 @!p0 $0x88, s6;
	s7 =	simm.s32 @p2 $0x1082  }
0x22: {  	[simem:s7], [sflag:s8] =	dma.local @!p0 [hbm:s6], $0xF7A  }
0x23: {  	s9 =	sor.u32 $0xD0000000, s2;
	s6 =	simm.s32 $0x108;
	_ =	swait.ge @!p0 [sflag:s8], $0x0  }
0x24: {  	s3 =	sadd.s32 $0x88, s3;
	s6 =	simm.s32 @!p1 $0x1082;
	[sflag:s4] =	ssyncset.s32 $0xFFFFF086  }
0x25: {  	[simem:s6], [sflag:s4] =	dma.local [hbm:s3], $0xF7A  }
0x26: {  	[smem:$0x3F97] =	sst s1;
	(tag) =	ssettag s2;
	_ =	strace s9  }
0x27: {  	s1 =	sld [smem:$0x3FA7]  }
0x28: {  	s2 =	sld [smem:$0x3FA8]  }
0x29: {  	s4 =	sld [smem:$0x3FAA]  }
0x2a: {  	p0 =	seq.s32 s5, $0x0;
	s5 =	sld [smem:$0x3FAB]  }
0x2b: {  	s6 =	sld [smem:$0x3FAC]  }
0x2c: {  	s7 =	sld [smem:$0x3FAD]  }
0x2d: {  	s3 =	simm.s32 $0x108;
	s8 =	sld [smem:$0x3FAE]  }
0x2e: {  	s3 =	simm.s32 @!p0 $0x1082;
	s9 =	sld [smem:$0x3FAF]  }
0x2f: {  	lr =	sadd.s32 s0, s3;
	s0 =	sld [smem:$0x3FA6]  }
0x30: {  	s3 =	sld [smem:$0x3FA9]  }
0x31: {  	[smem:$0x3FB2] =	sst s10  }
0x32: {  	s10 =	sld [smem:$0x3FB0];
	_ =	sdelay $0x3  }
0x33: {  	p0 =	seq.s32 s10, $0x1;
	s10 =	sld [smem:$0x3FB2];
	_ =	sdelay $0x3  }
0x34: {  	[smem:$0x3FB2] =	sst s10  }
0x35: {  	s10 =	sld [smem:$0x3FB1];
	_ =	sdelay $0x3  }
0x36: {  	p1 =	seq.s32 s10, $0x1;
	s10 =	sld [smem:$0x3FB2];
	_ =	sdelay $0x3  }
0x37: {  	[smem:$0x3FB2] =	sst s10  }
0x38: {  	s10 =	sld [smem:$0x3FB3]  }
0x39: {  	_ = 	snop;
	(pc) =	sbr.ind lr, $3  }
0x3a: {  	_ = 	snop  }
0x3b: {  	_ = 	snop  }
0x3c: {  	p2 =	seq.s32 s10, $0x1;
	s10 =	sld [smem:$0x3FB2]  }
0x3d: {  	_ =	shalt  }
0x3e: {  	_ =	shalt  }
0x3f: {  	_ =	shalt  }
0x40: {  	_ =	shalt  }
0x41: {  	_ =	shalt  }
0x42: {  	_ =	shalt  }
0x43: {  	_ =	shalt  }
0x44: {  	_ =	shalt  }
0x45: {  	_ =	shalt  }
0x46: {  	_ =	shalt  }
0x47: {  	_ =	shalt  }
0x48: {  	_ =	shalt  }
0x49: {  	_ =	shalt  }
0x4a: {  	_ =	shalt  }
0x4b: {  	_ =	shalt  }
0x4c: {  	_ =	shalt  }
0x4d: {  	_ =	shalt  }
0x4e: {  	_ =	shalt  }
0x4f: {  	_ =	shalt  }
0x50: {  	_ =	shalt  }
0x51: {  	_ =	shalt  }
0x52: {  	_ =	shalt  }
0x53: {  	_ =	shalt  }
0x54: {  	_ =	shalt  }
0x55: {  	_ =	shalt  }
0x56: {  	_ =	shalt  }
0x57: {  	_ =	shalt  }
0x58: {  	_ =	shalt  }
0x59: {  	_ =	shalt  }
0x5a: {  	_ =	shalt  }
0x5b: {  	_ =	shalt  }
0x5c: {  	_ =	shalt  }
0x5d: {  	_ =	shalt  }
0x5e: {  	_ =	shalt  }
0x5f: {  	_ =	shalt  }
0x60: {  	_ =	shalt  }
0x61: {  	_ =	shalt  }
0x62: {  	_ =	shalt  }
0x63: {  	_ =	shalt  }
0x64: {  	_ =	shalt  }
0x65: {  	_ =	shalt  }
0x66: {  	_ =	shalt  }
0x67: {  	_ =	shalt  }
0x68: {  	_ =	shalt  }
0x69: {  	_ =	shalt  }
0x6a: {  	_ =	shalt  }
0x6b: {  	_ =	shalt  }
0x6c: {  	_ =	shalt  }
0x6d: {  	_ =	shalt  }
0x6e: {  	_ =	shalt  }
0x6f: {  	_ =	shalt  }
0x70: {  	_ =	shalt  }
0x71: {  	_ =	shalt  }
0x72: {  	_ =	shalt  }
0x73: {  	_ =	shalt  }
0x74: {  	_ =	shalt  }
0x75: {  	_ =	shalt  }
0x76: {  	_ =	shalt  }
0x77: {  	_ =	shalt  }
0x78: {  	_ =	shalt  }
0x79: {  	_ =	shalt  }
0x7a: {  	_ =	shalt  }
0x7b: {  	_ =	shalt  }
0x7c: {  	_ =	shalt  }
0x7d: {  	_ =	shalt  }
0x7e: {  	_ =	shalt  }
0x7f: {  	_ =	shalt  }
0x80: {  	_ =	shalt  }
0x81: {  	_ =	shalt  }
0x82: {  	_ =	shalt  }
0x83: {  	_ =	shalt  }
0x84: {  	_ =	shalt  }
0x85: {  	_ =	shalt  }
0x86: {  	_ =	shalt  }
0x87: {  	_ =	shalt  }
.Lfunc_end0:
.L_simem_size_0:
called_computation.6_lowered:
.L_overlay_start_0:
0x88: {  	s0 =	sld [smem:$0x3FD9]  }
0x89: {  	s1 =	sld [smem:$0x3FFE];
	_ =	sdelay $0x3  }
0x8a: {  	s0 =	sadd.s32 s1, s0  }
0x8b: {  	[smem:$0x3FBE] =	sst s0  }
0x8c: {  	_ = 	snop  }
0x8d: {  	(tm) =	ssettm $0x1  }
0x8e: {  	s15 =	sld [smem:$0x3FFB];
	_ =	sdelay $0x3  }
0x8f: {  	_ =	strace s15  }
0x90: {  	s0 =	sld [smem:$0x3FFC];
	_ =	sdelay $0x3  }
0x91: {  	_ =	strace s0  }
0x92: {  	s0 =	sld [smem:$0x3FFD];
	_ =	sdelay $0x3  }
0x93: {  	_ =	strace s0  }
0x94: {  	_ =	strace $0x8FFFFFFF  }
0x95: {  	s16 =	sld [smem:$0x3FDB];
	_ =	sdelay $0x1  }
0x96: {  	s17 =	simm.s32 $_scs_section_size  }
0x97: {  	s2 =	simm.s32 $_size__tile_overlayer_lowered;
	s3 =	simm.s32 $_tile_overlayer_lowered  }
0x98: {  	s20 =	simm.s32 $0x1BFF;
	s19 =	sshll.u32 s3, $0x1;
	s0 =	sadd.s32 s17, s16  }
0x99: {  	s4 =	simm.s32 $0x0;
	s18 =	sshll.u32 s2, $0x1;
	s2 =	sadd.s32 s19, s0  }
0x9a: {  	[timem:s4], [sflag:s20] =	dma.local [hbm:s2], s18  }
0x9b: {  	_ =	swait.ge [sflag:s20], s18  }
0x9c: {  	s1 =	ssub.s32 $0x0, s18;
	[sflag:s20] =	ssyncset.done $0x0  }
0x9d: {  	[sflag:s20] =	ssyncadd.s32 s1;
	_ =	sdelay $0x1  }
0x9e: {  	s21 =	simm.s32 $0x1B8B  }
0x9f: {  	_ =	swait.ge [sflag:s21], $0x1  }
0xa0: {  	[sflag:s21] =	ssyncset.done $0x0  }
0xa1: {  	s23 =	simm.s32 $0x1B8E;
	s22 =	sld [smem:$0x3FFE];
	[sflag:s21] =	ssyncadd.s32 $0xFFFFFFFF  }
0xa2: {  	s24 =	simm.s32 $execute0_lowered;
	[smem:$0x3FD2] =	sst s23  }
0xa3: {  	s2 =	sshll.u32 s24, $0x1;
	_ =	strace $0x80000049;
	[dreg:$0x1] =	wrdreg $0xFFFFFFFF  }
0xa4: {  	s25 =	simm.s32 $_size_execute0_lowered;
	s0 =	sadd.s32 s0, s2;
	[dreg:$0x0] =	wrdreg $0x0  }
0xa5: {  	s2 =	sshll.u32 s25, $0x1;
	[dreg:$0x2] =	wrdreg s0  }
0xa6: {  	[dreg:$0x3] =	wrdreg s2  }
0xa7: {  	[dreg:$0x4] =	wrdreg $0xC0  }
0xa8: {  	_ =	task [dreg:s4], $0x5FFFF  }
0xa9: {  	[dreg:$0x1] =	wrdreg $0xFFFFFFFF  }
0xaa: {  	[dreg:$0x0] =	wrdreg $0x60  }
0xab: {  	[dreg:$0x2] =	wrdreg s22  }
0xac: {  	[dreg:$0x3] =	wrdreg $0x9  }
0xad: {  	_ =	task.clear_ibuf [dreg:s4], $0x4FFFF;
	_ =	strace $0x90000049  }
0xae: {  	s26 =	simm.s32 $0x9;
	_ =	strace $0x8000004B  }
0xaf: {  	_ =	swait.ge [sflag:s26], $0x1  }
0xb0: {  	[sflag:s26] =	ssyncadd.s32 $0xFFFFFFFF  }
0xb1: {  	_ =	strace $0x9000004B  }
0xb2: {  	_ =	sfence  }
0xb3: {  	s28 =	sld [smem:$0x0];
	_ =	sdelay $0x1  }
0xb4: {  	s29 =	srdreg.scid  }
0xb5: {  	s30 =	sshll.u32 s29, $0xD;
	s31 =	sshrl.u32 s29, $0x2  }
0xb6: {  	s1 =	sand.u32 $0x1, s29;
	s2 =	sand.u32 $0x4000, s30;
	s0 =	sadd.s32 s31, s28  }
0xb7: {  	s1 =	sor.u32 s2, s1;
	s0 =	sshll.u32 s0, $0x11  }
0xb8: {  	s0 =	sor.u32 s0, s1  }
0xb9: {  	s0 =	sadd.s32 $0x8F2B, s0  }
0xba: {  	[sflag:s0] =	ssyncadd.remote.s32 $0x1  }
0xbb: {  	_ =	sfence.sel $0xFFFF  }
0xbc: {  	[dreg:$0x0] =	wrdreg $0xFFFFFFFF;
	(pc) =	sbr.abs _section_cstart, $3  }
0xbd: {  	[dreg:$0x1] =	wrdreg $0xFFFFFFFF  }
0xbe: {  	_ =	task.clear_ibuf [dreg:s4], $0x2FFFF;
	_ =	strace $0x9FFFFFFF  }
0xbf: {  	(tm) =	ssettm $0x7FFFFFFF  }
tec
execute0_lowered:
.L_overlay_start_1:
0x0: {  	(tag) =	ssettag $0x1  }
0x1: {  	s8 =	rddreg [dreg:$0x0]  }
0x2: {  	s0 =	rddreg [dreg:$0x1];
	_ =	strace $0x8000004A  }
0x3: {  	s1 =	stileid.u32;
	s5 =	simm.s32 $0x1;
	s6 =	simm.s32 $0x27100  }
0x4: {  	s9 =	simm.s32 $0x1;
	s10 =	simm.s32 $0x3;
	s13 =	simm.s32 $0x0  }
0x5: {  	s12 =	simm.s32 $0x0;
	s2 =	sadd.s32 $0x200, s8;
	s4 =	smul.u32 $0x2710, s1  }
0x6: {  	s3 =	sadd.s32 $0xAA00, s8;
	p0 =	slt.u32 s1, $0x2;
	[sflag:s5] =	ssyncpa.u1 $0x0  }
.Ltmp0:
0x7: {  	s6 =	simm.s32 @!p0 $0x0;
	s7 =	ssub.s32 $0x29810, s4;
	(pc) =	sbr.rel .LBB2_1-.Ltmp0, $4  }
0x8: {  	s9 =	simm.s32 @!p0 $0x0;
	p0 =	sne.s32 s7, s6;
	s7 =	simm.s32 $0x1  }
0x9: {  	s8 =	sadd.s32 $0x174C00, s8;
	s6 =	simm.s32 $0x2;
	s7 =	simm.s32 @!p0 $0x0  }
0xa: {  	s11 =	smov.u32 s4;
	[sflag:s6] =	ssyncpa.u1 $0x0;
	s7 =	sadd.s32 s9, s7  }
0xb: {  	vm0 =	vmmov $0xffff;
	[sflag:s10] =	ssyncpa.u1 $0x0;
	s10 =	simm.s32 $0x0;
	s9 =	sadd.s32 $0x1, s7  }
.LBB2_4:
0xc: {  	v2 =	vnsel vm1, $0x0, v2  }
0xd: {  	vm1 =	vgt.s32 v0, $0x0;
	v2 =	vmin.u32 v2, $0x2980F  }
0xe: {  	v0 =	vnsel vm1, $0x0, v0  }
0xf: {  	v0 =	vmin.u32 v0, $0x2980F  }
0x10: {  	[tilespmem:s18], [sflag:$0x1] =	stream.indirect_vreg.gather [hbm4b:s2+s10], $0x1, v1, vm0, $0x4038;
	[tilespmem:$0x9C40] =	vst v63  }
0x11: {  	(ifvalue) =	ssetifvalue $0x7FFFFFFF  }
0x12: {  	[tilespmem:s15], [sflag:$0x1] =	stream.indirect_vreg.gather [hbm4b:s2+s10], $0x1, v2, vm0, $0x4038;
	[tilespmem:$0x9C40] =	vst v63  }
0x13: {  	s29 =	sadd.s32 $0x10, s15;
	(ifvalue) =	ssetifvalue $0x7FFFFFFF  }
0x14: {  	[tilespmem:s29], [sflag:$0x1] =	stream.indirect_vreg.gather [hbm4b:s2+s10], $0x1, v0, vm0, $0x4038;
	[tilespmem:$0x9C40] =	vst v63  }
0x15: {  	_ =	swait.ge [sflag:s5], $0x2710  }
0x16: {  	s30 =	sshrl.u32 s13, $0x3;
	[sflag:s5] =	ssyncset.done $0x0  }
0x17: {  	s31 =	sand.u32 $0x7, s13;
	s15 =	sadd.s32 s8, s30;
	[sflag:s5] =	ssyncadd.s32 $0xFFFFD8F0  }
0x18: {  	[hbm4b:s15+s31] =	stream.linear.scatter [tilespmem:s14], [sflag:$0x3], $0x2710, $0x38;
	[tilespmem:$0x9C40] =	vst v63  }
.LBB2_5:
0x19: {  	s15 =	sadd.s32 $0x27100, s11  }
0x1a: {  	p1 =	sgt.s32 s15, $0x2980F  }
0x1b: {  	s15 =	smov.u32 @p1 s4;
	p1 =	sne.s32 s12, s9  }
.Ltmp1:
0x1c: {  	p0 =	slt.u32 s12, $0x2;
	(pc) =	sbr.rel @!p1 .LBB2_6-.Ltmp1, $4  }
0x1d: {  	s14 =	simm.s32 @!p0 $0x3  }
0x1e: {  	_ =	swait.ge @!p0 [sflag:s14], $0x2710  }
0x1f: {  	s16 =	sadd.s32 $0x1, s12;
	s13 =	smov.u32 s11;
	[sflag:s14] =	ssyncset.done @!p0 $0x0  }
0x20: {  	s12 =	smov.u32 s16;
	s11 =	smov.u32 s15;
	[sflag:s14] =	ssyncadd.s32 @!p0 $0xFFFFD8F0  }
.LBB2_1:
0x21: {  	p0 =	sge.u32 s12, s7  }
0x22: {  	s14 =	sxor.u32 @!p0 $0x1, s12  }
0x23: {  	s14 =	smul.u32 @!p0 $0x9C40, s14  }
0x24: {  	s31 =	sadd.s32 $0xFFFFFFFF, s12;
	s15 =	sshrl.u32 @!p0 s11, $0x3  }
0x25: {  	s16 =	sand.u32 @!p0 $0x7, s11;
	s15 =	sadd.s32 @!p0 s3, s15;
	s14 =	sshra.s32 @!p0 s14, $0x2  }
0x26: {  	[tilespmem:s14], [sflag:$0x2] =	stream.linear.gather @!p0 [hbm4b:s15+s16], $0x2710, $0x38;
	[tilespmem:$0x9C40] =	vst v63  }
0x27: {  	p0 =	sge.u32 s31, s7  }
.Ltmp2:
0x28: {  	_ = 	snop;
	(pc) =	sbr.rel @p0 .LBB2_5-.Ltmp2, $1  }
0x29: {  	_ =	sdelay $0x3  }
0x2a: {  	s14 =	sand.u32 $0x1, s12  }
0x2b: {  	_ =	swait.ge [sflag:s6], $0x2710;
	p0 =	seq.s32 s14, $0x1;
	s14 =	simm.s32 $0x2710  }
0x2c: {  	[sflag:s6] =	ssyncset.done $0x0;
	s14 =	simm.s32 @!p0 $0x0  }
0x2d: {  	[sflag:s6] =	ssyncadd.s32 $0xFFFFD8F0;
	(ifvalue) =	ssetifvalue $0x7FFFFFFF;
	v0 =	vld.msk [tilespmem:s14+$0x0 ss:$0x1], $0xffff;
	_ =	sdelay $0x4  }
0x2e: {  	s15 =	sadd.s32 $0x10, s14;
	vm1 =	vgt.s32 v0, $0x0  }
0x2f: {  	v2 =	vld.msk [tilespmem:s15+$0x0 ss:$0x1], $0xffff;
	v1 =	vnsel vm1, $0x0, v0  }
0x30: {  	v1 =	vmin.u32 v1, $0x2980F;
	_ =	sdelay $0x2  }
0x31: {  	s17 =	simm.s32 $0x20;
	s14 =	sadd.s32 $0x4E20, s14;
	s16 =	sadd.s32 $0x10, s15  }
0x32: {  	s15 =	sadd.s32 $0x10, s14;
	s18 =	smov.u32 s14;
	v0 =	vld.msk [tilespmem:s16+$0x0 ss:$0x1], $0xffff;
	vm1 =	vgt.s32 v2, $0x0;
	(ifvalue) =	ssetifvalue $0x7FFFFFFF  }
.LBB2_3:
0x33: {  	[tilespmem:s18], [sflag:$0x1] =	stream.indirect_vreg.gather [hbm4b:s2+s10], $0x1, v1, vm0, $0x4038;
	[tilespmem:$0x9C40] =	vst v63  }
0x34: {  	s17 =	sadd.s32 $0x10, s17  }
0x35: {  	v2 =	vnsel vm1, $0x0, v2;
	p0 =	slt.u32 s17, $0x2700  }
.Ltmp3:
0x36: {  	s18 =	smov.u32 s15;
	v1 =	vmin.u32 v2, $0x2980F;
	(pc) =	sbr.rel @p0 .LBB2_3-.Ltmp3, $3  }
0x37: {  	_ =	sdelay $0x1  }
0x38: {  	s16 =	sadd.s32 $0x10, s16  }
0x39: {  	vm1 =	vgt.s32 v0, $0x0;
	s15 =	sadd.s32 $0x10, s15;
	v2 =	vmov v0;
	(ifvalue) =	ssetifvalue $0x7FFFFFFF;
	v0 =	vld.msk [tilespmem:s16+$0x0 ss:$0x1], $0xffff  }
.Ltmp4:
0x3a: {  	_ = 	snop;
	(pc) =	sbr.rel .LBB2_4-.Ltmp4, $1  }
0x3b: {  	_ =	sdelay $0x3  }
.LBB2_6:
0x3c: {  	_ =	sfence.sel $0x180000  }
0x3d: {  	s2 =	simm.s32 $0x2;
	[bflag:$0x0] =	sbarrier.arrive $0xFFFF  }
0x3e: {  	s30 =	simm.s32 $0x3;
	[sflag:s2] =	ssyncpa.u1 $0x1  }
0x3f: {  	s31 =	simm.s32 $0x1;
	[sflag:s30] =	ssyncpa.u1 $0x1  }
0x40: {  	[sflag:s31] =	ssyncpa.u1 $0x1  }
0x41: {  	p0 =	sne.s32 s1, $0x0;
	_ =	strace $0x9000004A  }
0x42: {  	s0 =	sadd.s32 @!p0 $0x100000, s0;
	[bflag:$0x2] =	sbarrier.arrive $0xFFFF  }
0x43: {  	[sflag:s0] =	ssyncadd.tile.s32 @!p0 $0x1;
	_ =	shalt  }
.Lfunc_end2:
_tile_overlayer_lowered:
.L_overlay_start_2:
0x44: {  	(tag) =	ssettag $0x2  }
0x45: {  	s0 =	rddreg [dreg:$0x0];
	s2 =	stileid.u32  }
0x46: {  	s1 =	rddreg [dreg:$0x1];
	p0 =	sne.s32 s2, $0x0  }
0x47: {  	s3 =	rddreg [dreg:$0x2];
	[bflag:$0x3] =	sbarrier.arrive $0xFFFF;
	s2 =	simm.s32 @!p0 $0x1C01  }
0x48: {  	[timem:s3], [sflag:s2] =	dma.local @!p0 [hbm:s0], s1  }
0x49: {  	s0 =	simm.s32 @!p0 $0x1  }
0x4a: {  	_ =	swait.ge @!p0 [sflag:s0], s1  }
0x4b: {  	s1 =	ssub.s32 @!p0 $0x0, s1;
	[sflag:s0] =	ssyncset.done @!p0 $0x0  }
0x4c: {  	[sflag:s0] =	ssyncadd.s32 @!p0 s1  }
0x4d: {  	[bflag:$0x3] =	sbarrier.arrive $0xFFFF  }
0x4e: {  	_ =	shalt  }

// kernel: scatter_offload_async_start.1
scs
__scs_entry_jumppad:
0x0: {  	(pc) =	sbr.rel $0x88, $3  }
0x1: {  	(tag) =	ssettag $0x0;
	lr =	simm.s32 $0x1  }
0x2: {  	[smem:$0x3F97] =	sst lr;
	_ =	strace $0xD0000000  }
0x3: {  	_ = 	snop  }
0x4: {  	_ = 	snop  }
0x5: {  	_ = 	snop  }
0x6: {  	_ = 	snop  }
0x7: {  	_ = 	snop  }
__scs_overlays_trampoline_lowered:
0x8: {  	[smem:$0x3FA6] =	sst s0  }
0x9: {  	[smem:$0x3FA7] =	sst s1  }
0xa: {  	[smem:$0x3FA8] =	sst s2  }
0xb: {  	[smem:$0x3FA9] =	sst s3  }
0xc: {  	[smem:$0x3FAA] =	sst s4  }
0xd: {  	[smem:$0x3FAB] =	sst s5  }
0xe: {  	[smem:$0x3FAC] =	sst s6  }
0xf: {  	[smem:$0x3FAD] =	sst s7  }
0x10: {  	[smem:$0x3FAE] =	sst s8  }
0x11: {  	[smem:$0x3FAF] =	sst s9;
	s0 =	simm.s32 @!p0 $0x0  }
0x12: {  	s1 =	sld [smem:$0x3F95];
	s0 =	simm.s32 @p0 $0x1  }
0x13: {  	[smem:$0x3FB0] =	sst s0;
	s0 =	simm.s32 @!p1 $0x0  }
0x14: {  	s2 =	sld [smem:$0x3F94];
	s0 =	simm.s32 @p1 $0x1  }
0x15: {  	[smem:$0x3FB1] =	sst s0;
	s0 =	simm.s32 @!p2 $0x0  }
0x16: {  	s3 =	sld [smem:$0x3FDB];
	s0 =	simm.s32 @p2 $0x1  }
0x17: {  	s4 =	simm.s32 $0x1BF5;
	[smem:$0x3FB3] =	sst s0  }
0x18: {  	s0 =	sld [smem:$0x3F96];
	_ =	swait.ge [sflag:s4], $0x0  }
0x19: {  	s7 =	sld [smem:$0x3F97]  }
0x1a: {  	s8 =	sadd.s32 $0xFFFFE003, lr  }
0x1b: {  	s9 =	sadd.s32 $0xFFFFFEF7, lr;
	s5 =	simm.s32 $0xFFFFFFFF;
	p2 =	slt.u32 s8, $0xFFFFF086  }
0x1c: {  	p1 =	slt.u32 s9, $0xF7A;
	s5 =	simm.s32 @!p2 $0x0  }
0x1d: {  	s5 =	simm.s32 @p1 $0x1;
	p0 =	seq.s32 s7, s2  }
0x1e: {  	s7 =	smul.u32 @!p0 $0xF7A, s2;
	p2 =	seq.s32 @!p0 s5, $0x0  }
0x1f: {  	s9 =	smul.u32 $0xF7A, s1;
	s8 =	simm.s32 @!p0 $0x1BF5;
	p2 =	por !p2, p0  }
0x20: {  	[sflag:s8] =	ssyncset.s32 @!p0 $0xFFFFF086;
	s6 =	sadd.s32 @!p0 s3, s7;
	s7 =	simm.s32 @!p0 $0x108  }
0x21: {  	s3 =	sadd.s32 s3, s9;
	s6 =	sadd.s32 @!p0 $0x88, s6;
	s7 =	simm.s32 @p2 $0x1082  }
0x22: {  	[simem:s7], [sflag:s8] =	dma.local @!p0 [hbm:s6], $0xF7A  }
0x23: {  	s9 =	sor.u32 $0xD0000000, s2;
	s6 =	simm.s32 $0x108;
	_ =	swait.ge @!p0 [sflag:s8], $0x0  }
0x24: {  	s3 =	sadd.s32 $0x88, s3;
	s6 =	simm.s32 @!p1 $0x1082;
	[sflag:s4] =	ssyncset.s32 $0xFFFFF086  }
0x25: {  	[simem:s6], [sflag:s4] =	dma.local [hbm:s3], $0xF7A  }
0x26: {  	[smem:$0x3F97] =	sst s1;
	(tag) =	ssettag s2;
	_ =	strace s9  }
0x27: {  	s1 =	sld [smem:$0x3FA7]  }
0x28: {  	s2 =	sld [smem:$0x3FA8]  }
0x29: {  	s4 =	sld [smem:$0x3FAA]  }
0x2a: {  	p0 =	seq.s32 s5, $0x0;
	s5 =	sld [smem:$0x3FAB]  }
0x2b: {  	s6 =	sld [smem:$0x3FAC]  }
0x2c: {  	s7 =	sld [smem:$0x3FAD]  }
0x2d: {  	s3 =	simm.s32 $0x108;
	s8 =	sld [smem:$0x3FAE]  }
0x2e: {  	s3 =	simm.s32 @!p0 $0x1082;
	s9 =	sld [smem:$0x3FAF]  }
0x2f: {  	lr =	sadd.s32 s0, s3;
	s0 =	sld [smem:$0x3FA6]  }
0x30: {  	s3 =	sld [smem:$0x3FA9]  }
0x31: {  	[smem:$0x3FB2] =	sst s10  }
0x32: {  	s10 =	sld [smem:$0x3FB0];
	_ =	sdelay $0x3  }
0x33: {  	p0 =	seq.s32 s10, $0x1;
	s10 =	sld [smem:$0x3FB2];
	_ =	sdelay $0x3  }
0x34: {  	[smem:$0x3FB2] =	sst s10  }
0x35: {  	s10 =	sld [smem:$0x3FB1];
	_ =	sdelay $0x3  }
0x36: {  	p1 =	seq.s32 s10, $0x1;
	s10 =	sld [smem:$0x3FB2];
	_ =	sdelay $0x3  }
0x37: {  	[smem:$0x3FB2] =	sst s10  }
0x38: {  	s10 =	sld [smem:$0x3FB3]  }
0x39: {  	_ = 	snop;
	(pc) =	sbr.ind lr, $3  }
0x3a: {  	_ = 	snop  }
0x3b: {  	_ = 	snop  }
0x3c: {  	p2 =	seq.s32 s10, $0x1;
	s10 =	sld [smem:$0x3FB2]  }
0x3d: {  	_ =	shalt  }
0x3e: {  	_ =	shalt  }
0x3f: {  	_ =	shalt  }
0x40: {  	_ =	shalt  }
0x41: {  	_ =	shalt  }
0x42: {  	_ =	shalt  }
0x43: {  	_ =	shalt  }
0x44: {  	_ =	shalt  }
0x45: {  	_ =	shalt  }
0x46: {  	_ =	shalt  }
0x47: {  	_ =	shalt  }
0x48: {  	_ =	shalt  }
0x49: {  	_ =	shalt  }
0x4a: {  	_ =	shalt  }
0x4b: {  	_ =	shalt  }
0x4c: {  	_ =	shalt  }
0x4d: {  	_ =	shalt  }
0x4e: {  	_ =	shalt  }
0x4f: {  	_ =	shalt  }
0x50: {  	_ =	shalt  }
0x51: {  	_ =	shalt  }
0x52: {  	_ =	shalt  }
0x53: {  	_ =	shalt  }
0x54: {  	_ =	shalt  }
0x55: {  	_ =	shalt  }
0x56: {  	_ =	shalt  }
0x57: {  	_ =	shalt  }
0x58: {  	_ =	shalt  }
0x59: {  	_ =	shalt  }
0x5a: {  	_ =	shalt  }
0x5b: {  	_ =	shalt  }
0x5c: {  	_ =	shalt  }
0x5d: {  	_ =	shalt  }
0x5e: {  	_ =	shalt  }
0x5f: {  	_ =	shalt  }
0x60: {  	_ =	shalt  }
0x61: {  	_ =	shalt  }
0x62: {  	_ =	shalt  }
0x63: {  	_ =	shalt  }
0x64: {  	_ =	shalt  }
0x65: {  	_ =	shalt  }
0x66: {  	_ =	shalt  }
0x67: {  	_ =	shalt  }
0x68: {  	_ =	shalt  }
0x69: {  	_ =	shalt  }
0x6a: {  	_ =	shalt  }
0x6b: {  	_ =	shalt  }
0x6c: {  	_ =	shalt  }
0x6d: {  	_ =	shalt  }
0x6e: {  	_ =	shalt  }
0x6f: {  	_ =	shalt  }
0x70: {  	_ =	shalt  }
0x71: {  	_ =	shalt  }
0x72: {  	_ =	shalt  }
0x73: {  	_ =	shalt  }
0x74: {  	_ =	shalt  }
0x75: {  	_ =	shalt  }
0x76: {  	_ =	shalt  }
0x77: {  	_ =	shalt  }
0x78: {  	_ =	shalt  }
0x79: {  	_ =	shalt  }
0x7a: {  	_ =	shalt  }
0x7b: {  	_ =	shalt  }
0x7c: {  	_ =	shalt  }
0x7d: {  	_ =	shalt  }
0x7e: {  	_ =	shalt  }
0x7f: {  	_ =	shalt  }
0x80: {  	_ =	shalt  }
0x81: {  	_ =	shalt  }
0x82: {  	_ =	shalt  }
0x83: {  	_ =	shalt  }
0x84: {  	_ =	shalt  }
0x85: {  	_ =	shalt  }
0x86: {  	_ =	shalt  }
0x87: {  	_ =	shalt  }
.Lfunc_end0:
.L_simem_size_0:
called_computation.1_lowered:
.L_overlay_start_0:
0x88: {  	s0 =	sld [smem:$0x3FD9]  }
0x89: {  	s1 =	sld [smem:$0x3FFE];
	_ =	sdelay $0x3  }
0x8a: {  	s0 =	sadd.s32 s1, s0  }
0x8b: {  	[smem:$0x3FBE] =	sst s0  }
0x8c: {  	_ = 	snop  }
0x8d: {  	s0 =	sld [smem:$0x3FD0];
	(tm) =	ssettm $0x1  }
0x8e: {  	s16 =	sld [smem:$0x3FFB];
	_ =	sdelay $0x3  }
0x8f: {  	_ =	strace s16  }
0x90: {  	s1 =	sld [smem:$0x3FFC];
	_ =	sdelay $0x3  }
0x91: {  	_ =	strace s1  }
0x92: {  	s1 =	sld [smem:$0x3FFD];
	_ =	sdelay $0x3  }
0x93: {  	_ =	strace s1  }
0x94: {  	_ =	strace $0x8FFFFFFF  }
0x95: {  	s17 =	sld [smem:$0x3FDB];
	_ =	sdelay $0x1  }
0x96: {  	s2 =	simm.s32 $_scs_section_size  }
0x97: {  	s3 =	simm.s32 $_size__tile_overlayer_lowered;
	s4 =	simm.s32 $_tile_overlayer_lowered  }
0x98: {  	s20 =	simm.s32 $0x1BFF;
	s19 =	sshll.u32 s4, $0x1;
	s1 =	sadd.s32 s2, s17  }
0x99: {  	s5 =	simm.s32 $0x0;
	s18 =	sshll.u32 s3, $0x1;
	s3 =	sadd.s32 s19, s1  }
0x9a: {  	[timem:s5], [sflag:s20] =	dma.local [hbm:s3], s18  }
0x9b: {  	_ =	swait.ge [sflag:s20], s18  }
0x9c: {  	s2 =	ssub.s32 $0x0, s18;
	[sflag:s20] =	ssyncset.done $0x0  }
0x9d: {  	[sflag:s20] =	ssyncadd.s32 s2;
	_ =	sdelay $0x1  }
0x9e: {  	s21 =	simm.s32 $0x1B8B  }
0x9f: {  	_ =	swait.ge [sflag:s21], $0x1  }
0xa0: {  	[sflag:s21] =	ssyncset.done $0x0  }
0xa1: {  	s23 =	simm.s32 $0x1B8E;
	s22 =	sld [smem:$0x3FFE];
	[sflag:s21] =	ssyncadd.s32 $0xFFFFFFFF  }
0xa2: {  	s24 =	simm.s32 $execute0_lowered;
	[smem:$0x3FD2] =	sst s23  }
0xa3: {  	s3 =	sshll.u32 s24, $0x1;
	_ =	strace $0x8000004F;
	[dreg:$0x1] =	wrdreg $0xFFFFFFFF  }
0xa4: {  	s25 =	simm.s32 $_size_execute0_lowered;
	s1 =	sadd.s32 s1, s3;
	[dreg:$0x0] =	wrdreg $0x0  }
0xa5: {  	s3 =	sshll.u32 s25, $0x1;
	[dreg:$0x2] =	wrdreg s1  }
0xa6: {  	[dreg:$0x3] =	wrdreg s3  }
0xa7: {  	[dreg:$0x4] =	wrdreg $0xC0  }
0xa8: {  	_ =	task [dreg:s5], $0x5FFFF  }
0xa9: {  	[dreg:$0x1] =	wrdreg $0xFFFFFFFF  }
0xaa: {  	[dreg:$0x0] =	wrdreg $0x60  }
0xab: {  	[dreg:$0x2] =	wrdreg s0  }
0xac: {  	[dreg:$0x3] =	wrdreg s22  }
0xad: {  	[dreg:$0x4] =	wrdreg $0x9  }
0xae: {  	_ =	task.clear_ibuf [dreg:s5], $0x5FFFF;
	_ =	strace $0x9000004F  }
0xaf: {  	s26 =	simm.s32 $0x9;
	_ =	strace $0x80000051  }
0xb0: {  	_ =	swait.ge [sflag:s26], $0x1  }
0xb1: {  	[sflag:s26] =	ssyncadd.s32 $0xFFFFFFFF  }
0xb2: {  	_ =	strace $0x90000051  }
0xb3: {  	_ =	sfence  }
0xb4: {  	s28 =	sld [smem:$0x0];
	_ =	sdelay $0x1  }
0xb5: {  	s29 =	srdreg.scid  }
0xb6: {  	s30 =	sshll.u32 s29, $0xD;
	s31 =	sshrl.u32 s29, $0x2  }
0xb7: {  	s2 =	sand.u32 $0x4000, s30;
	s1 =	sand.u32 $0x1, s29;
	s0 =	sadd.s32 s31, s28  }
0xb8: {  	s1 =	sor.u32 s2, s1;
	s0 =	sshll.u32 s0, $0x11  }
0xb9: {  	s0 =	sor.u32 s0, s1  }
0xba: {  	s0 =	sadd.s32 $0x8F2B, s0  }
0xbb: {  	[sflag:s0] =	ssyncadd.remote.s32 $0x1  }
0xbc: {  	_ =	sfence.sel $0xFFFF  }
0xbd: {  	[dreg:$0x0] =	wrdreg $0xFFFFFFFF;
	(pc) =	sbr.abs _section_cstart, $3  }
0xbe: {  	[dreg:$0x1] =	wrdreg $0xFFFFFFFF  }
0xbf: {  	_ =	task.clear_ibuf [dreg:s5], $0x2FFFF;
	_ =	strace $0x9FFFFFFF  }
0xc0: {  	(tm) =	ssettm $0x7FFFFFFF  }
0xc1: {  	_ =	shalt  }
tec
execute0_lowered:
.L_overlay_start_1:
0x0: {  	(tag) =	ssettag $0x1  }
0x1: {  	s1 =	rddreg [dreg:$0x0]  }
0x2: {  	s4 =	rddreg [dreg:$0x1];
	_ =	strace $0x80000050;
	s3 =	simm.s32 $0x1  }
0x3: {  	v0 =	vimm.s32 $0x0;
	[sflag:s3] =	ssyncpa.u1 $0x0  }
0x4: {  	[tilespmem:$0x28] =	vst v0  }
0x5: {  	[tilespmem:$0x38] =	vst v0  }
0x6: {  	[tilespmem:$0x48] =	vst v0  }
0x7: {  	[tilespmem:$0x58] =	vst v0  }
0x8: {  	[tilespmem:$0x68] =	vst v0  }
0x9: {  	[tilespmem:$0x78] =	vst v0  }
0xa: {  	[tilespmem:$0x88] =	vst v0  }
0xb: {  	[tilespmem:$0x98] =	vst v0  }
0xc: {  	[tilespmem:$0xA8] =	vst v0  }
0xd: {  	[tilespmem:$0xB8] =	vst v0  }
0xe: {  	[tilespmem:$0xC8] =	vst v0  }
0xf: {  	[tilespmem:$0xD8] =	vst v0  }
0x10: {  	[tilespmem:$0xE8] =	vst v0  }
0x11: {  	[tilespmem:$0xF8] =	vst v0  }
0x12: {  	[tilespmem:$0x108] =	vst v0  }
0x13: {  	[tilespmem:$0x118] =	vst v0  }
0x14: {  	[tilespmem:$0x128] =	vst v0  }
0x15: {  	[tilespmem:$0x138] =	vst v0  }
0x16: {  	[tilespmem:$0x148] =	vst v0  }
0x17: {  	[tilespmem:$0x158] =	vst v0  }
0x18: {  	[tilespmem:$0x168] =	vst v0  }
0x19: {  	[tilespmem:$0x178] =	vst v0  }
0x1a: {  	[tilespmem:$0x188] =	vst v0  }
0x1b: {  	[tilespmem:$0x198] =	vst v0  }
0x1c: {  	[tilespmem:$0x1A8] =	vst v0  }
0x1d: {  	[tilespmem:$0x1B8] =	vst v0  }
0x1e: {  	[tilespmem:$0x1C8] =	vst v0  }
0x1f: {  	[tilespmem:$0x1D8] =	vst v0  }
0x20: {  	[tilespmem:$0x1E8] =	vst v0  }
0x21: {  	[tilespmem:$0x1F8] =	vst v0  }
0x22: {  	[tilespmem:$0x208] =	vst v0  }
0x23: {  	[tilespmem:$0x218] =	vst v0  }
0x24: {  	[tilespmem:$0x228] =	vst v0  }
0x25: {  	[tilespmem:$0x238] =	vst v0  }
0x26: {  	[tilespmem:$0x248] =	vst v0  }
0x27: {  	[tilespmem:$0x258] =	vst v0  }
0x28: {  	[tilespmem:$0x268] =	vst v0  }
0x29: {  	[tilespmem:$0x278] =	vst v0  }
0x2a: {  	[tilespmem:$0x288] =	vst v0  }
0x2b: {  	[tilespmem:$0x298] =	vst v0  }
0x2c: {  	[tilespmem:$0x2A8] =	vst v0  }
0x2d: {  	[tilespmem:$0x2B8] =	vst v0  }
0x2e: {  	[tilespmem:$0x2C8] =	vst v0  }
0x2f: {  	[tilespmem:$0x2D8] =	vst v0  }
0x30: {  	[tilespmem:$0x2E8] =	vst v0  }
0x31: {  	[tilespmem:$0x2F8] =	vst v0  }
0x32: {  	[tilespmem:$0x308] =	vst v0  }
0x33: {  	[tilespmem:$0x318] =	vst v0  }
0x34: {  	[tilespmem:$0x328] =	vst v0  }
0x35: {  	[tilespmem:$0x338] =	vst v0  }
0x36: {  	[tilespmem:$0x348] =	vst v0  }
0x37: {  	[tilespmem:$0x358] =	vst v0  }
0x38: {  	[tilespmem:$0x368] =	vst v0  }
0x39: {  	[tilespmem:$0x378] =	vst v0  }
0x3a: {  	[tilespmem:$0x388] =	vst v0  }
0x3b: {  	[tilespmem:$0x398] =	vst v0  }
0x3c: {  	[tilespmem:$0x3A8] =	vst v0  }
0x3d: {  	[tilespmem:$0x3B8] =	vst v0  }
0x3e: {  	[tilespmem:$0x3C8] =	vst v0  }
0x3f: {  	[tilespmem:$0x3D8] =	vst v0  }
0x40: {  	[tilespmem:$0x3E8] =	vst v0  }
0x41: {  	[tilespmem:$0x3F8] =	vst v0  }
0x42: {  	[tilespmem:$0x408] =	vst v0  }
0x43: {  	[tilespmem:$0x418] =	vst v0  }
0x44: {  	[tilespmem:$0x428] =	vst v0  }
0x45: {  	[tilespmem:$0x438] =	vst v0  }
0x46: {  	[tilespmem:$0x448] =	vst v0  }
0x47: {  	[tilespmem:$0x458] =	vst v0  }
0x48: {  	[tilespmem:$0x468] =	vst v0  }
0x49: {  	[tilespmem:$0x478] =	vst v0  }
0x4a: {  	[tilespmem:$0x488] =	vst v0  }
0x4b: {  	[tilespmem:$0x498] =	vst v0  }
0x4c: {  	[tilespmem:$0x4A8] =	vst v0  }
0x4d: {  	[tilespmem:$0x4B8] =	vst v0  }
0x4e: {  	[tilespmem:$0x4C8] =	vst v0  }
0x4f: {  	[tilespmem:$0x4D8] =	vst v0  }
0x50: {  	[tilespmem:$0x4E8] =	vst v0  }
0x51: {  	[tilespmem:$0x4F8] =	vst v0  }
0x52: {  	[tilespmem:$0x508] =	vst v0  }
0x53: {  	[tilespmem:$0x518] =	vst v0  }
0x54: {  	[tilespmem:$0x528] =	vst v0  }
0x55: {  	[tilespmem:$0x538] =	vst v0  }
0x56: {  	[tilespmem:$0x548] =	vst v0  }
0x57: {  	[tilespmem:$0x558] =	vst v0  }
0x58: {  	[tilespmem:$0x568] =	vst v0  }
0x59: {  	[tilespmem:$0x578] =	vst v0  }
0x5a: {  	[tilespmem:$0x588] =	vst v0  }
0x5b: {  	[tilespmem:$0x598] =	vst v0  }
0x5c: {  	[tilespmem:$0x5A8] =	vst v0  }
0x5d: {  	[tilespmem:$0x5B8] =	vst v0  }
0x5e: {  	[tilespmem:$0x5C8] =	vst v0  }
0x5f: {  	[tilespmem:$0x5D8] =	vst v0  }
0x60: {  	[tilespmem:$0x5E8] =	vst v0  }
0x61: {  	[tilespmem:$0x5F8] =	vst v0  }
0x62: {  	[tilespmem:$0x608] =	vst v0  }
0x63: {  	[tilespmem:$0x618] =	vst v0  }
0x64: {  	[tilespmem:$0x628] =	vst v0  }
0x65: {  	[tilespmem:$0x638] =	vst v0  }
0x66: {  	[tilespmem:$0x648] =	vst v0  }
0x67: {  	[tilespmem:$0x658] =	vst v0  }
0x68: {  	[tilespmem:$0x668] =	vst v0  }
0x69: {  	[tilespmem:$0x678] =	vst v0  }
0x6a: {  	[tilespmem:$0x688] =	vst v0  }
0x6b: {  	[tilespmem:$0x698] =	vst v0  }
0x6c: {  	[tilespmem:$0x6A8] =	vst v0  }
0x6d: {  	[tilespmem:$0x6B8] =	vst v0  }
0x6e: {  	[tilespmem:$0x6C8] =	vst v0  }
0x6f: {  	[tilespmem:$0x6D8] =	vst v0  }
0x70: {  	[tilespmem:$0x6E8] =	vst v0  }
0x71: {  	[tilespmem:$0x6F8] =	vst v0  }
0x72: {  	[tilespmem:$0x708] =	vst v0  }
0x73: {  	[tilespmem:$0x718] =	vst v0  }
0x74: {  	[tilespmem:$0x728] =	vst v0  }
0x75: {  	[tilespmem:$0x738] =	vst v0  }
0x76: {  	[tilespmem:$0x748] =	vst v0  }
0x77: {  	[tilespmem:$0x758] =	vst v0  }
0x78: {  	[tilespmem:$0x768] =	vst v0  }
0x79: {  	[tilespmem:$0x778] =	vst v0  }
0x7a: {  	[tilespmem:$0x788] =	vst v0  }
0x7b: {  	[tilespmem:$0x798] =	vst v0  }
0x7c: {  	[tilespmem:$0x7A8] =	vst v0  }
0x7d: {  	[tilespmem:$0x7B8] =	vst v0  }
0x7e: {  	[tilespmem:$0x7C8] =	vst v0  }
0x7f: {  	[tilespmem:$0x7D8] =	vst v0  }
0x80: {  	[tilespmem:$0x7E8] =	vst v0  }
0x81: {  	[tilespmem:$0x7F8] =	vst v0  }
0x82: {  	[tilespmem:$0x808] =	vst v0  }
0x83: {  	[tilespmem:$0x818] =	vst v0  }
0x84: {  	[tilespmem:$0x828] =	vst v0  }
0x85: {  	[tilespmem:$0x838] =	vst v0  }
0x86: {  	[tilespmem:$0x848] =	vst v0  }
0x87: {  	[tilespmem:$0x858] =	vst v0  }
0x88: {  	[tilespmem:$0x868] =	vst v0  }
0x89: {  	[tilespmem:$0x878] =	vst v0  }
0x8a: {  	[tilespmem:$0x888] =	vst v0  }
0x8b: {  	[tilespmem:$0x898] =	vst v0  }
0x8c: {  	[tilespmem:$0x8A8] =	vst v0  }
0x8d: {  	[tilespmem:$0x8B8] =	vst v0  }
0x8e: {  	[tilespmem:$0x8C8] =	vst v0  }
0x8f: {  	[tilespmem:$0x8D8] =	vst v0  }
0x90: {  	[tilespmem:$0x8E8] =	vst v0  }
0x91: {  	[tilespmem:$0x8F8] =	vst v0  }
0x92: {  	[tilespmem:$0x908] =	vst v0  }
0x93: {  	[tilespmem:$0x918] =	vst v0  }
0x94: {  	[tilespmem:$0x928] =	vst v0  }
0x95: {  	[tilespmem:$0x938] =	vst v0  }
0x96: {  	[tilespmem:$0x948] =	vst v0  }
0x97: {  	[tilespmem:$0x958] =	vst v0  }
0x98: {  	[tilespmem:$0x968] =	vst v0  }
0x99: {  	[tilespmem:$0x978] =	vst v0  }
0x9a: {  	[tilespmem:$0x988] =	vst v0  }
0x9b: {  	[tilespmem:$0x998] =	vst v0  }
0x9c: {  	[tilespmem:$0x9A8] =	vst v0  }
0x9d: {  	[tilespmem:$0x9B8] =	vst v0  }
0x9e: {  	[tilespmem:$0x9C8] =	vst v0  }
0x9f: {  	[tilespmem:$0x9D8] =	vst v0  }
0xa0: {  	[tilespmem:$0x9E8] =	vst v0  }
0xa1: {  	[tilespmem:$0x9F8] =	vst v0  }
0xa2: {  	[tilespmem:$0xA08] =	vst v0  }
0xa3: {  	[tilespmem:$0xA18] =	vst v0  }
0xa4: {  	[tilespmem:$0xA28] =	vst v0  }
0xa5: {  	[tilespmem:$0xA38] =	vst v0  }
0xa6: {  	[tilespmem:$0xA48] =	vst v0  }
0xa7: {  	[tilespmem:$0xA58] =	vst v0  }
0xa8: {  	[tilespmem:$0xA68] =	vst v0  }
0xa9: {  	[tilespmem:$0xA78] =	vst v0  }
0xaa: {  	[tilespmem:$0xA88] =	vst v0  }
0xab: {  	[tilespmem:$0xA98] =	vst v0  }
0xac: {  	[tilespmem:$0xAA8] =	vst v0  }
0xad: {  	[tilespmem:$0xAB8] =	vst v0  }
0xae: {  	[tilespmem:$0xAC8] =	vst v0  }
0xaf: {  	[tilespmem:$0xAD8] =	vst v0  }
0xb0: {  	[tilespmem:$0xAE8] =	vst v0  }
0xb1: {  	[tilespmem:$0xAF8] =	vst v0  }
0xb2: {  	[tilespmem:$0xB08] =	vst v0  }
0xb3: {  	[tilespmem:$0xB18] =	vst v0  }
0xb4: {  	[tilespmem:$0xB28] =	vst v0  }
0xb5: {  	[tilespmem:$0xB38] =	vst v0  }
0xb6: {  	[tilespmem:$0xB48] =	vst v0  }
0xb7: {  	[tilespmem:$0xB58] =	vst v0  }
0xb8: {  	[tilespmem:$0xB68] =	vst v0  }
0xb9: {  	[tilespmem:$0xB78] =	vst v0  }
0xba: {  	[tilespmem:$0xB88] =	vst v0  }
0xbb: {  	[tilespmem:$0xB98] =	vst v0  }
0xbc: {  	[tilespmem:$0xBA8] =	vst v0  }
0xbd: {  	[tilespmem:$0xBB8] =	vst v0  }
0xbe: {  	[tilespmem:$0xBC8] =	vst v0  }
0xbf: {  	[tilespmem:$0xBD8] =	vst v0  }
0xc0: {  	[tilespmem:$0xBE8] =	vst v0  }
0xc1: {  	[tilespmem:$0xBF8] =	vst v0  }
0xc2: {  	[tilespmem:$0xC08] =	vst v0  }
0xc3: {  	[tilespmem:$0xC18] =	vst v0  }
0xc4: {  	[tilespmem:$0xC28] =	vst v0  }
0xc5: {  	[tilespmem:$0xC38] =	vst v0  }
0xc6: {  	[tilespmem:$0xC48] =	vst v0  }
0xc7: {  	[tilespmem:$0xC58] =	vst v0  }
0xc8: {  	[tilespmem:$0xC68] =	vst v0  }
0xc9: {  	[tilespmem:$0xC78] =	vst v0  }
0xca: {  	[tilespmem:$0xC88] =	vst v0  }
0xcb: {  	[tilespmem:$0xC98] =	vst v0  }
0xcc: {  	[tilespmem:$0xCA8] =	vst v0  }
0xcd: {  	[tilespmem:$0xCB8] =	vst v0  }
0xce: {  	[tilespmem:$0xCC8] =	vst v0  }
0xcf: {  	[tilespmem:$0xCD8] =	vst v0  }
0xd0: {  	[tilespmem:$0xCE8] =	vst v0  }
0xd1: {  	[tilespmem:$0xCF8] =	vst v0  }
0xd2: {  	[tilespmem:$0xD08] =	vst v0  }
0xd3: {  	[tilespmem:$0xD18] =	vst v0  }
0xd4: {  	[tilespmem:$0xD28] =	vst v0  }
0xd5: {  	[tilespmem:$0xD38] =	vst v0  }
0xd6: {  	[tilespmem:$0xD48] =	vst v0  }
0xd7: {  	[tilespmem:$0xD58] =	vst v0  }
0xd8: {  	[tilespmem:$0xD68] =	vst v0  }
0xd9: {  	[tilespmem:$0xD78] =	vst v0  }
0xda: {  	[tilespmem:$0xD88] =	vst v0  }
0xdb: {  	[tilespmem:$0xD98] =	vst v0  }
0xdc: {  	[tilespmem:$0xDA8] =	vst v0  }
0xdd: {  	[tilespmem:$0xDB8] =	vst v0  }
0xde: {  	[tilespmem:$0xDC8] =	vst v0  }
0xdf: {  	[tilespmem:$0xDD8] =	vst v0  }
0xe0: {  	[tilespmem:$0xDE8] =	vst v0  }
0xe1: {  	[tilespmem:$0xDF8] =	vst v0  }
0xe2: {  	[tilespmem:$0xE08] =	vst v0  }
0xe3: {  	[tilespmem:$0xE18] =	vst v0  }
0xe4: {  	[tilespmem:$0xE28] =	vst v0  }
0xe5: {  	[tilespmem:$0xE38] =	vst v0  }
0xe6: {  	[tilespmem:$0xE48] =	vst v0  }
0xe7: {  	[tilespmem:$0xE58] =	vst v0  }
0xe8: {  	[tilespmem:$0xE68] =	vst v0  }
0xe9: {  	[tilespmem:$0xE78] =	vst v0  }
0xea: {  	[tilespmem:$0xE88] =	vst v0  }
0xeb: {  	[tilespmem:$0xE98] =	vst v0  }
0xec: {  	[tilespmem:$0xEA8] =	vst v0  }
0xed: {  	[tilespmem:$0xEB8] =	vst v0  }
0xee: {  	[tilespmem:$0xEC8] =	vst v0  }
0xef: {  	[tilespmem:$0xED8] =	vst v0  }
0xf0: {  	[tilespmem:$0xEE8] =	vst v0  }
0xf1: {  	[tilespmem:$0xEF8] =	vst v0  }
0xf2: {  	[tilespmem:$0xF08] =	vst v0  }
0xf3: {  	[tilespmem:$0xF18] =	vst v0  }
0xf4: {  	[tilespmem:$0xF28] =	vst v0  }
0xf5: {  	[tilespmem:$0xF38] =	vst v0  }
0xf6: {  	[tilespmem:$0xF48] =	vst v0  }
0xf7: {  	[tilespmem:$0xF58] =	vst v0  }
0xf8: {  	[tilespmem:$0xF68] =	vst v0  }
0xf9: {  	[tilespmem:$0xF78] =	vst v0  }
0xfa: {  	[tilespmem:$0xF88] =	vst v0  }
0xfb: {  	[tilespmem:$0xF98] =	vst v0  }
0xfc: {  	[tilespmem:$0xFA8] =	vst v0  }
0xfd: {  	[tilespmem:$0xFB8] =	vst v0  }
0xfe: {  	[tilespmem:$0xFC8] =	vst v0  }
0xff: {  	[tilespmem:$0xFD8] =	vst v0  }
0x100: {  	[tilespmem:$0xFE8] =	vst v0  }
0x101: {  	[tilespmem:$0xFF8] =	vst v0  }
0x102: {  	[tilespmem:$0x1008] =	vst v0  }
0x103: {  	[tilespmem:$0x10E8] =	vst v0  }
0x104: {  	[tilespmem:$0x1C28] =	vst v0  }
0x105: {  	[tilespmem:$0x1C18] =	vst v0  }
0x106: {  	[tilespmem:$0x1C08] =	vst v0  }
0x107: {  	[tilespmem:$0x1BF8] =	vst v0  }
0x108: {  	[tilespmem:$0x1BE8] =	vst v0  }
0x109: {  	[tilespmem:$0x1BD8] =	vst v0  }
0x10a: {  	[tilespmem:$0x1BC8] =	vst v0  }
0x10b: {  	[tilespmem:$0x1BB8] =	vst v0  }
0x10c: {  	[tilespmem:$0x1BA8] =	vst v0  }
0x10d: {  	[tilespmem:$0x1B98] =	vst v0  }
0x10e: {  	[tilespmem:$0x1B88] =	vst v0  }
0x10f: {  	[tilespmem:$0x1B78] =	vst v0  }
0x110: {  	[tilespmem:$0x1B68] =	vst v0  }
0x111: {  	[tilespmem:$0x1B58] =	vst v0  }
0x112: {  	[tilespmem:$0x1B48] =	vst v0  }
0x113: {  	[tilespmem:$0x1B38] =	vst v0  }
0x114: {  	[tilespmem:$0x1B28] =	vst v0  }
0x115: {  	[tilespmem:$0x1B18] =	vst v0  }
0x116: {  	[tilespmem:$0x1B08] =	vst v0  }
0x117: {  	[tilespmem:$0x1AF8] =	vst v0  }
0x118: {  	[tilespmem:$0x1AE8] =	vst v0  }
0x119: {  	[tilespmem:$0x1AD8] =	vst v0  }
0x11a: {  	[tilespmem:$0x1AC8] =	vst v0  }
0x11b: {  	[tilespmem:$0x1AB8] =	vst v0  }
0x11c: {  	[tilespmem:$0x1AA8] =	vst v0  }
0x11d: {  	[tilespmem:$0x1A98] =	vst v0  }
0x11e: {  	[tilespmem:$0x1A88] =	vst v0  }
0x11f: {  	[tilespmem:$0x1A78] =	vst v0  }
0x120: {  	[tilespmem:$0x1A68] =	vst v0  }
0x121: {  	[tilespmem:$0x1A58] =	vst v0  }
0x122: {  	[tilespmem:$0x1A48] =	vst v0  }
0x123: {  	[tilespmem:$0x1A38] =	vst v0  }
0x124: {  	[tilespmem:$0x1A28] =	vst v0  }
0x125: {  	[tilespmem:$0x1A18] =	vst v0  }
0x126: {  	[tilespmem:$0x1A08] =	vst v0  }
0x127: {  	[tilespmem:$0x19F8] =	vst v0  }
0x128: {  	[tilespmem:$0x19E8] =	vst v0  }
0x129: {  	[tilespmem:$0x19D8] =	vst v0  }
0x12a: {  	[tilespmem:$0x19C8] =	vst v0  }
0x12b: {  	[tilespmem:$0x19B8] =	vst v0  }
0x12c: {  	[tilespmem:$0x19A8] =	vst v0  }
0x12d: {  	[tilespmem:$0x1998] =	vst v0  }
0x12e: {  	[tilespmem:$0x1988] =	vst v0  }
0x12f: {  	[tilespmem:$0x1978] =	vst v0  }
0x130: {  	[tilespmem:$0x1968] =	vst v0  }
0x131: {  	[tilespmem:$0x1958] =	vst v0  }
0x132: {  	[tilespmem:$0x1948] =	vst v0  }
0x133: {  	[tilespmem:$0x1938] =	vst v0  }
0x134: {  	[tilespmem:$0x1928] =	vst v0  }
0x135: {  	[tilespmem:$0x1918] =	vst v0  }
0x136: {  	[tilespmem:$0x1908] =	vst v0  }
0x137: {  	[tilespmem:$0x18F8] =	vst v0  }
0x138: {  	[tilespmem:$0x18E8] =	vst v0  }
0x139: {  	[tilespmem:$0x18D8] =	vst v0  }
0x13a: {  	[tilespmem:$0x18C8] =	vst v0  }
0x13b: {  	[tilespmem:$0x18B8] =	vst v0  }
0x13c: {  	[tilespmem:$0x18A8] =	vst v0  }
0x13d: {  	[tilespmem:$0x1898] =	vst v0  }
0x13e: {  	[tilespmem:$0x1888] =	vst v0  }
0x13f: {  	[tilespmem:$0x1878] =	vst v0  }
0x140: {  	[tilespmem:$0x1868] =	vst v0  }
0x141: {  	[tilespmem:$0x1858] =	vst v0  }
0x142: {  	[tilespmem:$0x1848] =	vst v0  }
0x143: {  	[tilespmem:$0x1838] =	vst v0  }
0x144: {  	[tilespmem:$0x1828] =	vst v0  }
0x145: {  	[tilespmem:$0x1818] =	vst v0  }
0x146: {  	[tilespmem:$0x1808] =	vst v0  }
0x147: {  	[tilespmem:$0x17F8] =	vst v0  }
0x148: {  	[tilespmem:$0x17E8] =	vst v0  }
0x149: {  	[tilespmem:$0x17D8] =	vst v0  }
0x14a: {  	[tilespmem:$0x17C8] =	vst v0  }
0x14b: {  	[tilespmem:$0x17B8] =	vst v0  }
0x14c: {  	[tilespmem:$0x17A8] =	vst v0  }
0x14d: {  	[tilespmem:$0x1798] =	vst v0  }
0x14e: {  	[tilespmem:$0x1788] =	vst v0  }
0x14f: {  	[tilespmem:$0x1778] =	vst v0  }
0x150: {  	[tilespmem:$0x1768] =	vst v0  }
0x151: {  	[tilespmem:$0x1758] =	vst v0  }
0x152: {  	[tilespmem:$0x1748] =	vst v0  }
0x153: {  	[tilespmem:$0x1738] =	vst v0  }
0x154: {  	[tilespmem:$0x1728] =	vst v0  }
0x155: {  	[tilespmem:$0x1718] =	vst v0  }
0x156: {  	[tilespmem:$0x1708] =	vst v0  }
0x157: {  	[tilespmem:$0x16F8] =	vst v0  }
0x158: {  	[tilespmem:$0x16E8] =	vst v0  }
0x159: {  	[tilespmem:$0x16D8] =	vst v0  }
0x15a: {  	[tilespmem:$0x16C8] =	vst v0  }
0x15b: {  	[tilespmem:$0x16B8] =	vst v0  }
0x15c: {  	[tilespmem:$0x16A8] =	vst v0  }
0x15d: {  	[tilespmem:$0x1698] =	vst v0  }
0x15e: {  	[tilespmem:$0x1688] =	vst v0  }
0x15f: {  	[tilespmem:$0x1678] =	vst v0  }
0x160: {  	[tilespmem:$0x1668] =	vst v0  }
0x161: {  	[tilespmem:$0x1658] =	vst v0  }
0x162: {  	[tilespmem:$0x1648] =	vst v0  }
0x163: {  	[tilespmem:$0x1638] =	vst v0  }
0x164: {  	[tilespmem:$0x1628] =	vst v0  }
0x165: {  	[tilespmem:$0x1618] =	vst v0  }
0x166: {  	[tilespmem:$0x1608] =	vst v0  }
0x167: {  	[tilespmem:$0x15F8] =	vst v0  }
0x168: {  	[tilespmem:$0x15E8] =	vst v0  }
0x169: {  	[tilespmem:$0x15D8] =	vst v0  }
0x16a: {  	[tilespmem:$0x15C8] =	vst v0  }
0x16b: {  	[tilespmem:$0x15B8] =	vst v0  }
0x16c: {  	[tilespmem:$0x15A8] =	vst v0  }
0x16d: {  	[tilespmem:$0x1598] =	vst v0  }
0x16e: {  	[tilespmem:$0x1588] =	vst v0  }
0x16f: {  	[tilespmem:$0x1578] =	vst v0  }
0x170: {  	[tilespmem:$0x1568] =	vst v0  }
0x171: {  	[tilespmem:$0x1558] =	vst v0  }
0x172: {  	[tilespmem:$0x1548] =	vst v0  }
0x173: {  	[tilespmem:$0x1538] =	vst v0  }
0x174: {  	[tilespmem:$0x1528] =	vst v0  }
0x175: {  	[tilespmem:$0x1518] =	vst v0  }
0x176: {  	[tilespmem:$0x1508] =	vst v0  }
0x177: {  	[tilespmem:$0x14F8] =	vst v0  }
0x178: {  	[tilespmem:$0x14E8] =	vst v0  }
0x179: {  	[tilespmem:$0x14D8] =	vst v0  }
0x17a: {  	[tilespmem:$0x14C8] =	vst v0  }
0x17b: {  	[tilespmem:$0x14B8] =	vst v0  }
0x17c: {  	[tilespmem:$0x14A8] =	vst v0  }
0x17d: {  	[tilespmem:$0x1498] =	vst v0  }
0x17e: {  	[tilespmem:$0x1488] =	vst v0  }
0x17f: {  	[tilespmem:$0x1478] =	vst v0  }
0x180: {  	[tilespmem:$0x1468] =	vst v0  }
0x181: {  	[tilespmem:$0x1458] =	vst v0  }
0x182: {  	[tilespmem:$0x1448] =	vst v0  }
0x183: {  	[tilespmem:$0x1438] =	vst v0  }
0x184: {  	[tilespmem:$0x1428] =	vst v0  }
0x185: {  	[tilespmem:$0x1418] =	vst v0  }
0x186: {  	[tilespmem:$0x1408] =	vst v0  }
0x187: {  	[tilespmem:$0x13F8] =	vst v0  }
0x188: {  	[tilespmem:$0x13E8] =	vst v0  }
0x189: {  	[tilespmem:$0x13D8] =	vst v0  }
0x18a: {  	[tilespmem:$0x13C8] =	vst v0  }
0x18b: {  	[tilespmem:$0x13B8] =	vst v0  }
0x18c: {  	[tilespmem:$0x13A8] =	vst v0  }
0x18d: {  	[tilespmem:$0x1398] =	vst v0  }
0x18e: {  	[tilespmem:$0x1388] =	vst v0  }
0x18f: {  	[tilespmem:$0x1378] =	vst v0  }
0x190: {  	[tilespmem:$0x1368] =	vst v0  }
0x191: {  	[tilespmem:$0x1358] =	vst v0  }
0x192: {  	[tilespmem:$0x1348] =	vst v0  }
0x193: {  	[tilespmem:$0x1338] =	vst v0  }
0x194: {  	[tilespmem:$0x1328] =	vst v0  }
0x195: {  	[tilespmem:$0x1318] =	vst v0  }
0x196: {  	[tilespmem:$0x1308] =	vst v0  }
0x197: {  	[tilespmem:$0x12F8] =	vst v0  }
0x198: {  	[tilespmem:$0x12E8] =	vst v0  }
0x199: {  	[tilespmem:$0x12D8] =	vst v0  }
0x19a: {  	[tilespmem:$0x12C8] =	vst v0  }
0x19b: {  	[tilespmem:$0x12B8] =	vst v0  }
0x19c: {  	[tilespmem:$0x12A8] =	vst v0  }
0x19d: {  	[tilespmem:$0x1298] =	vst v0  }
0x19e: {  	[tilespmem:$0x1288] =	vst v0  }
0x19f: {  	[tilespmem:$0x1278] =	vst v0  }
0x1a0: {  	[tilespmem:$0x1268] =	vst v0  }
0x1a1: {  	[tilespmem:$0x1258] =	vst v0  }
0x1a2: {  	[tilespmem:$0x1248] =	vst v0  }
0x1a3: {  	[tilespmem:$0x1238] =	vst v0  }
0x1a4: {  	[tilespmem:$0x1228] =	vst v0  }
0x1a5: {  	[tilespmem:$0x1218] =	vst v0  }
0x1a6: {  	[tilespmem:$0x1208] =	vst v0  }
0x1a7: {  	[tilespmem:$0x11F8] =	vst v0  }
0x1a8: {  	[tilespmem:$0x11E8] =	vst v0  }
0x1a9: {  	[tilespmem:$0x11D8] =	vst v0  }
0x1aa: {  	[tilespmem:$0x11C8] =	vst v0  }
0x1ab: {  	[tilespmem:$0x11B8] =	vst v0  }
0x1ac: {  	[tilespmem:$0x11A8] =	vst v0  }
0x1ad: {  	[tilespmem:$0x1198] =	vst v0  }
0x1ae: {  	[tilespmem:$0x1188] =	vst v0  }
0x1af: {  	[tilespmem:$0x1178] =	vst v0  }
0x1b0: {  	[tilespmem:$0x1168] =	vst v0  }
0x1b1: {  	[tilespmem:$0x1158] =	vst v0  }
0x1b2: {  	[tilespmem:$0x1148] =	vst v0  }
0x1b3: {  	[tilespmem:$0x1138] =	vst v0  }
0x1b4: {  	s2 =	stileid.u32;
	[tilespmem:$0x1128] =	vst v0  }
0x1b5: {  	s5 =	smul.u32 $0x17, s2;
	[tilespmem:$0x1118] =	vst v0  }
0x1b6: {  	s6 =	smin.u32 s2, $0xC;
	[tilespmem:$0x1108] =	vst v0  }
0x1b7: {  	[tilespmem:$0x10F8] =	vst v0;
	s5 =	sadd.s32 s6, s5  }
0x1b8: {  	p0 =	slt.u32 s2, $0xC;
	[tilespmem:$0x10C8] =	vst v0;
	s6 =	simm.s32 $0x2A00;
	s5 =	smul.u32 $0x1C0, s5  }
0x1b9: {  	s6 =	simm.s32 @!p0 $0x2840;
	[tilespmem:$0x10D8] =	vst v0  }
0x1ba: {  	[tilespmem:$0x10B8] =	vst v0;
	s6 =	sadd.s32 s6, s5  }
0x1bb: {  	[tilespmem:$0x1048] =	vst v0;
	s6 =	smin.u32 s6, $0x29900  }
0x1bc: {  	[tilespmem:$0x10A8] =	vst v0;
	s10 =	ssub.s32 s6, s5  }
0x1bd: {  	[tilespmem:$0x1098] =	vst v0;
	p0 =	sgt.s32 s10, $0x0  }
0x1be: {  	[tilespmem:$0x1088] =	vst v0;
	s10 =	simm.s32 @!p0 $0x0  }
0x1bf: {  	[tilespmem:$0x1078] =	vst v0;
	s7 =	smulhi.u32 $0x92492493, s10  }
0x1c0: {  	[tilespmem:$0x1068] =	vst v0  }
0x1c1: {  	[tilespmem:$0x1058] =	vst v0;
	s11 =	sshrl.u32 s7, $0x8  }
0x1c2: {  	s9 =	simm.s32 $0x7;
	s13 =	simm.s32 $0x0;
	[tilespmem:$0x1028] =	vst v0;
	s12 =	smul.u32 $0x1C0, s11  }
.Ltmp0:
0x1c3: {  	s8 =	sadd.s32 $0xFE00, s4;
	[tilespmem:$0x1038] =	vst v0;
	s7 =	simm.s32 $0x2;
	(pc) =	sbr.rel .LBB2_1-.Ltmp0, $4  }
0x1c4: {  	s4 =	sadd.s32 $0x40CE00, s4;
	s31 =	sshll.u32 s2, $0x5;
	[tilespmem:$0x1018] =	vst v0;
	v0 =	vimm.s32 $0xFFFFFFFF;
	[sflag:s7] =	ssyncpa.u1 $0x0  }
0x1c5: {  	[dreg:$0x3] =	wrdreg s31;
	[tilespmem:$0x3848] =	vst v0;
	[sflag:s9] =	ssyncpa.u1 $0x0;
	p0 =	sne.s32 s10, s12  }
0x1c6: {  	s10 =	simm.s32 $0x8;
	s12 =	simm.s32 $0x0;
	s3 =	simm.s32 @!p0 $0x0  }
0x1c7: {  	v0 =	vlaneseq.u32;
	p0 =	por $0x0, $0x0;
	s3 =	sadd.s32 s3, s11;
	s11 =	smov.u32 s5  }
.LBB2_12:
0x1c8: {  	_ =	swait.ge [sflag:s7], $0x0  }
0x1c9: {  	s14 =	simm.s32 $0x0;
	[sflag:s7] =	ssyncset.done $0x0  }
.LBB2_13:
0x1ca: {  	_ =	swait.ge [sflag:s10], s14  }
0x1cb: {  	s0 =	ssub.s32 $0x0, s14;
	v1 =	vmov s15;
	vm0 =	veq.s32 v0, $0x0;
	[sflag:s10] =	ssyncset.done $0x0  }
0x1cc: {  	vm15 =	veq.s32 v0, $0x2;
	v1 =	vsel vm0, s19, v1;
	[sflag:s10] =	ssyncadd.s32 s0  }
0x1cd: {  	v1 =	vsel vm15, s13, v1;
	[sflag:s10] =	ssyncpa.u1 $0x1  }
0x1ce: {  	[tilespmem:$0x3848] =	vst v1  }
.LBB2_14:
0x1cf: {  	s0 =	sadd.s32 $0x1C0, s11  }
0x1d0: {  	s14 =	smov.u32 s5;
	p1 =	slt.s32 s0, s6  }
0x1d1: {  	s14 =	smov.u32 @p1 s0;
	p1 =	sne.s32 s12, s3  }
.Ltmp1:
0x1d2: {  	_ = 	snop;
	(pc) =	sbr.rel @!p1 .LBB2_15-.Ltmp1, $3  }
0x1d3: {  	_ =	sdelay $0x1  }
0x1d4: {  	s31 =	sadd.s32 $0x1, s12;
	s13 =	smov.u32 s11  }
0x1d5: {  	p0 =	por !p0, !p0;
	s12 =	smov.u32 s31;
	s11 =	smov.u32 s14  }
.LBB2_1:
0x1d6: {  	p1 =	sge.u32 s12, s3  }
0x1d7: {  	p2 =	sgt.s32 @!p1 s11, $0x29740  }
0x1d8: {  	s14 =	smov.u32 s11;
	s15 =	sshra.s32 @!p1 s11, $0x1F;
	p2 =	por !p2, p1  }
0x1d9: {  	s15 =	sand.u32 @!p1 s15, s11;
	s14 =	simm.s32 @p2 $0x29740  }
0x1da: {  	s14 =	ssub.s32 @!p1 s14, s15  }
0x1db: {  	s15 =	sxor.u32 @!p1 $0xFFFFFFFF, s12;
	s14 =	sadd.s32 @!p1 $0xFFFD68C0, s14  }
0x1dc: {  	s15 =	sand.u32 @!p1 $0x1, s15;
	s16 =	sshll.u32 @!p1 s14, $0x2  }
0x1dd: {  	p2 =	sgt.s32 @!p1 s14, $0x1BF;
	s14 =	ssub.s32 @!p1 $0x700, s16;
	s16 =	smul.u32 @!p1 $0x700, s15  }
0x1de: {  	s17 =	sshrl.u32 @!p1 s11, $0x3;
	s18 =	sand.u32 @!p1 $0x7, s11  }
0x1df: {  	p2 =	por !p2, p1;
	s14 =	sshrl.u32 @!p1 s14, $0x2;
	s16 =	sshrl.u32 @!p1 s16, $0x2  }
0x1e0: {  	s17 =	sadd.s32 @!p1 s8, s17;
	s14 =	simm.s32 @!p2 $0x0;
	s16 =	sadd.s32 @!p1 $0x3A78, s16  }
0x1e1: {  	[tilespmem:s16], [sflag:$0x7] =	stream.linear.gather @!p1 [hbm4b:s17+s18], s14, $0x38;
	[tilespmem:$0x1FDF8] =	vst v63  }
0x1e2: {  	s14 =	ssub.s32 @!p1 $0x29810, s11  }
0x1e3: {  	p2 =	sgt.s32 @!p1 s14, $0x0  }
0x1e4: {  	s15 =	smul.u32 @!p1 $0x38000, s15;
	p2 =	por !p2, p1  }
0x1e5: {  	s14 =	simm.s32 @p2 $0x0  }
0x1e6: {  	s15 =	sshrl.u32 @!p1 s15, $0x2;
	s16 =	sshll.u32 @!p1 s11, $0x4;
	s14 =	smin.u32 @!p1 s14, $0x1C0  }
0x1e7: {  	s15 =	sadd.s32 @!p1 $0x3DF8, s15;
	s16 =	sadd.s32 @!p1 s4, s16;
	s14 =	sshll.u32 @!p1 s14, $0x7  }
0x1e8: {  	[tilespmem:s15], [sflag:$0x7] =	stream.linear.gather @!p1 [hbm:s16], s14, $0x38;
	[tilespmem:$0x1FDF8] =	vst v63  }
0x1e9: {  	p1 =	seq.s32 s12, $0x0  }
.Ltmp2:
0x1ea: {  	_ = 	snop;
	(pc) =	sbr.rel @p1 .LBB2_14-.Ltmp2, $1  }
0x1eb: {  	_ =	sdelay $0x3  }
0x1ec: {  	p1 =	sgt.s32 s13, $0x29740  }
0x1ed: {  	s14 =	smov.u32 s13;
	s15 =	sshra.s32 s13, $0x1F;
	s19 =	ssub.s32 $0x29810, s13  }
0x1ee: {  	s14 =	simm.s32 @!p1 $0x29740;
	s15 =	sand.u32 s15, s13;
	p1 =	sgt.s32 s19, $0x0  }
0x1ef: {  	s14 =	ssub.s32 s14, s15;
	s19 =	simm.s32 @!p1 $0x0  }
0x1f0: {  	s14 =	sadd.s32 $0xFFFD68C0, s14;
	s29 =	smin.u32 s19, $0x1C0  }
0x1f1: {  	s16 =	sshll.u32 s14, $0x2;
	s15 =	sshll.u32 s29, $0x7  }
0x1f2: {  	p1 =	sgt.s32 s14, $0x1BF;
	s30 =	ssub.s32 $0x700, s16;
	_ =	swait.ge [sflag:s9], s15  }
0x1f3: {  	s15 =	ssub.s32 $0x0, s15;
	[sflag:s9] =	ssyncset.done $0x0;
	s14 =	sshrl.u32 s30, $0x2  }
0x1f4: {  	[sflag:s9] =	ssyncadd.s32 s15;
	s14 =	simm.s32 @p1 $0x0  }
0x1f5: {  	_ =	swait.ge [sflag:s9], s14  }
0x1f6: {  	s14 =	ssub.s32 $0x0, s14;
	[sflag:s9] =	ssyncset.done $0x0  }
0x1f7: {  	[sflag:s9] =	ssyncadd.s32 s14  }
0x1f8: {  	v1 =	vld [tilespmem:$0x3848];
	_ =	sdelay $0x4  }
0x1f9: {  	(v2sf) =	vpush v1, $0x0  }
0x1fa: {  	(v2sf) =	vpush v1, $0x1  }
0x1fb: {  	(v2sf) =	vpush v1, $0x2;
	_ =	sdelay $0x3  }
0x1fc: {  	s14 =	sadd.s32 $0x1C0, s13  }
0x1fd: {  	p1 =	slt.s32 s6, s14  }
0x1fe: {  	s14 =	smov.u32 @p1 s6  }
0x1ff: {  	s17 =	ssub.s32 s14, s13  }
0x200: {  	p1 =	slt.s32 s19, s17  }
0x201: {  	s17 =	smov.u32 @p1 s19  }
0x202: {  	s16 =	simm.s32 $0x1;
	p1 =	slt.s32 s17, $0x1  }
.Ltmp3:
0x203: {  	s16 =	simm.s32 @!p0 $0x0;
	(pc) =	sbr.rel @p1 .LBB2_6-.Ltmp3, $4  }
0x204: {  	s31 =	smul.u32 $0x700, s16  }
0x205: {  	s18 =	spop (v2sf)  }
0x206: {  	s13 =	sshrl.u32 s31, $0x2;
	s20 =	spop (v2sf)  }
0x207: {  	s14 =	sadd.s32 $0x3A78, s13;
	s13 =	spop (v2sf)  }
0x208: {  	s15 =	smin.u32 s17, $0x10  }
0x209: {  	v1 =	vmov s15  }
0x20a: {  	p2 =	sgt.s32 s17, $0x10;
	vm1 =	vgt.u32 v1, v0  }
.Ltmp4:
0x20b: {  	_ = 	snop;
	(pc) =	sbr.rel @!p2 .LBB2_5-.Ltmp4, $2  }
0x20c: {  	_ =	sdelay $0x2  }
0x20d: {  	s19 =	simm.s32 $0x10;
	s21 =	sadd.s32 $0xFFFFFFF0, s17;
	s15 =	smov.u32 s14;
	vm0 =	vmmov vm1  }
.LBB2_4:
0x20e: {  	s22 =	smin.u32 s21, $0x10;
	s19 =	sadd.s32 $0x10, s19;
	v1 =	vld.msk [tilespmem:s15+$0x0 ss:$0x1], vm1  }
0x20f: {  	v2 =	vmov s22;
	p2 =	slt.s32 s19, s17  }
0x210: {  	vm1 =	vgt.u32 v2, v0  }
.Ltmp5:
0x211: {  	(pc) =	sbr.rel @p2 .LBB2_4-.Ltmp5, $3  }
0x212: {  	_ =	sdelay $0x1  }
0x213: {  	v1 =	vshll.u32 v1, $0x4  }
0x214: {  	s21 =	sadd.s32 $0xFFFFFFF0, s21;
	[tilespmem:s15+$0x0] =	vst.msk vm0, v1;
	s15 =	sadd.s32 $0x10, s15;
	vm0 =	vmmov vm1  }
.LBB2_5:
0x215: {  	_ =	sdelay $0x4  }
0x216: {  	v1 =	vld.msk [tilespmem:s15+$0x0 ss:$0x1], vm1;
	_ =	sdelay $0x4  }
0x217: {  	v1 =	vshll.u32 v1, $0x4  }
0x218: {  	[tilespmem:s15+$0x0] =	vst.msk vm0, v1  }
.LBB2_6:
0x219: {  	s15 =	sand.u32 $0x1, s12  }
0x21a: {  	s15 =	smul.u32 $0x1C0, s15  }
0x21b: {  	p2 =	sne.s32 s20, $0xFFFFFFFF  }
0x21c: {  	v1 =	vld.msk @!p2 [tilespmem:s15+$0x3A78], $0x1;
	_ =	sdelay $0x4  }
0x21d: {  	(v2sf) =	vpush @!p2 v1, $0x0;
	_ =	sdelay $0xc  }
.Ltmp6:
0x21e: {  	_ = 	snop;
	(pc) =	sbr.rel @p1 .LBB2_12-.Ltmp6, $4  }
0x21f: {  	_ = 	snop  }
0x220: {  	s19 =	spop @!p2 (v2sf)  }
0x221: {  	s13 =	simm.s32 @!p2 $0x0;
	s15 =	smov.u32 s19  }
0x222: {  	[sflag:s10] =	ssyncpa.u1 $0x0;
	s19 =	smov.u32 @p2 s18;
	s15 =	smov.u32 @p2 s20  }
0x223: {  	v1 =	vld.msk [tilespmem:s14+$0x0], $0x1;
	_ =	sdelay $0x4  }
0x224: {  	(v2sf) =	vpush v1, $0x0;
	_ =	sdelay $0xe  }
0x225: {  	s22 =	spop (v2sf)  }
0x226: {  	p1 =	seq.s32 s19, s22  }
0x227: {  	s20 =	ssub.s32 $0x0, s17;
	p2 =	sgt.s32 @!p1 s19, $0x0  }
0x228: {  	s21 =	smov.u32 s19;
	s18 =	sadd.s32 $0x1, s20;
	p2 =	por !p2, p1  }
0x229: {  	s16 =	smul.u32 $0x38000, s16;
	s21 =	simm.s32 @p2 $0x0;
	p2 =	seq.s32 s18, $0x0  }
.Ltmp7:
0x22a: {  	_ = 	snop;
	(pc) =	sbr.rel @p2 .LBB2_9-.Ltmp7, $4  }
0x22b: {  	s17 =	simm.s32 $0x0;
	s16 =	sshrl.u32 s16, $0x2  }
0x22c: {  	s16 =	sadd.s32 $0x3DF8, s16;
	s23 =	simm.s32 @!p1 $0x1;
	s21 =	smin.u32 @!p1 s21, $0x270FF  }
0x22d: {  	s24 =	simm.s32 @!p1 $0x1C38;
	s23 =	smov.u32 @p1 s17;
	s26 =	sand.u32 @!p1 $0x3FFF8, s21  }
0x22e: {  	s25 =	sand.u32 @!p1 $0x7, s21;
	s21 =	sadd.s32 $0x1, s14;
	s26 =	sadd.s32 @!p1 s1, s26  }
.LBB2_8:
0x22f: {  	s28 =	smov.u32 s23  }
0x230: {  	[tilespmem:s24], [sflag:$0x2] =	stream.linear.gather @!p1 [hbm4b:s26+s25], $0x4, $0x38;
	[tilespmem:$0x1FDF8] =	vst v63  }
0x231: {  	s18 =	sadd.s32 $0x1, s18;
	s25 =	smov.u32 s22;
	v1 =	vld.msk [tilespmem:s21+$0x0], $0x1  }
0x232: {  	p2 =	seq.s32 s18, $0x0;
	_ =	sdelay $0x3  }
0x233: {  	(v2sf) =	vpush v1, $0x0;
	_ =	sdelay $0xe  }
0x234: {  	s22 =	spop (v2sf)  }
0x235: {  	p1 =	seq.s32 s25, s22  }
0x236: {  	p3 =	sgt.s32 @!p1 s25, $0x0;
	s24 =	sshll.u32 @!p1 s23, $0x6;
	s23 =	sadd.s32 @!p1 $0x1, s23  }
.Ltmp8:
0x237: {  	p3 =	por !p3, p1;
	s24 =	sshra.s32 @!p1 s24, $0x2;
	(pc) =	sbr.rel @!p2 .LBB2_8-.Ltmp8, $4  }
0x238: {  	s23 =	smov.u32 @p1 s28;
	s25 =	simm.s32 @p3 $0x0;
	s24 =	sadd.s32 @!p1 $0x1C38, s24  }
0x239: {  	s25 =	smin.u32 @!p1 s25, $0x270FF  }
0x23a: {  	s26 =	sand.u32 @!p1 $0x3FFF8, s25;
	s25 =	sand.u32 @!p1 $0x7, s25  }
0x23b: {  	s21 =	sadd.s32 $0x1, s21;
	s26 =	sadd.s32 @!p1 s1, s26  }
.LBB2_9:
0x23c: {  	[tilespmem:s24], [sflag:$0x2] =	stream.linear.gather @!p1 [hbm4b:s26+s25], $0x4, $0x38;
	[tilespmem:$0x1FDF8] =	vst v63  }
0x23d: {  	s18 =	sshll.u32 s23, $0x2  }
0x23e: {  	s18 =	sand.u32 $0x3FFFFFFC, s18  }
0x23f: {  	_ =	swait.ge [sflag:s7], s18  }
0x240: {  	s18 =	ssub.s32 $0x0, s18;
	[sflag:s7] =	ssyncset.done $0x0  }
0x241: {  	[sflag:s7] =	ssyncadd.s32 s18  }
0x242: {  	v1 =	vld.msk [tilespmem:s14+$0x0], $0x1;
	_ =	sdelay $0x4  }
0x243: {  	(v2sf) =	vpush v1, $0x0;
	_ =	sdelay $0xe  }
0x244: {  	s18 =	spop (v2sf)  }
0x245: {  	p1 =	sne.s32 s19, s18  }
0x246: {  	p3 =	sne.s32 @p1 s19, s15  }
0x247: {  	p2 =	por !p3, !p1  }
0x248: {  	s21 =	simm.s32 @!p2 $0x0  }
0x249: {  	v1 =	vld.msk @!p2 [tilespmem:s21+$0x1C38], $0xf  }
0x24a: {  	p4 =	sgt.u32 @!p2 s19, $0x270FF  }
0x24b: {  	s22 =	sshll.u32 @!p2 s13, $0x6;
	p5 =	por @p1 p4, !p3  }
0x24c: {  	s22 =	sshra.s32 @!p2 s22, $0x2;
	p6 =	por p5, !p1;
	p5 =	por p3, !p1  }
0x24d: {  	s23 =	sadd.s32 @!p2 $0x28, s22;
	s24 =	sand.u32 @!p6 $0x3FFF8, s19;
	s25 =	sshll.u32 @!p5 s13, $0x6  }
0x24e: {  	s19 =	sand.u32 @!p6 $0x7, s19;
	[tilespmem:s22+$0x28] =	vst.add.f32.msk @!p2 $0xf, v1;
	s22 =	sadd.s32 @!p6 s1, s24;
	s24 =	sshra.s32 @!p5 s25, $0x2  }
0x24f: {  	[hbm4b:s22+s19] =	stream.linear.scatter @!p6 [tilespmem:s23], [sflag:$0x8], $0x4, $0x38;
	[tilespmem:$0x1FDF8] =	vst v63  }
0x250: {  	s21 =	rddreg [dreg:$0x3];
	s19 =	sadd.s32 @!p5 $0x28, s24;
	s22 =	simm.s32 @!p5 $0x1  }
0x251: {  	[spmem:s21] =	stream.linear.scatter @!p5 [tilespmem:s19], [sflag:$0x1], $0x4, $0x38;
	[tilespmem:$0x1FDF8] =	vst v63  }
0x252: {  	s21 =	sadd.s32 @p1 $0x1, s13;
	_ =	swait.ge @!p5 [sflag:s22], $0x4  }
0x253: {  	s19 =	sshrl.u32 @p1 s21, $0x6;
	[sflag:s22] =	ssyncset.done @!p5 $0x0  }
0x254: {  	s23 =	smulhi.u32 @p1 $0x24924925, s19;
	[sflag:s22] =	ssyncadd.s32 @!p5 $0xFFFFFFFC  }
0x255: {  	s19 =	sadd.s32 $0x1, s20;
	v1 =	vld.msk @p1 [tilespmem:s16+$0x0], $0xf  }
0x256: {  	p4 =	por @p1 !p4, !p3;
	p3 =	seq.s32 s19, $0x0;
	s20 =	smul.u32 @p1 $0x1C0, s23  }
.Ltmp9:
0x257: {  	p4 =	por !p4, !p1;
	s22 =	simm.s32 @!p2 $0x0;
	(pc) =	sbr.rel @p3 .LBB2_11-.Ltmp9, $4  }
0x258: {  	s24 =	simm.s32 @p1 $0x1;
	s22 =	simm.s32 @!p4 $0x10;
	s20 =	ssub.s32 @p1 s21, s20  }
0x259: {  	s23 =	sshll.u32 @!p1 s13, $0x6;
	s22 =	sadd.s32 @!p2 $0x0, s22;
	s21 =	sshll.u32 @p1 s20, $0x4  }
0x25a: {  	s22 =	smov.u32 @p2 s17;
	s13 =	smov.u32 @p1 s20;
	s20 =	simm.s32 $0x0;
	[tilespmem:s21+$0x28] =	vst.msk @p1 $0xf, v1  }
0x25b: {  	s17 =	smov.u32 @p1 s24;
	s20 =	smov.u32 @p1 s22;
	s21 =	sshra.s32 @!p1 s23, $0x2;
	v1 =	vld.msk @!p1 [tilespmem:s16+$0x0], $0xf  }
.LBB2_10:
0x25c: {  	_ =	sdelay $0x3  }
0x25d: {  	s14 =	sadd.s32 $0x1, s14;
	[tilespmem:s21+$0x28] =	vst.add.f32.msk @!p1 $0xf, v1  }
0x25e: {  	v1 =	vld.msk [tilespmem:s14+$0x0], $0x1;
	_ =	sdelay $0x4  }
0x25f: {  	(v2sf) =	vpush v1, $0x0;
	_ =	sdelay $0xe  }
0x260: {  	s22 =	smov.u32 s18;
	s18 =	spop (v2sf)  }
0x261: {  	p1 =	sne.s32 s22, s18  }
0x262: {  	p4 =	sne.s32 @p1 s22, s15  }
0x263: {  	p3 =	por !p4, !p1  }
0x264: {  	s26 =	sshll.u32 @!p3 s17, $0x6  }
0x265: {  	s26 =	sshra.s32 @!p3 s26, $0x2  }
0x266: {  	p5 =	sgt.u32 @!p3 s22, $0x270FF;
	v1 =	vld.msk @!p3 [tilespmem:s26+$0x1C38], $0xf  }
0x267: {  	s28 =	sshll.u32 @!p3 s13, $0x6;
	p6 =	por @p1 p5, !p4;
	p5 =	por @p1 !p5, !p4  }
0x268: {  	s29 =	simm.s32 @!p3 $0x0;
	s28 =	sshra.s32 @!p3 s28, $0x2;
	p5 =	por !p5, !p1  }
0x269: {  	p4 =	por p4, !p1;
	s29 =	simm.s32 @!p5 $0x10;
	p5 =	por p6, !p1  }
0x26a: {  	s26 =	sadd.s32 @!p3 $0x28, s28;
	s0 =	sshll.u32 @!p4 s13, $0x6;
	s31 =	sand.u32 @!p5 $0x3FFF8, s22  }
0x26b: {  	s0 =	sshra.s32 @!p4 s0, $0x2;
	s22 =	sand.u32 @!p5 $0x7, s22;
	[tilespmem:s28+$0x28] =	vst.add.f32.msk @!p3 $0xf, v1;
	s28 =	sadd.s32 @!p5 s1, s31  }
0x26c: {  	[hbm4b:s28+s22] =	stream.linear.scatter @!p5 [tilespmem:s26], [sflag:$0x8], $0x4, $0x38;
	[tilespmem:$0x1FDF8] =	vst v63  }
0x26d: {  	s23 =	rddreg [dreg:$0x3];
	s0 =	sadd.s32 @!p4 $0x28, s0;
	s22 =	simm.s32 @!p4 $0x1  }
0x26e: {  	[spmem:s23] =	stream.linear.scatter @!p4 [tilespmem:s0], [sflag:$0x1], $0x4, $0x38;
	[tilespmem:$0x1FDF8] =	vst v63  }
0x26f: {  	s24 =	sadd.s32 @p1 $0x1, s13;
	_ =	swait.ge @!p4 [sflag:s22], $0x4  }
0x270: {  	s25 =	sshrl.u32 @p1 s24, $0x6;
	[sflag:s22] =	ssyncset.done @!p4 $0x0  }
0x271: {  	s16 =	sadd.s32 $0x80, s16;
	s25 =	smulhi.u32 @p1 $0x24924925, s25;
	[sflag:s22] =	ssyncadd.s32 @!p4 $0xFFFFFFFC  }
0x272: {  	s19 =	sadd.s32 $0x1, s19;
	v1 =	vld.msk @p1 [tilespmem:s16+$0x0], $0xf  }
0x273: {  	p2 =	seq.s32 s19, $0x0;
	s25 =	smul.u32 @p1 $0x1C0, s25  }
.Ltmp10:
0x274: {  	_ = 	snop;
	(pc) =	sbr.rel @!p2 .LBB2_10-.Ltmp10, $4  }
0x275: {  	s24 =	ssub.s32 @p1 s24, s25  }
0x276: {  	s21 =	sshll.u32 @!p1 s13, $0x6;
	s29 =	sadd.s32 @!p3 s29, s20;
	s25 =	sshll.u32 @p1 s24, $0x4  }
0x277: {  	s30 =	sadd.s32 @p1 $0x1, s17;
	s21 =	sshra.s32 @!p1 s21, $0x2;
	s29 =	smov.u32 @p3 s20;
	[tilespmem:s25+$0x28] =	vst.msk @p1 $0xf, v1  }
0x278: {  	s17 =	smov.u32 @p1 s30;
	s13 =	smov.u32 @p1 s24;
	s20 =	smov.u32 @p1 s29;
	v1 =	vld.msk @!p1 [tilespmem:s16+$0x0], $0xf  }
.LBB2_11:
.Ltmp11:
0x279: {  	_ = 	snop;
	(pc) =	sbr.rel .LBB2_13-.Ltmp11, $2  }
0x27a: {  	_ =	sdelay $0x2  }
0x27b: {  	s14 =	sshrl.u32 s20, $0x2;
	s19 =	smov.u32 s18;
	[tilespmem:s21+$0x28] =	vst.add.f32.msk @!p1 $0xf, v1  }
.LBB2_15:
0x27c: {  	_ =	sfence.sel $0x180000  }
0x27d: {  	s0 =	simm.s32 $0x7;
	[bflag:$0x0] =	sbarrier.arrive $0xFFFF  }
0x27e: {  	s28 =	simm.s32 $0x2;
	[sflag:s0] =	ssyncpa.u1 $0x1  }
0x27f: {  	[sflag:s28] =	ssyncpa.u1 $0x1  }
0x280: {  	v0 =	vld [tilespmem:$0x3848];
	_ =	sdelay $0x4  }
0x281: {  	(v2sf) =	vpush v0, $0x0  }
0x282: {  	(v2sf) =	vpush v0, $0x1;
	_ =	sdelay $0x1  }
0x283: {  	(v2sf) =	vpush v0, $0x2;
	_ =	sdelay $0xb  }
0x284: {  	s0 =	spop (v2sf)  }
0x285: {  	s3 =	spop (v2sf)  }
0x286: {  	s4 =	smov.u32 s0;
	p0 =	sne.s32 s0, s3  }
0x287: {  	s5 =	spop (v2sf);
	s4 =	simm.s32 @!p0 $0xFFFFFFFF  }
0x288: {  	v2 =	vimm.s32 $0x1;
	v3 =	vlaneseq.u32;
	p0 =	seq.s32 s5, $0xFFFFFFFF;
	v1 =	vmov s4  }
0x289: {  	v0 =	vperm.xlane v0, v2;
	p1 =	sne.s32 @!p0 s0, s3;
	v1 =	vperm.xlane v1, v3  }
0x28a: {  	vm0 =	vcmask $0x3F04;
	s7 =	simm.s32 $0x3848;
	s0 =	simm.s32 @!p0 $0x1;
	p1 =	por !p1, p0  }
0x28b: {  	s4 =	sshll.u32 s2, $0x1;
	s3 =	sshll.u32 @!p0 s5, $0x6;
	s0 =	simm.s32 @p1 $0x0;
	v0 =	vsel vm0, v1, v0  }
0x28c: {  	s6 =	sor.u32 $0x200, s4;
	s3 =	sshra.s32 @!p0 s3, $0x2;
	s0 =	sor.u32 @!p0 s0, s4;
	[tilespmem:$0x3848] =	vst v0  }
0x28d: {  	[spmem:s6] =	stream.linear.scatter [tilespmem:s7], [sflag:$0x1], $0x2, $0x38;
	[tilespmem:$0x1FDF8] =	vst v63  }
0x28e: {  	s3 =	sadd.s32 @!p0 $0x28, s3;
	s0 =	sshll.u32 @!p0 s0, $0x4  }
0x28f: {  	[spmem:s0] =	stream.linear.scatter @!p0 [tilespmem:s3], [sflag:$0x1], $0x10, $0x38;
	[tilespmem:$0x1FDF8] =	vst v63  }
0x290: {  	s0 =	simm.s32 @!p0 $0x12  }
0x291: {  	s3 =	simm.s32 $0x1;
	s0 =	simm.s32 @p0 $0x2  }
0x292: {  	_ =	swait.ge [sflag:s3], s0  }
0x293: {  	s0 =	ssub.s32 $0x0, s0;
	[sflag:s3] =	ssyncset.done $0x0  }
0x294: {  	[sflag:s3] =	ssyncadd.s32 s0  }
0x295: {  	_ =	sfence.stream.spmem  }
0x296: {  	s29 =	simm.s32 $0x3;
	[bflag:$0x0] =	sbarrier.arrive $0xFFFF  }
0x297: {  	s30 =	simm.s32 $0x4;
	[sflag:s29] =	ssyncpa.u1 $0x1  }
0x298: {  	s31 =	simm.s32 $0x3C;
	[sflag:s30] =	ssyncpa.u1 $0x1  }
0x299: {  	p0 =	sne.s32 s2, $0x0;
	[sflag:s31] =	ssyncpa.u1 $0x1  }
0x29a: {  	_ =	sfence @p0  }
0x29b: {  	[sflag:s3] =	ssyncpa.u1 @p0 $0x1  }
0x29c: {  	_ =	strace @p0 $0x90000050  }
0x29d: {  	[bflag:$0x2] =	sbarrier.arrive @p0 $0xFFFF  }
0x29e: {  	_ =	shalt @p0  }
.LBB2_16:
0x29f: {  	_ =	sfence.stream.spmem;
	s0 =	simm.s32 $0x5  }
0x2a0: {  	s2 =	simm.s32 $0x200;
	s3 =	simm.s32 $0x3858;
	[sflag:s0] =	ssyncpa.u1 $0x0  }
0x2a1: {  	[tilespmem:s3], [sflag:$0x5] =	stream.linear.gather [spmem:s2], $0x20, $0x38;
	[tilespmem:$0x1FDF8] =	vst v63  }
0x2a2: {  	s30 =	simm.s32 $0x3878;
	s2 =	simm.s32 $0x0  }
0x2a3: {  	[tilespmem:s30], [sflag:$0x5] =	stream.linear.gather [spmem:s2], $0x200, $0x38;
	[tilespmem:$0x1FDF8] =	vst v63  }
.Ltmp12:
0x2a4: {  	_ = 	snop;
	(pc) =	sbr.rel .LBB2_17-.Ltmp12, $4  }
0x2a5: {  	_ =	swait.ge [sflag:s0], $0x220  }
0x2a6: {  	[sflag:s0] =	ssyncset.done $0x0  }
0x2a7: {  	s31 =	simm.s32 $0x6;
	[sflag:s0] =	ssyncadd.s32 $0xFFFFFDE0  }
0x2a8: {  	s3 =	simm.s32 $0x0;
	[sflag:s31] =	ssyncpa.u1 $0x0  }
.LBB2_22:
0x2a9: {  	p0 =	slt.u32 s4, $0x27100  }
0x2aa: {  	s0 =	sand.u32 @p0 $0x3FFF8, s4  }
0x2ab: {  	s4 =	sand.u32 @p0 $0x7, s4;
	s5 =	simm.s32 @p0 $0x3838;
	s0 =	sadd.s32 @p0 s1, s0  }
0x2ac: {  	[tilespmem:s5], [sflag:$0x6] =	stream.linear.gather @p0 [hbm4b:s0+s4], $0x4, $0x38;
	[tilespmem:$0x1FDF8] =	vst v63  }
0x2ad: {  	s0 =	simm.s32 @p0 $0x6  }
0x2ae: {  	_ =	swait.ge @p0 [sflag:s0], $0x4  }
0x2af: {  	[sflag:s0] =	ssyncset.done @p0 $0x0  }
0x2b0: {  	[sflag:s0] =	ssyncadd.s32 @p0 $0xFFFFFFFC  }
0x2b1: {  	v1 =	vld @p0 [tilespmem:$0x3838];
	_ =	sdelay $0x2  }
0x2b2: {  	s0 =	sshll.u32 @p0 s3, $0x6  }
0x2b3: {  	s5 =	sshll.u32 @!p0 s3, $0x6;
	s4 =	sshrl.u32 @p0 s0, $0x2  }
0x2b4: {  	s5 =	smov.u32 @p0 s0;
	[tilespmem:s4+$0x3878] =	vst.add.f32.msk @p0 $0xffff, v1  }
0x2b5: {  	s0 =	sshrl.u32 s5, $0x2;
	[tilespmem:s2+$0x3858] =	vst.msk $0x1, v0  }
0x2b6: {  	v0 =	vld [tilespmem:s0+$0x3878];
	_ =	sdelay $0x2  }
0x2b7: {  	s31 =	sshll.u32 s2, $0x6  }
0x2b8: {  	s0 =	sshra.s32 s31, $0x2  }
0x2b9: {  	s2 =	sadd.s32 $0x1, s2;
	[tilespmem:s0+$0x3878] =	vst v0  }
.LBB2_24:
0x2ba: {  	s3 =	sadd.s32 $0x1, s3  }
0x2bb: {  	p0 =	sne.s32 s3, $0x20  }
.Ltmp13:
0x2bc: {  	_ = 	snop;
	(pc) =	sbr.rel @!p0 .LBB2_25-.Ltmp13, $1  }
0x2bd: {  	_ =	sdelay $0x3  }
.LBB2_17:
0x2be: {  	v0 =	vld.msk [tilespmem:s3+$0x3858], $0x1;
	_ =	sdelay $0x4  }
0x2bf: {  	(v2sf) =	vpush v0, $0x0;
	_ =	sdelay $0xe  }
0x2c0: {  	s4 =	spop (v2sf)  }
0x2c1: {  	p0 =	seq.s32 s4, $0xFFFFFFFF  }
.Ltmp14:
0x2c2: {  	_ = 	snop;
	(pc) =	sbr.rel @p0 .LBB2_24-.Ltmp14, $1  }
0x2c3: {  	_ =	sdelay $0x3  }
0x2c4: {  	p0 =	slt.s32 s2, $0x1  }
.Ltmp15:
0x2c5: {  	_ = 	snop;
	(pc) =	sbr.rel @p0 .LBB2_22-.Ltmp15, $1  }
0x2c6: {  	_ =	sdelay $0x3  }
0x2c7: {  	s5 =	simm.s32 $0x3858;
	p0 =	por $0x0, $0x0  }
0x2c8: {  	v1 =	vld.msk @!p0 [tilespmem:s5+$0x0], $0x1;
	_ =	sdelay $0x4  }
0x2c9: {  	(v2sf) =	vpush @!p0 v1, $0x0;
	_ =	sdelay $0xd  }
0x2ca: {  	p2 =	sne.s32 s2, $0x1  }
.Ltmp16:
0x2cb: {  	s0 =	spop @!p0 (v2sf);
	(pc) =	sbr.rel @!p2 .LBB2_21-.Ltmp16, $4  }
0x2cc: {  	p1 =	seq.s32 @!p0 s4, s0  }
0x2cd: {  	s6 =	simm.s32 $0x0;
	p1 =	por !p1, p0  }
0x2ce: {  	s0 =	simm.s32 $0xFFFFFFFF;
	s6 =	simm.s32 @p1 $0xFFFFFFFF  }
0x2cf: {  	s7 =	simm.s32 $0x1;
	s6 =	smov.u32 @p0 s0  }
.LBB2_20:
0x2d0: {  	s0 =	smov.u32 s6;
	p0 =	sne.s32 s6, $0xFFFFFFFF  }
0x2d1: {  	s5 =	sadd.s32 $0x1, s5;
	s6 =	smov.u32 s7;
	s7 =	sadd.s32 $0x1, s7  }
0x2d2: {  	p1 =	sne.s32 s2, s7;
	v1 =	vld.msk @!p0 [tilespmem:s5+$0x0], $0x1;
	_ =	sdelay $0x4  }
0x2d3: {  	(v2sf) =	vpush @!p0 v1, $0x0;
	_ =	sdelay $0xe  }
.Ltmp17:
0x2d4: {  	s8 =	spop @!p0 (v2sf);
	(pc) =	sbr.rel @p1 .LBB2_20-.Ltmp17, $4  }
0x2d5: {  	p2 =	seq.s32 @!p0 s4, s8  }
0x2d6: {  	p2 =	por !p2, p0  }
0x2d7: {  	s6 =	simm.s32 @p2 $0xFFFFFFFF  }
0x2d8: {  	s6 =	smov.u32 @p0 s0  }
.LBB2_21:
0x2d9: {  	p0 =	sne.s32 s6, $0xFFFFFFFF  }
.Ltmp18:
0x2da: {  	_ = 	snop;
	(pc) =	sbr.rel @!p0 .LBB2_22-.Ltmp18, $1  }
0x2db: {  	_ =	sdelay $0x3  }
0x2dc: {  	s0 =	sshll.u32 s3, $0x4  }
0x2dd: {  	s0 =	sand.u32 $0x3FFFFFF0, s0  }
0x2de: {  	v0 =	vld [tilespmem:s0+$0x3878]  }
.Ltmp19:
0x2df: {  	_ = 	snop;
	(pc) =	sbr.rel .LBB2_24-.Ltmp19, $4  }
0x2e0: {  	_ = 	snop  }
0x2e1: {  	s31 =	sshll.u32 s6, $0x6  }
0x2e2: {  	s0 =	sshra.s32 s31, $0x2  }
0x2e3: {  	[tilespmem:s0+$0x3878] =	vst.add.f32.msk $0xffff, v0  }
.LBB2_25:
0x2e4: {  	p0 =	slt.s32 s2, $0x1  }
.Ltmp20:
0x2e5: {  	_ = 	snop;
	(pc) =	sbr.rel @p0 .LBB2_29-.Ltmp20, $3  }
0x2e6: {  	_ =	sdelay $0x1  }
0x2e7: {  	s0 =	simm.s32 $0x6  }
0x2e8: {  	s3 =	simm.s32 $0x0;
	[sflag:s0] =	ssyncpa.u1 $0x1  }
0x2e9: {  	s0 =	simm.s32 $0x3858  }
0x2ea: {  	v0 =	vld.msk [tilespmem:s0+$0x0], $0x1;
	_ =	sdelay $0x4  }
0x2eb: {  	(v2sf) =	vpush v0, $0x0;
	_ =	sdelay $0xd  }
0x2ec: {  	s2 =	sadd.s32 $0xFFFFFFFF, s2  }
0x2ed: {  	p1 =	sne.s32 s2, $0x0;
	s0 =	spop (v2sf)  }
.Ltmp21:
0x2ee: {  	p0 =	sgt.u32 s0, $0x270FF;
	(pc) =	sbr.rel @!p1 .LBB2_28-.Ltmp21, $4  }
0x2ef: {  	s4 =	simm.s32 $0x3878;
	s5 =	sand.u32 @!p0 $0x3FFF8, s0  }
0x2f0: {  	s6 =	simm.s32 $0x0;
	s0 =	sand.u32 @!p0 $0x7, s0;
	s5 =	sadd.s32 @!p0 s1, s5  }
0x2f1: {  	[hbm4b:s5+s0] =	stream.linear.scatter @!p0 [tilespmem:s4], [sflag:$0x5], $0x4, $0x38;
	[tilespmem:$0x1FDF8] =	vst v63  }
0x2f2: {  	s6 =	simm.s32 @!p0 $0x10;
	s5 =	simm.s32 $0x3859  }
.LBB2_27:
0x2f3: {  	v0 =	vld.msk [tilespmem:s5+$0x0], $0x1;
	s2 =	sadd.s32 $0xFFFFFFFF, s2;
	s3 =	sadd.s32 s3, s6  }
0x2f4: {  	p0 =	sne.s32 s2, $0x0;
	_ =	sdelay $0x3  }
0x2f5: {  	(v2sf) =	vpush v0, $0x0;
	_ =	sdelay $0xe  }
.Ltmp22:
0x2f6: {  	s0 =	spop (v2sf);
	(pc) =	sbr.rel @p0 .LBB2_27-.Ltmp22, $4  }
0x2f7: {  	s6 =	simm.s32 $0x0;
	p1 =	sgt.u32 s0, $0x270FF  }
0x2f8: {  	s4 =	sadd.s32 $0x10, s4;
	s6 =	simm.s32 @!p1 $0x10;
	s7 =	sand.u32 @!p1 $0x3FFF8, s0  }
0x2f9: {  	s5 =	sadd.s32 $0x1, s5;
	s0 =	sand.u32 @!p1 $0x7, s0;
	s7 =	sadd.s32 @!p1 s1, s7  }
0x2fa: {  	[hbm4b:s7+s0] =	stream.linear.scatter @!p1 [tilespmem:s4], [sflag:$0x5], $0x4, $0x38;
	[tilespmem:$0x1FDF8] =	vst v63  }
.LBB2_28:
0x2fb: {  	s0 =	sadd.s32 s3, s6  }
0x2fc: {  	s3 =	sshrl.u32 s0, $0x2  }
.LBB2_29:
0x2fd: {  	s0 =	simm.s32 $0x5  }
0x2fe: {  	_ =	swait.ge [sflag:s0], s3  }
0x2ff: {  	s1 =	ssub.s32 $0x0, s3;
	[sflag:s0] =	ssyncset.done $0x0  }
0x300: {  	[sflag:s0] =	ssyncadd.s32 s1  }
0x301: {  	[sflag:s0] =	ssyncpa.u1 $0x1  }
0x302: {  	s30 =	simm.s32 $0x1;
	_ =	sfence  }
0x303: {  	[sflag:s30] =	ssyncpa.u1 $0x1  }
0x304: {  	_ =	strace $0x90000050  }
0x305: {  	[bflag:$0x2] =	sbarrier.arrive $0xFFFF  }
0x306: {  	s31 =	rddreg [dreg:$0x2]  }
0x307: {  	s0 =	sadd.s32 $0x100000, s31  }
0x308: {  	[sflag:s0] =	ssyncadd.tile.s32 $0x1;
	_ =	shalt  }
.Lfunc_end2:
_tile_overlayer_lowered:
.L_overlay_start_2:
0x309: {  	(tag) =	ssettag $0x2  }
0x30a: {  	s0 =	rddreg [dreg:$0x0];
	s2 =	stileid.u32  }
0x30b: {  	s1 =	rddreg [dreg:$0x1];
	p0 =	sne.s32 s2, $0x0  }
0x30c: {  	s3 =	rddreg [dreg:$0x2];
	[bflag:$0x3] =	sbarrier.arrive $0xFFFF;
	s2 =	simm.s32 @!p0 $0x1C01  }
0x30d: {  	[timem:s3], [sflag:s2] =	dma.local @!p0 [hbm:s0], s1  }
0x30e: {  	s0 =	simm.s32 @!p0 $0x1  }
0x30f: {  	_ =	swait.ge @!p0 [sflag:s0], s1  }
0x310: {  	s1 =	ssub.s32 @!p0 $0x0, s1;
	[sflag:s0] =	ssyncset.done @!p0 $0x0  }
0x311: {  	[sflag:s0] =	ssyncadd.s32 @!p0 s1  }
0x312: {  	[bflag:$0x3] =	sbarrier.arrive $0xFFFF  }
0x313: {  	_ =	shalt  }

// kernel: scatter_offload_async_start.2
scs
__scs_entry_jumppad:
0x0: {  	(pc) =	sbr.rel $0x88, $3  }
0x1: {  	(tag) =	ssettag $0x0;
	lr =	simm.s32 $0x1  }
0x2: {  	[smem:$0x3F97] =	sst lr;
	_ =	strace $0xD0000000  }
0x3: {  	_ = 	snop  }
0x4: {  	_ = 	snop  }
0x5: {  	_ = 	snop  }
0x6: {  	_ = 	snop  }
0x7: {  	_ = 	snop  }
__scs_overlays_trampoline_lowered:
0x8: {  	[smem:$0x3FA6] =	sst s0  }
0x9: {  	[smem:$0x3FA7] =	sst s1  }
0xa: {  	[smem:$0x3FA8] =	sst s2  }
0xb: {  	[smem:$0x3FA9] =	sst s3  }
0xc: {  	[smem:$0x3FAA] =	sst s4  }
0xd: {  	[smem:$0x3FAB] =	sst s5  }
0xe: {  	[smem:$0x3FAC] =	sst s6  }
0xf: {  	[smem:$0x3FAD] =	sst s7  }
0x10: {  	[smem:$0x3FAE] =	sst s8  }
0x11: {  	[smem:$0x3FAF] =	sst s9;
	s0 =	simm.s32 @!p0 $0x0  }
0x12: {  	s1 =	sld [smem:$0x3F95];
	s0 =	simm.s32 @p0 $0x1  }
0x13: {  	[smem:$0x3FB0] =	sst s0;
	s0 =	simm.s32 @!p1 $0x0  }
0x14: {  	s2 =	sld [smem:$0x3F94];
	s0 =	simm.s32 @p1 $0x1  }
0x15: {  	[smem:$0x3FB1] =	sst s0;
	s0 =	simm.s32 @!p2 $0x0  }
0x16: {  	s3 =	sld [smem:$0x3FDB];
	s0 =	simm.s32 @p2 $0x1  }
0x17: {  	s4 =	simm.s32 $0x1BF5;
	[smem:$0x3FB3] =	sst s0  }
0x18: {  	s0 =	sld [smem:$0x3F96];
	_ =	swait.ge [sflag:s4], $0x0  }
0x19: {  	s7 =	sld [smem:$0x3F97]  }
0x1a: {  	s8 =	sadd.s32 $0xFFFFE003, lr  }
0x1b: {  	s9 =	sadd.s32 $0xFFFFFEF7, lr;
	s5 =	simm.s32 $0xFFFFFFFF;
	p2 =	slt.u32 s8, $0xFFFFF086  }
0x1c: {  	p1 =	slt.u32 s9, $0xF7A;
	s5 =	simm.s32 @!p2 $0x0  }
0x1d: {  	s5 =	simm.s32 @p1 $0x1;
	p0 =	seq.s32 s7, s2  }
0x1e: {  	s7 =	smul.u32 @!p0 $0xF7A, s2;
	p2 =	seq.s32 @!p0 s5, $0x0  }
0x1f: {  	s9 =	smul.u32 $0xF7A, s1;
	s8 =	simm.s32 @!p0 $0x1BF5;
	p2 =	por !p2, p0  }
0x20: {  	[sflag:s8] =	ssyncset.s32 @!p0 $0xFFFFF086;
	s6 =	sadd.s32 @!p0 s3, s7;
	s7 =	simm.s32 @!p0 $0x108  }
0x21: {  	s3 =	sadd.s32 s3, s9;
	s6 =	sadd.s32 @!p0 $0x88, s6;
	s7 =	simm.s32 @p2 $0x1082  }
0x22: {  	[simem:s7], [sflag:s8] =	dma.local @!p0 [hbm:s6], $0xF7A  }
0x23: {  	s9 =	sor.u32 $0xD0000000, s2;
	s6 =	simm.s32 $0x108;
	_ =	swait.ge @!p0 [sflag:s8], $0x0  }
0x24: {  	s3 =	sadd.s32 $0x88, s3;
	s6 =	simm.s32 @!p1 $0x1082;
	[sflag:s4] =	ssyncset.s32 $0xFFFFF086  }
0x25: {  	[simem:s6], [sflag:s4] =	dma.local [hbm:s3], $0xF7A  }
0x26: {  	[smem:$0x3F97] =	sst s1;
	(tag) =	ssettag s2;
	_ =	strace s9  }
0x27: {  	s1 =	sld [smem:$0x3FA7]  }
0x28: {  	s2 =	sld [smem:$0x3FA8]  }
0x29: {  	s4 =	sld [smem:$0x3FAA]  }
0x2a: {  	p0 =	seq.s32 s5, $0x0;
	s5 =	sld [smem:$0x3FAB]  }
0x2b: {  	s6 =	sld [smem:$0x3FAC]  }
0x2c: {  	s7 =	sld [smem:$0x3FAD]  }
0x2d: {  	s3 =	simm.s32 $0x108;
	s8 =	sld [smem:$0x3FAE]  }
0x2e: {  	s3 =	simm.s32 @!p0 $0x1082;
	s9 =	sld [smem:$0x3FAF]  }
0x2f: {  	lr =	sadd.s32 s0, s3;
	s0 =	sld [smem:$0x3FA6]  }
0x30: {  	s3 =	sld [smem:$0x3FA9]  }
0x31: {  	[smem:$0x3FB2] =	sst s10  }
0x32: {  	s10 =	sld [smem:$0x3FB0];
	_ =	sdelay $0x3  }
0x33: {  	p0 =	seq.s32 s10, $0x1;
	s10 =	sld [smem:$0x3FB2];
	_ =	sdelay $0x3  }
0x34: {  	[smem:$0x3FB2] =	sst s10  }
0x35: {  	s10 =	sld [smem:$0x3FB1];
	_ =	sdelay $0x3  }
0x36: {  	p1 =	seq.s32 s10, $0x1;
	s10 =	sld [smem:$0x3FB2];
	_ =	sdelay $0x3  }
0x37: {  	[smem:$0x3FB2] =	sst s10  }
0x38: {  	s10 =	sld [smem:$0x3FB3]  }
0x39: {  	_ = 	snop;
	(pc) =	sbr.ind lr, $3  }
0x3a: {  	_ = 	snop  }
0x3b: {  	_ = 	snop  }
0x3c: {  	p2 =	seq.s32 s10, $0x1;
	s10 =	sld [smem:$0x3FB2]  }
0x3d: {  	_ =	shalt  }
0x3e: {  	_ =	shalt  }
0x3f: {  	_ =	shalt  }
0x40: {  	_ =	shalt  }
0x41: {  	_ =	shalt  }
0x42: {  	_ =	shalt  }
0x43: {  	_ =	shalt  }
0x44: {  	_ =	shalt  }
0x45: {  	_ =	shalt  }
0x46: {  	_ =	shalt  }
0x47: {  	_ =	shalt  }
0x48: {  	_ =	shalt  }
0x49: {  	_ =	shalt  }
0x4a: {  	_ =	shalt  }
0x4b: {  	_ =	shalt  }
0x4c: {  	_ =	shalt  }
0x4d: {  	_ =	shalt  }
0x4e: {  	_ =	shalt  }
0x4f: {  	_ =	shalt  }
0x50: {  	_ =	shalt  }
0x51: {  	_ =	shalt  }
0x52: {  	_ =	shalt  }
0x53: {  	_ =	shalt  }
0x54: {  	_ =	shalt  }
0x55: {  	_ =	shalt  }
0x56: {  	_ =	shalt  }
0x57: {  	_ =	shalt  }
0x58: {  	_ =	shalt  }
0x59: {  	_ =	shalt  }
0x5a: {  	_ =	shalt  }
0x5b: {  	_ =	shalt  }
0x5c: {  	_ =	shalt  }
0x5d: {  	_ =	shalt  }
0x5e: {  	_ =	shalt  }
0x5f: {  	_ =	shalt  }
0x60: {  	_ =	shalt  }
0x61: {  	_ =	shalt  }
0x62: {  	_ =	shalt  }
0x63: {  	_ =	shalt  }
0x64: {  	_ =	shalt  }
0x65: {  	_ =	shalt  }
0x66: {  	_ =	shalt  }
0x67: {  	_ =	shalt  }
0x68: {  	_ =	shalt  }
0x69: {  	_ =	shalt  }
0x6a: {  	_ =	shalt  }
0x6b: {  	_ =	shalt  }
0x6c: {  	_ =	shalt  }
0x6d: {  	_ =	shalt  }
0x6e: {  	_ =	shalt  }
0x6f: {  	_ =	shalt  }
0x70: {  	_ =	shalt  }
0x71: {  	_ =	shalt  }
0x72: {  	_ =	shalt  }
0x73: {  	_ =	shalt  }
0x74: {  	_ =	shalt  }
0x75: {  	_ =	shalt  }
0x76: {  	_ =	shalt  }
0x77: {  	_ =	shalt  }
0x78: {  	_ =	shalt  }
0x79: {  	_ =	shalt  }
0x7a: {  	_ =	shalt  }
0x7b: {  	_ =	shalt  }
0x7c: {  	_ =	shalt  }
0x7d: {  	_ =	shalt  }
0x7e: {  	_ =	shalt  }
0x7f: {  	_ =	shalt  }
0x80: {  	_ =	shalt  }
0x81: {  	_ =	shalt  }
0x82: {  	_ =	shalt  }
0x83: {  	_ =	shalt  }
0x84: {  	_ =	shalt  }
0x85: {  	_ =	shalt  }
0x86: {  	_ =	shalt  }
0x87: {  	_ =	shalt  }
.Lfunc_end0:
.L_simem_size_0:
called_computation.2_lowered:
.L_overlay_start_0:
0x88: {  	s0 =	sld [smem:$0x3FD9]  }
0x89: {  	s1 =	sld [smem:$0x3FFE];
	_ =	sdelay $0x3  }
0x8a: {  	s0 =	sadd.s32 s1, s0  }
0x8b: {  	[smem:$0x3FBE] =	sst s0  }
0x8c: {  	_ = 	snop  }
0x8d: {  	s0 =	sld [smem:$0x3FD0];
	(tm) =	ssettm $0x1  }
0x8e: {  	s16 =	sld [smem:$0x3FFB];
	_ =	sdelay $0x3  }
0x8f: {  	_ =	strace s16  }
0x90: {  	s1 =	sld [smem:$0x3FFC];
	_ =	sdelay $0x3  }
0x91: {  	_ =	strace s1  }
0x92: {  	s1 =	sld [smem:$0x3FFD];
	_ =	sdelay $0x3  }
0x93: {  	_ =	strace s1  }
0x94: {  	_ =	strace $0x8FFFFFFF  }
0x95: {  	s17 =	sld [smem:$0x3FDB];
	_ =	sdelay $0x1  }
0x96: {  	s2 =	simm.s32 $_scs_section_size  }
0x97: {  	s3 =	simm.s32 $_size__tile_overlayer_lowered;
	s4 =	simm.s32 $_tile_overlayer_lowered  }
0x98: {  	s20 =	simm.s32 $0x1BFF;
	s19 =	sshll.u32 s4, $0x1;
	s1 =	sadd.s32 s2, s17  }
0x99: {  	s5 =	simm.s32 $0x0;
	s18 =	sshll.u32 s3, $0x1;
	s3 =	sadd.s32 s19, s1  }
0x9a: {  	[timem:s5], [sflag:s20] =	dma.local [hbm:s3], s18  }
0x9b: {  	_ =	swait.ge [sflag:s20], s18  }
0x9c: {  	s2 =	ssub.s32 $0x0, s18;
	[sflag:s20] =	ssyncset.done $0x0  }
0x9d: {  	[sflag:s20] =	ssyncadd.s32 s2;
	_ =	sdelay $0x1  }
0x9e: {  	s21 =	simm.s32 $0x1B8B  }
0x9f: {  	_ =	swait.ge [sflag:s21], $0x1  }
0xa0: {  	[sflag:s21] =	ssyncset.done $0x0  }
0xa1: {  	s23 =	simm.s32 $0x1B8E;
	s22 =	sld [smem:$0x3FFE];
	[sflag:s21] =	ssyncadd.s32 $0xFFFFFFFF  }
0xa2: {  	s24 =	simm.s32 $execute0_lowered;
	[smem:$0x3FD2] =	sst s23  }
0xa3: {  	s3 =	sshll.u32 s24, $0x1;
	_ =	strace $0x80000058;
	[dreg:$0x1] =	wrdreg $0xFFFFFFFF  }
0xa4: {  	s25 =	simm.s32 $_size_execute0_lowered;
	s1 =	sadd.s32 s1, s3;
	[dreg:$0x0] =	wrdreg $0x0  }
0xa5: {  	s3 =	sshll.u32 s25, $0x1;
	[dreg:$0x2] =	wrdreg s1  }
0xa6: {  	[dreg:$0x3] =	wrdreg s3  }
0xa7: {  	[dreg:$0x4] =	wrdreg $0xC0  }
0xa8: {  	_ =	task [dreg:s5], $0x5FFFF  }
0xa9: {  	[dreg:$0x1] =	wrdreg $0xFFFFFFFF  }
0xaa: {  	[dreg:$0x0] =	wrdreg $0x60  }
0xab: {  	[dreg:$0x2] =	wrdreg s0  }
0xac: {  	[dreg:$0x3] =	wrdreg s22  }
0xad: {  	[dreg:$0x4] =	wrdreg $0x9  }
0xae: {  	_ =	task.clear_ibuf [dreg:s5], $0x5FFFF;
	_ =	strace $0x90000058  }
0xaf: {  	s26 =	simm.s32 $0x9;
	_ =	strace $0x8000005A  }
0xb0: {  	_ =	swait.ge [sflag:s26], $0x1  }
0xb1: {  	[sflag:s26] =	ssyncadd.s32 $0xFFFFFFFF  }
0xb2: {  	_ =	strace $0x9000005A  }
0xb3: {  	_ =	sfence  }
0xb4: {  	s28 =	sld [smem:$0x0];
	_ =	sdelay $0x1  }
0xb5: {  	s29 =	srdreg.scid  }
0xb6: {  	s30 =	sshll.u32 s29, $0xD;
	s31 =	sshrl.u32 s29, $0x2  }
0xb7: {  	s2 =	sand.u32 $0x4000, s30;
	s1 =	sand.u32 $0x1, s29;
	s0 =	sadd.s32 s31, s28  }
0xb8: {  	s1 =	sor.u32 s2, s1;
	s0 =	sshll.u32 s0, $0x11  }
0xb9: {  	s0 =	sor.u32 s0, s1  }
0xba: {  	s0 =	sadd.s32 $0x8F2B, s0  }
0xbb: {  	[sflag:s0] =	ssyncadd.remote.s32 $0x1  }
0xbc: {  	_ =	sfence.sel $0xFFFF  }
0xbd: {  	[dreg:$0x0] =	wrdreg $0xFFFFFFFF;
	(pc) =	sbr.abs _section_cstart, $3  }
0xbe: {  	[dreg:$0x1] =	wrdreg $0xFFFFFFFF  }
0xbf: {  	_ =	task.clear_ibuf [dreg:s5], $0x2FFFF;
	_ =	strace $0x9FFFFFFF  }
0xc0: {  	(tm) =	ssettm $0x7FFFFFFF  }
0xc1: {  	_ =	shalt  }
tec
execute0_lowered:
.L_overlay_start_1:
0x0: {  	(tag) =	ssettag $0x1  }
0x1: {  	s1 =	rddreg [dreg:$0x0]  }
0x2: {  	s0 =	rddreg [dreg:$0x1];
	_ =	strace $0x80000059;
	s2 =	simm.s32 $0x1  }
0x3: {  	s11 =	stileid.u32;
	v1 =	vimm.s32 $0xFFFFFFFF;
	[sflag:s2] =	ssyncpa.u1 $0x0  }
0x4: {  	s3 =	smin.u32 s11, $0x9;
	[tilespmem:$0x10] =	vst v1  }
0x5: {  	v0 =	vimm.f32 $-Inf;
	s3 =	sadd.s32 s11, s3;
	[tilespmem:$0x20] =	vst v1  }
0x6: {  	s4 =	simm.s32 $0x3520;
	p0 =	slt.u32 s11, $0x9;
	[tilespmem:$0x30] =	vst v0;
	s3 =	smul.u32 $0x1A90, s3  }
0x7: {  	s4 =	simm.s32 @!p0 $0x1A90;
	[tilespmem:$0x40] =	vst v0  }
0x8: {  	[tilespmem:$0x50] =	vst v0;
	s4 =	sadd.s32 s4, s3  }
0x9: {  	[tilespmem:$0x60] =	vst v1;
	s4 =	smin.u32 s4, $0x29810  }
0xa: {  	s7 =	simm.s32 $0x2;
	s8 =	simm.s32 $0x8;
	[tilespmem:$0x70] =	vst v1;
	s6 =	ssub.s32 s4, s3  }
0xb: {  	s29 =	simm.s32 $0x9;
	s16 =	simm.s32 $0x0;
	[tilespmem:$0x80] =	vst v1;
	p0 =	sgt.s32 s6, $0x0  }
0xc: {  	s17 =	simm.s32 $0xF0;
	s18 =	simm.s32 $0xFFFFFFFF;
	v1 =	vimm.s32 $0x0;
	[tilespmem:$0xB0] =	vst v0;
	s6 =	simm.s32 @!p0 $0x0  }
0xd: {  	s19 =	simm.s32 $0xFFFFCBE0;
	s20 =	simm.s32 $0xFFFFFFFE;
	[tilespmem:$0x90] =	vst v1;
	s5 =	smulhi.u32 $0x134679AD, s6  }
0xe: {  	s21 =	simm.s32 $0xF;
	[tilespmem:$0xA0] =	vst v1;
	[sflag:s7] =	ssyncpa.u1 $0x0;
	s7 =	simm.s32 $0x7  }
0xf: {  	s25 =	simm.s32 $0x0;
	[sflag:s7] =	ssyncpa.u1 $0x0;
	s9 =	sshrl.u32 s5, $0x9  }
0x10: {  	s24 =	simm.s32 $0x0;
	[sflag:s8] =	ssyncpa.u1 $0x0;
	s10 =	smul.u32 $0x1A90, s9  }
0x11: {  	s14 =	sshllo.u32 s11, $0x1;
	s23 =	smov.u32 s3;
	[sflag:s29] =	ssyncpa.u1 $0x0  }
.Ltmp0:
0x12: {  	s5 =	sadd.s32 $0xFE00, s0;
	p0 =	sne.s32 s6, s10;
	(pc) =	sbr.rel .LBB2_1-.Ltmp0, $4  }
0x13: {  	s0 =	sadd.s32 $0x15200, s0;
	s10 =	sshll.u32 s11, $0x1;
	s2 =	simm.s32 @!p0 $0x0  }
0x14: {  	[dreg:$0x3] =	wrdreg s0;
	s31 =	sor.u32 $0x81, s10;
	s9 =	sadd.s32 s2, s9  }
0x15: {  	vm0 =	vmmov $0xffff;
	v2 =	vlaneseq.u32;
	vm1 =	vmxor vm1, vm1;
	s15 =	sor.u32 $0x80, s10;
	[dreg:$0x5] =	wrdreg s31;
	s30 =	sadd.s32 $0x1, s9  }
0x16: {  	vm2 =	vmmov $0x1;
	v3 =	vimm.f32 $0.0e+00;
	vm3 =	vcmask $0x3F3C;
	p0 =	por $0x0, $0x0;
	s12 =	sadd.s32 $0x2, s9;
	[dreg:$0x4] =	wrdreg s30  }
.LBB2_9:
0x17: {  	p1 =	slt.u32 s24, $0x3  }
0x18: {  	s0 =	simm.s32 @!p1 $0x2  }
0x19: {  	_ =	swait.ge @!p1 [sflag:s0], $0x1A90  }
0x1a: {  	[sflag:s0] =	ssyncset.done @!p1 $0x0  }
0x1b: {  	[sflag:s0] =	ssyncadd.s32 @!p1 $0xFFFFE570;
	s0 =	simm.s32 @!p1 $0x9  }
0x1c: {  	_ =	swait.ge @!p1 [sflag:s0], $0x10  }
0x1d: {  	[sflag:s0] =	ssyncset.done @!p1 $0x0  }
0x1e: {  	[sflag:s0] =	ssyncadd.s32 @!p1 $0xFFFFFFF0;
	p1 =	sne.s32 s24, s12  }
.Ltmp1:
0x1f: {  	s2 =	sadd.s32 $0x1A90, s23;
	(pc) =	sbr.rel @!p1 .LBB2_10-.Ltmp1, $4  }
0x20: {  	s6 =	smov.u32 s3;
	s31 =	sadd.s32 $0x1, s24;
	s17 =	sadd.s32 $0x1A90, s17  }
0x21: {  	s18 =	sadd.s32 $0x1, s18;
	s25 =	smov.u32 s23;
	p2 =	slt.s32 s2, s4  }
0x22: {  	p0 =	por !p0, !p0;
	s19 =	sadd.s32 $0x1A90, s19;
	s6 =	smov.u32 @p2 s2  }
0x23: {  	s20 =	sadd.s32 $0x1, s20;
	s23 =	smov.u32 s6;
	s24 =	smov.u32 s31  }
.LBB2_1:
0x24: {  	p1 =	sge.u32 s24, s9  }
0x25: {  	s0 =	smulhi.u32 @!p1 $0xAAAAAAAB, s24;
	_ =	sdelay $0x1  }
0x26: {  	s0 =	sshrl.u32 @!p1 s0, $0x1  }
0x27: {  	s0 =	smul.u32 @!p1 $0x3, s0;
	_ =	sdelay $0x1  }
0x28: {  	s0 =	ssub.s32 @!p1 s24, s0  }
0x29: {  	s0 =	smul.u32 @!p1 $0x6A40, s0;
	_ =	sdelay $0x1  }
0x2a: {  	s2 =	sshrl.u32 @!p1 s23, $0x3;
	s0 =	sshrl.u32 @!p1 s0, $0x2  }
0x2b: {  	s6 =	sand.u32 @!p1 $0x7, s23;
	s2 =	sadd.s32 @!p1 s5, s2;
	s0 =	sadd.s32 @!p1 $0x100, s0  }
0x2c: {  	[tilespmem:s0], [sflag:$0x7] =	stream.linear.gather @!p1 [hbm4b:s2+s6], $0x1A90, $0x38;
	[tilespmem:$0xF030] =	vst v63  }
0x2d: {  	s0 =	sadd.s32 $0xFFFFFFFF, s24  }
0x2e: {  	p1 =	sge.u32 s0, s9  }
.Ltmp2:
0x2f: {  	_ = 	snop;
	(pc) =	sbr.rel @p1 .LBB2_5-.Ltmp2, $1  }
0x30: {  	_ =	sdelay $0x3  }
0x31: {  	s2 =	smulhi.u32 $0xAAAAAAAB, s0;
	_ =	sdelay $0x1  }
0x32: {  	s2 =	sshrl.u32 s2, $0x1  }
0x33: {  	s2 =	smul.u32 $0x3, s2;
	_ =	sdelay $0x1  }
0x34: {  	s2 =	ssub.s32 s0, s2  }
0x35: {  	s2 =	smul.u32 $0x6A40, s2  }
0x36: {  	_ =	swait.ge [sflag:s7], $0x1A90  }
0x37: {  	[sflag:s7] =	ssyncset.done $0x0;
	s2 =	sshrl.u32 s2, $0x2  }
0x38: {  	[sflag:s7] =	ssyncadd.s32 $0xFFFFE570;
	(ifvalue) =	ssetifvalue $0xFFFFFFFF;
	v4 =	vld.msk [tilespmem:s2+$0x100 ss:$0x1], $0xffff;
	_ =	sdelay $0x2  }
0x39: {  	s29 =	smulhi.u32 $0xAAAAAAAB, s18;
	p1 =	sne.s32 s24, $0x1  }
0x3a: {  	v5 =	vimm.s32 @!p1 $0x0  }
0x3b: {  	s2 =	sshrl.u32 s29, $0x1;
	v5 =	vperm.xlane @!p1 v4, v5  }
0x3c: {  	s6 =	sshll.u32 s24, $0x4;
	s2 =	smul.u32 $0xFFFEC140, s2;
	vm4 =	vlt.u32 v4, $0x2800  }
0x3d: {  	s6 =	sand.u32 $0x10, s6;
	v4 =	vnsel vm4, $0xFFFFFFFE, v4;
	vm4 =	vlt.u32 @!p1 v5, $0x2800  }
0x3e: {  	s2 =	sshra.s32 s2, $0x2;
	[tilespmem:s6+$0x60] =	vst v4;
	v4 =	vnsel @!p1 vm4, $0xFFFFFFFE, v5  }
0x3f: {  	s30 =	sadd.s32 s2, s17;
	[tilespmem:$0x80] =	vst @!p1 v4  }
0x40: {  	v4 =	vld.msk [tilespmem:s30+$0x0 ss:$0x1], $0xffff;
	_ =	sdelay $0x4  }
0x41: {  	(xrf1) =	vunique.msk.u32 $0xffff, v4;
	_ =	sdelay $0xd  }
0x42: {  	v5 =	vimm.s32 $0xFFFFFFFF;
	v6, _, _ =	vpop (xrf1)  }
0x43: {  	vm5 =	vne.s32 v4, v5;
	vm4 =	veq.s32 v6, v2  }
0x44: {  	vm6 =	vlt.u32 v4, $0x2800;
	vm4 =	vmand vm5, vm4  }
0x45: {  	vm4 =	vmand vm6, vm4  }
0x46: {  	v5 =	vnsel vm4, $0xFFFFFFFF, v4  }
0x47: {  	s31 =	sand.u32 $0x1, s0  }
0x48: {  	s26 =	simm.s32 $0x1A90;
	p1 =	seq.s32 s31, $0x1  }
0x49: {  	s26 =	simm.s32 @!p1 $0x0  }
0x4a: {  	s28 =	sadd.s32 $0x6B30, s26;
	(ifvalue) =	ssetifvalue $0xFFFFFFFF  }
0x4b: {  	v4 =	vperm.xlane v4, v1;
	[tilespmem:s28], [sflag:$0x8] =	stream.indirect_vreg.gather [hbm4b:s1+s16], $0x1, v5, vm0, $0x4038;
	v5 =	vnsel vm6, $0xFFFFFFFE, v5;
	[tilespmem:$0xF030] =	vst v63  }
0x4c: {  	s0 =	simm.s32 $0x0;
	s2 =	sadd.s32 $0xFFFFFFF0, s30;
	[tilespmem:s30+$0x0] =	vst v5  }
.LBB2_3:
0x4d: {  	v5 =	vld.msk [tilespmem:s2+$0x0 ss:$0x1], $0xffff;
	s0 =	sadd.s32 $0x10, s0;
	v6 =	vmov v4;
	s6 =	smov.u32 s2  }
0x4e: {  	p1 =	slt.u32 s0, $0x1A80;
	_ =	sdelay $0x4  }
0x4f: {  	v4 =	vperm.xlane v5, v1;
	(xrf1) =	vunique.msk.u32 $0xffff, v5;
	_ =	sdelay $0xd  }
0x50: {  	v7, _, _ =	vpop (xrf1)  }
0x51: {  	vm5 =	vne.s32 v5, v6;
	vm4 =	veq.s32 v7, v2  }
0x52: {  	vm6 =	vlt.u32 v5, $0x2800;
	vm4 =	vmand vm5, vm4  }
0x53: {  	vm4 =	vmand vm6, vm4  }
0x54: {  	v5 =	vnsel vm4, $0xFFFFFFFF, v5  }
.Ltmp3:
0x55: {  	v6 =	vnsel vm6, $0xFFFFFFFE, v5;
	(pc) =	sbr.rel @p1 .LBB2_3-.Ltmp3, $3  }
0x56: {  	_ =	sdelay $0x1  }
0x57: {  	s2 =	sadd.s32 $0xFFFFFFF0, s2;
	s28 =	sadd.s32 $0xFFFFFFF0, s28;
	(ifvalue) =	ssetifvalue $0xFFFFFFFF  }
0x58: {  	[tilespmem:s28], [sflag:$0x8] =	stream.indirect_vreg.gather [hbm4b:s1+s16], $0x1, v5, vm0, $0x4038;
	[tilespmem:s6+$0x0] =	vst v6  }
0x59: {  	s0 =	sshrl.u32 s25, $0x3;
	s2 =	rddreg [dreg:$0x3]  }
0x5a: {  	s31 =	sadd.s32 $0x85D0, s26;
	s0 =	sadd.s32 s2, s0  }
0x5b: {  	[tilespmem:s31], [sflag:$0x8] =	stream.linear.gather [hbm:s0], $0x1A90, $0x38;
	[tilespmem:$0xF030] =	vst v63  }
.LBB2_5:
0x5c: {  	p1 =	slt.u32 s24, $0x2  }
0x5d: {  	p2 =	sge.u32 @!p1 s24, s12  }
0x5e: {  	p1 =	por p1, p2  }
.Ltmp4:
0x5f: {  	_ = 	snop;
	(pc) =	sbr.rel @p1 .LBB2_9-.Ltmp4, $1  }
0x60: {  	_ =	sdelay $0x3  }
0x61: {  	s0 =	sadd.s32 $0xFFFFFFFE, s24  }
0x62: {  	s2 =	smulhi.u32 $0xAAAAAAAB, s0;
	_ =	sdelay $0x1  }
0x63: {  	s2 =	sshrl.u32 s2, $0x1  }
0x64: {  	s2 =	smul.u32 $0x3, s2;
	_ =	sdelay $0x1  }
0x65: {  	_ =	swait.ge [sflag:s8], $0x3520;
	s0 =	ssub.s32 s0, s2  }
0x66: {  	s6 =	rddreg [dreg:$0x4];
	s0 =	smul.u32 $0x1A90, s0  }
0x67: {  	[sflag:s8] =	ssyncset.done $0x0;
	p1 =	sne.s32 s24, s6  }
0x68: {  	[sflag:s8] =	ssyncadd.s32 $0xFFFFCAE0;
	s6 =	rddreg [dreg:$0x5];
	s2 =	sadd.s32 @!p1 $0x1B8F, s0  }
0x69: {  	[spmem:s6] =	stream.linear.scatter @!p1 [tilespmem:s2], [sflag:$0x1], $0x1, $0x38;
	[tilespmem:$0xF030] =	vst v63  }
0x6a: {  	s2 =	simm.s32 @!p1 $0x1  }
0x6b: {  	_ =	swait.ge @!p1 [sflag:s2], $0x1  }
0x6c: {  	s11 =	sshll.u32 s24, $0x4;
	[sflag:s2] =	ssyncset.done @!p1 $0x0  }
0x6d: {  	s25 =	sand.u32 $0x10, s11;
	[sflag:s2] =	ssyncadd.s32 @!p1 $0xFFFFFFFF  }
0x6e: {  	s2 =	sxor.u32 $0x10, s25;
	v5 =	vld [tilespmem:s25+$0x10]  }
0x6f: {  	v6 =	vld [tilespmem:s2+$0x60]  }
0x70: {  	v4 =	vld [tilespmem:$0x80];
	_ =	sdelay $0x2  }
0x71: {  	(v2sf) =	vpush v5, $0x0  }
0x72: {  	(v2sf) =	vpush v6, $0x0  }
0x73: {  	(v2sf) =	vpush v4, $0x0;
	_ =	sdelay $0xc  }
0x74: {  	s13 =	spop (v2sf)  }
0x75: {  	s22 =	spop (v2sf)  }
0x76: {  	s26 =	spop (v2sf)  }
0x77: {  	p2 =	seq.s32 s13, s22;
	p3 =	seq.s32 s26, s13  }
0x78: {  	p3 =	por p2, p3  }
0x79: {  	s22 =	sand.u32 $0x1, s24;
	v5 =	vpsel p3, $0xFFFFFFFF, v5  }
0x7a: {  	s28 =	smul.u32 $0x1A90, s22;
	[tilespmem:s25+$0x10] =	vst.msk $0x1, v5  }
0x7b: {  	v5 =	vld [tilespmem:$0x30]  }
0x7c: {  	v6 =	vld [tilespmem:s28+$0x85D0]  }
0x7d: {  	v7 =	vld [tilespmem:s25+$0x40];
	_ =	sdelay $0x2  }
0x7e: {  	vm4 =	vmmov vm1  }
0x7f: {  	vm5 =	vmmov vm2;
	vm4 =	vmmov @p2 vm2;
	v6 =	vmax.f32 v5, v6  }
0x80: {  	s6 =	sshll.u32 s22, $0x4;
	vm5 =	vmmov @p3 vm1;
	v5 =	vmax.f32 v5, v7;
	[tilespmem:s28+$0x85D0] =	vst.msk vm4, v6  }
0x81: {  	[tilespmem:s6+$0xF010] =	vst.msk vm5, v5  }
0x82: {  	v5 =	vld [tilespmem:s28+$0x6B30];
	_ =	sdelay $0x4  }
0x83: {  	v5 =	vshift.insert v5, v3, s21  }
0x84: {  	s11 =	sor.u32 $0x40, s2  }
0x85: {  	v6 =	vimm.f32 $-Inf;
	[tilespmem:s11+$0x0] =	vst.msk $0x1, v5  }
0x86: {  	[tilespmem:s28+$0x6B3F] =	vst.msk $0x1, v6  }
0x87: {  	v5 =	vld [tilespmem:s0+$0x1B80]  }
0x88: {  	s13 =	smulhi.u32 $0xAAAAAAAB, s20;
	_ =	sdelay $0x1  }
0x89: {  	s22 =	simm.s32 $0x1;
	s0 =	sshrl.u32 s13, $0x1  }
0x8a: {  	s22 =	simm.s32 @!p0 $0x0;
	s0 =	smul.u32 $0xFFFEC140, s0  }
0x8b: {  	s22 =	smul.u32 $0x6A40, s22;
	v5 =	vshift.insert v5, v1, s21  }
0x8c: {  	s0 =	sshra.s32 s0, $0x2  }
0x8d: {  	s22 =	sshrl.u32 s22, $0x2;
	s11 =	sadd.s32 s0, s19;
	[tilespmem:s2+$0x10] =	vst.msk $0x1, v5  }
0x8e: {  	s2 =	sadd.s32 $0x85D0, s22;
	v7 =	vld [tilespmem:s11+$0x0]  }
0x8f: {  	v8 =	vld [tilespmem:s2+$0x0];
	_ =	sdelay $0x4  }
0x90: {  	vm4 =	vne.s32 v7, $0xFFFFFFFF;
	v6 =	vmax.f32 v8, v6  }
0x91: {  	(xrf0) =	vmax.seg.scan.f32 vm4, v6  }
0x92: {  	s13 =	sadd.s32 $0x50B0, s22;
	v8 =	vld [tilespmem:$0xA0]  }
0x93: {  	v9 =	vld [tilespmem:s13+$0x0];
	_ =	sdelay $0x1  }
0x94: {  	v6 =	vperm.xlane v5, v1;
	_ =	sdelay $0x1  }
0x95: {  	vm6 =	veq.s32 v7, v4;
	vm7 =	veq.s32 v7, v6;
	vm5 =	veq.s32 v8, $0x1;
	v8, _, _ =	vpop (xrf0)  }
0x96: {  	vm8 =	vgt.u32 v7, $0xFFFFFFFD;
	vm7 =	vmor vm7, vm6;
	v9 =	vmax.f32 v8, v9  }
0x97: {  	s30 =	sadd.s32 $0xBAF0, s22;
	v10 =	vld [tilespmem:$0x90];
	vm7 =	vmor vm7, vm8;
	v9 =	vsel vm6, v8, v9  }
0x98: {  	[tilespmem:s30+$0x0] =	vst v9;
	v9 =	vsel vm7, $0xFFFFFFFF, v7;
	_ =	sdelay $0x1  }
0x99: {  	s31 =	simm.s32 $0x0;
	vm9 =	vmand vm4, vm3  }
0x9a: {  	s29 =	sadd.s32 $0xF010, s6;
	s6 =	sadd.s32 $0x10, s13;
	s22 =	sadd.s32 $0x10, s30;
	v11 =	vsel vm9, $0xFF800000, v8  }
0x9b: {  	s0 =	sadd.s32 $0x10, s2;
	s2 =	sadd.s32 $0x10, s11;
	vm4 =	vmor vm5, vm6;
	v7 =	vsel vm6, v8, v10;
	v8 =	vshift.insert v11, v0, s21;
	(ifvalue) =	ssetifvalue $0xFFFFFFFF  }
.LBB2_7:
0x9c: {  	[hbm4b:s1+s16] =	stream.indirect_vreg.scatter [tilespmem:s30], [sflag:$0x2], $0x1, v9, vm0, $0x4038;
	[tilespmem:$0xF030] =	vst v63  }
0x9d: {  	s31 =	sadd.s32 $0x10, s31;
	s30 =	smov.u32 s22;
	v9 =	vld [tilespmem:s2+$0x0]  }
0x9e: {  	p2 =	slt.u32 s31, $0x1A80;
	v10 =	vld [tilespmem:s0+$0x0];
	_ =	sdelay $0x4  }
0x9f: {  	vm5 =	vne.s32 v9, $0xFFFFFFFF;
	v8 =	vmax.f32 v10, v8  }
0xa0: {  	(xrf0) =	vmax.seg.scan.f32 vm5, v8;
	_ =	sdelay $0x1  }
0xa1: {  	v8 =	vld [tilespmem:s6+$0x0]  }
0xa2: {  	vm6 =	veq.s32 v9, v4;
	vm7 =	veq.s32 v9, v6  }
0xa3: {  	vm8 =	vgt.u32 v9, $0xFFFFFFFD;
	vm4 =	vmor vm4, vm6;
	vm7 =	vmor vm7, vm6  }
0xa4: {  	vm7 =	vmor vm7, vm8  }
.Ltmp5:
0xa5: {  	vm5 =	vmand vm5, vm3;
	v9 =	vsel vm7, $0xFFFFFFFF, v9;
	v10, _, _ =	vpop (xrf0);
	(pc) =	sbr.rel @p2 .LBB2_7-.Ltmp5, $4  }
0xa6: {  	v7 =	vsel vm6, v10, v7;
	v8 =	vmax.f32 v10, v8;
	v11 =	vsel vm5, $0xFF800000, v10  }
0xa7: {  	v10 =	vsel vm6, v10, v8;
	v8 =	vshift.insert v11, v0, s21  }
0xa8: {  	s2 =	sadd.s32 $0x10, s2;
	s0 =	sadd.s32 $0x10, s0;
	[tilespmem:s22+$0x0] =	vst v10  }
0xa9: {  	s6 =	sadd.s32 $0x10, s6;
	s22 =	sadd.s32 $0x10, s22;
	(ifvalue) =	ssetifvalue $0xFFFFFFFF  }
0xaa: {  	_ =	sdelay $0x3  }
0xab: {  	[hbm4b:s1+s16] =	stream.indirect_vreg.scatter [tilespmem:s30], [sflag:$0x2], $0x1, v9, vm0, $0x4038;
	[tilespmem:$0xF030] =	vst v63  }
0xac: {  	v4 =	vld [tilespmem:s28+$0xD570];
	_ =	sdelay $0x4  }
0xad: {  	v4 =	vshift.insert v4, v3, s21  }
0xae: {  	s0 =	simm.s32 $0x30  }
0xaf: {  	[tilespmem:s0+$0x0] =	vst.msk $0x1, v4  }
0xb0: {  	v4 =	vsel vm4, $0x1, v1;
	[tilespmem:$0x90] =	vst v7  }
0xb1: {  	s0 =	sadd.s32 @!p1 $0xD57F, s28;
	[tilespmem:$0xA0] =	vst v4  }
0xb2: {  	[spmem:s14] =	stream.linear.scatter @!p1 [tilespmem:s0], [sflag:$0x1], $0x1, $0x38;
	[tilespmem:$0xF030] =	vst v63  }
0xb3: {  	s0 =	simm.s32 @!p1 $0x1  }
0xb4: {  	v4 =	vmctz.xlane @!p1 vm4;
	_ =	swait.ge @!p1 [sflag:s0], $0x1  }
0xb5: {  	(v2sf) =	vpush @!p1 v5, $0x0  }
0xb6: {  	(v2sf) =	vpush @!p1 v4, $0x0;
	_ =	sdelay $0xd  }
0xb7: {  	s2 =	spop @!p1 (v2sf)  }
0xb8: {  	s6 =	spop @!p1 (v2sf)  }
0xb9: {  	p2 =	sne.s32 @!p1 s26, s2;
	p3 =	slt.s32 @!p1 s6, $0xF  }
0xba: {  	[sflag:s0] =	ssyncset.done @!p1 $0x0;
	p2 =	por p2, p1;
	p3 =	por !p3, p1  }
0xbb: {  	[sflag:s0] =	ssyncadd.s32 @!p1 $0xFFFFFFFF;
	v4 =	vimm.s32 @!p2 $0xFFFFFFFF;
	s6 =	simm.s32 @p3 $0xF  }
0xbc: {  	[tilespmem:$0x80] =	vst @!p2 v4;
	s2 =	sadd.s32 @!p1 $0x90, s6  }
0xbd: {  	[spmem:s10] =	stream.linear.scatter @!p1 [tilespmem:s2], [sflag:$0x1], $0x1, $0x38;
	[tilespmem:$0xF030] =	vst v63  }
0xbe: {  	_ =	swait.ge @!p1 [sflag:s0], $0x1  }
0xbf: {  	[sflag:s0] =	ssyncset.done @!p1 $0x0  }
0xc0: {  	s2 =	simm.s32 @!p1 $0x80;
	[sflag:s0] =	ssyncadd.s32 @!p1 $0xFFFFFFFF  }
0xc1: {  	[spmem:s15] =	stream.linear.scatter @!p1 [tilespmem:s2], [sflag:$0x1], $0x1, $0x38;
	[tilespmem:$0xF030] =	vst v63  }
0xc2: {  	_ =	swait.ge @!p1 [sflag:s0], $0x1  }
0xc3: {  	[sflag:s0] =	ssyncset.done @!p1 $0x0  }
0xc4: {  	[sflag:s0] =	ssyncadd.s32 @!p1 $0xFFFFFFFF;
	(ifvalue) =	ssetifvalue $0xFFFFFFFF;
	v4 =	vld [tilespmem:s25+$0x10];
	_ =	sdelay $0x3  }
.Ltmp6:
0xc5: {  	_ = 	snop;
	(pc) =	sbr.rel .LBB2_9-.Ltmp6, $3  }
0xc6: {  	_ =	sdelay $0x1  }
0xc7: {  	(ifvalue) =	ssetifvalue $0xFFFFFFFF  }
0xc8: {  	[hbm4b:s1+s16] =	stream.indirect_vreg.scatter [tilespmem:s29], [sflag:$0x9], $0x1, v4, vm0, $0x4038;
	[tilespmem:$0xF030] =	vst v63  }
.LBB2_10:
0xc9: {  	_ =	sfence.sel $0x180000  }
0xca: {  	s0 =	simm.s32 $0x7;
	[bflag:$0x0] =	sbarrier.arrive $0xFFFF  }
0xcb: {  	s26 =	simm.s32 $0x8;
	[sflag:s0] =	ssyncpa.u1 $0x1  }
0xcc: {  	s28 =	simm.s32 $0x9;
	[sflag:s26] =	ssyncpa.u1 $0x1  }
0xcd: {  	[sflag:s28] =	ssyncpa.u1 $0x1  }
0xce: {  	_ =	sfence.stream.spmem  }
0xcf: {  	s29 =	simm.s32 $0x3;
	[bflag:$0x0] =	sbarrier.arrive $0xFFFF  }
0xd0: {  	s30 =	simm.s32 $0x4;
	[sflag:s29] =	ssyncpa.u1 $0x1  }
0xd1: {  	s31 =	simm.s32 $0x3C;
	s2 =	stileid.u32;
	[sflag:s30] =	ssyncpa.u1 $0x1  }
0xd2: {  	p0 =	sne.s32 s2, $0x0;
	[sflag:s31] =	ssyncpa.u1 $0x1  }
0xd3: {  	s0 =	simm.s32 @p0 $0x1;
	_ =	sfence @p0  }
0xd4: {  	[sflag:s0] =	ssyncpa.u1 @p0 $0x1;
	s0 =	simm.s32 @p0 $0x2  }
0xd5: {  	[sflag:s0] =	ssyncpa.u1 @p0 $0x1  }
0xd6: {  	_ =	strace @p0 $0x90000059  }
0xd7: {  	[bflag:$0x2] =	sbarrier.arrive @p0 $0xFFFF  }
0xd8: {  	_ =	shalt @p0  }
.LBB2_11:
0xd9: {  	_ =	sfence.stream.spmem;
	s0 =	simm.s32 $0x5  }
0xda: {  	s2 =	simm.s32 $0x80;
	s3 =	simm.s32 $0xC0;
	[sflag:s0] =	ssyncpa.u1 $0x0  }
0xdb: {  	[tilespmem:s3], [sflag:$0x5] =	stream.linear.gather [spmem:s2], $0x20, $0x38;
	[tilespmem:$0xF030] =	vst v63  }
0xdc: {  	s30 =	simm.s32 $0xE0;
	s2 =	simm.s32 $0x0  }
0xdd: {  	[tilespmem:s30], [sflag:$0x5] =	stream.linear.gather [spmem:s2], $0x20, $0x38;
	[tilespmem:$0xF030] =	vst v63  }
.Ltmp7:
0xde: {  	_ = 	snop;
	(pc) =	sbr.rel .LBB2_12-.Ltmp7, $4  }
0xdf: {  	_ =	swait.ge [sflag:s0], $0x40  }
0xe0: {  	[sflag:s0] =	ssyncset.done $0x0  }
0xe1: {  	s31 =	simm.s32 $0x6;
	[sflag:s0] =	ssyncadd.s32 $0xFFFFFFC0  }
0xe2: {  	s3 =	simm.s32 $0x0;
	[sflag:s31] =	ssyncpa.u1 $0x0  }
.LBB2_17:
0xe3: {  	p0 =	sgt.u32 s4, $0x27FF  }
0xe4: {  	s0 =	sshrl.u32 @!p0 s4, $0x3  }
0xe5: {  	s4 =	sand.u32 @!p0 $0x7, s4;
	s5 =	simm.s32 @!p0 $0xB0;
	s0 =	sadd.s32 @!p0 s1, s0  }
0xe6: {  	[tilespmem:s5], [sflag:$0x6] =	stream.linear.gather @!p0 [hbm4b:s0+s4], $0x1, $0x38;
	[tilespmem:$0xF030] =	vst v63  }
0xe7: {  	s0 =	simm.s32 @!p0 $0x6  }
0xe8: {  	_ =	swait.ge @!p0 [sflag:s0], $0x1  }
0xe9: {  	[sflag:s0] =	ssyncset.done @!p0 $0x0  }
0xea: {  	[sflag:s0] =	ssyncadd.s32 @!p0 $0xFFFFFFFF  }
0xeb: {  	v1 =	vld.msk @!p0 [tilespmem:$0xB0], $0x1  }
0xec: {  	v2 =	vld.msk @!p0 [tilespmem:s3+$0xE0], $0x1;
	_ =	sdelay $0x4  }
0xed: {  	v1 =	vmax.f32 @!p0 v2, v1  }
0xee: {  	[tilespmem:s3+$0xE0] =	vst.msk @!p0 $0x1, v1  }
0xef: {  	[tilespmem:s2+$0xC0] =	vst.msk $0x1, v0  }
0xf0: {  	v0 =	vld.msk [tilespmem:s3+$0xE0], $0x1;
	_ =	sdelay $0x4  }
0xf1: {  	[tilespmem:s2+$0xE0] =	vst.msk $0x1, v0;
	s2 =	sadd.s32 $0x1, s2  }
.LBB2_19:
0xf2: {  	s3 =	sadd.s32 $0x1, s3  }
0xf3: {  	p0 =	sne.s32 s3, $0x20  }
.Ltmp8:
0xf4: {  	_ = 	snop;
	(pc) =	sbr.rel @!p0 .LBB2_20-.Ltmp8, $1  }
0xf5: {  	_ =	sdelay $0x3  }
.LBB2_12:
0xf6: {  	v0 =	vld.msk [tilespmem:s3+$0xC0], $0x1;
	_ =	sdelay $0x4  }
0xf7: {  	(v2sf) =	vpush v0, $0x0;
	_ =	sdelay $0xe  }
0xf8: {  	s4 =	spop (v2sf)  }
0xf9: {  	p0 =	seq.s32 s4, $0xFFFFFFFF  }
.Ltmp9:
0xfa: {  	_ = 	snop;
	(pc) =	sbr.rel @p0 .LBB2_19-.Ltmp9, $1  }
0xfb: {  	_ =	sdelay $0x3  }
0xfc: {  	p0 =	slt.s32 s2, $0x1  }
.Ltmp10:
0xfd: {  	_ = 	snop;
	(pc) =	sbr.rel @p0 .LBB2_17-.Ltmp10, $1  }
0xfe: {  	_ =	sdelay $0x3  }
0xff: {  	s0 =	simm.s32 $0xC0;
	p0 =	por $0x0, $0x0  }
0x100: {  	v1 =	vld.msk @!p0 [tilespmem:s0+$0x0], $0x1;
	_ =	sdelay $0x4  }
0x101: {  	(v2sf) =	vpush @!p0 v1, $0x0;
	_ =	sdelay $0xd  }
0x102: {  	p2 =	sne.s32 s2, $0x1  }
.Ltmp11:
0x103: {  	s5 =	spop @!p0 (v2sf);
	(pc) =	sbr.rel @!p2 .LBB2_16-.Ltmp11, $4  }
0x104: {  	p1 =	seq.s32 @!p0 s4, s5  }
0x105: {  	s5 =	simm.s32 $0x0;
	p1 =	por !p1, p0  }
0x106: {  	s7 =	simm.s32 $0xFFFFFFFF;
	s5 =	simm.s32 @p1 $0xFFFFFFFF  }
0x107: {  	s6 =	simm.s32 $0x1;
	s5 =	smov.u32 @p0 s7  }
.LBB2_15:
0x108: {  	s7 =	smov.u32 s5;
	p0 =	sne.s32 s5, $0xFFFFFFFF  }
0x109: {  	s0 =	sadd.s32 $0x1, s0;
	s5 =	smov.u32 s6;
	s6 =	sadd.s32 $0x1, s6  }
0x10a: {  	p1 =	sne.s32 s2, s6;
	v1 =	vld.msk @!p0 [tilespmem:s0+$0x0], $0x1;
	_ =	sdelay $0x4  }
0x10b: {  	(v2sf) =	vpush @!p0 v1, $0x0;
	_ =	sdelay $0xe  }
.Ltmp12:
0x10c: {  	s8 =	spop @!p0 (v2sf);
	(pc) =	sbr.rel @p1 .LBB2_15-.Ltmp12, $4  }
0x10d: {  	p2 =	seq.s32 @!p0 s4, s8  }
0x10e: {  	p2 =	por !p2, p0  }
0x10f: {  	s5 =	simm.s32 @p2 $0xFFFFFFFF  }
0x110: {  	s5 =	smov.u32 @p0 s7  }
.LBB2_16:
0x111: {  	p0 =	sne.s32 s5, $0xFFFFFFFF  }
.Ltmp13:
0x112: {  	_ = 	snop;
	(pc) =	sbr.rel @!p0 .LBB2_17-.Ltmp13, $1  }
0x113: {  	_ =	sdelay $0x3  }
0x114: {  	v0 =	vld.msk [tilespmem:s3+$0xE0], $0x1  }
0x115: {  	v1 =	vld.msk [tilespmem:s5+$0xE0], $0x1;
	_ =	sdelay $0x1  }
.Ltmp14:
0x116: {  	_ = 	snop;
	(pc) =	sbr.rel .LBB2_19-.Ltmp14, $3  }
0x117: {  	_ =	sdelay $0x1  }
0x118: {  	v0 =	vmax.f32 v1, v0  }
0x119: {  	[tilespmem:s5+$0xE0] =	vst.msk $0x1, v0  }
.LBB2_20:
0x11a: {  	p0 =	slt.s32 s2, $0x1  }
.Ltmp15:
0x11b: {  	_ = 	snop;
	(pc) =	sbr.rel @p0 .LBB2_24-.Ltmp15, $3  }
0x11c: {  	_ =	sdelay $0x1  }
0x11d: {  	s0 =	simm.s32 $0x6  }
0x11e: {  	s3 =	simm.s32 $0x0;
	[sflag:s0] =	ssyncpa.u1 $0x1  }
0x11f: {  	s0 =	simm.s32 $0xC0  }
0x120: {  	v0 =	vld.msk [tilespmem:s0+$0x0], $0x1;
	_ =	sdelay $0x4  }
0x121: {  	(v2sf) =	vpush v0, $0x0;
	_ =	sdelay $0xe  }
0x122: {  	s2 =	sadd.s32 $0xFFFFFFFF, s2;
	s4 =	spop (v2sf)  }
0x123: {  	p1 =	sne.s32 s2, $0x0;
	p0 =	sgt.u32 s4, $0x27FF  }
.Ltmp16:
0x124: {  	s5 =	sshrl.u32 @!p0 s4, $0x3;
	(pc) =	sbr.rel @!p1 .LBB2_23-.Ltmp16, $4  }
0x125: {  	s0 =	simm.s32 $0xE0;
	s4 =	sand.u32 @!p0 $0x7, s4;
	s5 =	sadd.s32 @!p0 s1, s5  }
0x126: {  	[hbm4b:s5+s4] =	stream.linear.scatter @!p0 [tilespmem:s0], [sflag:$0x5], $0x1, $0x38;
	[tilespmem:$0xF030] =	vst v63  }
0x127: {  	s5 =	simm.s32 $0x0  }
0x128: {  	s4 =	simm.s32 $0xC1;
	s5 =	simm.s32 @!p0 $0x4  }
.LBB2_22:
0x129: {  	v0 =	vld.msk [tilespmem:s4+$0x0], $0x1;
	s2 =	sadd.s32 $0xFFFFFFFF, s2;
	s3 =	sadd.s32 s3, s5  }
0x12a: {  	p0 =	sne.s32 s2, $0x0;
	_ =	sdelay $0x3  }
0x12b: {  	(v2sf) =	vpush v0, $0x0;
	_ =	sdelay $0xe  }
.Ltmp17:
0x12c: {  	s6 =	spop (v2sf);
	(pc) =	sbr.rel @p0 .LBB2_22-.Ltmp17, $4  }
0x12d: {  	s5 =	simm.s32 $0x0;
	p1 =	sgt.u32 s6, $0x27FF  }
0x12e: {  	s0 =	sadd.s32 $0x1, s0;
	s5 =	simm.s32 @!p1 $0x4;
	s7 =	sshrl.u32 @!p1 s6, $0x3  }
0x12f: {  	s4 =	sadd.s32 $0x1, s4;
	s6 =	sand.u32 @!p1 $0x7, s6;
	s7 =	sadd.s32 @!p1 s1, s7  }
0x130: {  	[hbm4b:s7+s6] =	stream.linear.scatter @!p1 [tilespmem:s0], [sflag:$0x5], $0x1, $0x38;
	[tilespmem:$0xF030] =	vst v63  }
.LBB2_23:
0x131: {  	s0 =	sadd.s32 s3, s5  }
0x132: {  	s3 =	sshrl.u32 s0, $0x2  }
.LBB2_24:
0x133: {  	s0 =	simm.s32 $0x5  }
0x134: {  	_ =	swait.ge [sflag:s0], s3  }
0x135: {  	s1 =	ssub.s32 $0x0, s3;
	[sflag:s0] =	ssyncset.done $0x0  }
0x136: {  	[sflag:s0] =	ssyncadd.s32 s1  }
0x137: {  	[sflag:s0] =	ssyncpa.u1 $0x1  }
0x138: {  	s29 =	simm.s32 $0x1;
	_ =	sfence  }
0x139: {  	s30 =	simm.s32 $0x2;
	[sflag:s29] =	ssyncpa.u1 $0x1  }
0x13a: {  	[sflag:s30] =	ssyncpa.u1 $0x1  }
0x13b: {  	_ =	strace $0x90000059  }
0x13c: {  	[bflag:$0x2] =	sbarrier.arrive $0xFFFF  }
0x13d: {  	s31 =	rddreg [dreg:$0x2]  }
0x13e: {  	s0 =	sadd.s32 $0x100000, s31  }
0x13f: {  	[sflag:s0] =	ssyncadd.tile.s32 $0x1;
	_ =	shalt  }
.Lfunc_end2:
_tile_overlayer_lowered:
.L_overlay_start_2:
0x140: {  	(tag) =	ssettag $0x2  }
0x141: {  	s0 =	rddreg [dreg:$0x0];
	s2 =	stileid.u32  }
0x142: {  	s1 =	rddreg [dreg:$0x1];
	p0 =	sne.s32 s2, $0x0  }
0x143: {  	s3 =	rddreg [dreg:$0x2];
	[bflag:$0x3] =	sbarrier.arrive $0xFFFF;
	s2 =	simm.s32 @!p0 $0x1C01  }
0x144: {  	[timem:s3], [sflag:s2] =	dma.local @!p0 [hbm:s0], s1  }
0x145: {  	s0 =	simm.s32 @!p0 $0x1  }
0x146: {  	_ =	swait.ge @!p0 [sflag:s0], s1  }
0x147: {  	s1 =	ssub.s32 @!p0 $0x0, s1;
	[sflag:s0] =	ssyncset.done @!p0 $0x0  }
0x148: {  	[sflag:s0] =	ssyncadd.s32 @!p0 s1  }
0x149: {  	[bflag:$0x3] =	sbarrier.arrive $0xFFFF  }
0x14a: {  	_ =	shalt  }

// kernel: scatter_offload_async_start.3
scs
__scs_entry_jumppad:
0x0: {  	(pc) =	sbr.rel $0x88, $3  }
0x1: {  	(tag) =	ssettag $0x0;
	lr =	simm.s32 $0x1  }
0x2: {  	[smem:$0x3F97] =	sst lr;
	_ =	strace $0xD0000000  }
0x3: {  	_ = 	snop  }
0x4: {  	_ = 	snop  }
0x5: {  	_ = 	snop  }
0x6: {  	_ = 	snop  }
0x7: {  	_ = 	snop  }
__scs_overlays_trampoline_lowered:
0x8: {  	[smem:$0x3FA6] =	sst s0  }
0x9: {  	[smem:$0x3FA7] =	sst s1  }
0xa: {  	[smem:$0x3FA8] =	sst s2  }
0xb: {  	[smem:$0x3FA9] =	sst s3  }
0xc: {  	[smem:$0x3FAA] =	sst s4  }
0xd: {  	[smem:$0x3FAB] =	sst s5  }
0xe: {  	[smem:$0x3FAC] =	sst s6  }
0xf: {  	[smem:$0x3FAD] =	sst s7  }
0x10: {  	[smem:$0x3FAE] =	sst s8  }
0x11: {  	[smem:$0x3FAF] =	sst s9;
	s0 =	simm.s32 @!p0 $0x0  }
0x12: {  	s1 =	sld [smem:$0x3F95];
	s0 =	simm.s32 @p0 $0x1  }
0x13: {  	[smem:$0x3FB0] =	sst s0;
	s0 =	simm.s32 @!p1 $0x0  }
0x14: {  	s2 =	sld [smem:$0x3F94];
	s0 =	simm.s32 @p1 $0x1  }
0x15: {  	[smem:$0x3FB1] =	sst s0;
	s0 =	simm.s32 @!p2 $0x0  }
0x16: {  	s3 =	sld [smem:$0x3FDB];
	s0 =	simm.s32 @p2 $0x1  }
0x17: {  	s4 =	simm.s32 $0x1BF5;
	[smem:$0x3FB3] =	sst s0  }
0x18: {  	s0 =	sld [smem:$0x3F96];
	_ =	swait.ge [sflag:s4], $0x0  }
0x19: {  	s7 =	sld [smem:$0x3F97]  }
0x1a: {  	s8 =	sadd.s32 $0xFFFFE003, lr  }
0x1b: {  	s9 =	sadd.s32 $0xFFFFFEF7, lr;
	s5 =	simm.s32 $0xFFFFFFFF;
	p2 =	slt.u32 s8, $0xFFFFF086  }
0x1c: {  	p1 =	slt.u32 s9, $0xF7A;
	s5 =	simm.s32 @!p2 $0x0  }
0x1d: {  	s5 =	simm.s32 @p1 $0x1;
	p0 =	seq.s32 s7, s2  }
0x1e: {  	s7 =	smul.u32 @!p0 $0xF7A, s2;
	p2 =	seq.s32 @!p0 s5, $0x0  }
0x1f: {  	s9 =	smul.u32 $0xF7A, s1;
	s8 =	simm.s32 @!p0 $0x1BF5;
	p2 =	por !p2, p0  }
0x20: {  	[sflag:s8] =	ssyncset.s32 @!p0 $0xFFFFF086;
	s6 =	sadd.s32 @!p0 s3, s7;
	s7 =	simm.s32 @!p0 $0x108  }
0x21: {  	s3 =	sadd.s32 s3, s9;
	s6 =	sadd.s32 @!p0 $0x88, s6;
	s7 =	simm.s32 @p2 $0x1082  }
0x22: {  	[simem:s7], [sflag:s8] =	dma.local @!p0 [hbm:s6], $0xF7A  }
0x23: {  	s9 =	sor.u32 $0xD0000000, s2;
	s6 =	simm.s32 $0x108;
	_ =	swait.ge @!p0 [sflag:s8], $0x0  }
0x24: {  	s3 =	sadd.s32 $0x88, s3;
	s6 =	simm.s32 @!p1 $0x1082;
	[sflag:s4] =	ssyncset.s32 $0xFFFFF086  }
0x25: {  	[simem:s6], [sflag:s4] =	dma.local [hbm:s3], $0xF7A  }
0x26: {  	[smem:$0x3F97] =	sst s1;
	(tag) =	ssettag s2;
	_ =	strace s9  }
0x27: {  	s1 =	sld [smem:$0x3FA7]  }
0x28: {  	s2 =	sld [smem:$0x3FA8]  }
0x29: {  	s4 =	sld [smem:$0x3FAA]  }
0x2a: {  	p0 =	seq.s32 s5, $0x0;
	s5 =	sld [smem:$0x3FAB]  }
0x2b: {  	s6 =	sld [smem:$0x3FAC]  }
0x2c: {  	s7 =	sld [smem:$0x3FAD]  }
0x2d: {  	s3 =	simm.s32 $0x108;
	s8 =	sld [smem:$0x3FAE]  }
0x2e: {  	s3 =	simm.s32 @!p0 $0x1082;
	s9 =	sld [smem:$0x3FAF]  }
0x2f: {  	lr =	sadd.s32 s0, s3;
	s0 =	sld [smem:$0x3FA6]  }
0x30: {  	s3 =	sld [smem:$0x3FA9]  }
0x31: {  	[smem:$0x3FB2] =	sst s10  }
0x32: {  	s10 =	sld [smem:$0x3FB0];
	_ =	sdelay $0x3  }
0x33: {  	p0 =	seq.s32 s10, $0x1;
	s10 =	sld [smem:$0x3FB2];
	_ =	sdelay $0x3  }
0x34: {  	[smem:$0x3FB2] =	sst s10  }
0x35: {  	s10 =	sld [smem:$0x3FB1];
	_ =	sdelay $0x3  }
0x36: {  	p1 =	seq.s32 s10, $0x1;
	s10 =	sld [smem:$0x3FB2];
	_ =	sdelay $0x3  }
0x37: {  	[smem:$0x3FB2] =	sst s10  }
0x38: {  	s10 =	sld [smem:$0x3FB3]  }
0x39: {  	_ = 	snop;
	(pc) =	sbr.ind lr, $3  }
0x3a: {  	_ = 	snop  }
0x3b: {  	_ = 	snop  }
0x3c: {  	p2 =	seq.s32 s10, $0x1;
	s10 =	sld [smem:$0x3FB2]  }
0x3d: {  	_ =	shalt  }
0x3e: {  	_ =	shalt  }
0x3f: {  	_ =	shalt  }
0x40: {  	_ =	shalt  }
0x41: {  	_ =	shalt  }
0x42: {  	_ =	shalt  }
0x43: {  	_ =	shalt  }
0x44: {  	_ =	shalt  }
0x45: {  	_ =	shalt  }
0x46: {  	_ =	shalt  }
0x47: {  	_ =	shalt  }
0x48: {  	_ =	shalt  }
0x49: {  	_ =	shalt  }
0x4a: {  	_ =	shalt  }
0x4b: {  	_ =	shalt  }
0x4c: {  	_ =	shalt  }
0x4d: {  	_ =	shalt  }
0x4e: {  	_ =	shalt  }
0x4f: {  	_ =	shalt  }
0x50: {  	_ =	shalt  }
0x51: {  	_ =	shalt  }
0x52: {  	_ =	shalt  }
0x53: {  	_ =	shalt  }
0x54: {  	_ =	shalt  }
0x55: {  	_ =	shalt  }
0x56: {  	_ =	shalt  }
0x57: {  	_ =	shalt  }
0x58: {  	_ =	shalt  }
0x59: {  	_ =	shalt  }
0x5a: {  	_ =	shalt  }
0x5b: {  	_ =	shalt  }
0x5c: {  	_ =	shalt  }
0x5d: {  	_ =	shalt  }
0x5e: {  	_ =	shalt  }
0x5f: {  	_ =	shalt  }
0x60: {  	_ =	shalt  }
0x61: {  	_ =	shalt  }
0x62: {  	_ =	shalt  }
0x63: {  	_ =	shalt  }
0x64: {  	_ =	shalt  }
0x65: {  	_ =	shalt  }
0x66: {  	_ =	shalt  }
0x67: {  	_ =	shalt  }
0x68: {  	_ =	shalt  }
0x69: {  	_ =	shalt  }
0x6a: {  	_ =	shalt  }
0x6b: {  	_ =	shalt  }
0x6c: {  	_ =	shalt  }
0x6d: {  	_ =	shalt  }
0x6e: {  	_ =	shalt  }
0x6f: {  	_ =	shalt  }
0x70: {  	_ =	shalt  }
0x71: {  	_ =	shalt  }
0x72: {  	_ =	shalt  }
0x73: {  	_ =	shalt  }
0x74: {  	_ =	shalt  }
0x75: {  	_ =	shalt  }
0x76: {  	_ =	shalt  }
0x77: {  	_ =	shalt  }
0x78: {  	_ =	shalt  }
0x79: {  	_ =	shalt  }
0x7a: {  	_ =	shalt  }
0x7b: {  	_ =	shalt  }
0x7c: {  	_ =	shalt  }
0x7d: {  	_ =	shalt  }
0x7e: {  	_ =	shalt  }
0x7f: {  	_ =	shalt  }
0x80: {  	_ =	shalt  }
0x81: {  	_ =	shalt  }
0x82: {  	_ =	shalt  }
0x83: {  	_ =	shalt  }
0x84: {  	_ =	shalt  }
0x85: {  	_ =	shalt  }
0x86: {  	_ =	shalt  }
0x87: {  	_ =	shalt  }
.Lfunc_end0:
.L_simem_size_0:
called_computation.3_lowered:
.L_overlay_start_0:
0x88: {  	s0 =	sld [smem:$0x3FD9]  }
0x89: {  	s1 =	sld [smem:$0x3FFE];
	_ =	sdelay $0x3  }
0x8a: {  	s0 =	sadd.s32 s1, s0  }
0x8b: {  	[smem:$0x3FBE] =	sst s0  }
0x8c: {  	_ = 	snop  }
0x8d: {  	(tm) =	ssettm $0x1  }
0x8e: {  	s15 =	sld [smem:$0x3FFB];
	_ =	sdelay $0x3  }
0x8f: {  	_ =	strace s15  }
0x90: {  	s0 =	sld [smem:$0x3FFC];
	_ =	sdelay $0x3  }
0x91: {  	_ =	strace s0  }
0x92: {  	s0 =	sld [smem:$0x3FFD];
	_ =	sdelay $0x3  }
0x93: {  	_ =	strace s0  }
0x94: {  	_ =	strace $0x8FFFFFFF  }
0x95: {  	s16 =	sld [smem:$0x3FDB];
	_ =	sdelay $0x1  }
0x96: {  	s17 =	simm.s32 $_scs_section_size  }
0x97: {  	s2 =	simm.s32 $_size__tile_overlayer_lowered;
	s3 =	simm.s32 $_tile_overlayer_lowered  }
0x98: {  	s20 =	simm.s32 $0x1BFF;
	s19 =	sshll.u32 s3, $0x1;
	s0 =	sadd.s32 s17, s16  }
0x99: {  	s4 =	simm.s32 $0x0;
	s18 =	sshll.u32 s2, $0x1;
	s2 =	sadd.s32 s19, s0  }
0x9a: {  	[timem:s4], [sflag:s20] =	dma.local [hbm:s2], s18  }
0x9b: {  	_ =	swait.ge [sflag:s20], s18  }
0x9c: {  	s1 =	ssub.s32 $0x0, s18;
	[sflag:s20] =	ssyncset.done $0x0  }
0x9d: {  	[sflag:s20] =	ssyncadd.s32 s1;
	_ =	sdelay $0x1  }
0x9e: {  	s21 =	simm.s32 $0x1B8B  }
0x9f: {  	_ =	swait.ge [sflag:s21], $0x1  }
0xa0: {  	[sflag:s21] =	ssyncset.done $0x0  }
0xa1: {  	s23 =	simm.s32 $0x1B8E;
	s22 =	sld [smem:$0x3FFE];
	[sflag:s21] =	ssyncadd.s32 $0xFFFFFFFF  }
0xa2: {  	s24 =	simm.s32 $execute0_lowered;
	[smem:$0x3FD2] =	sst s23  }
0xa3: {  	s2 =	sshll.u32 s24, $0x1;
	_ =	strace $0x8000005B;
	[dreg:$0x1] =	wrdreg $0xFFFFFFFF  }
0xa4: {  	s25 =	simm.s32 $_size_execute0_lowered;
	s0 =	sadd.s32 s0, s2;
	[dreg:$0x0] =	wrdreg $0x0  }
0xa5: {  	s2 =	sshll.u32 s25, $0x1;
	[dreg:$0x2] =	wrdreg s0  }
0xa6: {  	[dreg:$0x3] =	wrdreg s2  }
0xa7: {  	[dreg:$0x4] =	wrdreg $0xC0  }
0xa8: {  	_ =	task [dreg:s4], $0x5FFFF  }
0xa9: {  	[dreg:$0x1] =	wrdreg $0xFFFFFFFF  }
0xaa: {  	[dreg:$0x0] =	wrdreg $0x60  }
0xab: {  	[dreg:$0x2] =	wrdreg s22  }
0xac: {  	[dreg:$0x3] =	wrdreg $0x9  }
0xad: {  	_ =	task.clear_ibuf [dreg:s4], $0x4FFFF;
	_ =	strace $0x9000005B  }
0xae: {  	s26 =	simm.s32 $0x9;
	_ =	strace $0x8000005D  }
0xaf: {  	_ =	swait.ge [sflag:s26], $0x1  }
0xb0: {  	[sflag:s26] =	ssyncadd.s32 $0xFFFFFFFF  }
0xb1: {  	_ =	strace $0x9000005D  }
0xb2: {  	_ =	sfence  }
0xb3: {  	s28 =	sld [smem:$0x0];
	_ =	sdelay $0x1  }
0xb4: {  	s29 =	srdreg.scid  }
0xb5: {  	s30 =	sshll.u32 s29, $0xD;
	s31 =	sshrl.u32 s29, $0x2  }
0xb6: {  	s1 =	sand.u32 $0x1, s29;
	s2 =	sand.u32 $0x4000, s30;
	s0 =	sadd.s32 s31, s28  }
0xb7: {  	s1 =	sor.u32 s2, s1;
	s0 =	sshll.u32 s0, $0x11  }
0xb8: {  	s0 =	sor.u32 s0, s1  }
0xb9: {  	s0 =	sadd.s32 $0x8F2B, s0  }
0xba: {  	[sflag:s0] =	ssyncadd.remote.s32 $0x1  }
0xbb: {  	_ =	sfence.sel $0xFFFF  }
0xbc: {  	[dreg:$0x0] =	wrdreg $0xFFFFFFFF;
	(pc) =	sbr.abs _section_cstart, $3  }
0xbd: {  	[dreg:$0x1] =	wrdreg $0xFFFFFFFF  }
0xbe: {  	_ =	task.clear_ibuf [dreg:s4], $0x2FFFF;
	_ =	strace $0x9FFFFFFF  }
0xbf: {  	(tm) =	ssettm $0x7FFFFFFF  }
tec
execute0_lowered:
.L_overlay_start_1:
0x0: {  	(tag) =	ssettag $0x1  }
0x1: {  	s0 =	rddreg [dreg:$0x0]  }
0x2: {  	s6 =	stileid.u32;
	_ =	strace $0x8000005C;
	s2 =	simm.s32 $0x1  }
0x3: {  	v1 =	vimm.s32 $0xFFFFFFFF;
	s1 =	smin.u32 s6, $0x9;
	[sflag:s2] =	ssyncpa.u1 $0x0  }
0x4: {  	s1 =	sadd.s32 s6, s1;
	[tilespmem:$0x10] =	vst v1  }
0x5: {  	v0 =	vimm.f32 $0.0e+00;
	p0 =	slt.u32 s6, $0x9;
	[tilespmem:$0x20] =	vst v1;
	s3 =	smul.u32 $0x1A90, s1;
	s1 =	simm.s32 $0x3520  }
0x6: {  	[tilespmem:$0x30] =	vst v0;
	s1 =	simm.s32 @!p0 $0x1A90  }
0x7: {  	[tilespmem:$0x40] =	vst v0;
	s1 =	sadd.s32 s1, s3  }
0x8: {  	[tilespmem:$0x50] =	vst v0;
	s4 =	smin.u32 s1, $0x29810  }
0x9: {  	s7 =	simm.s32 $0x2;
	[tilespmem:$0x60] =	vst v1;
	s9 =	ssub.s32 s4, s3  }
0xa: {  	s8 =	simm.s32 $0x8;
	s31 =	simm.s32 $0x9;
	[tilespmem:$0x70] =	vst v1;
	p0 =	sgt.s32 s9, $0x0  }
0xb: {  	s16 =	simm.s32 $0x0;
	s17 =	simm.s32 $0xF0;
	[tilespmem:$0x80] =	vst v1;
	s9 =	simm.s32 @!p0 $0x0  }
0xc: {  	s18 =	simm.s32 $0xFFFFFFFF;
	s19 =	simm.s32 $0xFFFFCBE0;
	v1 =	vimm.s32 $0x0;
	[tilespmem:$0xB0] =	vst v0;
	s5 =	smulhi.u32 $0x134679AD, s9  }
0xd: {  	s20 =	simm.s32 $0xFFFFFFFE;
	s21 =	simm.s32 $0xF;
	s25 =	simm.s32 $0x0;
	[tilespmem:$0x90] =	vst v1  }
0xe: {  	[tilespmem:$0xA0] =	vst v1;
	[sflag:s7] =	ssyncpa.u1 $0x0;
	s7 =	simm.s32 $0x7;
	s10 =	sshrl.u32 s5, $0x9  }
0xf: {  	s24 =	simm.s32 $0x0;
	[sflag:s7] =	ssyncpa.u1 $0x0;
	s11 =	smul.u32 $0x1A90, s10  }
0x10: {  	s14 =	sshllo.u32 s6, $0x1;
	[sflag:s8] =	ssyncpa.u1 $0x0;
	s23 =	smov.u32 s3  }
.Ltmp0:
0x11: {  	s1 =	sadd.s32 $0x15200, s0;
	p0 =	sne.s32 s9, s11;
	(pc) =	sbr.rel .LBB2_1-.Ltmp0, $4  }
0x12: {  	s5 =	sadd.s32 $0xFE00, s0;
	s0 =	sadd.s32 $0x200, s0;
	s2 =	simm.s32 @!p0 $0x0  }
0x13: {  	[sflag:s31] =	ssyncpa.u1 $0x0;
	[dreg:$0x2] =	wrdreg s0;
	s9 =	sadd.s32 s2, s10  }
0x14: {  	vm0 =	vmmov $0xffff;
	v2 =	vlaneseq.u32;
	p0 =	por $0x0, $0x0;
	s10 =	sshll.u32 s6, $0x1;
	s11 =	sadd.s32 $0x1, s9  }
0x15: {  	vm1 =	vmxor vm1, vm1;
	vm2 =	vmmov $0x1;
	vm3 =	vcmask $0x3F3C;
	s12 =	sadd.s32 $0x2, s9;
	s13 =	sor.u32 $0x81, s10;
	s15 =	sor.u32 $0x80, s10  }
.LBB2_9:
0x16: {  	p1 =	slt.u32 s24, $0x3  }
0x17: {  	s0 =	simm.s32 @!p1 $0x2  }
0x18: {  	_ =	swait.ge @!p1 [sflag:s0], $0x1A90  }
0x19: {  	[sflag:s0] =	ssyncset.done @!p1 $0x0  }
0x1a: {  	[sflag:s0] =	ssyncadd.s32 @!p1 $0xFFFFE570;
	s0 =	simm.s32 @!p1 $0x9  }
0x1b: {  	_ =	swait.ge @!p1 [sflag:s0], $0x10  }
0x1c: {  	[sflag:s0] =	ssyncset.done @!p1 $0x0  }
0x1d: {  	[sflag:s0] =	ssyncadd.s32 @!p1 $0xFFFFFFF0;
	p1 =	sne.s32 s24, s12  }
.Ltmp1:
0x1e: {  	s2 =	sadd.s32 $0x1A90, s23;
	(pc) =	sbr.rel @!p1 .LBB2_10-.Ltmp1, $4  }
0x1f: {  	s6 =	smov.u32 s3;
	s31 =	sadd.s32 $0x1, s24;
	s17 =	sadd.s32 $0x1A90, s17  }
0x20: {  	s18 =	sadd.s32 $0x1, s18;
	s25 =	smov.u32 s23;
	p2 =	slt.s32 s2, s4  }
0x21: {  	p0 =	por !p0, !p0;
	s19 =	sadd.s32 $0x1A90, s19;
	s6 =	smov.u32 @p2 s2  }
0x22: {  	s20 =	sadd.s32 $0x1, s20;
	s23 =	smov.u32 s6;
	s24 =	smov.u32 s31  }
.LBB2_1:
0x23: {  	p1 =	sge.u32 s24, s9  }
0x24: {  	s0 =	smulhi.u32 @!p1 $0xAAAAAAAB, s24;
	_ =	sdelay $0x1  }
0x25: {  	s0 =	sshrl.u32 @!p1 s0, $0x1  }
0x26: {  	s0 =	smul.u32 @!p1 $0x3, s0;
	_ =	sdelay $0x1  }
0x27: {  	s0 =	ssub.s32 @!p1 s24, s0  }
0x28: {  	s0 =	smul.u32 @!p1 $0x6A40, s0;
	_ =	sdelay $0x1  }
0x29: {  	s2 =	sshrl.u32 @!p1 s23, $0x3;
	s0 =	sshrl.u32 @!p1 s0, $0x2  }
0x2a: {  	s22 =	sand.u32 @!p1 $0x7, s23;
	s2 =	sadd.s32 @!p1 s5, s2;
	s0 =	sadd.s32 @!p1 $0x100, s0  }
0x2b: {  	[tilespmem:s0], [sflag:$0x7] =	stream.linear.gather @!p1 [hbm4b:s2+s22], $0x1A90, $0x38;
	[tilespmem:$0xF030] =	vst v63  }
0x2c: {  	s0 =	sadd.s32 $0xFFFFFFFF, s24  }
0x2d: {  	p1 =	sge.u32 s0, s9  }
.Ltmp2:
0x2e: {  	_ = 	snop;
	(pc) =	sbr.rel @p1 .LBB2_5-.Ltmp2, $1  }
0x2f: {  	_ =	sdelay $0x3  }
0x30: {  	s2 =	smulhi.u32 $0xAAAAAAAB, s0;
	_ =	sdelay $0x1  }
0x31: {  	s2 =	sshrl.u32 s2, $0x1  }
0x32: {  	s2 =	smul.u32 $0x3, s2;
	_ =	sdelay $0x1  }
0x33: {  	s2 =	ssub.s32 s0, s2  }
0x34: {  	s2 =	smul.u32 $0x6A40, s2  }
0x35: {  	_ =	swait.ge [sflag:s7], $0x1A90  }
0x36: {  	[sflag:s7] =	ssyncset.done $0x0;
	s2 =	sshrl.u32 s2, $0x2  }
0x37: {  	[sflag:s7] =	ssyncadd.s32 $0xFFFFE570;
	(ifvalue) =	ssetifvalue $0xFFFFFFFF;
	v3 =	vld.msk [tilespmem:s2+$0x100 ss:$0x1], $0xffff;
	_ =	sdelay $0x2  }
0x38: {  	s30 =	smulhi.u32 $0xAAAAAAAB, s18;
	p1 =	sne.s32 s24, $0x1  }
0x39: {  	v4 =	vimm.s32 @!p1 $0x0  }
0x3a: {  	s2 =	sshrl.u32 s30, $0x1;
	v4 =	vperm.xlane @!p1 v3, v4  }
0x3b: {  	s22 =	sshll.u32 s24, $0x4;
	s2 =	smul.u32 $0xFFFEC140, s2;
	vm4 =	vlt.u32 v3, $0x2800  }
0x3c: {  	s22 =	sand.u32 $0x10, s22;
	v3 =	vnsel vm4, $0xFFFFFFFE, v3;
	vm4 =	vlt.u32 @!p1 v4, $0x2800  }
0x3d: {  	s2 =	sshra.s32 s2, $0x2;
	[tilespmem:s22+$0x60] =	vst v3;
	v3 =	vnsel @!p1 vm4, $0xFFFFFFFE, v4  }
0x3e: {  	s28 =	sadd.s32 s2, s17;
	[tilespmem:$0x80] =	vst @!p1 v3  }
0x3f: {  	v3 =	vld.msk [tilespmem:s28+$0x0 ss:$0x1], $0xffff;
	_ =	sdelay $0x4  }
0x40: {  	(xrf1) =	vunique.msk.u32 $0xffff, v3;
	_ =	sdelay $0xd  }
0x41: {  	v4 =	vimm.s32 $0xFFFFFFFF;
	v5, _, _ =	vpop (xrf1)  }
0x42: {  	vm5 =	vne.s32 v3, v4;
	vm4 =	veq.s32 v5, v2  }
0x43: {  	vm6 =	vlt.u32 v3, $0x2800;
	vm4 =	vmand vm5, vm4  }
0x44: {  	vm4 =	vmand vm6, vm4  }
0x45: {  	v4 =	vnsel vm4, $0xFFFFFFFF, v3  }
0x46: {  	s31 =	sand.u32 $0x1, s0  }
0x47: {  	s0 =	simm.s32 $0x1A90;
	p1 =	seq.s32 s31, $0x1  }
0x48: {  	s0 =	simm.s32 @!p1 $0x0  }
0x49: {  	s26 =	sadd.s32 $0x6B30, s0;
	(ifvalue) =	ssetifvalue $0xFFFFFFFF  }
0x4a: {  	v3 =	vperm.xlane v3, v1;
	[tilespmem:s26], [sflag:$0x8] =	stream.indirect_vreg.gather [hbm4b:s1+s16], $0x1, v4, vm0, $0x4038;
	v4 =	vnsel vm6, $0xFFFFFFFE, v4;
	[tilespmem:$0xF030] =	vst v63  }
0x4b: {  	s2 =	simm.s32 $0x0;
	s22 =	sadd.s32 $0xFFFFFFF0, s28;
	[tilespmem:s28+$0x0] =	vst v4  }
.LBB2_3:
0x4c: {  	v4 =	vld.msk [tilespmem:s22+$0x0 ss:$0x1], $0xffff;
	s2 =	sadd.s32 $0x10, s2;
	v5 =	vmov v3;
	s28 =	smov.u32 s22  }
0x4d: {  	p1 =	slt.u32 s2, $0x1A80;
	_ =	sdelay $0x4  }
0x4e: {  	v3 =	vperm.xlane v4, v1;
	(xrf1) =	vunique.msk.u32 $0xffff, v4;
	_ =	sdelay $0xd  }
0x4f: {  	v6, _, _ =	vpop (xrf1)  }
0x50: {  	vm5 =	vne.s32 v4, v5;
	vm4 =	veq.s32 v6, v2  }
0x51: {  	vm6 =	vlt.u32 v4, $0x2800;
	vm4 =	vmand vm5, vm4  }
0x52: {  	vm4 =	vmand vm6, vm4  }
0x53: {  	v4 =	vnsel vm4, $0xFFFFFFFF, v4  }
.Ltmp3:
0x54: {  	v5 =	vnsel vm6, $0xFFFFFFFE, v4;
	(pc) =	sbr.rel @p1 .LBB2_3-.Ltmp3, $3  }
0x55: {  	_ =	sdelay $0x1  }
0x56: {  	s22 =	sadd.s32 $0xFFFFFFF0, s22;
	s26 =	sadd.s32 $0xFFFFFFF0, s26;
	(ifvalue) =	ssetifvalue $0xFFFFFFFF  }
0x57: {  	[tilespmem:s26], [sflag:$0x8] =	stream.indirect_vreg.gather [hbm4b:s1+s16], $0x1, v4, vm0, $0x4038;
	[tilespmem:s28+$0x0] =	vst v5  }
0x58: {  	s2 =	sshrl.u32 s25, $0x3;
	s6 =	rddreg [dreg:$0x2]  }
0x59: {  	s0 =	sadd.s32 $0x85D0, s0;
	s2 =	sadd.s32 s6, s2  }
0x5a: {  	[tilespmem:s0], [sflag:$0x8] =	stream.linear.gather [hbm:s2], $0x1A90, $0x38;
	[tilespmem:$0xF030] =	vst v63  }
.LBB2_5:
0x5b: {  	p1 =	slt.u32 s24, $0x2  }
0x5c: {  	p2 =	sge.u32 @!p1 s24, s12  }
0x5d: {  	p1 =	por p1, p2  }
.Ltmp4:
0x5e: {  	_ = 	snop;
	(pc) =	sbr.rel @p1 .LBB2_9-.Ltmp4, $1  }
0x5f: {  	_ =	sdelay $0x3  }
0x60: {  	s0 =	sadd.s32 $0xFFFFFFFE, s24  }
0x61: {  	s2 =	smulhi.u32 $0xAAAAAAAB, s0;
	_ =	sdelay $0x1  }
0x62: {  	s2 =	sshrl.u32 s2, $0x1  }
0x63: {  	s2 =	smul.u32 $0x3, s2;
	_ =	sdelay $0x1  }
0x64: {  	s0 =	ssub.s32 s0, s2  }
0x65: {  	_ =	swait.ge [sflag:s8], $0x3520;
	s0 =	smul.u32 $0x1A90, s0  }
0x66: {  	p1 =	sne.s32 s24, s11;
	[sflag:s8] =	ssyncset.done $0x0  }
0x67: {  	[sflag:s8] =	ssyncadd.s32 $0xFFFFCAE0;
	s2 =	sadd.s32 @!p1 $0x1B8F, s0  }
0x68: {  	[spmem:s13] =	stream.linear.scatter @!p1 [tilespmem:s2], [sflag:$0x1], $0x1, $0x38;
	[tilespmem:$0xF030] =	vst v63  }
0x69: {  	s2 =	simm.s32 @!p1 $0x1  }
0x6a: {  	_ =	swait.ge @!p1 [sflag:s2], $0x1  }
0x6b: {  	s22 =	sshll.u32 s24, $0x4;
	[sflag:s2] =	ssyncset.done @!p1 $0x0  }
0x6c: {  	s25 =	sand.u32 $0x10, s22;
	[sflag:s2] =	ssyncadd.s32 @!p1 $0xFFFFFFFF  }
0x6d: {  	s2 =	sxor.u32 $0x10, s25;
	v4 =	vld [tilespmem:s25+$0x10]  }
0x6e: {  	v5 =	vld [tilespmem:s2+$0x60]  }
0x6f: {  	v3 =	vld [tilespmem:$0x80];
	_ =	sdelay $0x2  }
0x70: {  	(v2sf) =	vpush v4, $0x0  }
0x71: {  	(v2sf) =	vpush v5, $0x0  }
0x72: {  	(v2sf) =	vpush v3, $0x0;
	_ =	sdelay $0xc  }
0x73: {  	s6 =	spop (v2sf)  }
0x74: {  	s28 =	spop (v2sf)  }
0x75: {  	s26 =	spop (v2sf)  }
0x76: {  	p2 =	seq.s32 s6, s28;
	p3 =	seq.s32 s26, s6  }
0x77: {  	p3 =	por p2, p3  }
0x78: {  	s6 =	sand.u32 $0x1, s24;
	v4 =	vpsel p3, $0xFFFFFFFF, v4  }
0x79: {  	s28 =	smul.u32 $0x1A90, s6;
	[tilespmem:s25+$0x10] =	vst.msk $0x1, v4  }
0x7a: {  	v4 =	vld [tilespmem:$0x30]  }
0x7b: {  	v5 =	vld [tilespmem:s28+$0x85D0]  }
0x7c: {  	v6 =	vld [tilespmem:s25+$0x40];
	_ =	sdelay $0x3  }
0x7d: {  	vm4 =	vmmov vm1;
	v5 =	vadd.f32 v5, v4  }
0x7e: {  	vm5 =	vmmov vm2;
	vm4 =	vmmov @p2 vm2;
	v4 =	vadd.f32 v6, v4  }
0x7f: {  	s22 =	sshll.u32 s6, $0x4;
	vm5 =	vmmov @p3 vm1;
	[tilespmem:s28+$0x85D0] =	vst.msk vm4, v5  }
0x80: {  	[tilespmem:s22+$0xF010] =	vst.msk vm5, v4  }
0x81: {  	v4 =	vld [tilespmem:s28+$0x6B30];
	_ =	sdelay $0x3  }
0x82: {  	v5 =	vimm.f32 $0.0e+00  }
0x83: {  	v4 =	vshift.insert v4, v5, s21  }
0x84: {  	s29 =	sor.u32 $0x40, s2  }
0x85: {  	[tilespmem:s29+$0x0] =	vst.msk $0x1, v4  }
0x86: {  	[tilespmem:s28+$0x6B3F] =	vst.msk $0x1, v5  }
0x87: {  	v4 =	vld [tilespmem:s0+$0x1B80];
	_ =	sdelay $0x1  }
0x88: {  	s29 =	smulhi.u32 $0xAAAAAAAB, s20;
	s0 =	simm.s32 $0x1  }
0x89: {  	s0 =	simm.s32 @!p0 $0x0  }
0x8a: {  	s29 =	sshrl.u32 s29, $0x1;
	s0 =	smul.u32 $0x6A40, s0  }
0x8b: {  	s29 =	smul.u32 $0xFFFEC140, s29;
	v4 =	vshift.insert v4, v1, s21  }
0x8c: {  	s0 =	sshrl.u32 s0, $0x2  }
0x8d: {  	s29 =	sshra.s32 s29, $0x2;
	s30 =	sadd.s32 $0x85D0, s0;
	[tilespmem:s2+$0x10] =	vst.msk $0x1, v4  }
0x8e: {  	s6 =	sadd.s32 s29, s19;
	v6 =	vld [tilespmem:s30+$0x0]  }
0x8f: {  	v7 =	vld [tilespmem:s6+$0x0];
	_ =	sdelay $0x3  }
0x90: {  	v5 =	vadd.f32 v6, v5  }
0x91: {  	vm4 =	vne.s32 v7, $0xFFFFFFFF  }
0x92: {  	(xrf2) =	vadd.seg.scan.f32 vm4, v5;
	_ =	sdelay $0x3  }
0x93: {  	s31 =	sadd.s32 $0x50B0, s0;
	v5 =	vperm.xlane v4, v1  }
0x94: {  	v6 =	vld [tilespmem:s31+$0x0]  }
0x95: {  	vm5 =	veq.s32 v7, v3;
	vm6 =	veq.s32 v7, v5  }
0x96: {  	vm7 =	vgt.u32 v7, $0xFFFFFFFD;
	vm6 =	vmor vm6, vm5  }
0x97: {  	vm6 =	vmor vm6, vm7  }
0x98: {  	v9 =	vld [tilespmem:$0xA0];
	v7 =	vsel vm6, $0xFFFFFFFF, v7  }
0x99: {  	v10 =	vld [tilespmem:$0x90];
	v6 =	vsel vm5, $0x0, v6;
	v8, _, _ =	vpop (xrf2)  }
0x9a: {  	v6 =	vadd.f32 v8, v6  }
0x9b: {  	s0 =	sadd.s32 $0xBAF0, s0  }
0x9c: {  	vm4 =	vmand vm4, vm3;
	[tilespmem:s0+$0x0] =	vst v6;
	(ifvalue) =	ssetifvalue $0xFFFFFFFF  }
0x9d: {  	vm6 =	veq.s32 v9, $0x1;
	[hbm4b:s1+s16] =	stream.indirect_vreg.scatter [tilespmem:s0], [sflag:$0x2], $0x1, v7, vm0, $0x4038;
	v7 =	vsel vm4, $0x0, v8;
	[tilespmem:$0xF030] =	vst v63  }
0x9e: {  	s29 =	sadd.s32 $0xF010, s22;
	s22 =	sadd.s32 $0x10, s6;
	s2 =	simm.s32 $0x0;
	vm4 =	vmor vm6, vm5;
	v6 =	vsel vm5, v8, v10;
	v7 =	vshift.insert v7, v0, s21  }
.LBB2_7:
0x9f: {  	v8 =	vld [tilespmem:s22+$0x0];
	s30 =	sadd.s32 $0x10, s30  }
0xa0: {  	s31 =	sadd.s32 $0x10, s31;
	v9 =	vld [tilespmem:s30+$0x0]  }
0xa1: {  	s2 =	sadd.s32 $0x10, s2;
	v10 =	vld [tilespmem:s31+$0x0]  }
0xa2: {  	p2 =	slt.u32 s2, $0x1A80;
	_ =	sdelay $0x2  }
0xa3: {  	v7 =	vadd.f32 v9, v7  }
0xa4: {  	vm5 =	vne.s32 v8, $0xFFFFFFFF  }
0xa5: {  	vm6 =	vmand vm5, vm3;
	(xrf2) =	vadd.seg.scan.f32 vm5, v7;
	_ =	sdelay $0x5  }
0xa6: {  	vm7 =	veq.s32 v8, v5;
	vm5 =	veq.s32 v8, v3  }
0xa7: {  	vm8 =	vgt.u32 v8, $0xFFFFFFFD;
	vm4 =	vmor vm4, vm5;
	vm7 =	vmor vm7, vm5  }
0xa8: {  	vm7 =	vmor vm7, vm8  }
0xa9: {  	v8 =	vsel vm7, $0xFFFFFFFF, v8  }
.Ltmp5:
0xaa: {  	v7 =	vsel vm5, $0x0, v10;
	v9, _, _ =	vpop (xrf2);
	(pc) =	sbr.rel @p2 .LBB2_7-.Ltmp5, $4  }
0xab: {  	v6 =	vsel vm5, v9, v6;
	v10 =	vadd.f32 v9, v7;
	v7 =	vsel vm6, $0x0, v9  }
0xac: {  	s0 =	sadd.s32 $0x10, s0;
	v7 =	vshift.insert v7, v0, s21  }
0xad: {  	s22 =	sadd.s32 $0x10, s22;
	[tilespmem:s0+$0x0] =	vst v10;
	(ifvalue) =	ssetifvalue $0xFFFFFFFF  }
0xae: {  	[hbm4b:s1+s16] =	stream.indirect_vreg.scatter [tilespmem:s0], [sflag:$0x2], $0x1, v8, vm0, $0x4038;
	[tilespmem:$0xF030] =	vst v63  }
0xaf: {  	v3 =	vld [tilespmem:s28+$0xD570];
	_ =	sdelay $0x4  }
0xb0: {  	v3 =	vshift.insert v3, v0, s21  }
0xb1: {  	s0 =	simm.s32 $0x30  }
0xb2: {  	[tilespmem:s0+$0x0] =	vst.msk $0x1, v3  }
0xb3: {  	v3 =	vsel vm4, $0x1, v1;
	[tilespmem:$0x90] =	vst v6  }
0xb4: {  	s0 =	sadd.s32 @!p1 $0xD57F, s28;
	[tilespmem:$0xA0] =	vst v3  }
0xb5: {  	[spmem:s14] =	stream.linear.scatter @!p1 [tilespmem:s0], [sflag:$0x1], $0x1, $0x38;
	[tilespmem:$0xF030] =	vst v63  }
0xb6: {  	s0 =	simm.s32 @!p1 $0x1  }
0xb7: {  	v3 =	vmctz.xlane @!p1 vm4;
	_ =	swait.ge @!p1 [sflag:s0], $0x1  }
0xb8: {  	(v2sf) =	vpush @!p1 v4, $0x0  }
0xb9: {  	(v2sf) =	vpush @!p1 v3, $0x0;
	_ =	sdelay $0xd  }
0xba: {  	s2 =	spop @!p1 (v2sf)  }
0xbb: {  	s6 =	spop @!p1 (v2sf)  }
0xbc: {  	p2 =	sne.s32 @!p1 s26, s2;
	p3 =	slt.s32 @!p1 s6, $0xF  }
0xbd: {  	[sflag:s0] =	ssyncset.done @!p1 $0x0;
	p2 =	por p2, p1;
	p3 =	por !p3, p1  }
0xbe: {  	[sflag:s0] =	ssyncadd.s32 @!p1 $0xFFFFFFFF;
	v3 =	vimm.s32 @!p2 $0xFFFFFFFF;
	s6 =	simm.s32 @p3 $0xF  }
0xbf: {  	[tilespmem:$0x80] =	vst @!p2 v3;
	s2 =	sadd.s32 @!p1 $0x90, s6  }
0xc0: {  	[spmem:s10] =	stream.linear.scatter @!p1 [tilespmem:s2], [sflag:$0x1], $0x1, $0x38;
	[tilespmem:$0xF030] =	vst v63  }
0xc1: {  	_ =	swait.ge @!p1 [sflag:s0], $0x1  }
0xc2: {  	[sflag:s0] =	ssyncset.done @!p1 $0x0  }
0xc3: {  	s2 =	simm.s32 @!p1 $0x80;
	[sflag:s0] =	ssyncadd.s32 @!p1 $0xFFFFFFFF  }
0xc4: {  	[spmem:s15] =	stream.linear.scatter @!p1 [tilespmem:s2], [sflag:$0x1], $0x1, $0x38;
	[tilespmem:$0xF030] =	vst v63  }
0xc5: {  	_ =	swait.ge @!p1 [sflag:s0], $0x1  }
0xc6: {  	[sflag:s0] =	ssyncset.done @!p1 $0x0  }
0xc7: {  	[sflag:s0] =	ssyncadd.s32 @!p1 $0xFFFFFFFF;
	(ifvalue) =	ssetifvalue $0xFFFFFFFF;
	v3 =	vld [tilespmem:s25+$0x10];
	_ =	sdelay $0x3  }
.Ltmp6:
0xc8: {  	_ = 	snop;
	(pc) =	sbr.rel .LBB2_9-.Ltmp6, $3  }
0xc9: {  	_ =	sdelay $0x1  }
0xca: {  	(ifvalue) =	ssetifvalue $0xFFFFFFFF  }
0xcb: {  	[hbm4b:s1+s16] =	stream.indirect_vreg.scatter [tilespmem:s29], [sflag:$0x9], $0x1, v3, vm0, $0x4038;
	[tilespmem:$0xF030] =	vst v63  }
.LBB2_10:
0xcc: {  	_ =	sfence.sel $0x180000  }
0xcd: {  	s0 =	simm.s32 $0x7;
	[bflag:$0x0] =	sbarrier.arrive $0xFFFF  }
0xce: {  	s26 =	simm.s32 $0x8;
	[sflag:s0] =	ssyncpa.u1 $0x1  }
0xcf: {  	s28 =	simm.s32 $0x9;
	[sflag:s26] =	ssyncpa.u1 $0x1  }
0xd0: {  	[sflag:s28] =	ssyncpa.u1 $0x1  }
0xd1: {  	_ =	sfence.stream.spmem  }
0xd2: {  	s29 =	simm.s32 $0x3;
	[bflag:$0x0] =	sbarrier.arrive $0xFFFF  }
0xd3: {  	s30 =	simm.s32 $0x4;
	[sflag:s29] =	ssyncpa.u1 $0x1  }
0xd4: {  	s31 =	simm.s32 $0x3C;
	s2 =	stileid.u32;
	[sflag:s30] =	ssyncpa.u1 $0x1  }
0xd5: {  	p0 =	sne.s32 s2, $0x0;
	[sflag:s31] =	ssyncpa.u1 $0x1  }
0xd6: {  	s0 =	simm.s32 @p0 $0x1;
	_ =	sfence @p0  }
0xd7: {  	[sflag:s0] =	ssyncpa.u1 @p0 $0x1;
	s0 =	simm.s32 @p0 $0x2  }
0xd8: {  	[sflag:s0] =	ssyncpa.u1 @p0 $0x1  }
0xd9: {  	_ =	strace @p0 $0x9000005C  }
0xda: {  	[bflag:$0x2] =	sbarrier.arrive @p0 $0xFFFF  }
0xdb: {  	_ =	shalt @p0  }
.LBB2_11:
0xdc: {  	_ =	sfence.stream.spmem;
	s0 =	simm.s32 $0x5  }
0xdd: {  	s2 =	simm.s32 $0x80;
	s3 =	simm.s32 $0xC0;
	[sflag:s0] =	ssyncpa.u1 $0x0  }
0xde: {  	[tilespmem:s3], [sflag:$0x5] =	stream.linear.gather [spmem:s2], $0x20, $0x38;
	[tilespmem:$0xF030] =	vst v63  }
0xdf: {  	s2 =	simm.s32 $0x0;
	s3 =	simm.s32 $0xE0  }
0xe0: {  	[tilespmem:s3], [sflag:$0x5] =	stream.linear.gather [spmem:s2], $0x20, $0x38;
	[tilespmem:$0xF030] =	vst v63  }
.Ltmp7:
0xe1: {  	_ = 	snop;
	(pc) =	sbr.rel .LBB2_12-.Ltmp7, $4  }
0xe2: {  	_ =	swait.ge [sflag:s0], $0x40  }
0xe3: {  	[sflag:s0] =	ssyncset.done $0x0  }
0xe4: {  	s31 =	simm.s32 $0x6;
	[sflag:s0] =	ssyncadd.s32 $0xFFFFFFC0  }
0xe5: {  	s4 =	simm.s32 $0x0;
	[sflag:s31] =	ssyncpa.u1 $0x0  }
.LBB2_17:
0xe6: {  	p0 =	sgt.u32 s5, $0x27FF  }
0xe7: {  	s0 =	sshrl.u32 @!p0 s5, $0x3  }
0xe8: {  	s5 =	sand.u32 @!p0 $0x7, s5;
	s6 =	simm.s32 @!p0 $0xB0;
	s0 =	sadd.s32 @!p0 s1, s0  }
0xe9: {  	[tilespmem:s6], [sflag:$0x6] =	stream.linear.gather @!p0 [hbm4b:s0+s5], $0x1, $0x38;
	[tilespmem:$0xF030] =	vst v63  }
0xea: {  	s0 =	simm.s32 @!p0 $0x6  }
0xeb: {  	_ =	swait.ge @!p0 [sflag:s0], $0x1  }
0xec: {  	[sflag:s0] =	ssyncset.done @!p0 $0x0  }
0xed: {  	[sflag:s0] =	ssyncadd.s32 @!p0 $0xFFFFFFFF  }
0xee: {  	v2 =	vmov @!p0 s4;
	v1 =	vld.msk @!p0 [tilespmem:$0xB0], $0x1;
	_ =	sdelay $0x3  }
0xef: {  	s0 =	simm.s32 @!p0 $0xE0  }
0xf0: {  	[tilespmem:v2+s0+$0x0], v1 =	vst.idx.ret.add.f32.msk @!p0 $0x1, v1  }
0xf1: {  	[tilespmem:s2+$0xC0] =	vst.msk $0x1, v0  }
0xf2: {  	v0 =	vld.msk [tilespmem:s4+$0xE0], $0x1;
	_ =	sdelay $0x4  }
0xf3: {  	[tilespmem:s2+$0xE0] =	vst.msk $0x1, v0;
	s2 =	sadd.s32 $0x1, s2  }
.LBB2_19:
0xf4: {  	s4 =	sadd.s32 $0x1, s4  }
0xf5: {  	p0 =	sne.s32 s4, $0x20  }
.Ltmp8:
0xf6: {  	_ = 	snop;
	(pc) =	sbr.rel @!p0 .LBB2_20-.Ltmp8, $1  }
0xf7: {  	_ =	sdelay $0x3  }
.LBB2_12:
0xf8: {  	v0 =	vld.msk [tilespmem:s4+$0xC0], $0x1;
	_ =	sdelay $0x4  }
0xf9: {  	(v2sf) =	vpush v0, $0x0;
	_ =	sdelay $0xe  }
0xfa: {  	s5 =	spop (v2sf)  }
0xfb: {  	p0 =	seq.s32 s5, $0xFFFFFFFF  }
.Ltmp9:
0xfc: {  	_ = 	snop;
	(pc) =	sbr.rel @p0 .LBB2_19-.Ltmp9, $1  }
0xfd: {  	_ =	sdelay $0x3  }
0xfe: {  	p0 =	slt.s32 s2, $0x1  }
.Ltmp10:
0xff: {  	_ = 	snop;
	(pc) =	sbr.rel @p0 .LBB2_17-.Ltmp10, $1  }
0x100: {  	_ =	sdelay $0x3  }
0x101: {  	s0 =	simm.s32 $0xC0;
	p0 =	por $0x0, $0x0  }
0x102: {  	v1 =	vld.msk @!p0 [tilespmem:s0+$0x0], $0x1;
	_ =	sdelay $0x4  }
0x103: {  	(v2sf) =	vpush @!p0 v1, $0x0;
	_ =	sdelay $0xd  }
0x104: {  	p2 =	sne.s32 s2, $0x1  }
.Ltmp11:
0x105: {  	s6 =	spop @!p0 (v2sf);
	(pc) =	sbr.rel @!p2 .LBB2_16-.Ltmp11, $4  }
0x106: {  	p1 =	seq.s32 @!p0 s5, s6  }
0x107: {  	s6 =	simm.s32 $0x0;
	p1 =	por !p1, p0  }
0x108: {  	s8 =	simm.s32 $0xFFFFFFFF;
	s6 =	simm.s32 @p1 $0xFFFFFFFF  }
0x109: {  	s7 =	simm.s32 $0x1;
	s6 =	smov.u32 @p0 s8  }
.LBB2_15:
0x10a: {  	s8 =	smov.u32 s6;
	p0 =	sne.s32 s6, $0xFFFFFFFF  }
0x10b: {  	s0 =	sadd.s32 $0x1, s0;
	s6 =	smov.u32 s7;
	s7 =	sadd.s32 $0x1, s7  }
0x10c: {  	p1 =	sne.s32 s2, s7;
	v1 =	vld.msk @!p0 [tilespmem:s0+$0x0], $0x1;
	_ =	sdelay $0x4  }
0x10d: {  	(v2sf) =	vpush @!p0 v1, $0x0;
	_ =	sdelay $0xe  }
.Ltmp12:
0x10e: {  	s9 =	spop @!p0 (v2sf);
	(pc) =	sbr.rel @p1 .LBB2_15-.Ltmp12, $4  }
0x10f: {  	p2 =	seq.s32 @!p0 s5, s9  }
0x110: {  	p2 =	por !p2, p0  }
0x111: {  	s6 =	simm.s32 @p2 $0xFFFFFFFF  }
0x112: {  	s6 =	smov.u32 @p0 s8  }
.LBB2_16:
0x113: {  	p0 =	sne.s32 s6, $0xFFFFFFFF  }
.Ltmp13:
0x114: {  	_ = 	snop;
	(pc) =	sbr.rel @!p0 .LBB2_17-.Ltmp13, $1  }
0x115: {  	_ =	sdelay $0x3  }
0x116: {  	v0 =	vld.msk [tilespmem:s4+$0xE0], $0x1;
	v1 =	vmov s6  }
.Ltmp14:
0x117: {  	_ = 	snop;
	(pc) =	sbr.rel .LBB2_19-.Ltmp14, $2  }
0x118: {  	_ =	sdelay $0x2  }
0x119: {  	[tilespmem:v1+s3+$0x0], v0 =	vst.idx.ret.add.f32.msk $0x1, v0  }
.LBB2_20:
0x11a: {  	p0 =	slt.s32 s2, $0x1  }
.Ltmp15:
0x11b: {  	_ = 	snop;
	(pc) =	sbr.rel @p0 .LBB2_24-.Ltmp15, $3  }
0x11c: {  	_ =	sdelay $0x1  }
0x11d: {  	s0 =	simm.s32 $0x6  }
0x11e: {  	s3 =	simm.s32 $0x0;
	[sflag:s0] =	ssyncpa.u1 $0x1  }
0x11f: {  	s0 =	simm.s32 $0xC0  }
0x120: {  	v0 =	vld.msk [tilespmem:s0+$0x0], $0x1;
	_ =	sdelay $0x4  }
0x121: {  	(v2sf) =	vpush v0, $0x0;
	_ =	sdelay $0xe  }
0x122: {  	s2 =	sadd.s32 $0xFFFFFFFF, s2;
	s4 =	spop (v2sf)  }
0x123: {  	p1 =	sne.s32 s2, $0x0;
	p0 =	sgt.u32 s4, $0x27FF  }
.Ltmp16:
0x124: {  	s5 =	sshrl.u32 @!p0 s4, $0x3;
	(pc) =	sbr.rel @!p1 .LBB2_23-.Ltmp16, $4  }
0x125: {  	s0 =	simm.s32 $0xE0;
	s4 =	sand.u32 @!p0 $0x7, s4;
	s5 =	sadd.s32 @!p0 s1, s5  }
0x126: {  	[hbm4b:s5+s4] =	stream.linear.scatter @!p0 [tilespmem:s0], [sflag:$0x5], $0x1, $0x38;
	[tilespmem:$0xF030] =	vst v63  }
0x127: {  	s5 =	simm.s32 $0x0  }
0x128: {  	s4 =	simm.s32 $0xC1;
	s5 =	simm.s32 @!p0 $0x4  }
.LBB2_22:
0x129: {  	v0 =	vld.msk [tilespmem:s4+$0x0], $0x1;
	s2 =	sadd.s32 $0xFFFFFFFF, s2;
	s3 =	sadd.s32 s3, s5  }
0x12a: {  	p0 =	sne.s32 s2, $0x0;
	_ =	sdelay $0x3  }
0x12b: {  	(v2sf) =	vpush v0, $0x0;
	_ =	sdelay $0xe  }
.Ltmp17:
0x12c: {  	s6 =	spop (v2sf);
	(pc) =	sbr.rel @p0 .LBB2_22-.Ltmp17, $4  }
0x12d: {  	s5 =	simm.s32 $0x0;
	p1 =	sgt.u32 s6, $0x27FF  }
0x12e: {  	s0 =	sadd.s32 $0x1, s0;
	s5 =	simm.s32 @!p1 $0x4;
	s7 =	sshrl.u32 @!p1 s6, $0x3  }
0x12f: {  	s4 =	sadd.s32 $0x1, s4;
	s6 =	sand.u32 @!p1 $0x7, s6;
	s7 =	sadd.s32 @!p1 s1, s7  }
0x130: {  	[hbm4b:s7+s6] =	stream.linear.scatter @!p1 [tilespmem:s0], [sflag:$0x5], $0x1, $0x38;
	[tilespmem:$0xF030] =	vst v63  }
.LBB2_23:
0x131: {  	s0 =	sadd.s32 s3, s5  }
0x132: {  	s3 =	sshrl.u32 s0, $0x2  }
.LBB2_24:
0x133: {  	s0 =	simm.s32 $0x5  }
0x134: {  	_ =	swait.ge [sflag:s0], s3  }
0x135: {  	s1 =	ssub.s32 $0x0, s3;
	[sflag:s0] =	ssyncset.done $0x0  }
0x136: {  	[sflag:s0] =	ssyncadd.s32 s1  }
0x137: {  	[sflag:s0] =	ssyncpa.u1 $0x1  }
0x138: {  	s29 =	simm.s32 $0x1;
	_ =	sfence  }
0x139: {  	s30 =	simm.s32 $0x2;
	[sflag:s29] =	ssyncpa.u1 $0x1  }
0x13a: {  	[sflag:s30] =	ssyncpa.u1 $0x1  }
0x13b: {  	_ =	strace $0x9000005C  }
0x13c: {  	[bflag:$0x2] =	sbarrier.arrive $0xFFFF  }
0x13d: {  	s31 =	rddreg [dreg:$0x1]  }
0x13e: {  	s0 =	sadd.s32 $0x100000, s31  }
0x13f: {  	[sflag:s0] =	ssyncadd.tile.s32 $0x1;
	_ =	shalt  }
.Lfunc_end2:
_tile_overlayer_lowered:
.L_overlay_start_2:
0x140: {  	(tag) =	ssettag $0x2  }
0x141: {  	s0 =	rddreg [dreg:$0x0];
	s2 =	stileid.u32  }
0x142: {  	s1 =	rddreg [dreg:$0x1];
	p0 =	sne.s32 s2, $0x0  }
0x143: {  	s3 =	rddreg [dreg:$0x2];
	[bflag:$0x3] =	sbarrier.arrive $0xFFFF;
	s2 =	simm.s32 @!p0 $0x1C01  }
0x144: {  	[timem:s3], [sflag:s2] =	dma.local @!p0 [hbm:s0], s1  }
0x145: {  	s0 =	simm.s32 @!p0 $0x1  }
0x146: {  	_ =	swait.ge @!p0 [sflag:s0], s1  }
0x147: {  	s1 =	ssub.s32 @!p0 $0x0, s1;
	[sflag:s0] =	ssyncset.done @!p0 $0x0  }
0x148: {  	[sflag:s0] =	ssyncadd.s32 @!p0 s1  }
0x149: {  	[bflag:$0x3] =	sbarrier.arrive $0xFFFF  }
0x14a: {  	_ =	shalt  }

// kernel: scatter_offload_async_start.4
scs
__scs_entry_jumppad:
0x0: {  	(pc) =	sbr.rel $0x88, $3  }
0x1: {  	(tag) =	ssettag $0x0;
	lr =	simm.s32 $0x1  }
0x2: {  	[smem:$0x3F97] =	sst lr;
	_ =	strace $0xD0000000  }
0x3: {  	_ = 	snop  }
0x4: {  	_ = 	snop  }
0x5: {  	_ = 	snop  }
0x6: {  	_ = 	snop  }
0x7: {  	_ = 	snop  }
__scs_overlays_trampoline_lowered:
0x8: {  	[smem:$0x3FA6] =	sst s0  }
0x9: {  	[smem:$0x3FA7] =	sst s1  }
0xa: {  	[smem:$0x3FA8] =	sst s2  }
0xb: {  	[smem:$0x3FA9] =	sst s3  }
0xc: {  	[smem:$0x3FAA] =	sst s4  }
0xd: {  	[smem:$0x3FAB] =	sst s5  }
0xe: {  	[smem:$0x3FAC] =	sst s6  }
0xf: {  	[smem:$0x3FAD] =	sst s7  }
0x10: {  	[smem:$0x3FAE] =	sst s8  }
0x11: {  	[smem:$0x3FAF] =	sst s9;
	s0 =	simm.s32 @!p0 $0x0  }
0x12: {  	s1 =	sld [smem:$0x3F95];
	s0 =	simm.s32 @p0 $0x1  }
0x13: {  	[smem:$0x3FB0] =	sst s0;
	s0 =	simm.s32 @!p1 $0x0  }
0x14: {  	s2 =	sld [smem:$0x3F94];
	s0 =	simm.s32 @p1 $0x1  }
0x15: {  	[smem:$0x3FB1] =	sst s0;
	s0 =	simm.s32 @!p2 $0x0  }
0x16: {  	s3 =	sld [smem:$0x3FDB];
	s0 =	simm.s32 @p2 $0x1  }
0x17: {  	s4 =	simm.s32 $0x1BF5;
	[smem:$0x3FB3] =	sst s0  }
0x18: {  	s0 =	sld [smem:$0x3F96];
	_ =	swait.ge [sflag:s4], $0x0  }
0x19: {  	s7 =	sld [smem:$0x3F97]  }
0x1a: {  	s8 =	sadd.s32 $0xFFFFE003, lr  }
0x1b: {  	s9 =	sadd.s32 $0xFFFFFEF7, lr;
	s5 =	simm.s32 $0xFFFFFFFF;
	p2 =	slt.u32 s8, $0xFFFFF086  }
0x1c: {  	p1 =	slt.u32 s9, $0xF7A;
	s5 =	simm.s32 @!p2 $0x0  }
0x1d: {  	s5 =	simm.s32 @p1 $0x1;
	p0 =	seq.s32 s7, s2  }
0x1e: {  	s7 =	smul.u32 @!p0 $0xF7A, s2;
	p2 =	seq.s32 @!p0 s5, $0x0  }
0x1f: {  	s9 =	smul.u32 $0xF7A, s1;
	s8 =	simm.s32 @!p0 $0x1BF5;
	p2 =	por !p2, p0  }
0x20: {  	[sflag:s8] =	ssyncset.s32 @!p0 $0xFFFFF086;
	s6 =	sadd.s32 @!p0 s3, s7;
	s7 =	simm.s32 @!p0 $0x108  }
0x21: {  	s3 =	sadd.s32 s3, s9;
	s6 =	sadd.s32 @!p0 $0x88, s6;
	s7 =	simm.s32 @p2 $0x1082  }
0x22: {  	[simem:s7], [sflag:s8] =	dma.local @!p0 [hbm:s6], $0xF7A  }
0x23: {  	s9 =	sor.u32 $0xD0000000, s2;
	s6 =	simm.s32 $0x108;
	_ =	swait.ge @!p0 [sflag:s8], $0x0  }
0x24: {  	s3 =	sadd.s32 $0x88, s3;
	s6 =	simm.s32 @!p1 $0x1082;
	[sflag:s4] =	ssyncset.s32 $0xFFFFF086  }
0x25: {  	[simem:s6], [sflag:s4] =	dma.local [hbm:s3], $0xF7A  }
0x26: {  	[smem:$0x3F97] =	sst s1;
	(tag) =	ssettag s2;
	_ =	strace s9  }
0x27: {  	s1 =	sld [smem:$0x3FA7]  }
0x28: {  	s2 =	sld [smem:$0x3FA8]  }
0x29: {  	s4 =	sld [smem:$0x3FAA]  }
0x2a: {  	p0 =	seq.s32 s5, $0x0;
	s5 =	sld [smem:$0x3FAB]  }
0x2b: {  	s6 =	sld [smem:$0x3FAC]  }
0x2c: {  	s7 =	sld [smem:$0x3FAD]  }
0x2d: {  	s3 =	simm.s32 $0x108;
	s8 =	sld [smem:$0x3FAE]  }
0x2e: {  	s3 =	simm.s32 @!p0 $0x1082;
	s9 =	sld [smem:$0x3FAF]  }
0x2f: {  	lr =	sadd.s32 s0, s3;
	s0 =	sld [smem:$0x3FA6]  }
0x30: {  	s3 =	sld [smem:$0x3FA9]  }
0x31: {  	[smem:$0x3FB2] =	sst s10  }
0x32: {  	s10 =	sld [smem:$0x3FB0];
	_ =	sdelay $0x3  }
0x33: {  	p0 =	seq.s32 s10, $0x1;
	s10 =	sld [smem:$0x3FB2];
	_ =	sdelay $0x3  }
0x34: {  	[smem:$0x3FB2] =	sst s10  }
0x35: {  	s10 =	sld [smem:$0x3FB1];
	_ =	sdelay $0x3  }
0x36: {  	p1 =	seq.s32 s10, $0x1;
	s10 =	sld [smem:$0x3FB2];
	_ =	sdelay $0x3  }
0x37: {  	[smem:$0x3FB2] =	sst s10  }
0x38: {  	s10 =	sld [smem:$0x3FB3]  }
0x39: {  	_ = 	snop;
	(pc) =	sbr.ind lr, $3  }
0x3a: {  	_ = 	snop  }
0x3b: {  	_ = 	snop  }
0x3c: {  	p2 =	seq.s32 s10, $0x1;
	s10 =	sld [smem:$0x3FB2]  }
0x3d: {  	_ =	shalt  }
0x3e: {  	_ =	shalt  }
0x3f: {  	_ =	shalt  }
0x40: {  	_ =	shalt  }
0x41: {  	_ =	shalt  }
0x42: {  	_ =	shalt  }
0x43: {  	_ =	shalt  }
0x44: {  	_ =	shalt  }
0x45: {  	_ =	shalt  }
0x46: {  	_ =	shalt  }
0x47: {  	_ =	shalt  }
0x48: {  	_ =	shalt  }
0x49: {  	_ =	shalt  }
0x4a: {  	_ =	shalt  }
0x4b: {  	_ =	shalt  }
0x4c: {  	_ =	shalt  }
0x4d: {  	_ =	shalt  }
0x4e: {  	_ =	shalt  }
0x4f: {  	_ =	shalt  }
0x50: {  	_ =	shalt  }
0x51: {  	_ =	shalt  }
0x52: {  	_ =	shalt  }
0x53: {  	_ =	shalt  }
0x54: {  	_ =	shalt  }
0x55: {  	_ =	shalt  }
0x56: {  	_ =	shalt  }
0x57: {  	_ =	shalt  }
0x58: {  	_ =	shalt  }
0x59: {  	_ =	shalt  }
0x5a: {  	_ =	shalt  }
0x5b: {  	_ =	shalt  }
0x5c: {  	_ =	shalt  }
0x5d: {  	_ =	shalt  }
0x5e: {  	_ =	shalt  }
0x5f: {  	_ =	shalt  }
0x60: {  	_ =	shalt  }
0x61: {  	_ =	shalt  }
0x62: {  	_ =	shalt  }
0x63: {  	_ =	shalt  }
0x64: {  	_ =	shalt  }
0x65: {  	_ =	shalt  }
0x66: {  	_ =	shalt  }
0x67: {  	_ =	shalt  }
0x68: {  	_ =	shalt  }
0x69: {  	_ =	shalt  }
0x6a: {  	_ =	shalt  }
0x6b: {  	_ =	shalt  }
0x6c: {  	_ =	shalt  }
0x6d: {  	_ =	shalt  }
0x6e: {  	_ =	shalt  }
0x6f: {  	_ =	shalt  }
0x70: {  	_ =	shalt  }
0x71: {  	_ =	shalt  }
0x72: {  	_ =	shalt  }
0x73: {  	_ =	shalt  }
0x74: {  	_ =	shalt  }
0x75: {  	_ =	shalt  }
0x76: {  	_ =	shalt  }
0x77: {  	_ =	shalt  }
0x78: {  	_ =	shalt  }
0x79: {  	_ =	shalt  }
0x7a: {  	_ =	shalt  }
0x7b: {  	_ =	shalt  }
0x7c: {  	_ =	shalt  }
0x7d: {  	_ =	shalt  }
0x7e: {  	_ =	shalt  }
0x7f: {  	_ =	shalt  }
0x80: {  	_ =	shalt  }
0x81: {  	_ =	shalt  }
0x82: {  	_ =	shalt  }
0x83: {  	_ =	shalt  }
0x84: {  	_ =	shalt  }
0x85: {  	_ =	shalt  }
0x86: {  	_ =	shalt  }
0x87: {  	_ =	shalt  }
.Lfunc_end0:
.L_simem_size_0:
called_computation.4_lowered:
.L_overlay_start_0:
0x88: {  	s0 =	sld [smem:$0x3FD9]  }
0x89: {  	s1 =	sld [smem:$0x3FFE];
	_ =	sdelay $0x3  }
0x8a: {  	s0 =	sadd.s32 s1, s0  }
0x8b: {  	[smem:$0x3FBE] =	sst s0  }
0x8c: {  	_ = 	snop  }
0x8d: {  	s0 =	sld [smem:$0x3FD0];
	(tm) =	ssettm $0x1  }
0x8e: {  	s16 =	sld [smem:$0x3FFB];
	_ =	sdelay $0x3  }
0x8f: {  	_ =	strace s16  }
0x90: {  	s1 =	sld [smem:$0x3FFC];
	_ =	sdelay $0x3  }
0x91: {  	_ =	strace s1  }
0x92: {  	s1 =	sld [smem:$0x3FFD];
	_ =	sdelay $0x3  }
0x93: {  	_ =	strace s1  }
0x94: {  	_ =	strace $0x8FFFFFFF  }
0x95: {  	s17 =	sld [smem:$0x3FDB];
	_ =	sdelay $0x1  }
0x96: {  	s2 =	simm.s32 $_scs_section_size  }
0x97: {  	s3 =	simm.s32 $_size__tile_overlayer_lowered;
	s4 =	simm.s32 $_tile_overlayer_lowered  }
0x98: {  	s20 =	simm.s32 $0x1BFF;
	s19 =	sshll.u32 s4, $0x1;
	s1 =	sadd.s32 s2, s17  }
0x99: {  	s5 =	simm.s32 $0x0;
	s18 =	sshll.u32 s3, $0x1;
	s3 =	sadd.s32 s19, s1  }
0x9a: {  	[timem:s5], [sflag:s20] =	dma.local [hbm:s3], s18  }
0x9b: {  	_ =	swait.ge [sflag:s20], s18  }
0x9c: {  	s2 =	ssub.s32 $0x0, s18;
	[sflag:s20] =	ssyncset.done $0x0  }
0x9d: {  	[sflag:s20] =	ssyncadd.s32 s2;
	_ =	sdelay $0x1  }
0x9e: {  	s21 =	simm.s32 $0x1B8B  }
0x9f: {  	_ =	swait.ge [sflag:s21], $0x1  }
0xa0: {  	[sflag:s21] =	ssyncset.done $0x0  }
0xa1: {  	s23 =	simm.s32 $0x1B8E;
	s22 =	sld [smem:$0x3FFE];
	[sflag:s21] =	ssyncadd.s32 $0xFFFFFFFF  }
0xa2: {  	s24 =	simm.s32 $execute0_lowered;
	[smem:$0x3FD2] =	sst s23  }
0xa3: {  	s3 =	sshll.u32 s24, $0x1;
	_ =	strace $0x8000005E;
	[dreg:$0x1] =	wrdreg $0xFFFFFFFF  }
0xa4: {  	s25 =	simm.s32 $_size_execute0_lowered;
	s1 =	sadd.s32 s1, s3;
	[dreg:$0x0] =	wrdreg $0x0  }
0xa5: {  	s3 =	sshll.u32 s25, $0x1;
	[dreg:$0x2] =	wrdreg s1  }
0xa6: {  	[dreg:$0x3] =	wrdreg s3  }
0xa7: {  	[dreg:$0x4] =	wrdreg $0xC0  }
0xa8: {  	_ =	task [dreg:s5], $0x5FFFF  }
0xa9: {  	[dreg:$0x1] =	wrdreg $0xFFFFFFFF  }
0xaa: {  	[dreg:$0x0] =	wrdreg $0x60  }
0xab: {  	[dreg:$0x2] =	wrdreg s0  }
0xac: {  	[dreg:$0x3] =	wrdreg s22  }
0xad: {  	[dreg:$0x4] =	wrdreg $0x9  }
0xae: {  	_ =	task.clear_ibuf [dreg:s5], $0x5FFFF;
	_ =	strace $0x9000005E  }
0xaf: {  	s26 =	simm.s32 $0x9;
	_ =	strace $0x80000060  }
0xb0: {  	_ =	swait.ge [sflag:s26], $0x1  }
0xb1: {  	[sflag:s26] =	ssyncadd.s32 $0xFFFFFFFF  }
0xb2: {  	_ =	strace $0x90000060  }
0xb3: {  	_ =	sfence  }
0xb4: {  	s28 =	sld [smem:$0x0];
	_ =	sdelay $0x1  }
0xb5: {  	s29 =	srdreg.scid  }
0xb6: {  	s30 =	sshll.u32 s29, $0xD;
	s31 =	sshrl.u32 s29, $0x2  }
0xb7: {  	s2 =	sand.u32 $0x4000, s30;
	s1 =	sand.u32 $0x1, s29;
	s0 =	sadd.s32 s31, s28  }
0xb8: {  	s1 =	sor.u32 s2, s1;
	s0 =	sshll.u32 s0, $0x11  }
0xb9: {  	s0 =	sor.u32 s0, s1  }
0xba: {  	s0 =	sadd.s32 $0x8F2B, s0  }
0xbb: {  	[sflag:s0] =	ssyncadd.remote.s32 $0x1  }
0xbc: {  	_ =	sfence.sel $0xFFFF  }
0xbd: {  	[dreg:$0x0] =	wrdreg $0xFFFFFFFF;
	(pc) =	sbr.abs _section_cstart, $3  }
0xbe: {  	[dreg:$0x1] =	wrdreg $0xFFFFFFFF  }
0xbf: {  	_ =	task.clear_ibuf [dreg:s5], $0x2FFFF;
	_ =	strace $0x9FFFFFFF  }
0xc0: {  	(tm) =	ssettm $0x7FFFFFFF  }
0xc1: {  	_ =	shalt  }
tec
execute0_lowered:
.L_overlay_start_1:
0x0: {  	(tag) =	ssettag $0x1  }
0x1: {  	s1 =	rddreg [dreg:$0x0]  }
0x2: {  	s2 =	rddreg [dreg:$0x1];
	_ =	strace $0x8000005F;
	s3 =	simm.s32 $0x1  }
0x3: {  	s7 =	simm.s32 $0x208;
	v0 =	vimm.s32 $0x0;
	[sflag:s3] =	ssyncpa.u1 $0x0  }
0x4: {  	[tilespmem:s7+$0x70] =	vst v0  }
0x5: {  	[tilespmem:s7+$0x60] =	vst v0  }
0x6: {  	[tilespmem:s7+$0x50] =	vst v0  }
0x7: {  	[tilespmem:s7+$0x40] =	vst v0  }
0x8: {  	[tilespmem:s7+$0x30] =	vst v0  }
0x9: {  	[tilespmem:s7+$0x20] =	vst v0  }
0xa: {  	s3 =	sadd.s32 $0xFE00, s2;
	s4 =	sadd.s32 $0x1A600, s2;
	s2 =	simm.s32 $0x40;
	[tilespmem:s7+$0x10] =	vst v0  }
.LBB2_1:
0xb: {  	s2 =	sadd.s32 $0x40, s2;
	[tilespmem:s7+$0x0] =	vst v0;
	s7 =	sadd.s32 $0x80, s7  }
0xc: {  	p0 =	slt.u32 s2, $0x3880;
	[tilespmem:s7+$0x70] =	vst v0  }
0xd: {  	[tilespmem:s7+$0x60] =	vst v0  }
.Ltmp0:
0xe: {  	[tilespmem:s7+$0x50] =	vst v0;
	(pc) =	sbr.rel @p0 .LBB2_1-.Ltmp0, $4  }
0xf: {  	[tilespmem:s7+$0x40] =	vst v0  }
0x10: {  	[tilespmem:s7+$0x30] =	vst v0  }
0x11: {  	[tilespmem:s7+$0x20] =	vst v0  }
0x12: {  	[tilespmem:s7+$0x10] =	vst v0  }
0x13: {  	s2 =	stileid.u32  }
0x14: {  	s5 =	smul.u32 $0x5E, s2  }
0x15: {  	s6 =	smin.u32 s2, $0xE  }
0x16: {  	s5 =	sadd.s32 s6, s5  }
0x17: {  	p0 =	slt.u32 s2, $0xE;
	s6 =	simm.s32 $0x2990;
	s5 =	smul.u32 $0x70, s5  }
0x18: {  	s6 =	simm.s32 @!p0 $0x2920  }
0x19: {  	s6 =	sadd.s32 s6, s5  }
0x1a: {  	s6 =	smin.u32 s6, $0x29820  }
0x1b: {  	s9 =	ssub.s32 s6, s5  }
0x1c: {  	p0 =	sgt.s32 s9, $0x0  }
0x1d: {  	s9 =	simm.s32 @!p0 $0x0  }
0x1e: {  	s8 =	smulhi.u32 $0x92492493, s9;
	_ =	sdelay $0x1  }
0x1f: {  	[tilespmem:s7+$0x0] =	vst v0;
	s7 =	simm.s32 $0x2;
	s10 =	sshrl.u32 s8, $0x6  }
0x20: {  	s16 =	simm.s32 $0x0;
	p1 =	por $0x0, $0x0;
	s11 =	smul.u32 $0x70, s10  }
.Ltmp1:
0x21: {  	s12 =	simm.s32 $0x8;
	s13 =	simm.s32 $0x80;
	(pc) =	sbr.rel .LBB2_3-.Ltmp1, $4  }
0x22: {  	s15 =	simm.s32 $0x0;
	[sflag:s7] =	ssyncpa.u1 $0x0;
	s14 =	smov.u32 s5  }
0x23: {  	v0 =	vimm.s32 $0xFFFFFFFF;
	s8 =	simm.s32 $0x7;
	p0 =	sne.s32 s9, s11;
	s11 =	simm.s32 $0x1  }
0x24: {  	[tilespmem:$0xE408] =	vst v0;
	[sflag:s8] =	ssyncpa.u1 $0x0;
	s9 =	simm.s32 $0x1;
	s11 =	simm.s32 @!p0 $0x0  }
0x25: {  	v0 =	vlaneseq.u32;
	p0 =	por $0x1, $0x1;
	s10 =	sadd.s32 s11, s10;
	s11 =	sshll.u32 s2, $0x9  }
.LBB2_21:
0x26: {  	s17 =	sshrl.u32 s24, $0x2  }
.LBB2_23:
0x27: {  	_ =	swait.ge [sflag:s12], s17  }
0x28: {  	s0 =	ssub.s32 $0x0, s17;
	v1 =	vmov s18;
	vm0 =	veq.s32 v0, $0x0;
	[sflag:s12] =	ssyncset.done $0x0  }
0x29: {  	vm15 =	veq.s32 v0, $0x2;
	v1 =	vsel vm0, s23, v1;
	[sflag:s12] =	ssyncadd.s32 s0  }
0x2a: {  	v1 =	vsel vm15, s16, v1;
	[sflag:s12] =	ssyncpa.u1 $0x1  }
0x2b: {  	[tilespmem:$0xE408] =	vst v1  }
.LBB2_24:
0x2c: {  	s0 =	sadd.s32 $0x70, s14  }
0x2d: {  	s17 =	smov.u32 s5;
	p2 =	slt.s32 s0, s6  }
0x2e: {  	s17 =	smov.u32 @p2 s0;
	p2 =	sne.s32 s15, s10  }
.Ltmp2:
0x2f: {  	_ = 	snop;
	(pc) =	sbr.rel @!p2 .LBB2_25-.Ltmp2, $3  }
0x30: {  	_ =	sdelay $0x1  }
0x31: {  	s31 =	sadd.s32 $0x1, s15;
	s16 =	smov.u32 s14;
	p0 =	por !p0, !p0  }
0x32: {  	p1 =	por !p1, !p1;
	s15 =	smov.u32 s31;
	s14 =	smov.u32 s17  }
.LBB2_3:
0x33: {  	p2 =	sge.u32 s15, s10  }
0x34: {  	p3 =	sgt.s32 @!p2 s14, $0x297B0  }
0x35: {  	s17 =	smov.u32 s14;
	s18 =	sshra.s32 @!p2 s14, $0x1F;
	p3 =	por !p3, p2  }
0x36: {  	s18 =	sand.u32 @!p2 s18, s14;
	s17 =	simm.s32 @p3 $0x297B0  }
0x37: {  	s17 =	ssub.s32 @!p2 s17, s18;
	s18 =	sxor.u32 @!p2 $0xFFFFFFFF, s15  }
0x38: {  	s17 =	sadd.s32 @!p2 $0xFFFD6850, s17;
	s18 =	sand.u32 @!p2 $0x1, s18  }
0x39: {  	s19 =	sshll.u32 @!p2 s17, $0x2;
	p3 =	sgt.s32 @!p2 s17, $0x6F;
	s18 =	smul.u32 @!p2 $0x1C0, s18  }
0x3a: {  	s20 =	sand.u32 @!p2 $0x7, s14;
	s17 =	ssub.s32 @!p2 $0x1C0, s19;
	p3 =	por !p3, p2  }
0x3b: {  	s19 =	sshrl.u32 @!p2 s14, $0x3;
	s17 =	sshrl.u32 @!p2 s17, $0x2;
	s18 =	sshrl.u32 @!p2 s18, $0x2  }
0x3c: {  	s19 =	sadd.s32 @!p2 s3, s19;
	s17 =	simm.s32 @!p3 $0x0;
	s18 =	sadd.s32 @!p2 $0x10438, s18  }
0x3d: {  	[tilespmem:s18], [sflag:$0x7] =	stream.linear.gather @!p2 [hbm4b:s19+s20], s17, $0x38;
	[tilespmem:$0x1E518] =	vst v63  }
0x3e: {  	s19 =	ssub.s32 @!p2 $0x29810, s14  }
0x3f: {  	p3 =	slt.s32 @!p2 s19, $0x1  }
0x40: {  	p2 =	por p2, p3  }
.Ltmp3:
0x41: {  	_ = 	snop;
	(pc) =	sbr.rel @p2 .LBB2_6-.Ltmp3, $1  }
0x42: {  	_ =	sdelay $0x3  }
0x43: {  	s18 =	simm.s32 $0x1  }
0x44: {  	s17 =	sshll.u32 s14, $0x7;
	s19 =	smin.u32 s19, $0x70;
	s18 =	simm.s32 @!p0 $0x0  }
0x45: {  	s20 =	sshll.u32 s14, $0x8;
	p2 =	sne.s32 s19, $0x1;
	s18 =	smul.u32 $0x1C000, s18  }
.Ltmp4:
0x46: {  	s21 =	sand.u32 $0xFFFFF800, s20;
	s22 =	sand.u32 $0x380, s17;
	(pc) =	sbr.rel @!p2 .LBB2_6-.Ltmp4, $4  }
0x47: {  	s21 =	sor.u32 s22, s21  }
0x48: {  	s19 =	sadd.s32 $0xFFFFFFFF, s19;
	s21 =	sshrl.u32 s21, $0x3;
	s18 =	sshrl.u32 s18, $0x2  }
0x49: {  	s20 =	sadd.s32 $0x100, s20;
	s21 =	sadd.s32 s4, s21;
	s18 =	sor.u32 $0x10518, s18  }
0x4a: {  	[tilespmem:s18], [sflag:$0x7] =	stream.strided.gather [hbm:s21], $0x100, s13, s13, $0x38;
	[tilespmem:$0x1E518] =	vst v63  }
.LBB2_5:
0x4b: {  	s21 =	sand.u32 $0xFFFFF800, s20;
	s17 =	sadd.s32 $0x80, s17;
	p2 =	sne.s32 s19, $0x1  }
.Ltmp5:
0x4c: {  	s19 =	sadd.s32 $0xFFFFFFFF, s19;
	s22 =	sand.u32 $0x380, s17;
	(pc) =	sbr.rel @p2 .LBB2_5-.Ltmp5, $4  }
0x4d: {  	s21 =	sor.u32 s22, s21  }
0x4e: {  	s21 =	sshrl.u32 s21, $0x3  }
0x4f: {  	s20 =	sadd.s32 $0x100, s20;
	s18 =	sadd.s32 $0x100, s18;
	s21 =	sadd.s32 s4, s21  }
0x50: {  	[tilespmem:s18], [sflag:$0x7] =	stream.strided.gather [hbm:s21], $0x100, s13, s13, $0x38;
	[tilespmem:$0x1E518] =	vst v63  }
.LBB2_6:
0x51: {  	p2 =	seq.s32 s15, $0x0  }
.Ltmp6:
0x52: {  	_ = 	snop;
	(pc) =	sbr.rel @p2 .LBB2_24-.Ltmp6, $1  }
0x53: {  	_ =	sdelay $0x3  }
0x54: {  	p2 =	sgt.s32 s16, $0x297B0  }
0x55: {  	s17 =	smov.u32 s16;
	s18 =	sshra.s32 s16, $0x1F;
	s22 =	ssub.s32 $0x29810, s16  }
0x56: {  	s17 =	simm.s32 @!p2 $0x297B0;
	s18 =	sand.u32 s18, s16;
	p2 =	sgt.s32 s22, $0x0  }
0x57: {  	s17 =	ssub.s32 s17, s18;
	s22 =	simm.s32 @!p2 $0x0  }
0x58: {  	s17 =	sadd.s32 $0xFFFD6850, s17;
	s29 =	smin.u32 s22, $0x70  }
0x59: {  	s19 =	sshll.u32 s17, $0x2;
	s18 =	sshll.u32 s29, $0x8  }
0x5a: {  	p2 =	sgt.s32 s17, $0x6F;
	s30 =	ssub.s32 $0x1C0, s19;
	_ =	swait.ge [sflag:s8], s18  }
0x5b: {  	s18 =	ssub.s32 $0x0, s18;
	[sflag:s8] =	ssyncset.done $0x0;
	s17 =	sshrl.u32 s30, $0x2  }
0x5c: {  	[sflag:s8] =	ssyncadd.s32 s18;
	s17 =	simm.s32 @p2 $0x0  }
0x5d: {  	_ =	swait.ge [sflag:s8], s17  }
0x5e: {  	s17 =	ssub.s32 $0x0, s17;
	[sflag:s8] =	ssyncset.done $0x0  }
0x5f: {  	[sflag:s8] =	ssyncadd.s32 s17  }
0x60: {  	v1 =	vld [tilespmem:$0xE408];
	_ =	sdelay $0x4  }
0x61: {  	(v2sf) =	vpush v1, $0x0  }
0x62: {  	(v2sf) =	vpush v1, $0x1  }
0x63: {  	(v2sf) =	vpush v1, $0x2;
	_ =	sdelay $0x3  }
0x64: {  	s17 =	sadd.s32 $0x70, s16  }
0x65: {  	p2 =	slt.s32 s6, s17  }
0x66: {  	s17 =	smov.u32 @p2 s6  }
0x67: {  	s20 =	ssub.s32 s17, s16  }
0x68: {  	p2 =	slt.s32 s22, s20  }
0x69: {  	s20 =	smov.u32 @p2 s22  }
0x6a: {  	s19 =	simm.s32 $0x1;
	p2 =	slt.s32 s20, $0x1  }
.Ltmp7:
0x6b: {  	s19 =	simm.s32 @!p1 $0x0;
	(pc) =	sbr.rel @p2 .LBB2_11-.Ltmp7, $4  }
0x6c: {  	s31 =	smul.u32 $0x1C0, s19  }
0x6d: {  	s21 =	spop (v2sf)  }
0x6e: {  	s16 =	sshrl.u32 s31, $0x2;
	s23 =	spop (v2sf)  }
0x6f: {  	s17 =	sadd.s32 $0x10438, s16;
	s16 =	spop (v2sf)  }
0x70: {  	s18 =	smin.u32 s20, $0x10  }
0x71: {  	v1 =	vmov s18  }
0x72: {  	vm1 =	vgt.u32 v1, v0  }
0x73: {  	p3 =	sgt.s32 s20, $0x10  }
.Ltmp8:
0x74: {  	_ = 	snop;
	(pc) =	sbr.rel @!p3 .LBB2_10-.Ltmp8, $2  }
0x75: {  	_ =	sdelay $0x2  }
0x76: {  	s22 =	simm.s32 $0x10;
	s24 =	sadd.s32 $0xFFFFFFF0, s20;
	s18 =	smov.u32 s17;
	vm0 =	vmmov vm1;
	v1 =	vld.msk [tilespmem:s17+$0x0 ss:$0x1], vm1  }
.LBB2_9:
0x77: {  	s25 =	smin.u32 s24, $0x10;
	s22 =	sadd.s32 $0x10, s22  }
0x78: {  	v2 =	vmov s25;
	p3 =	slt.s32 s22, s20  }
0x79: {  	vm1 =	vgt.u32 v2, v0;
	_ =	sdelay $0x1  }
0x7a: {  	v2 =	vshll.u32 v1, $0x5;
	v1 =	vshll.u32 v1, $0x4  }
.Ltmp9:
0x7b: {  	v2 =	vand.u32 $0xFFFFFF00, v2;
	v1 =	vand.u32 $0x70, v1;
	(pc) =	sbr.rel @p3 .LBB2_9-.Ltmp9, $4  }
0x7c: {  	v1 =	vor.u32 v1, v2  }
0x7d: {  	[tilespmem:s18+$0x0] =	vst.msk vm0, v1;
	s18 =	sadd.s32 $0x10, s18;
	vm0 =	vmmov vm1  }
0x7e: {  	v1 =	vld.msk [tilespmem:s18+$0x0 ss:$0x1], vm1  }
0x7f: {  	s24 =	sadd.s32 $0xFFFFFFF0, s24  }
.LBB2_10:
0x80: {  	_ =	sdelay $0x3  }
0x81: {  	v2 =	vshll.u32 v1, $0x5;
	v1 =	vshll.u32 v1, $0x4  }
0x82: {  	v2 =	vand.u32 $0xFFFFFF00, v2;
	v1 =	vand.u32 $0x70, v1  }
0x83: {  	v1 =	vor.u32 v1, v2  }
0x84: {  	[tilespmem:s18+$0x0] =	vst.msk vm0, v1  }
.LBB2_11:
0x85: {  	s18 =	sand.u32 $0x1, s15  }
0x86: {  	s18 =	smul.u32 $0x70, s18  }
0x87: {  	p3 =	sne.s32 s23, $0xFFFFFFFF  }
0x88: {  	v1 =	vld.msk @!p3 [tilespmem:s18+$0x10438], $0x1;
	_ =	sdelay $0x4  }
0x89: {  	(v2sf) =	vpush @!p3 v1, $0x0;
	_ =	sdelay $0xc  }
.Ltmp10:
0x8a: {  	_ = 	snop;
	(pc) =	sbr.rel @p2 .LBB2_22-.Ltmp10, $4  }
0x8b: {  	_ = 	snop  }
0x8c: {  	s22 =	spop @!p3 (v2sf)  }
0x8d: {  	s16 =	simm.s32 @!p3 $0x0;
	s18 =	smov.u32 s22  }
0x8e: {  	[sflag:s12] =	ssyncpa.u1 $0x0;
	s22 =	smov.u32 @p3 s21;
	s18 =	smov.u32 @p3 s23  }
0x8f: {  	v1 =	vld.msk [tilespmem:s17+$0x0], $0x1;
	_ =	sdelay $0x4  }
0x90: {  	(v2sf) =	vpush v1, $0x0;
	_ =	sdelay $0xe  }
0x91: {  	s19 =	smul.u32 $0x1C000, s19;
	s24 =	spop (v2sf)  }
0x92: {  	s25 =	smov.u32 s22;
	s20 =	ssub.s32 $0x0, s20;
	p2 =	seq.s32 s22, s24  }
0x93: {  	s21 =	simm.s32 $0x0;
	s19 =	sshrl.u32 s19, $0x2;
	p3 =	sgt.s32 @!p2 s22, $0x0  }
0x94: {  	s23 =	sadd.s32 $0x1, s20;
	s19 =	sor.u32 $0x10598, s19;
	p3 =	por !p3, p2  }
0x95: {  	s26 =	simm.s32 @!p2 $0x1;
	s25 =	simm.s32 @p3 $0x0;
	p3 =	seq.s32 s23, $0x0  }
.Ltmp11:
0x96: {  	s28 =	simm.s32 @!p2 $0x7308;
	s25 =	smin.u32 @!p2 s25, $0x4E170;
	(pc) =	sbr.rel @p3 .LBB2_14-.Ltmp11, $4  }
0x97: {  	s26 =	smov.u32 @p2 s21;
	s29 =	sand.u32 @!p2 $0x7FFF8, s25;
	s30 =	sadd.s32 @!p2 $0x80, s25  }
0x98: {  	s31 =	sadd.s32 @!p2 s1, s29;
	s29 =	sand.u32 @!p2 $0x7, s25;
	s25 =	sand.u32 @!p2 $0xFFFF8, s30  }
0x99: {  	[tilespmem:s28], [sflag:$0x2] =	stream.linear.gather @!p2 [hbm4b:s31+s29], $0x80, $0x38;
	[tilespmem:$0x1E518] =	vst v63  }
0x9a: {  	s28 =	simm.s32 @!p2 $0x7388;
	s30 =	sadd.s32 @!p2 s1, s25;
	s25 =	sadd.s32 $0x1, s17  }
.LBB2_13:
0x9b: {  	s31 =	smov.u32 s26  }
0x9c: {  	[tilespmem:s28], [sflag:$0x2] =	stream.linear.gather @!p2 [hbm4b:s30+s29], $0x80, $0x38;
	[tilespmem:$0x1E518] =	vst v63  }
0x9d: {  	s23 =	sadd.s32 $0x1, s23;
	s29 =	smov.u32 s24;
	v1 =	vld.msk [tilespmem:s25+$0x0], $0x1  }
0x9e: {  	p3 =	seq.s32 s23, $0x0;
	_ =	sdelay $0x3  }
0x9f: {  	(v2sf) =	vpush v1, $0x0;
	_ =	sdelay $0xe  }
0xa0: {  	s24 =	spop (v2sf)  }
0xa1: {  	p2 =	seq.s32 s29, s24  }
0xa2: {  	p4 =	sgt.s32 @!p2 s29, $0x0;
	s28 =	sshll.u32 @!p2 s26, $0xA;
	s26 =	sadd.s32 @!p2 $0x1, s26  }
0xa3: {  	p4 =	por !p4, p2;
	s28 =	sshra.s32 @!p2 s28, $0x2;
	s26 =	smov.u32 @p2 s31  }
0xa4: {  	s29 =	simm.s32 @p4 $0x0;
	s30 =	sadd.s32 @!p2 $0x7308, s28;
	s28 =	sadd.s32 @!p2 $0x7388, s28  }
.Ltmp12:
0xa5: {  	s29 =	smin.u32 @!p2 s29, $0x4E170;
	(pc) =	sbr.rel @!p3 .LBB2_13-.Ltmp12, $4  }
0xa6: {  	s31 =	sand.u32 @!p2 $0x7FFF8, s29;
	s0 =	sadd.s32 @!p2 $0x80, s29  }
0xa7: {  	s29 =	sand.u32 @!p2 $0x7, s29;
	s31 =	sadd.s32 @!p2 s1, s31;
	s0 =	sand.u32 @!p2 $0xFFFF8, s0  }
0xa8: {  	[tilespmem:s30], [sflag:$0x2] =	stream.linear.gather @!p2 [hbm4b:s31+s29], $0x80, $0x38;
	[tilespmem:$0x1E518] =	vst v63  }
0xa9: {  	s25 =	sadd.s32 $0x1, s25;
	s30 =	sadd.s32 @!p2 s1, s0  }
.LBB2_14:
0xaa: {  	[tilespmem:s28], [sflag:$0x2] =	stream.linear.gather @!p2 [hbm4b:s30+s29], $0x80, $0x38;
	[tilespmem:$0x1E518] =	vst v63  }
.Ltmp13:
0xab: {  	s0 =	sshll.u32 s26, $0x8;
	(pc) =	sbr.rel .LBB2_15-.Ltmp13, $4  }
0xac: {  	s0 =	sand.u32 $0x3FFFFF00, s0  }
0xad: {  	_ =	swait.ge [sflag:s7], s0  }
0xae: {  	s0 =	ssub.s32 $0x0, s0;
	[sflag:s7] =	ssyncset.done $0x0  }
0xaf: {  	s24 =	simm.s32 $0x0;
	[sflag:s7] =	ssyncadd.s32 s0  }
.LBB2_16:
0xb0: {  	v1 =	vld [tilespmem:s19+$0xFFFFFF80];
	_ =	sdelay $0x3  }
0xb1: {  	s0 =	sshra.s32 s25, $0x2  }
0xb2: {  	[tilespmem:s0+$0x208] =	vst.add.f32.msk $0xffff, v1  }
0xb3: {  	v1 =	vld [tilespmem:s19+$0xFFFFFF90];
	_ =	sdelay $0x4  }
0xb4: {  	[tilespmem:s0+$0x218] =	vst.add.f32.msk $0xffff, v1  }
0xb5: {  	v1 =	vld [tilespmem:s19+$0xFFFFFFA0];
	_ =	sdelay $0x4  }
0xb6: {  	[tilespmem:s0+$0x228] =	vst.add.f32.msk $0xffff, v1  }
0xb7: {  	v1 =	vld [tilespmem:s19+$0xFFFFFFB0];
	_ =	sdelay $0x4  }
0xb8: {  	[tilespmem:s0+$0x238] =	vst.add.f32.msk $0xffff, v1  }
0xb9: {  	v1 =	vld [tilespmem:s19+$0xFFFFFFC0];
	_ =	sdelay $0x4  }
0xba: {  	[tilespmem:s0+$0x248] =	vst.add.f32.msk $0xffff, v1  }
0xbb: {  	v1 =	vld [tilespmem:s19+$0xFFFFFFD0];
	_ =	sdelay $0x4  }
0xbc: {  	[tilespmem:s0+$0x258] =	vst.add.f32.msk $0xffff, v1  }
0xbd: {  	v1 =	vld [tilespmem:s19+$0xFFFFFFE0];
	_ =	sdelay $0x4  }
0xbe: {  	[tilespmem:s0+$0x268] =	vst.add.f32.msk $0xffff, v1  }
0xbf: {  	v1 =	vld [tilespmem:s19+$0xFFFFFFF0];
	_ =	sdelay $0x4  }
0xc0: {  	[tilespmem:s0+$0x278] =	vst.add.f32.msk $0xffff, v1  }
0xc1: {  	v1 =	vld [tilespmem:s19+$0x0];
	_ =	sdelay $0x4  }
0xc2: {  	[tilespmem:s0+$0x288] =	vst.add.f32.msk $0xffff, v1  }
0xc3: {  	v1 =	vld [tilespmem:s19+$0x10];
	_ =	sdelay $0x4  }
0xc4: {  	[tilespmem:s0+$0x298] =	vst.add.f32.msk $0xffff, v1  }
0xc5: {  	v1 =	vld [tilespmem:s19+$0x20];
	_ =	sdelay $0x4  }
0xc6: {  	[tilespmem:s0+$0x2A8] =	vst.add.f32.msk $0xffff, v1  }
0xc7: {  	v1 =	vld [tilespmem:s19+$0x30];
	_ =	sdelay $0x4  }
0xc8: {  	[tilespmem:s0+$0x2B8] =	vst.add.f32.msk $0xffff, v1  }
0xc9: {  	v1 =	vld [tilespmem:s19+$0x40];
	_ =	sdelay $0x4  }
0xca: {  	[tilespmem:s0+$0x2C8] =	vst.add.f32.msk $0xffff, v1  }
0xcb: {  	v1 =	vld [tilespmem:s19+$0x50];
	_ =	sdelay $0x4  }
0xcc: {  	[tilespmem:s0+$0x2D8] =	vst.add.f32.msk $0xffff, v1  }
0xcd: {  	v1 =	vld [tilespmem:s19+$0x60];
	_ =	sdelay $0x4  }
0xce: {  	[tilespmem:s0+$0x2E8] =	vst.add.f32.msk $0xffff, v1  }
0xcf: {  	v1 =	vld [tilespmem:s19+$0x70];
	_ =	sdelay $0x4  }
0xd0: {  	[tilespmem:s0+$0x2F8] =	vst.add.f32.msk $0xffff, v1  }
.LBB2_20:
0xd1: {  	s20 =	sadd.s32 $0x1, s20  }
0xd2: {  	p2 =	seq.s32 s20, $0x0  }
.Ltmp14:
0xd3: {  	_ = 	snop;
	(pc) =	sbr.rel @p2 .LBB2_21-.Ltmp14, $2  }
0xd4: {  	_ =	sdelay $0x2  }
0xd5: {  	s17 =	sadd.s32 $0x1, s17;
	s19 =	sadd.s32 $0x100, s19;
	s22 =	smov.u32 s23  }
.LBB2_15:
0xd6: {  	v1 =	vld.msk [tilespmem:s17+$0x0], $0x1;
	_ =	sdelay $0x4  }
0xd7: {  	(v2sf) =	vpush v1, $0x0;
	_ =	sdelay $0xe  }
0xd8: {  	s23 =	spop (v2sf)  }
0xd9: {  	p2 =	sne.s32 s22, s23  }
.Ltmp15:
0xda: {  	_ = 	snop;
	(pc) =	sbr.rel @!p2 .LBB2_16-.Ltmp15, $2  }
0xdb: {  	_ =	sdelay $0x2  }
0xdc: {  	s25 =	sshll.u32 s16, $0xA  }
0xdd: {  	p2 =	seq.s32 s22, s18  }
.Ltmp16:
0xde: {  	_ = 	snop;
	(pc) =	sbr.rel @!p2 .LBB2_18-.Ltmp16, $2  }
0xdf: {  	_ =	sdelay $0x2  }
0xe0: {  	s25 =	sshra.s32 s25, $0x2  }
.Ltmp17:
0xe1: {  	s0 =	sadd.s32 $0x208, s25;
	(pc) =	sbr.rel .LBB2_19-.Ltmp17, $4  }
0xe2: {  	[spmem:s11] =	stream.linear.scatter [tilespmem:s0], [sflag:$0x1], $0x100, $0x38;
	[tilespmem:$0x1E518] =	vst v63  }
0xe3: {  	_ =	swait.ge [sflag:s9], $0x100  }
0xe4: {  	[sflag:s9] =	ssyncset.done $0x0  }
0xe5: {  	[sflag:s9] =	ssyncadd.s32 $0xFFFFFF00  }
.LBB2_18:
0xe6: {  	s0 =	sshll.u32 s21, $0xA  }
0xe7: {  	s0 =	sshra.s32 s0, $0x2  }
0xe8: {  	v1 =	vld [tilespmem:s0+$0x7308];
	_ =	sdelay $0x4  }
0xe9: {  	[tilespmem:s25+$0x208] =	vst.add.f32.msk $0xffff, v1  }
0xea: {  	v1 =	vld [tilespmem:s0+$0x7318];
	_ =	sdelay $0x4  }
0xeb: {  	[tilespmem:s25+$0x218] =	vst.add.f32.msk $0xffff, v1  }
0xec: {  	v1 =	vld [tilespmem:s0+$0x7328];
	_ =	sdelay $0x4  }
0xed: {  	[tilespmem:s25+$0x228] =	vst.add.f32.msk $0xffff, v1  }
0xee: {  	v1 =	vld [tilespmem:s0+$0x7338];
	_ =	sdelay $0x4  }
0xef: {  	[tilespmem:s25+$0x238] =	vst.add.f32.msk $0xffff, v1  }
0xf0: {  	v1 =	vld [tilespmem:s0+$0x7348];
	_ =	sdelay $0x4  }
0xf1: {  	[tilespmem:s25+$0x248] =	vst.add.f32.msk $0xffff, v1  }
0xf2: {  	v1 =	vld [tilespmem:s0+$0x7358];
	_ =	sdelay $0x4  }
0xf3: {  	[tilespmem:s25+$0x258] =	vst.add.f32.msk $0xffff, v1  }
0xf4: {  	v1 =	vld [tilespmem:s0+$0x7368];
	_ =	sdelay $0x4  }
0xf5: {  	[tilespmem:s25+$0x268] =	vst.add.f32.msk $0xffff, v1  }
0xf6: {  	v1 =	vld [tilespmem:s0+$0x7378];
	_ =	sdelay $0x4  }
0xf7: {  	[tilespmem:s25+$0x278] =	vst.add.f32.msk $0xffff, v1  }
0xf8: {  	v1 =	vld [tilespmem:s0+$0x7388];
	_ =	sdelay $0x4  }
0xf9: {  	[tilespmem:s25+$0x288] =	vst.add.f32.msk $0xffff, v1  }
0xfa: {  	v1 =	vld [tilespmem:s0+$0x7398];
	_ =	sdelay $0x4  }
0xfb: {  	[tilespmem:s25+$0x298] =	vst.add.f32.msk $0xffff, v1  }
0xfc: {  	v1 =	vld [tilespmem:s0+$0x73A8];
	_ =	sdelay $0x4  }
0xfd: {  	[tilespmem:s25+$0x2A8] =	vst.add.f32.msk $0xffff, v1  }
0xfe: {  	v1 =	vld [tilespmem:s0+$0x73B8];
	_ =	sdelay $0x4  }
0xff: {  	[tilespmem:s25+$0x2B8] =	vst.add.f32.msk $0xffff, v1  }
0x100: {  	v1 =	vld [tilespmem:s0+$0x73C8];
	_ =	sdelay $0x4  }
0x101: {  	[tilespmem:s25+$0x2C8] =	vst.add.f32.msk $0xffff, v1  }
0x102: {  	v1 =	vld [tilespmem:s0+$0x73D8];
	_ =	sdelay $0x4  }
0x103: {  	[tilespmem:s25+$0x2D8] =	vst.add.f32.msk $0xffff, v1  }
0x104: {  	v1 =	vld [tilespmem:s0+$0x73E8];
	_ =	sdelay $0x4  }
0x105: {  	[tilespmem:s25+$0x2E8] =	vst.add.f32.msk $0xffff, v1  }
0x106: {  	v1 =	vld [tilespmem:s0+$0x73F8];
	_ =	sdelay $0x2  }
0x107: {  	p2 =	sgt.u32 s22, $0x4E170  }
0x108: {  	s0 =	sand.u32 @!p2 $0x7FFF8, s22  }
0x109: {  	s26 =	sadd.s32 $0x208, s25;
	s28 =	sand.u32 @!p2 $0x7, s22;
	s0 =	sadd.s32 @!p2 s1, s0;
	[tilespmem:s25+$0x2F8] =	vst.add.f32.msk $0xffff, v1  }
0x10a: {  	[hbm4b:s0+s28] =	stream.linear.scatter @!p2 [tilespmem:s26], [sflag:$0x8], $0x80, $0x38;
	[tilespmem:$0x1E518] =	vst v63  }
0x10b: {  	s0 =	sadd.s32 @!p2 $0x80, s22  }
0x10c: {  	s0 =	sand.u32 @!p2 $0xFFFF8, s0  }
0x10d: {  	s22 =	sadd.s32 $0x288, s25;
	s0 =	sadd.s32 @!p2 s1, s0  }
0x10e: {  	[hbm4b:s0+s28] =	stream.linear.scatter @!p2 [tilespmem:s22], [sflag:$0x8], $0x80, $0x38;
	[tilespmem:$0x1E518] =	vst v63  }
0x10f: {  	s22 =	simm.s32 $0x0  }
0x110: {  	s22 =	simm.s32 @!p2 $0x400  }
0x111: {  	s24 =	sadd.s32 s22, s24  }
.LBB2_19:
0x112: {  	s0 =	sadd.s32 $0x1, s16  }
0x113: {  	s16 =	sshrl.u32 s0, $0x4  }
0x114: {  	s16 =	smulhi.u32 $0x24924925, s16  }
0x115: {  	v1 =	vld [tilespmem:s19+$0xFFFFFF80]  }
0x116: {  	s16 =	smul.u32 $0x70, s16;
	_ =	sdelay $0x1  }
0x117: {  	s16 =	ssub.s32 s0, s16  }
0x118: {  	s0 =	sshll.u32 s16, $0x8  }
0x119: {  	[tilespmem:s0+$0x208] =	vst v1  }
0x11a: {  	v1 =	vld [tilespmem:s19+$0xFFFFFF90];
	_ =	sdelay $0x4  }
0x11b: {  	[tilespmem:s0+$0x218] =	vst v1  }
0x11c: {  	v1 =	vld [tilespmem:s19+$0xFFFFFFA0];
	_ =	sdelay $0x4  }
0x11d: {  	[tilespmem:s0+$0x228] =	vst v1  }
0x11e: {  	v1 =	vld [tilespmem:s19+$0xFFFFFFB0];
	_ =	sdelay $0x4  }
0x11f: {  	[tilespmem:s0+$0x238] =	vst v1  }
0x120: {  	v1 =	vld [tilespmem:s19+$0xFFFFFFC0];
	_ =	sdelay $0x4  }
0x121: {  	[tilespmem:s0+$0x248] =	vst v1  }
0x122: {  	v1 =	vld [tilespmem:s19+$0xFFFFFFD0];
	_ =	sdelay $0x4  }
0x123: {  	[tilespmem:s0+$0x258] =	vst v1  }
0x124: {  	v1 =	vld [tilespmem:s19+$0xFFFFFFE0];
	_ =	sdelay $0x4  }
0x125: {  	[tilespmem:s0+$0x268] =	vst v1  }
0x126: {  	v1 =	vld [tilespmem:s19+$0xFFFFFFF0];
	_ =	sdelay $0x4  }
0x127: {  	[tilespmem:s0+$0x278] =	vst v1  }
0x128: {  	v1 =	vld [tilespmem:s19+$0x0];
	_ =	sdelay $0x4  }
0x129: {  	[tilespmem:s0+$0x288] =	vst v1  }
0x12a: {  	v1 =	vld [tilespmem:s19+$0x10];
	_ =	sdelay $0x4  }
0x12b: {  	[tilespmem:s0+$0x298] =	vst v1  }
0x12c: {  	v1 =	vld [tilespmem:s19+$0x20];
	_ =	sdelay $0x4  }
0x12d: {  	[tilespmem:s0+$0x2A8] =	vst v1  }
0x12e: {  	v1 =	vld [tilespmem:s19+$0x30];
	_ =	sdelay $0x4  }
0x12f: {  	[tilespmem:s0+$0x2B8] =	vst v1  }
0x130: {  	v1 =	vld [tilespmem:s19+$0x40];
	_ =	sdelay $0x4  }
0x131: {  	[tilespmem:s0+$0x2C8] =	vst v1  }
0x132: {  	v1 =	vld [tilespmem:s19+$0x50];
	_ =	sdelay $0x4  }
0x133: {  	[tilespmem:s0+$0x2D8] =	vst v1  }
0x134: {  	v1 =	vld [tilespmem:s19+$0x60];
	_ =	sdelay $0x4  }
0x135: {  	[tilespmem:s0+$0x2E8] =	vst v1  }
0x136: {  	v1 =	vld [tilespmem:s19+$0x70]  }
.Ltmp18:
0x137: {  	_ = 	snop;
	(pc) =	sbr.rel .LBB2_20-.Ltmp18, $2  }
0x138: {  	_ =	sdelay $0x2  }
0x139: {  	s21 =	sadd.s32 $0x1, s21;
	[tilespmem:s0+$0x2F8] =	vst v1  }
.LBB2_22:
.Ltmp19:
0x13a: {  	(pc) =	sbr.rel .LBB2_23-.Ltmp19, $3  }
0x13b: {  	_ =	sdelay $0x1  }
0x13c: {  	_ =	swait.ge [sflag:s7], $0x0  }
0x13d: {  	s17 =	simm.s32 $0x0;
	s23 =	smov.u32 s22;
	[sflag:s7] =	ssyncset.done $0x0  }
.LBB2_25:
0x13e: {  	_ =	sfence.sel $0x180000  }
0x13f: {  	s0 =	simm.s32 $0x7;
	[bflag:$0x0] =	sbarrier.arrive $0xFFFF  }
0x140: {  	s28 =	simm.s32 $0x2;
	[sflag:s0] =	ssyncpa.u1 $0x1  }
0x141: {  	[sflag:s28] =	ssyncpa.u1 $0x1  }
0x142: {  	v0 =	vld [tilespmem:$0xE408];
	_ =	sdelay $0x4  }
0x143: {  	(v2sf) =	vpush v0, $0x0  }
0x144: {  	(v2sf) =	vpush v0, $0x1;
	_ =	sdelay $0x1  }
0x145: {  	(v2sf) =	vpush v0, $0x2;
	_ =	sdelay $0xb  }
0x146: {  	s0 =	spop (v2sf)  }
0x147: {  	s3 =	spop (v2sf)  }
0x148: {  	s4 =	smov.u32 s0;
	p0 =	sne.s32 s0, s3  }
0x149: {  	s5 =	spop (v2sf);
	s4 =	simm.s32 @!p0 $0xFFFFFFFF  }
0x14a: {  	v2 =	vimm.s32 $0x1;
	v3 =	vlaneseq.u32;
	p0 =	seq.s32 s5, $0xFFFFFFFF;
	v1 =	vmov s4  }
0x14b: {  	v0 =	vperm.xlane v0, v2;
	p1 =	sne.s32 @!p0 s0, s3;
	v1 =	vperm.xlane v1, v3  }
0x14c: {  	vm0 =	vcmask $0x3F04;
	s7 =	simm.s32 $0xE408;
	s0 =	simm.s32 @!p0 $0x1;
	p1 =	por !p1, p0  }
0x14d: {  	s4 =	sshll.u32 s2, $0x1;
	s3 =	sshll.u32 @!p0 s5, $0xA;
	s0 =	simm.s32 @p1 $0x0;
	v0 =	vsel vm0, v1, v0  }
0x14e: {  	s6 =	sor.u32 $0x2000, s4;
	s3 =	sshra.s32 @!p0 s3, $0x2;
	s0 =	sor.u32 @!p0 s0, s4;
	[tilespmem:$0xE408] =	vst v0  }
0x14f: {  	[spmem:s6] =	stream.linear.scatter [tilespmem:s7], [sflag:$0x1], $0x2, $0x38;
	[tilespmem:$0x1E518] =	vst v63  }
0x150: {  	s3 =	sadd.s32 @!p0 $0x208, s3;
	s0 =	sshll.u32 @!p0 s0, $0x8  }
0x151: {  	[spmem:s0] =	stream.linear.scatter @!p0 [tilespmem:s3], [sflag:$0x1], $0x100, $0x38;
	[tilespmem:$0x1E518] =	vst v63  }
0x152: {  	s0 =	simm.s32 @!p0 $0x102  }
0x153: {  	s3 =	simm.s32 $0x1;
	s0 =	simm.s32 @p0 $0x2  }
0x154: {  	_ =	swait.ge [sflag:s3], s0  }
0x155: {  	s0 =	ssub.s32 $0x0, s0;
	[sflag:s3] =	ssyncset.done $0x0  }
0x156: {  	[sflag:s3] =	ssyncadd.s32 s0  }
0x157: {  	_ =	sfence.stream.spmem  }
0x158: {  	s29 =	simm.s32 $0x3;
	[bflag:$0x0] =	sbarrier.arrive $0xFFFF  }
0x159: {  	s30 =	simm.s32 $0x4;
	[sflag:s29] =	ssyncpa.u1 $0x1  }
0x15a: {  	s31 =	simm.s32 $0x3C;
	[sflag:s30] =	ssyncpa.u1 $0x1  }
0x15b: {  	p0 =	sne.s32 s2, $0x0;
	[sflag:s31] =	ssyncpa.u1 $0x1  }
0x15c: {  	_ =	sfence @p0  }
0x15d: {  	[sflag:s3] =	ssyncpa.u1 @p0 $0x1  }
0x15e: {  	_ =	strace @p0 $0x9000005F  }
0x15f: {  	[bflag:$0x2] =	sbarrier.arrive @p0 $0xFFFF  }
0x160: {  	_ =	shalt @p0  }
.LBB2_26:
0x161: {  	_ =	sfence.stream.spmem;
	s0 =	simm.s32 $0x5  }
0x162: {  	s2 =	simm.s32 $0x2000;
	s3 =	simm.s32 $0xE418;
	[sflag:s0] =	ssyncpa.u1 $0x0  }
0x163: {  	[tilespmem:s3], [sflag:$0x5] =	stream.linear.gather [spmem:s2], $0x20, $0x38;
	[tilespmem:$0x1E518] =	vst v63  }
0x164: {  	s30 =	simm.s32 $0xE438;
	s2 =	simm.s32 $0x0  }
0x165: {  	[tilespmem:s30], [sflag:$0x5] =	stream.linear.gather [spmem:s2], $0x2000, $0x38;
	[tilespmem:$0x1E518] =	vst v63  }
.Ltmp20:
0x166: {  	_ = 	snop;
	(pc) =	sbr.rel .LBB2_27-.Ltmp20, $4  }
0x167: {  	_ =	swait.ge [sflag:s0], $0x2020  }
0x168: {  	[sflag:s0] =	ssyncset.done $0x0  }
0x169: {  	s31 =	simm.s32 $0x6;
	[sflag:s0] =	ssyncadd.s32 $0xFFFFDFE0  }
0x16a: {  	s3 =	simm.s32 $0x0;
	[sflag:s31] =	ssyncpa.u1 $0x0  }
.LBB2_33:
0x16b: {  	p0 =	slt.u32 s4, $0x4E171  }
0x16c: {  	s0 =	sand.u32 @p0 $0x7FFF8, s4  }
0x16d: {  	s5 =	sand.u32 @p0 $0x7, s4;
	s6 =	simm.s32 @p0 $0xE308;
	s0 =	sadd.s32 @p0 s1, s0  }
0x16e: {  	[tilespmem:s6], [sflag:$0x6] =	stream.linear.gather @p0 [hbm4b:s0+s5], $0x80, $0x38;
	[tilespmem:$0x1E518] =	vst v63  }
0x16f: {  	s0 =	sadd.s32 @p0 $0x80, s4  }
0x170: {  	s0 =	sand.u32 @p0 $0xFFFF8, s0  }
0x171: {  	s4 =	simm.s32 @p0 $0xE388;
	s0 =	sadd.s32 @p0 s1, s0  }
0x172: {  	[tilespmem:s4], [sflag:$0x6] =	stream.linear.gather @p0 [hbm4b:s0+s5], $0x80, $0x38;
	[tilespmem:$0x1E518] =	vst v63  }
0x173: {  	s0 =	simm.s32 @p0 $0x6  }
0x174: {  	_ =	swait.ge @p0 [sflag:s0], $0x100  }
0x175: {  	[sflag:s0] =	ssyncset.done @p0 $0x0  }
0x176: {  	[sflag:s0] =	ssyncadd.s32 @p0 $0xFFFFFF00  }
0x177: {  	v1 =	vld @p0 [tilespmem:$0xE308];
	_ =	sdelay $0x2  }
0x178: {  	s0 =	sshll.u32 @p0 s3, $0xA  }
0x179: {  	s4 =	sshrl.u32 @p0 s0, $0x2  }
0x17a: {  	[tilespmem:s4+$0xE438] =	vst.add.f32.msk @p0 $0xffff, v1  }
0x17b: {  	v1 =	vld @p0 [tilespmem:$0xE318];
	_ =	sdelay $0x4  }
0x17c: {  	[tilespmem:s4+$0xE448] =	vst.add.f32.msk @p0 $0xffff, v1  }
0x17d: {  	v1 =	vld @p0 [tilespmem:$0xE328];
	_ =	sdelay $0x4  }
0x17e: {  	[tilespmem:s4+$0xE458] =	vst.add.f32.msk @p0 $0xffff, v1  }
0x17f: {  	v1 =	vld @p0 [tilespmem:$0xE338];
	_ =	sdelay $0x4  }
0x180: {  	[tilespmem:s4+$0xE468] =	vst.add.f32.msk @p0 $0xffff, v1  }
0x181: {  	v1 =	vld @p0 [tilespmem:$0xE348];
	_ =	sdelay $0x4  }
0x182: {  	[tilespmem:s4+$0xE478] =	vst.add.f32.msk @p0 $0xffff, v1  }
0x183: {  	v1 =	vld @p0 [tilespmem:$0xE358];
	_ =	sdelay $0x4  }
0x184: {  	[tilespmem:s4+$0xE488] =	vst.add.f32.msk @p0 $0xffff, v1  }
0x185: {  	v1 =	vld @p0 [tilespmem:$0xE368];
	_ =	sdelay $0x4  }
0x186: {  	[tilespmem:s4+$0xE498] =	vst.add.f32.msk @p0 $0xffff, v1  }
0x187: {  	v1 =	vld @p0 [tilespmem:$0xE378];
	_ =	sdelay $0x4  }
0x188: {  	[tilespmem:s4+$0xE4A8] =	vst.add.f32.msk @p0 $0xffff, v1  }
0x189: {  	v1 =	vld @p0 [tilespmem:$0xE388];
	_ =	sdelay $0x4  }
0x18a: {  	[tilespmem:s4+$0xE4B8] =	vst.add.f32.msk @p0 $0xffff, v1  }
0x18b: {  	v1 =	vld @p0 [tilespmem:$0xE398];
	_ =	sdelay $0x4  }
0x18c: {  	[tilespmem:s4+$0xE4C8] =	vst.add.f32.msk @p0 $0xffff, v1  }
0x18d: {  	v1 =	vld @p0 [tilespmem:$0xE3A8];
	_ =	sdelay $0x4  }
0x18e: {  	[tilespmem:s4+$0xE4D8] =	vst.add.f32.msk @p0 $0xffff, v1  }
0x18f: {  	v1 =	vld @p0 [tilespmem:$0xE3B8];
	_ =	sdelay $0x4  }
0x190: {  	[tilespmem:s4+$0xE4E8] =	vst.add.f32.msk @p0 $0xffff, v1  }
0x191: {  	v1 =	vld @p0 [tilespmem:$0xE3C8];
	_ =	sdelay $0x4  }
0x192: {  	[tilespmem:s4+$0xE4F8] =	vst.add.f32.msk @p0 $0xffff, v1  }
0x193: {  	v1 =	vld @p0 [tilespmem:$0xE3D8];
	_ =	sdelay $0x4  }
0x194: {  	[tilespmem:s4+$0xE508] =	vst.add.f32.msk @p0 $0xffff, v1  }
0x195: {  	v1 =	vld @p0 [tilespmem:$0xE3E8];
	_ =	sdelay $0x4  }
0x196: {  	[tilespmem:s4+$0xE518] =	vst.add.f32.msk @p0 $0xffff, v1  }
0x197: {  	v1 =	vld @p0 [tilespmem:$0xE3F8];
	_ =	sdelay $0x3  }
0x198: {  	s5 =	sshll.u32 @!p0 s3, $0xA  }
0x199: {  	s5 =	smov.u32 @p0 s0;
	[tilespmem:s4+$0xE528] =	vst.add.f32.msk @p0 $0xffff, v1  }
0x19a: {  	s0 =	sshrl.u32 s5, $0x2;
	[tilespmem:s2+$0xE418] =	vst.msk $0x1, v0  }
0x19b: {  	v0 =	vld [tilespmem:s0+$0xE438];
	_ =	sdelay $0x2  }
0x19c: {  	s31 =	sshll.u32 s2, $0xA  }
0x19d: {  	s4 =	sshra.s32 s31, $0x2  }
0x19e: {  	[tilespmem:s4+$0xE438] =	vst v0  }
0x19f: {  	v0 =	vld [tilespmem:s0+$0xE448];
	_ =	sdelay $0x4  }
0x1a0: {  	[tilespmem:s4+$0xE448] =	vst v0  }
0x1a1: {  	v0 =	vld [tilespmem:s0+$0xE458];
	_ =	sdelay $0x4  }
0x1a2: {  	[tilespmem:s4+$0xE458] =	vst v0  }
0x1a3: {  	v0 =	vld [tilespmem:s0+$0xE468];
	_ =	sdelay $0x4  }
0x1a4: {  	[tilespmem:s4+$0xE468] =	vst v0  }
0x1a5: {  	v0 =	vld [tilespmem:s0+$0xE478];
	_ =	sdelay $0x4  }
0x1a6: {  	[tilespmem:s4+$0xE478] =	vst v0  }
0x1a7: {  	v0 =	vld [tilespmem:s0+$0xE488];
	_ =	sdelay $0x4  }
0x1a8: {  	[tilespmem:s4+$0xE488] =	vst v0  }
0x1a9: {  	v0 =	vld [tilespmem:s0+$0xE498];
	_ =	sdelay $0x4  }
0x1aa: {  	[tilespmem:s4+$0xE498] =	vst v0  }
0x1ab: {  	v0 =	vld [tilespmem:s0+$0xE4A8];
	_ =	sdelay $0x4  }
0x1ac: {  	[tilespmem:s4+$0xE4A8] =	vst v0  }
0x1ad: {  	v0 =	vld [tilespmem:s0+$0xE4B8];
	_ =	sdelay $0x4  }
0x1ae: {  	[tilespmem:s4+$0xE4B8] =	vst v0  }
0x1af: {  	v0 =	vld [tilespmem:s0+$0xE4C8];
	_ =	sdelay $0x4  }
0x1b0: {  	[tilespmem:s4+$0xE4C8] =	vst v0  }
0x1b1: {  	v0 =	vld [tilespmem:s0+$0xE4D8];
	_ =	sdelay $0x4  }
0x1b2: {  	[tilespmem:s4+$0xE4D8] =	vst v0  }
0x1b3: {  	v0 =	vld [tilespmem:s0+$0xE4E8];
	_ =	sdelay $0x4  }
0x1b4: {  	[tilespmem:s4+$0xE4E8] =	vst v0  }
0x1b5: {  	v0 =	vld [tilespmem:s0+$0xE4F8];
	_ =	sdelay $0x4  }
0x1b6: {  	[tilespmem:s4+$0xE4F8] =	vst v0  }
0x1b7: {  	v0 =	vld [tilespmem:s0+$0xE508];
	_ =	sdelay $0x4  }
0x1b8: {  	[tilespmem:s4+$0xE508] =	vst v0  }
0x1b9: {  	v0 =	vld [tilespmem:s0+$0xE518];
	_ =	sdelay $0x4  }
0x1ba: {  	[tilespmem:s4+$0xE518] =	vst v0  }
0x1bb: {  	v0 =	vld [tilespmem:s0+$0xE528];
	_ =	sdelay $0x4  }
0x1bc: {  	s2 =	sadd.s32 $0x1, s2;
	[tilespmem:s4+$0xE528] =	vst v0  }
.LBB2_34:
0x1bd: {  	s3 =	sadd.s32 $0x1, s3  }
0x1be: {  	p0 =	sne.s32 s3, $0x20  }
.Ltmp21:
0x1bf: {  	_ = 	snop;
	(pc) =	sbr.rel @!p0 .LBB2_35-.Ltmp21, $1  }
0x1c0: {  	_ =	sdelay $0x3  }
.LBB2_27:
0x1c1: {  	v0 =	vld.msk [tilespmem:s3+$0xE418], $0x1;
	_ =	sdelay $0x4  }
0x1c2: {  	(v2sf) =	vpush v0, $0x0;
	_ =	sdelay $0xe  }
0x1c3: {  	s4 =	spop (v2sf)  }
0x1c4: {  	p0 =	seq.s32 s4, $0xFFFFFFFF  }
.Ltmp22:
0x1c5: {  	_ = 	snop;
	(pc) =	sbr.rel @p0 .LBB2_34-.Ltmp22, $1  }
0x1c6: {  	_ =	sdelay $0x3  }
0x1c7: {  	p0 =	slt.s32 s2, $0x1  }
.Ltmp23:
0x1c8: {  	_ = 	snop;
	(pc) =	sbr.rel @p0 .LBB2_33-.Ltmp23, $1  }
0x1c9: {  	_ =	sdelay $0x3  }
0x1ca: {  	s5 =	simm.s32 $0xE418;
	p0 =	por $0x0, $0x0  }
0x1cb: {  	v1 =	vld.msk @!p0 [tilespmem:s5+$0x0], $0x1;
	_ =	sdelay $0x4  }
0x1cc: {  	(v2sf) =	vpush @!p0 v1, $0x0;
	_ =	sdelay $0xd  }
0x1cd: {  	p2 =	sne.s32 s2, $0x1  }
.Ltmp24:
0x1ce: {  	s0 =	spop @!p0 (v2sf);
	(pc) =	sbr.rel @!p2 .LBB2_31-.Ltmp24, $4  }
0x1cf: {  	p1 =	seq.s32 @!p0 s4, s0  }
0x1d0: {  	s6 =	simm.s32 $0x0;
	p1 =	por !p1, p0  }
0x1d1: {  	s0 =	simm.s32 $0xFFFFFFFF;
	s6 =	simm.s32 @p1 $0xFFFFFFFF  }
0x1d2: {  	s7 =	simm.s32 $0x1;
	s6 =	smov.u32 @p0 s0  }
.LBB2_30:
0x1d3: {  	s0 =	smov.u32 s6;
	p0 =	sne.s32 s6, $0xFFFFFFFF  }
0x1d4: {  	s5 =	sadd.s32 $0x1, s5;
	s6 =	smov.u32 s7;
	s7 =	sadd.s32 $0x1, s7  }
0x1d5: {  	p1 =	sne.s32 s2, s7;
	v1 =	vld.msk @!p0 [tilespmem:s5+$0x0], $0x1;
	_ =	sdelay $0x4  }
0x1d6: {  	(v2sf) =	vpush @!p0 v1, $0x0;
	_ =	sdelay $0xe  }
.Ltmp25:
0x1d7: {  	s8 =	spop @!p0 (v2sf);
	(pc) =	sbr.rel @p1 .LBB2_30-.Ltmp25, $4  }
0x1d8: {  	p2 =	seq.s32 @!p0 s4, s8  }
0x1d9: {  	p2 =	por !p2, p0  }
0x1da: {  	s6 =	simm.s32 @p2 $0xFFFFFFFF  }
0x1db: {  	s6 =	smov.u32 @p0 s0  }
.LBB2_31:
0x1dc: {  	p0 =	seq.s32 s6, $0xFFFFFFFF  }
.Ltmp26:
0x1dd: {  	_ = 	snop;
	(pc) =	sbr.rel @p0 .LBB2_33-.Ltmp26, $1  }
0x1de: {  	_ =	sdelay $0x3  }
0x1df: {  	s0 =	sshll.u32 s3, $0x8  }
0x1e0: {  	s0 =	sand.u32 $0x3FFFFF00, s0  }
0x1e1: {  	v0 =	vld [tilespmem:s0+$0xE438];
	_ =	sdelay $0x2  }
0x1e2: {  	s4 =	sshll.u32 s6, $0xA  }
0x1e3: {  	s4 =	sshra.s32 s4, $0x2  }
0x1e4: {  	[tilespmem:s4+$0xE438] =	vst.add.f32.msk $0xffff, v0  }
0x1e5: {  	v0 =	vld [tilespmem:s0+$0xE448];
	_ =	sdelay $0x4  }
0x1e6: {  	[tilespmem:s4+$0xE448] =	vst.add.f32.msk $0xffff, v0  }
0x1e7: {  	v0 =	vld [tilespmem:s0+$0xE458];
	_ =	sdelay $0x4  }
0x1e8: {  	[tilespmem:s4+$0xE458] =	vst.add.f32.msk $0xffff, v0  }
0x1e9: {  	v0 =	vld [tilespmem:s0+$0xE468];
	_ =	sdelay $0x4  }
0x1ea: {  	[tilespmem:s4+$0xE468] =	vst.add.f32.msk $0xffff, v0  }
0x1eb: {  	v0 =	vld [tilespmem:s0+$0xE478];
	_ =	sdelay $0x4  }
0x1ec: {  	[tilespmem:s4+$0xE478] =	vst.add.f32.msk $0xffff, v0  }
0x1ed: {  	v0 =	vld [tilespmem:s0+$0xE488];
	_ =	sdelay $0x4  }
0x1ee: {  	[tilespmem:s4+$0xE488] =	vst.add.f32.msk $0xffff, v0  }
0x1ef: {  	v0 =	vld [tilespmem:s0+$0xE498];
	_ =	sdelay $0x4  }
0x1f0: {  	[tilespmem:s4+$0xE498] =	vst.add.f32.msk $0xffff, v0  }
0x1f1: {  	v0 =	vld [tilespmem:s0+$0xE4A8];
	_ =	sdelay $0x4  }
0x1f2: {  	[tilespmem:s4+$0xE4A8] =	vst.add.f32.msk $0xffff, v0  }
0x1f3: {  	v0 =	vld [tilespmem:s0+$0xE4B8];
	_ =	sdelay $0x4  }
0x1f4: {  	[tilespmem:s4+$0xE4B8] =	vst.add.f32.msk $0xffff, v0  }
0x1f5: {  	v0 =	vld [tilespmem:s0+$0xE4C8];
	_ =	sdelay $0x4  }
0x1f6: {  	[tilespmem:s4+$0xE4C8] =	vst.add.f32.msk $0xffff, v0  }
0x1f7: {  	v0 =	vld [tilespmem:s0+$0xE4D8];
	_ =	sdelay $0x4  }
0x1f8: {  	[tilespmem:s4+$0xE4D8] =	vst.add.f32.msk $0xffff, v0  }
0x1f9: {  	v0 =	vld [tilespmem:s0+$0xE4E8];
	_ =	sdelay $0x4  }
0x1fa: {  	[tilespmem:s4+$0xE4E8] =	vst.add.f32.msk $0xffff, v0  }
0x1fb: {  	v0 =	vld [tilespmem:s0+$0xE4F8];
	_ =	sdelay $0x4  }
0x1fc: {  	[tilespmem:s4+$0xE4F8] =	vst.add.f32.msk $0xffff, v0  }
0x1fd: {  	v0 =	vld [tilespmem:s0+$0xE508];
	_ =	sdelay $0x4  }
0x1fe: {  	[tilespmem:s4+$0xE508] =	vst.add.f32.msk $0xffff, v0  }
0x1ff: {  	v0 =	vld [tilespmem:s0+$0xE518];
	_ =	sdelay $0x4  }
0x200: {  	[tilespmem:s4+$0xE518] =	vst.add.f32.msk $0xffff, v0  }
0x201: {  	v0 =	vld [tilespmem:s0+$0xE528]  }
.Ltmp27:
0x202: {  	_ = 	snop;
	(pc) =	sbr.rel .LBB2_34-.Ltmp27, $2  }
0x203: {  	_ =	sdelay $0x2  }
0x204: {  	[tilespmem:s4+$0xE528] =	vst.add.f32.msk $0xffff, v0  }
.LBB2_35:
0x205: {  	p0 =	slt.s32 s2, $0x1  }
.Ltmp28:
0x206: {  	_ = 	snop;
	(pc) =	sbr.rel @p0 .LBB2_39-.Ltmp28, $3  }
0x207: {  	_ =	sdelay $0x1  }
0x208: {  	s0 =	simm.s32 $0x6  }
0x209: {  	s5 =	simm.s32 $0x0;
	[sflag:s0] =	ssyncpa.u1 $0x1  }
0x20a: {  	s0 =	simm.s32 $0xE418  }
0x20b: {  	v0 =	vld.msk [tilespmem:s0+$0x0], $0x1;
	_ =	sdelay $0x4  }
0x20c: {  	(v2sf) =	vpush v0, $0x0;
	_ =	sdelay $0xe  }
0x20d: {  	s2 =	sadd.s32 $0xFFFFFFFF, s2;
	s0 =	spop (v2sf)  }
0x20e: {  	s4 =	simm.s32 $0xE438;
	p0 =	sne.s32 s2, $0x0;
	p1 =	sgt.u32 s0, $0x4E170  }
.Ltmp29:
0x20f: {  	s3 =	simm.s32 $0xE538;
	s6 =	sand.u32 @!p1 $0x7FFF8, s0;
	(pc) =	sbr.rel @!p0 .LBB2_38-.Ltmp29, $4  }
0x210: {  	s7 =	sadd.s32 @!p1 $0x80, s0;
	s5 =	simm.s32 @!p1 $0x400;
	s8 =	sadd.s32 @!p1 s1, s6  }
0x211: {  	s6 =	sand.u32 @!p1 $0x7, s0;
	s0 =	sand.u32 @!p1 $0xFFFF8, s7;
	s7 =	simm.s32 @!p1 $0xE4B8  }
0x212: {  	[hbm4b:s8+s6] =	stream.linear.scatter @!p1 [tilespmem:s4], [sflag:$0x5], $0x80, $0x38;
	[tilespmem:$0x1E518] =	vst v63  }
0x213: {  	s5 =	sadd.s32 $0x0, s5;
	s4 =	simm.s32 $0xE419;
	s8 =	sadd.s32 @!p1 s1, s0  }
.LBB2_37:
0x214: {  	[hbm4b:s8+s6] =	stream.linear.scatter @!p1 [tilespmem:s7], [sflag:$0x5], $0x80, $0x38;
	[tilespmem:$0x1E518] =	vst v63  }
0x215: {  	s2 =	sadd.s32 $0xFFFFFFFF, s2;
	s0 =	smov.u32 s3;
	v0 =	vld.msk [tilespmem:s4+$0x0], $0x1  }
0x216: {  	p0 =	sne.s32 s2, $0x0;
	_ =	sdelay $0x3  }
0x217: {  	(v2sf) =	vpush v0, $0x0;
	_ =	sdelay $0xe  }
0x218: {  	s3 =	sadd.s32 $0x100, s3;
	s9 =	simm.s32 $0x0;
	s6 =	spop (v2sf)  }
.Ltmp30:
0x219: {  	s4 =	sadd.s32 $0x1, s4;
	p1 =	sgt.u32 s6, $0x4E170;
	(pc) =	sbr.rel @p0 .LBB2_37-.Ltmp30, $4  }
0x21a: {  	s9 =	simm.s32 @!p1 $0x400;
	s7 =	sand.u32 @!p1 $0x7FFF8, s6;
	s8 =	sadd.s32 @!p1 $0x80, s6  }
0x21b: {  	s6 =	sand.u32 @!p1 $0x7, s6;
	s7 =	sadd.s32 @!p1 s1, s7;
	s8 =	sand.u32 @!p1 $0xFFFF8, s8  }
0x21c: {  	[hbm4b:s7+s6] =	stream.linear.scatter @!p1 [tilespmem:s0], [sflag:$0x5], $0x80, $0x38;
	[tilespmem:$0x1E518] =	vst v63  }
0x21d: {  	s5 =	sadd.s32 s5, s9;
	s7 =	sadd.s32 @!p1 $0x80, s0;
	s8 =	sadd.s32 @!p1 s1, s8  }
.LBB2_38:
0x21e: {  	[hbm4b:s8+s6] =	stream.linear.scatter @!p1 [tilespmem:s7], [sflag:$0x5], $0x80, $0x38;
	[tilespmem:$0x1E518] =	vst v63  }
0x21f: {  	s5 =	sshrl.u32 s5, $0x2  }
.LBB2_39:
0x220: {  	s0 =	simm.s32 $0x5  }
0x221: {  	_ =	swait.ge [sflag:s0], s5  }
0x222: {  	s1 =	ssub.s32 $0x0, s5;
	[sflag:s0] =	ssyncset.done $0x0  }
0x223: {  	[sflag:s0] =	ssyncadd.s32 s1  }
0x224: {  	[sflag:s0] =	ssyncpa.u1 $0x1  }
0x225: {  	s30 =	simm.s32 $0x1;
	_ =	sfence  }
0x226: {  	[sflag:s30] =	ssyncpa.u1 $0x1  }
0x227: {  	_ =	strace $0x9000005F  }
0x228: {  	[bflag:$0x2] =	sbarrier.arrive $0xFFFF  }
0x229: {  	s31 =	rddreg [dreg:$0x2]  }
0x22a: {  	s0 =	sadd.s32 $0x100000, s31  }
0x22b: {  	[sflag:s0] =	ssyncadd.tile.s32 $0x1;
	_ =	shalt  }
.Lfunc_end2:
_tile_overlayer_lowered:
.L_overlay_start_2:
0x22c: {  	(tag) =	ssettag $0x2  }
0x22d: {  	s0 =	rddreg [dreg:$0x0];
	s2 =	stileid.u32  }
0x22e: {  	s1 =	rddreg [dreg:$0x1];
	p0 =	sne.s32 s2, $0x0  }
0x22f: {  	s3 =	rddreg [dreg:$0x2];
	[bflag:$0x3] =	sbarrier.arrive $0xFFFF;
	s2 =	simm.s32 @!p0 $0x1C01  }
0x230: {  	[timem:s3], [sflag:s2] =	dma.local @!p0 [hbm:s0], s1  }
0x231: {  	s0 =	simm.s32 @!p0 $0x1  }
0x232: {  	_ =	swait.ge @!p0 [sflag:s0], s1  }
0x233: {  	s1 =	ssub.s32 @!p0 $0x0, s1;
	[sflag:s0] =	ssyncset.done @!p0 $0x0  }
0x234: {  	[sflag:s0] =	ssyncadd.s32 @!p0 s1  }
0x235: {  	[bflag:$0x3] =	sbarrier.arrive $0xFFFF  }
0x236: {  	_ =	shalt  }

// kernel: scatter_offload_async_start
scs
__scs_entry_jumppad:
0x0: {  	(pc) =	sbr.rel $0x88, $3  }
0x1: {  	(tag) =	ssettag $0x0;
	lr =	simm.s32 $0x1  }
0x2: {  	[smem:$0x3F97] =	sst lr;
	_ =	strace $0xD0000000  }
0x3: {  	_ = 	snop  }
0x4: {  	_ = 	snop  }
0x5: {  	_ = 	snop  }
0x6: {  	_ = 	snop  }
0x7: {  	_ = 	snop  }
__scs_overlays_trampoline_lowered:
0x8: {  	[smem:$0x3FA6] =	sst s0  }
0x9: {  	[smem:$0x3FA7] =	sst s1  }
0xa: {  	[smem:$0x3FA8] =	sst s2  }
0xb: {  	[smem:$0x3FA9] =	sst s3  }
0xc: {  	[smem:$0x3FAA] =	sst s4  }
0xd: {  	[smem:$0x3FAB] =	sst s5  }
0xe: {  	[smem:$0x3FAC] =	sst s6  }
0xf: {  	[smem:$0x3FAD] =	sst s7  }
0x10: {  	[smem:$0x3FAE] =	sst s8  }
0x11: {  	[smem:$0x3FAF] =	sst s9;
	s0 =	simm.s32 @!p0 $0x0  }
0x12: {  	s1 =	sld [smem:$0x3F95];
	s0 =	simm.s32 @p0 $0x1  }
0x13: {  	[smem:$0x3FB0] =	sst s0;
	s0 =	simm.s32 @!p1 $0x0  }
0x14: {  	s2 =	sld [smem:$0x3F94];
	s0 =	simm.s32 @p1 $0x1  }
0x15: {  	[smem:$0x3FB1] =	sst s0;
	s0 =	simm.s32 @!p2 $0x0  }
0x16: {  	s3 =	sld [smem:$0x3FDB];
	s0 =	simm.s32 @p2 $0x1  }
0x17: {  	s4 =	simm.s32 $0x1BF5;
	[smem:$0x3FB3] =	sst s0  }
0x18: {  	s0 =	sld [smem:$0x3F96];
	_ =	swait.ge [sflag:s4], $0x0  }
0x19: {  	s7 =	sld [smem:$0x3F97]  }
0x1a: {  	s8 =	sadd.s32 $0xFFFFE003, lr  }
0x1b: {  	s9 =	sadd.s32 $0xFFFFFEF7, lr;
	s5 =	simm.s32 $0xFFFFFFFF;
	p2 =	slt.u32 s8, $0xFFFFF086  }
0x1c: {  	p1 =	slt.u32 s9, $0xF7A;
	s5 =	simm.s32 @!p2 $0x0  }
0x1d: {  	s5 =	simm.s32 @p1 $0x1;
	p0 =	seq.s32 s7, s2  }
0x1e: {  	s7 =	smul.u32 @!p0 $0xF7A, s2;
	p2 =	seq.s32 @!p0 s5, $0x0  }
0x1f: {  	s9 =	smul.u32 $0xF7A, s1;
	s8 =	simm.s32 @!p0 $0x1BF5;
	p2 =	por !p2, p0  }
0x20: {  	[sflag:s8] =	ssyncset.s32 @!p0 $0xFFFFF086;
	s6 =	sadd.s32 @!p0 s3, s7;
	s7 =	simm.s32 @!p0 $0x108  }
0x21: {  	s3 =	sadd.s32 s3, s9;
	s6 =	sadd.s32 @!p0 $0x88, s6;
	s7 =	simm.s32 @p2 $0x1082  }
0x22: {  	[simem:s7], [sflag:s8] =	dma.local @!p0 [hbm:s6], $0xF7A  }
0x23: {  	s9 =	sor.u32 $0xD0000000, s2;
	s6 =	simm.s32 $0x108;
	_ =	swait.ge @!p0 [sflag:s8], $0x0  }
0x24: {  	s3 =	sadd.s32 $0x88, s3;
	s6 =	simm.s32 @!p1 $0x1082;
	[sflag:s4] =	ssyncset.s32 $0xFFFFF086  }
0x25: {  	[simem:s6], [sflag:s4] =	dma.local [hbm:s3], $0xF7A  }
0x26: {  	[smem:$0x3F97] =	sst s1;
	(tag) =	ssettag s2;
	_ =	strace s9  }
0x27: {  	s1 =	sld [smem:$0x3FA7]  }
0x28: {  	s2 =	sld [smem:$0x3FA8]  }
0x29: {  	s4 =	sld [smem:$0x3FAA]  }
0x2a: {  	p0 =	seq.s32 s5, $0x0;
	s5 =	sld [smem:$0x3FAB]  }
0x2b: {  	s6 =	sld [smem:$0x3FAC]  }
0x2c: {  	s7 =	sld [smem:$0x3FAD]  }
0x2d: {  	s3 =	simm.s32 $0x108;
	s8 =	sld [smem:$0x3FAE]  }
0x2e: {  	s3 =	simm.s32 @!p0 $0x1082;
	s9 =	sld [smem:$0x3FAF]  }
0x2f: {  	lr =	sadd.s32 s0, s3;
	s0 =	sld [smem:$0x3FA6]  }
0x30: {  	s3 =	sld [smem:$0x3FA9]  }
0x31: {  	[smem:$0x3FB2] =	sst s10  }
0x32: {  	s10 =	sld [smem:$0x3FB0];
	_ =	sdelay $0x3  }
0x33: {  	p0 =	seq.s32 s10, $0x1;
	s10 =	sld [smem:$0x3FB2];
	_ =	sdelay $0x3  }
0x34: {  	[smem:$0x3FB2] =	sst s10  }
0x35: {  	s10 =	sld [smem:$0x3FB1];
	_ =	sdelay $0x3  }
0x36: {  	p1 =	seq.s32 s10, $0x1;
	s10 =	sld [smem:$0x3FB2];
	_ =	sdelay $0x3  }
0x37: {  	[smem:$0x3FB2] =	sst s10  }
0x38: {  	s10 =	sld [smem:$0x3FB3]  }
0x39: {  	_ = 	snop;
	(pc) =	sbr.ind lr, $3  }
0x3a: {  	_ = 	snop  }
0x3b: {  	_ = 	snop  }
0x3c: {  	p2 =	seq.s32 s10, $0x1;
	s10 =	sld [smem:$0x3FB2]  }
0x3d: {  	_ =	shalt  }
0x3e: {  	_ =	shalt  }
0x3f: {  	_ =	shalt  }
0x40: {  	_ =	shalt  }
0x41: {  	_ =	shalt  }
0x42: {  	_ =	shalt  }
0x43: {  	_ =	shalt  }
0x44: {  	_ =	shalt  }
0x45: {  	_ =	shalt  }
0x46: {  	_ =	shalt  }
0x47: {  	_ =	shalt  }
0x48: {  	_ =	shalt  }
0x49: {  	_ =	shalt  }
0x4a: {  	_ =	shalt  }
0x4b: {  	_ =	shalt  }
0x4c: {  	_ =	shalt  }
0x4d: {  	_ =	shalt  }
0x4e: {  	_ =	shalt  }
0x4f: {  	_ =	shalt  }
0x50: {  	_ =	shalt  }
0x51: {  	_ =	shalt  }
0x52: {  	_ =	shalt  }
0x53: {  	_ =	shalt  }
0x54: {  	_ =	shalt  }
0x55: {  	_ =	shalt  }
0x56: {  	_ =	shalt  }
0x57: {  	_ =	shalt  }
0x58: {  	_ =	shalt  }
0x59: {  	_ =	shalt  }
0x5a: {  	_ =	shalt  }
0x5b: {  	_ =	shalt  }
0x5c: {  	_ =	shalt  }
0x5d: {  	_ =	shalt  }
0x5e: {  	_ =	shalt  }
0x5f: {  	_ =	shalt  }
0x60: {  	_ =	shalt  }
0x61: {  	_ =	shalt  }
0x62: {  	_ =	shalt  }
0x63: {  	_ =	shalt  }
0x64: {  	_ =	shalt  }
0x65: {  	_ =	shalt  }
0x66: {  	_ =	shalt  }
0x67: {  	_ =	shalt  }
0x68: {  	_ =	shalt  }
0x69: {  	_ =	shalt  }
0x6a: {  	_ =	shalt  }
0x6b: {  	_ =	shalt  }
0x6c: {  	_ =	shalt  }
0x6d: {  	_ =	shalt  }
0x6e: {  	_ =	shalt  }
0x6f: {  	_ =	shalt  }
0x70: {  	_ =	shalt  }
0x71: {  	_ =	shalt  }
0x72: {  	_ =	shalt  }
0x73: {  	_ =	shalt  }
0x74: {  	_ =	shalt  }
0x75: {  	_ =	shalt  }
0x76: {  	_ =	shalt  }
0x77: {  	_ =	shalt  }
0x78: {  	_ =	shalt  }
0x79: {  	_ =	shalt  }
0x7a: {  	_ =	shalt  }
0x7b: {  	_ =	shalt  }
0x7c: {  	_ =	shalt  }
0x7d: {  	_ =	shalt  }
0x7e: {  	_ =	shalt  }
0x7f: {  	_ =	shalt  }
0x80: {  	_ =	shalt  }
0x81: {  	_ =	shalt  }
0x82: {  	_ =	shalt  }
0x83: {  	_ =	shalt  }
0x84: {  	_ =	shalt  }
0x85: {  	_ =	shalt  }
0x86: {  	_ =	shalt  }
0x87: {  	_ =	shalt  }
.Lfunc_end0:
.L_simem_size_0:
called_computation_lowered:
.L_overlay_start_0:
0x88: {  	s0 =	sld [smem:$0x3FD9]  }
0x89: {  	s1 =	sld [smem:$0x3FFE];
	_ =	sdelay $0x3  }
0x8a: {  	s0 =	sadd.s32 s1, s0  }
0x8b: {  	[smem:$0x3FBE] =	sst s0  }
0x8c: {  	_ = 	snop  }
0x8d: {  	s0 =	sld [smem:$0x3FD0];
	(tm) =	ssettm $0x1  }
0x8e: {  	s16 =	sld [smem:$0x3FFB];
	_ =	sdelay $0x3  }
0x8f: {  	_ =	strace s16  }
0x90: {  	s1 =	sld [smem:$0x3FFC];
	_ =	sdelay $0x3  }
0x91: {  	_ =	strace s1  }
0x92: {  	s1 =	sld [smem:$0x3FFD];
	_ =	sdelay $0x3  }
0x93: {  	_ =	strace s1  }
0x94: {  	_ =	strace $0x8FFFFFFF  }
0x95: {  	s17 =	sld [smem:$0x3FDB];
	_ =	sdelay $0x1  }
0x96: {  	s2 =	simm.s32 $_scs_section_size  }
0x97: {  	s3 =	simm.s32 $_size__tile_overlayer_lowered;
	s4 =	simm.s32 $_tile_overlayer_lowered  }
0x98: {  	s20 =	simm.s32 $0x1BFF;
	s19 =	sshll.u32 s4, $0x1;
	s1 =	sadd.s32 s2, s17  }
0x99: {  	s5 =	simm.s32 $0x0;
	s18 =	sshll.u32 s3, $0x1;
	s3 =	sadd.s32 s19, s1  }
0x9a: {  	[timem:s5], [sflag:s20] =	dma.local [hbm:s3], s18  }
0x9b: {  	_ =	swait.ge [sflag:s20], s18  }
0x9c: {  	s2 =	ssub.s32 $0x0, s18;
	[sflag:s20] =	ssyncset.done $0x0  }
0x9d: {  	[sflag:s20] =	ssyncadd.s32 s2;
	_ =	sdelay $0x1  }
0x9e: {  	s21 =	simm.s32 $0x1B8B  }
0x9f: {  	_ =	swait.ge [sflag:s21], $0x1  }
0xa0: {  	[sflag:s21] =	ssyncset.done $0x0  }
0xa1: {  	s23 =	simm.s32 $0x1B8E;
	s22 =	sld [smem:$0x3FFE];
	[sflag:s21] =	ssyncadd.s32 $0xFFFFFFFF  }
0xa2: {  	s24 =	simm.s32 $execute0_lowered;
	[smem:$0x3FD2] =	sst s23  }
0xa3: {  	s3 =	sshll.u32 s24, $0x1;
	_ =	strace $0x8000004C;
	[dreg:$0x1] =	wrdreg $0xFFFFFFFF  }
0xa4: {  	s25 =	simm.s32 $_size_execute0_lowered;
	s1 =	sadd.s32 s1, s3;
	[dreg:$0x0] =	wrdreg $0x0  }
0xa5: {  	s3 =	sshll.u32 s25, $0x1;
	[dreg:$0x2] =	wrdreg s1  }
0xa6: {  	[dreg:$0x3] =	wrdreg s3  }
0xa7: {  	[dreg:$0x4] =	wrdreg $0xC0  }
0xa8: {  	_ =	task [dreg:s5], $0x5FFFF  }
0xa9: {  	[dreg:$0x1] =	wrdreg $0xFFFFFFFF  }
0xaa: {  	[dreg:$0x0] =	wrdreg $0x60  }
0xab: {  	[dreg:$0x2] =	wrdreg s0  }
0xac: {  	[dreg:$0x3] =	wrdreg s22  }
0xad: {  	[dreg:$0x4] =	wrdreg $0x9  }
0xae: {  	_ =	task.clear_ibuf [dreg:s5], $0x5FFFF;
	_ =	strace $0x9000004C  }
0xaf: {  	s26 =	simm.s32 $0x9;
	_ =	strace $0x8000004E  }
0xb0: {  	_ =	swait.ge [sflag:s26], $0x1  }
0xb1: {  	[sflag:s26] =	ssyncadd.s32 $0xFFFFFFFF  }
0xb2: {  	_ =	strace $0x9000004E  }
0xb3: {  	_ =	sfence  }
0xb4: {  	s28 =	sld [smem:$0x0];
	_ =	sdelay $0x1  }
0xb5: {  	s29 =	srdreg.scid  }
0xb6: {  	s30 =	sshll.u32 s29, $0xD;
	s31 =	sshrl.u32 s29, $0x2  }
0xb7: {  	s2 =	sand.u32 $0x4000, s30;
	s1 =	sand.u32 $0x1, s29;
	s0 =	sadd.s32 s31, s28  }
0xb8: {  	s1 =	sor.u32 s2, s1;
	s0 =	sshll.u32 s0, $0x11  }
0xb9: {  	s0 =	sor.u32 s0, s1  }
0xba: {  	s0 =	sadd.s32 $0x8F2B, s0  }
0xbb: {  	[sflag:s0] =	ssyncadd.remote.s32 $0x1  }
0xbc: {  	_ =	sfence.sel $0xFFFF  }
0xbd: {  	[dreg:$0x0] =	wrdreg $0xFFFFFFFF;
	(pc) =	sbr.abs _section_cstart, $3  }
0xbe: {  	[dreg:$0x1] =	wrdreg $0xFFFFFFFF  }
0xbf: {  	_ =	task.clear_ibuf [dreg:s5], $0x2FFFF;
	_ =	strace $0x9FFFFFFF  }
0xc0: {  	(tm) =	ssettm $0x7FFFFFFF  }
0xc1: {  	_ =	shalt  }
tec
execute0_lowered:
.L_overlay_start_1:
0x0: {  	(tag) =	ssettag $0x1  }
0x1: {  	s1 =	rddreg [dreg:$0x0]  }
0x2: {  	s5 =	rddreg [dreg:$0x1]  }
0x3: {  	s0 =	rddreg [dreg:$0x2];
	_ =	strace $0x8000004D;
	s3 =	simm.s32 $0x1  }
0x4: {  	v0 =	vimm.s32 $0x0;
	[sflag:s3] =	ssyncpa.u1 $0x0  }
0x5: {  	[tilespmem:$0x28] =	vst v0  }
0x6: {  	[tilespmem:$0x38] =	vst v0  }
0x7: {  	[tilespmem:$0x48] =	vst v0  }
0x8: {  	[tilespmem:$0x58] =	vst v0  }
0x9: {  	[tilespmem:$0x68] =	vst v0  }
0xa: {  	[tilespmem:$0x78] =	vst v0  }
0xb: {  	[tilespmem:$0x88] =	vst v0  }
0xc: {  	[tilespmem:$0x98] =	vst v0  }
0xd: {  	[tilespmem:$0xA8] =	vst v0  }
0xe: {  	[tilespmem:$0xB8] =	vst v0  }
0xf: {  	[tilespmem:$0xC8] =	vst v0  }
0x10: {  	[tilespmem:$0xD8] =	vst v0  }
0x11: {  	[tilespmem:$0xE8] =	vst v0  }
0x12: {  	[tilespmem:$0xF8] =	vst v0  }
0x13: {  	[tilespmem:$0x108] =	vst v0  }
0x14: {  	[tilespmem:$0x118] =	vst v0  }
0x15: {  	[tilespmem:$0x128] =	vst v0  }
0x16: {  	[tilespmem:$0x138] =	vst v0  }
0x17: {  	[tilespmem:$0x148] =	vst v0  }
0x18: {  	[tilespmem:$0x158] =	vst v0  }
0x19: {  	[tilespmem:$0x168] =	vst v0  }
0x1a: {  	[tilespmem:$0x178] =	vst v0  }
0x1b: {  	[tilespmem:$0x188] =	vst v0  }
0x1c: {  	[tilespmem:$0x198] =	vst v0  }
0x1d: {  	[tilespmem:$0x1A8] =	vst v0  }
0x1e: {  	[tilespmem:$0x1B8] =	vst v0  }
0x1f: {  	[tilespmem:$0x1C8] =	vst v0  }
0x20: {  	[tilespmem:$0x1D8] =	vst v0  }
0x21: {  	[tilespmem:$0x1E8] =	vst v0  }
0x22: {  	[tilespmem:$0x1F8] =	vst v0  }
0x23: {  	[tilespmem:$0x208] =	vst v0  }
0x24: {  	[tilespmem:$0x218] =	vst v0  }
0x25: {  	[tilespmem:$0x228] =	vst v0  }
0x26: {  	[tilespmem:$0x238] =	vst v0  }
0x27: {  	[tilespmem:$0x248] =	vst v0  }
0x28: {  	[tilespmem:$0x258] =	vst v0  }
0x29: {  	[tilespmem:$0x268] =	vst v0  }
0x2a: {  	[tilespmem:$0x278] =	vst v0  }
0x2b: {  	[tilespmem:$0x288] =	vst v0  }
0x2c: {  	[tilespmem:$0x298] =	vst v0  }
0x2d: {  	[tilespmem:$0x2A8] =	vst v0  }
0x2e: {  	[tilespmem:$0x2B8] =	vst v0  }
0x2f: {  	[tilespmem:$0x2C8] =	vst v0  }
0x30: {  	[tilespmem:$0x2D8] =	vst v0  }
0x31: {  	[tilespmem:$0x2E8] =	vst v0  }
0x32: {  	[tilespmem:$0x2F8] =	vst v0  }
0x33: {  	[tilespmem:$0x308] =	vst v0  }
0x34: {  	[tilespmem:$0x318] =	vst v0  }
0x35: {  	[tilespmem:$0x328] =	vst v0  }
0x36: {  	[tilespmem:$0x338] =	vst v0  }
0x37: {  	[tilespmem:$0x348] =	vst v0  }
0x38: {  	[tilespmem:$0x358] =	vst v0  }
0x39: {  	[tilespmem:$0x368] =	vst v0  }
0x3a: {  	[tilespmem:$0x378] =	vst v0  }
0x3b: {  	[tilespmem:$0x388] =	vst v0  }
0x3c: {  	[tilespmem:$0x398] =	vst v0  }
0x3d: {  	[tilespmem:$0x3A8] =	vst v0  }
0x3e: {  	[tilespmem:$0x3B8] =	vst v0  }
0x3f: {  	[tilespmem:$0x3C8] =	vst v0  }
0x40: {  	[tilespmem:$0x3D8] =	vst v0  }
0x41: {  	[tilespmem:$0x3E8] =	vst v0  }
0x42: {  	[tilespmem:$0x3F8] =	vst v0  }
0x43: {  	[tilespmem:$0x408] =	vst v0  }
0x44: {  	[tilespmem:$0x418] =	vst v0  }
0x45: {  	[tilespmem:$0x428] =	vst v0  }
0x46: {  	[tilespmem:$0x438] =	vst v0  }
0x47: {  	[tilespmem:$0x448] =	vst v0  }
0x48: {  	[tilespmem:$0x458] =	vst v0  }
0x49: {  	[tilespmem:$0x468] =	vst v0  }
0x4a: {  	[tilespmem:$0x478] =	vst v0  }
0x4b: {  	[tilespmem:$0x488] =	vst v0  }
0x4c: {  	[tilespmem:$0x498] =	vst v0  }
0x4d: {  	[tilespmem:$0x4A8] =	vst v0  }
0x4e: {  	[tilespmem:$0x4B8] =	vst v0  }
0x4f: {  	[tilespmem:$0x4C8] =	vst v0  }
0x50: {  	[tilespmem:$0x4D8] =	vst v0  }
0x51: {  	[tilespmem:$0x4E8] =	vst v0  }
0x52: {  	[tilespmem:$0x4F8] =	vst v0  }
0x53: {  	[tilespmem:$0x508] =	vst v0  }
0x54: {  	[tilespmem:$0x518] =	vst v0  }
0x55: {  	[tilespmem:$0x528] =	vst v0  }
0x56: {  	[tilespmem:$0x538] =	vst v0  }
0x57: {  	[tilespmem:$0x548] =	vst v0  }
0x58: {  	[tilespmem:$0x558] =	vst v0  }
0x59: {  	[tilespmem:$0x568] =	vst v0  }
0x5a: {  	[tilespmem:$0x578] =	vst v0  }
0x5b: {  	[tilespmem:$0x588] =	vst v0  }
0x5c: {  	[tilespmem:$0x598] =	vst v0  }
0x5d: {  	[tilespmem:$0x5A8] =	vst v0  }
0x5e: {  	[tilespmem:$0x5B8] =	vst v0  }
0x5f: {  	[tilespmem:$0x5C8] =	vst v0  }
0x60: {  	[tilespmem:$0x5D8] =	vst v0  }
0x61: {  	[tilespmem:$0x5E8] =	vst v0  }
0x62: {  	[tilespmem:$0x5F8] =	vst v0  }
0x63: {  	[tilespmem:$0x608] =	vst v0  }
0x64: {  	[tilespmem:$0x618] =	vst v0  }
0x65: {  	[tilespmem:$0x628] =	vst v0  }
0x66: {  	[tilespmem:$0x638] =	vst v0  }
0x67: {  	[tilespmem:$0x648] =	vst v0  }
0x68: {  	[tilespmem:$0x658] =	vst v0  }
0x69: {  	[tilespmem:$0x668] =	vst v0  }
0x6a: {  	[tilespmem:$0x678] =	vst v0  }
0x6b: {  	[tilespmem:$0x688] =	vst v0  }
0x6c: {  	[tilespmem:$0x698] =	vst v0  }
0x6d: {  	[tilespmem:$0x6A8] =	vst v0  }
0x6e: {  	[tilespmem:$0x6B8] =	vst v0  }
0x6f: {  	[tilespmem:$0x6C8] =	vst v0  }
0x70: {  	[tilespmem:$0x6D8] =	vst v0  }
0x71: {  	[tilespmem:$0x6E8] =	vst v0  }
0x72: {  	[tilespmem:$0x6F8] =	vst v0  }
0x73: {  	[tilespmem:$0x708] =	vst v0  }
0x74: {  	[tilespmem:$0x718] =	vst v0  }
0x75: {  	[tilespmem:$0x728] =	vst v0  }
0x76: {  	[tilespmem:$0x738] =	vst v0  }
0x77: {  	[tilespmem:$0x748] =	vst v0  }
0x78: {  	[tilespmem:$0x758] =	vst v0  }
0x79: {  	[tilespmem:$0x768] =	vst v0  }
0x7a: {  	[tilespmem:$0x778] =	vst v0  }
0x7b: {  	[tilespmem:$0x788] =	vst v0  }
0x7c: {  	[tilespmem:$0x798] =	vst v0  }
0x7d: {  	[tilespmem:$0x7A8] =	vst v0  }
0x7e: {  	[tilespmem:$0x7B8] =	vst v0  }
0x7f: {  	[tilespmem:$0x7C8] =	vst v0  }
0x80: {  	[tilespmem:$0x7D8] =	vst v0  }
0x81: {  	[tilespmem:$0x7E8] =	vst v0  }
0x82: {  	[tilespmem:$0x7F8] =	vst v0  }
0x83: {  	[tilespmem:$0x808] =	vst v0  }
0x84: {  	[tilespmem:$0x818] =	vst v0  }
0x85: {  	[tilespmem:$0x828] =	vst v0  }
0x86: {  	[tilespmem:$0x838] =	vst v0  }
0x87: {  	[tilespmem:$0x848] =	vst v0  }
0x88: {  	[tilespmem:$0x858] =	vst v0  }
0x89: {  	[tilespmem:$0x868] =	vst v0  }
0x8a: {  	[tilespmem:$0x878] =	vst v0  }
0x8b: {  	[tilespmem:$0x888] =	vst v0  }
0x8c: {  	[tilespmem:$0x898] =	vst v0  }
0x8d: {  	[tilespmem:$0x8A8] =	vst v0  }
0x8e: {  	[tilespmem:$0x8B8] =	vst v0  }
0x8f: {  	[tilespmem:$0x8C8] =	vst v0  }
0x90: {  	[tilespmem:$0x8D8] =	vst v0  }
0x91: {  	[tilespmem:$0x8E8] =	vst v0  }
0x92: {  	[tilespmem:$0x8F8] =	vst v0  }
0x93: {  	[tilespmem:$0x908] =	vst v0  }
0x94: {  	[tilespmem:$0x918] =	vst v0  }
0x95: {  	[tilespmem:$0x928] =	vst v0  }
0x96: {  	[tilespmem:$0x938] =	vst v0  }
0x97: {  	[tilespmem:$0x948] =	vst v0  }
0x98: {  	[tilespmem:$0x958] =	vst v0  }
0x99: {  	[tilespmem:$0x968] =	vst v0  }
0x9a: {  	[tilespmem:$0x978] =	vst v0  }
0x9b: {  	[tilespmem:$0x988] =	vst v0  }
0x9c: {  	[tilespmem:$0x998] =	vst v0  }
0x9d: {  	[tilespmem:$0x9A8] =	vst v0  }
0x9e: {  	[tilespmem:$0x9B8] =	vst v0  }
0x9f: {  	[tilespmem:$0x9C8] =	vst v0  }
0xa0: {  	[tilespmem:$0x9D8] =	vst v0  }
0xa1: {  	[tilespmem:$0x9E8] =	vst v0  }
0xa2: {  	[tilespmem:$0x9F8] =	vst v0  }
0xa3: {  	[tilespmem:$0xA08] =	vst v0  }
0xa4: {  	[tilespmem:$0xA18] =	vst v0  }
0xa5: {  	[tilespmem:$0xA28] =	vst v0  }
0xa6: {  	[tilespmem:$0xA38] =	vst v0  }
0xa7: {  	[tilespmem:$0xA48] =	vst v0  }
0xa8: {  	[tilespmem:$0xA58] =	vst v0  }
0xa9: {  	[tilespmem:$0xA68] =	vst v0  }
0xaa: {  	[tilespmem:$0xA78] =	vst v0  }
0xab: {  	[tilespmem:$0xA88] =	vst v0  }
0xac: {  	[tilespmem:$0xA98] =	vst v0  }
0xad: {  	[tilespmem:$0xAA8] =	vst v0  }
0xae: {  	[tilespmem:$0xAB8] =	vst v0  }
0xaf: {  	[tilespmem:$0xAC8] =	vst v0  }
0xb0: {  	[tilespmem:$0xAD8] =	vst v0  }
0xb1: {  	[tilespmem:$0xAE8] =	vst v0  }
0xb2: {  	[tilespmem:$0xAF8] =	vst v0  }
0xb3: {  	[tilespmem:$0xB08] =	vst v0  }
0xb4: {  	[tilespmem:$0xB18] =	vst v0  }
0xb5: {  	[tilespmem:$0xB28] =	vst v0  }
0xb6: {  	[tilespmem:$0xB38] =	vst v0  }
0xb7: {  	[tilespmem:$0xB48] =	vst v0  }
0xb8: {  	[tilespmem:$0xB58] =	vst v0  }
0xb9: {  	[tilespmem:$0xB68] =	vst v0  }
0xba: {  	[tilespmem:$0xB78] =	vst v0  }
0xbb: {  	[tilespmem:$0xB88] =	vst v0  }
0xbc: {  	[tilespmem:$0xB98] =	vst v0  }
0xbd: {  	[tilespmem:$0xBA8] =	vst v0  }
0xbe: {  	[tilespmem:$0xBB8] =	vst v0  }
0xbf: {  	[tilespmem:$0xBC8] =	vst v0  }
0xc0: {  	[tilespmem:$0xBD8] =	vst v0  }
0xc1: {  	[tilespmem:$0xBE8] =	vst v0  }
0xc2: {  	[tilespmem:$0xBF8] =	vst v0  }
0xc3: {  	[tilespmem:$0xC08] =	vst v0  }
0xc4: {  	[tilespmem:$0xC18] =	vst v0  }
0xc5: {  	[tilespmem:$0xC28] =	vst v0  }
0xc6: {  	[tilespmem:$0xC38] =	vst v0  }
0xc7: {  	[tilespmem:$0xC48] =	vst v0  }
0xc8: {  	[tilespmem:$0xC58] =	vst v0  }
0xc9: {  	[tilespmem:$0xC68] =	vst v0  }
0xca: {  	[tilespmem:$0xC78] =	vst v0  }
0xcb: {  	[tilespmem:$0xC88] =	vst v0  }
0xcc: {  	[tilespmem:$0xC98] =	vst v0  }
0xcd: {  	[tilespmem:$0xCA8] =	vst v0  }
0xce: {  	[tilespmem:$0xCB8] =	vst v0  }
0xcf: {  	[tilespmem:$0xCC8] =	vst v0  }
0xd0: {  	[tilespmem:$0xCD8] =	vst v0  }
0xd1: {  	[tilespmem:$0xCE8] =	vst v0  }
0xd2: {  	[tilespmem:$0xCF8] =	vst v0  }
0xd3: {  	[tilespmem:$0xD08] =	vst v0  }
0xd4: {  	[tilespmem:$0xD18] =	vst v0  }
0xd5: {  	[tilespmem:$0xD28] =	vst v0  }
0xd6: {  	[tilespmem:$0xD38] =	vst v0  }
0xd7: {  	[tilespmem:$0xD48] =	vst v0  }
0xd8: {  	[tilespmem:$0xD58] =	vst v0  }
0xd9: {  	[tilespmem:$0xD68] =	vst v0  }
0xda: {  	[tilespmem:$0xD78] =	vst v0  }
0xdb: {  	[tilespmem:$0xD88] =	vst v0  }
0xdc: {  	[tilespmem:$0xD98] =	vst v0  }
0xdd: {  	[tilespmem:$0xDA8] =	vst v0  }
0xde: {  	[tilespmem:$0xDB8] =	vst v0  }
0xdf: {  	[tilespmem:$0xDC8] =	vst v0  }
0xe0: {  	[tilespmem:$0xDD8] =	vst v0  }
0xe1: {  	[tilespmem:$0xDE8] =	vst v0  }
0xe2: {  	[tilespmem:$0xDF8] =	vst v0  }
0xe3: {  	[tilespmem:$0xE08] =	vst v0  }
0xe4: {  	[tilespmem:$0xE18] =	vst v0  }
0xe5: {  	[tilespmem:$0xE28] =	vst v0  }
0xe6: {  	[tilespmem:$0xE38] =	vst v0  }
0xe7: {  	[tilespmem:$0xE48] =	vst v0  }
0xe8: {  	[tilespmem:$0xE58] =	vst v0  }
0xe9: {  	[tilespmem:$0xE68] =	vst v0  }
0xea: {  	[tilespmem:$0xE78] =	vst v0  }
0xeb: {  	[tilespmem:$0xE88] =	vst v0  }
0xec: {  	[tilespmem:$0xE98] =	vst v0  }
0xed: {  	[tilespmem:$0xEA8] =	vst v0  }
0xee: {  	[tilespmem:$0xEB8] =	vst v0  }
0xef: {  	[tilespmem:$0xEC8] =	vst v0  }
0xf0: {  	[tilespmem:$0xED8] =	vst v0  }
0xf1: {  	[tilespmem:$0xEE8] =	vst v0  }
0xf2: {  	[tilespmem:$0xEF8] =	vst v0  }
0xf3: {  	[tilespmem:$0xF08] =	vst v0  }
0xf4: {  	[tilespmem:$0xF18] =	vst v0  }
0xf5: {  	[tilespmem:$0xF28] =	vst v0  }
0xf6: {  	[tilespmem:$0xF38] =	vst v0  }
0xf7: {  	[tilespmem:$0xF48] =	vst v0  }
0xf8: {  	[tilespmem:$0xF58] =	vst v0  }
0xf9: {  	[tilespmem:$0xF68] =	vst v0  }
0xfa: {  	[tilespmem:$0xF78] =	vst v0  }
0xfb: {  	[tilespmem:$0xF88] =	vst v0  }
0xfc: {  	[tilespmem:$0xF98] =	vst v0  }
0xfd: {  	[tilespmem:$0xFA8] =	vst v0  }
0xfe: {  	[tilespmem:$0xFB8] =	vst v0  }
0xff: {  	[tilespmem:$0xFC8] =	vst v0  }
0x100: {  	[tilespmem:$0xFD8] =	vst v0  }
0x101: {  	[tilespmem:$0xFE8] =	vst v0  }
0x102: {  	[tilespmem:$0xFF8] =	vst v0  }
0x103: {  	[tilespmem:$0x1008] =	vst v0  }
0x104: {  	[tilespmem:$0x10E8] =	vst v0  }
0x105: {  	[tilespmem:$0x1C28] =	vst v0  }
0x106: {  	[tilespmem:$0x1C18] =	vst v0  }
0x107: {  	[tilespmem:$0x1C08] =	vst v0  }
0x108: {  	[tilespmem:$0x1BF8] =	vst v0  }
0x109: {  	[tilespmem:$0x1BE8] =	vst v0  }
0x10a: {  	[tilespmem:$0x1BD8] =	vst v0  }
0x10b: {  	[tilespmem:$0x1BC8] =	vst v0  }
0x10c: {  	[tilespmem:$0x1BB8] =	vst v0  }
0x10d: {  	[tilespmem:$0x1BA8] =	vst v0  }
0x10e: {  	[tilespmem:$0x1B98] =	vst v0  }
0x10f: {  	[tilespmem:$0x1B88] =	vst v0  }
0x110: {  	[tilespmem:$0x1B78] =	vst v0  }
0x111: {  	[tilespmem:$0x1B68] =	vst v0  }
0x112: {  	[tilespmem:$0x1B58] =	vst v0  }
0x113: {  	[tilespmem:$0x1B48] =	vst v0  }
0x114: {  	[tilespmem:$0x1B38] =	vst v0  }
0x115: {  	[tilespmem:$0x1B28] =	vst v0  }
0x116: {  	[tilespmem:$0x1B18] =	vst v0  }
0x117: {  	[tilespmem:$0x1B08] =	vst v0  }
0x118: {  	[tilespmem:$0x1AF8] =	vst v0  }
0x119: {  	[tilespmem:$0x1AE8] =	vst v0  }
0x11a: {  	[tilespmem:$0x1AD8] =	vst v0  }
0x11b: {  	[tilespmem:$0x1AC8] =	vst v0  }
0x11c: {  	[tilespmem:$0x1AB8] =	vst v0  }
0x11d: {  	[tilespmem:$0x1AA8] =	vst v0  }
0x11e: {  	[tilespmem:$0x1A98] =	vst v0  }
0x11f: {  	[tilespmem:$0x1A88] =	vst v0  }
0x120: {  	[tilespmem:$0x1A78] =	vst v0  }
0x121: {  	[tilespmem:$0x1A68] =	vst v0  }
0x122: {  	[tilespmem:$0x1A58] =	vst v0  }
0x123: {  	[tilespmem:$0x1A48] =	vst v0  }
0x124: {  	[tilespmem:$0x1A38] =	vst v0  }
0x125: {  	[tilespmem:$0x1A28] =	vst v0  }
0x126: {  	[tilespmem:$0x1A18] =	vst v0  }
0x127: {  	[tilespmem:$0x1A08] =	vst v0  }
0x128: {  	[tilespmem:$0x19F8] =	vst v0  }
0x129: {  	[tilespmem:$0x19E8] =	vst v0  }
0x12a: {  	[tilespmem:$0x19D8] =	vst v0  }
0x12b: {  	[tilespmem:$0x19C8] =	vst v0  }
0x12c: {  	[tilespmem:$0x19B8] =	vst v0  }
0x12d: {  	[tilespmem:$0x19A8] =	vst v0  }
0x12e: {  	[tilespmem:$0x1998] =	vst v0  }
0x12f: {  	[tilespmem:$0x1988] =	vst v0  }
0x130: {  	[tilespmem:$0x1978] =	vst v0  }
0x131: {  	[tilespmem:$0x1968] =	vst v0  }
0x132: {  	[tilespmem:$0x1958] =	vst v0  }
0x133: {  	[tilespmem:$0x1948] =	vst v0  }
0x134: {  	[tilespmem:$0x1938] =	vst v0  }
0x135: {  	[tilespmem:$0x1928] =	vst v0  }
0x136: {  	[tilespmem:$0x1918] =	vst v0  }
0x137: {  	[tilespmem:$0x1908] =	vst v0  }
0x138: {  	[tilespmem:$0x18F8] =	vst v0  }
0x139: {  	[tilespmem:$0x18E8] =	vst v0  }
0x13a: {  	[tilespmem:$0x18D8] =	vst v0  }
0x13b: {  	[tilespmem:$0x18C8] =	vst v0  }
0x13c: {  	[tilespmem:$0x18B8] =	vst v0  }
0x13d: {  	[tilespmem:$0x18A8] =	vst v0  }
0x13e: {  	[tilespmem:$0x1898] =	vst v0  }
0x13f: {  	[tilespmem:$0x1888] =	vst v0  }
0x140: {  	[tilespmem:$0x1878] =	vst v0  }
0x141: {  	[tilespmem:$0x1868] =	vst v0  }
0x142: {  	[tilespmem:$0x1858] =	vst v0  }
0x143: {  	[tilespmem:$0x1848] =	vst v0  }
0x144: {  	[tilespmem:$0x1838] =	vst v0  }
0x145: {  	[tilespmem:$0x1828] =	vst v0  }
0x146: {  	[tilespmem:$0x1818] =	vst v0  }
0x147: {  	[tilespmem:$0x1808] =	vst v0  }
0x148: {  	[tilespmem:$0x17F8] =	vst v0  }
0x149: {  	[tilespmem:$0x17E8] =	vst v0  }
0x14a: {  	[tilespmem:$0x17D8] =	vst v0  }
0x14b: {  	[tilespmem:$0x17C8] =	vst v0  }
0x14c: {  	[tilespmem:$0x17B8] =	vst v0  }
0x14d: {  	[tilespmem:$0x17A8] =	vst v0  }
0x14e: {  	[tilespmem:$0x1798] =	vst v0  }
0x14f: {  	[tilespmem:$0x1788] =	vst v0  }
0x150: {  	[tilespmem:$0x1778] =	vst v0  }
0x151: {  	[tilespmem:$0x1768] =	vst v0  }
0x152: {  	[tilespmem:$0x1758] =	vst v0  }
0x153: {  	[tilespmem:$0x1748] =	vst v0  }
0x154: {  	[tilespmem:$0x1738] =	vst v0  }
0x155: {  	[tilespmem:$0x1728] =	vst v0  }
0x156: {  	[tilespmem:$0x1718] =	vst v0  }
0x157: {  	[tilespmem:$0x1708] =	vst v0  }
0x158: {  	[tilespmem:$0x16F8] =	vst v0  }
0x159: {  	[tilespmem:$0x16E8] =	vst v0  }
0x15a: {  	[tilespmem:$0x16D8] =	vst v0  }
0x15b: {  	[tilespmem:$0x16C8] =	vst v0  }
0x15c: {  	[tilespmem:$0x16B8] =	vst v0  }
0x15d: {  	[tilespmem:$0x16A8] =	vst v0  }
0x15e: {  	[tilespmem:$0x1698] =	vst v0  }
0x15f: {  	[tilespmem:$0x1688] =	vst v0  }
0x160: {  	[tilespmem:$0x1678] =	vst v0  }
0x161: {  	[tilespmem:$0x1668] =	vst v0  }
0x162: {  	[tilespmem:$0x1658] =	vst v0  }
0x163: {  	[tilespmem:$0x1648] =	vst v0  }
0x164: {  	[tilespmem:$0x1638] =	vst v0  }
0x165: {  	[tilespmem:$0x1628] =	vst v0  }
0x166: {  	[tilespmem:$0x1618] =	vst v0  }
0x167: {  	[tilespmem:$0x1608] =	vst v0  }
0x168: {  	[tilespmem:$0x15F8] =	vst v0  }
0x169: {  	[tilespmem:$0x15E8] =	vst v0  }
0x16a: {  	[tilespmem:$0x15D8] =	vst v0  }
0x16b: {  	[tilespmem:$0x15C8] =	vst v0  }
0x16c: {  	[tilespmem:$0x15B8] =	vst v0  }
0x16d: {  	[tilespmem:$0x15A8] =	vst v0  }
0x16e: {  	[tilespmem:$0x1598] =	vst v0  }
0x16f: {  	[tilespmem:$0x1588] =	vst v0  }
0x170: {  	[tilespmem:$0x1578] =	vst v0  }
0x171: {  	[tilespmem:$0x1568] =	vst v0  }
0x172: {  	[tilespmem:$0x1558] =	vst v0  }
0x173: {  	[tilespmem:$0x1548] =	vst v0  }
0x174: {  	[tilespmem:$0x1538] =	vst v0  }
0x175: {  	[tilespmem:$0x1528] =	vst v0  }
0x176: {  	[tilespmem:$0x1518] =	vst v0  }
0x177: {  	[tilespmem:$0x1508] =	vst v0  }
0x178: {  	[tilespmem:$0x14F8] =	vst v0  }
0x179: {  	[tilespmem:$0x14E8] =	vst v0  }
0x17a: {  	[tilespmem:$0x14D8] =	vst v0  }
0x17b: {  	[tilespmem:$0x14C8] =	vst v0  }
0x17c: {  	[tilespmem:$0x14B8] =	vst v0  }
0x17d: {  	[tilespmem:$0x14A8] =	vst v0  }
0x17e: {  	[tilespmem:$0x1498] =	vst v0  }
0x17f: {  	[tilespmem:$0x1488] =	vst v0  }
0x180: {  	[tilespmem:$0x1478] =	vst v0  }
0x181: {  	[tilespmem:$0x1468] =	vst v0  }
0x182: {  	[tilespmem:$0x1458] =	vst v0  }
0x183: {  	[tilespmem:$0x1448] =	vst v0  }
0x184: {  	[tilespmem:$0x1438] =	vst v0  }
0x185: {  	[tilespmem:$0x1428] =	vst v0  }
0x186: {  	[tilespmem:$0x1418] =	vst v0  }
0x187: {  	[tilespmem:$0x1408] =	vst v0  }
0x188: {  	[tilespmem:$0x13F8] =	vst v0  }
0x189: {  	[tilespmem:$0x13E8] =	vst v0  }
0x18a: {  	[tilespmem:$0x13D8] =	vst v0  }
0x18b: {  	[tilespmem:$0x13C8] =	vst v0  }
0x18c: {  	[tilespmem:$0x13B8] =	vst v0  }
0x18d: {  	[tilespmem:$0x13A8] =	vst v0  }
0x18e: {  	[tilespmem:$0x1398] =	vst v0  }
0x18f: {  	[tilespmem:$0x1388] =	vst v0  }
0x190: {  	[tilespmem:$0x1378] =	vst v0  }
0x191: {  	[tilespmem:$0x1368] =	vst v0  }
0x192: {  	[tilespmem:$0x1358] =	vst v0  }
0x193: {  	[tilespmem:$0x1348] =	vst v0  }
0x194: {  	[tilespmem:$0x1338] =	vst v0  }
0x195: {  	[tilespmem:$0x1328] =	vst v0  }
0x196: {  	[tilespmem:$0x1318] =	vst v0  }
0x197: {  	[tilespmem:$0x1308] =	vst v0  }
0x198: {  	[tilespmem:$0x12F8] =	vst v0  }
0x199: {  	[tilespmem:$0x12E8] =	vst v0  }
0x19a: {  	[tilespmem:$0x12D8] =	vst v0  }
0x19b: {  	[tilespmem:$0x12C8] =	vst v0  }
0x19c: {  	[tilespmem:$0x12B8] =	vst v0  }
0x19d: {  	[tilespmem:$0x12A8] =	vst v0  }
0x19e: {  	[tilespmem:$0x1298] =	vst v0  }
0x19f: {  	[tilespmem:$0x1288] =	vst v0  }
0x1a0: {  	[tilespmem:$0x1278] =	vst v0  }
0x1a1: {  	[tilespmem:$0x1268] =	vst v0  }
0x1a2: {  	[tilespmem:$0x1258] =	vst v0  }
0x1a3: {  	[tilespmem:$0x1248] =	vst v0  }
0x1a4: {  	[tilespmem:$0x1238] =	vst v0  }
0x1a5: {  	[tilespmem:$0x1228] =	vst v0  }
0x1a6: {  	[tilespmem:$0x1218] =	vst v0  }
0x1a7: {  	[tilespmem:$0x1208] =	vst v0  }
0x1a8: {  	[tilespmem:$0x11F8] =	vst v0  }
0x1a9: {  	[tilespmem:$0x11E8] =	vst v0  }
0x1aa: {  	[tilespmem:$0x11D8] =	vst v0  }
0x1ab: {  	[tilespmem:$0x11C8] =	vst v0  }
0x1ac: {  	[tilespmem:$0x11B8] =	vst v0  }
0x1ad: {  	[tilespmem:$0x11A8] =	vst v0  }
0x1ae: {  	[tilespmem:$0x1198] =	vst v0  }
0x1af: {  	[tilespmem:$0x1188] =	vst v0  }
0x1b0: {  	[tilespmem:$0x1178] =	vst v0  }
0x1b1: {  	[tilespmem:$0x1168] =	vst v0  }
0x1b2: {  	[tilespmem:$0x1158] =	vst v0  }
0x1b3: {  	[tilespmem:$0x1148] =	vst v0  }
0x1b4: {  	[tilespmem:$0x1138] =	vst v0  }
0x1b5: {  	s2 =	stileid.u32;
	[tilespmem:$0x1128] =	vst v0  }
0x1b6: {  	s4 =	smul.u32 $0x17, s2;
	[tilespmem:$0x1118] =	vst v0  }
0x1b7: {  	s6 =	smin.u32 s2, $0xC;
	[tilespmem:$0x1108] =	vst v0  }
0x1b8: {  	[tilespmem:$0x10F8] =	vst v0;
	s4 =	sadd.s32 s6, s4  }
0x1b9: {  	p0 =	slt.u32 s2, $0xC;
	[tilespmem:$0x10C8] =	vst v0;
	s6 =	simm.s32 $0x2A00;
	s4 =	smul.u32 $0x1C0, s4  }
0x1ba: {  	s6 =	simm.s32 @!p0 $0x2840;
	[tilespmem:$0x10D8] =	vst v0  }
0x1bb: {  	[tilespmem:$0x10B8] =	vst v0;
	s6 =	sadd.s32 s6, s4  }
0x1bc: {  	[tilespmem:$0x1048] =	vst v0;
	s6 =	smin.u32 s6, $0x29900  }
0x1bd: {  	[tilespmem:$0x10A8] =	vst v0;
	s10 =	ssub.s32 s6, s4  }
0x1be: {  	[tilespmem:$0x1098] =	vst v0;
	p0 =	sgt.s32 s10, $0x0  }
0x1bf: {  	[tilespmem:$0x1088] =	vst v0;
	s10 =	simm.s32 @!p0 $0x0  }
0x1c0: {  	[tilespmem:$0x1078] =	vst v0;
	s7 =	smulhi.u32 $0x92492493, s10  }
0x1c1: {  	[tilespmem:$0x1068] =	vst v0  }
0x1c2: {  	[tilespmem:$0x1058] =	vst v0;
	s11 =	sshrl.u32 s7, $0x8  }
0x1c3: {  	s9 =	simm.s32 $0x7;
	s13 =	simm.s32 $0x0;
	[tilespmem:$0x1028] =	vst v0;
	s12 =	smul.u32 $0x1C0, s11  }
.Ltmp0:
0x1c4: {  	s8 =	sadd.s32 $0xFE00, s5;
	[tilespmem:$0x1038] =	vst v0;
	s7 =	simm.s32 $0x2;
	(pc) =	sbr.rel .LBB2_1-.Ltmp0, $4  }
0x1c5: {  	s5 =	sadd.s32 $0x40CE00, s5;
	s31 =	sshll.u32 s2, $0x5;
	[tilespmem:$0x1018] =	vst v0;
	v0 =	vimm.s32 $0xFFFFFFFF;
	[sflag:s7] =	ssyncpa.u1 $0x0  }
0x1c6: {  	[dreg:$0x3] =	wrdreg s31;
	[tilespmem:$0x3848] =	vst v0;
	[sflag:s9] =	ssyncpa.u1 $0x0;
	p0 =	sne.s32 s10, s12  }
0x1c7: {  	s10 =	simm.s32 $0x8;
	s12 =	simm.s32 $0x0;
	s3 =	simm.s32 @!p0 $0x0  }
0x1c8: {  	v0 =	vlaneseq.u32;
	p0 =	por $0x0, $0x0;
	s3 =	sadd.s32 s3, s11;
	s11 =	smov.u32 s4  }
.LBB2_12:
0x1c9: {  	_ =	swait.ge [sflag:s7], $0x0  }
0x1ca: {  	s14 =	simm.s32 $0x0;
	[sflag:s7] =	ssyncset.done $0x0  }
.LBB2_13:
0x1cb: {  	_ =	swait.ge [sflag:s10], s14  }
0x1cc: {  	s31 =	ssub.s32 $0x0, s14;
	v1 =	vmov s15;
	vm0 =	veq.s32 v0, $0x0;
	[sflag:s10] =	ssyncset.done $0x0  }
0x1cd: {  	vm15 =	veq.s32 v0, $0x2;
	v1 =	vsel vm0, s19, v1;
	[sflag:s10] =	ssyncadd.s32 s31  }
0x1ce: {  	v1 =	vsel vm15, s13, v1;
	[sflag:s10] =	ssyncpa.u1 $0x1  }
0x1cf: {  	[tilespmem:$0x3848] =	vst v1  }
.LBB2_14:
0x1d0: {  	s13 =	sadd.s32 $0x1C0, s11  }
0x1d1: {  	s14 =	smov.u32 s4;
	p1 =	slt.s32 s13, s6  }
0x1d2: {  	s14 =	smov.u32 @p1 s13;
	p1 =	sne.s32 s12, s3  }
.Ltmp1:
0x1d3: {  	_ = 	snop;
	(pc) =	sbr.rel @!p1 .LBB2_15-.Ltmp1, $3  }
0x1d4: {  	_ =	sdelay $0x1  }
0x1d5: {  	s15 =	sadd.s32 $0x1, s12;
	p0 =	por !p0, !p0  }
0x1d6: {  	s13 =	smov.u32 s11;
	s12 =	smov.u32 s15;
	s11 =	smov.u32 s14  }
.LBB2_1:
0x1d7: {  	p1 =	sge.u32 s12, s3  }
0x1d8: {  	p2 =	sgt.s32 @!p1 s11, $0x29740  }
0x1d9: {  	s14 =	smov.u32 s11;
	s15 =	sshra.s32 @!p1 s11, $0x1F;
	p2 =	por !p2, p1  }
0x1da: {  	s15 =	sand.u32 @!p1 s15, s11;
	s14 =	simm.s32 @p2 $0x29740  }
0x1db: {  	s14 =	ssub.s32 @!p1 s14, s15  }
0x1dc: {  	s15 =	sxor.u32 @!p1 $0xFFFFFFFF, s12;
	s14 =	sadd.s32 @!p1 $0xFFFD68C0, s14  }
0x1dd: {  	s15 =	sand.u32 @!p1 $0x1, s15;
	s16 =	sshll.u32 @!p1 s14, $0x2  }
0x1de: {  	p2 =	sgt.s32 @!p1 s14, $0x1BF;
	s14 =	ssub.s32 @!p1 $0x700, s16;
	s16 =	smul.u32 @!p1 $0x700, s15  }
0x1df: {  	s17 =	sshrl.u32 @!p1 s11, $0x3;
	s18 =	sand.u32 @!p1 $0x7, s11  }
0x1e0: {  	p2 =	por !p2, p1;
	s14 =	sshrl.u32 @!p1 s14, $0x2;
	s16 =	sshrl.u32 @!p1 s16, $0x2  }
0x1e1: {  	s17 =	sadd.s32 @!p1 s8, s17;
	s14 =	simm.s32 @!p2 $0x0;
	s16 =	sadd.s32 @!p1 $0x3A78, s16  }
0x1e2: {  	[tilespmem:s16], [sflag:$0x7] =	stream.linear.gather @!p1 [hbm4b:s17+s18], s14, $0x38;
	[tilespmem:$0x1FDF8] =	vst v63  }
0x1e3: {  	s14 =	ssub.s32 @!p1 $0x29810, s11  }
0x1e4: {  	p2 =	sgt.s32 @!p1 s14, $0x0  }
0x1e5: {  	s15 =	smul.u32 @!p1 $0x38000, s15;
	p2 =	por !p2, p1  }
0x1e6: {  	s14 =	simm.s32 @p2 $0x0  }
0x1e7: {  	s15 =	sshrl.u32 @!p1 s15, $0x2;
	s16 =	sshll.u32 @!p1 s11, $0x4;
	s14 =	smin.u32 @!p1 s14, $0x1C0  }
0x1e8: {  	s15 =	sadd.s32 @!p1 $0x3DF8, s15;
	s16 =	sadd.s32 @!p1 s5, s16;
	s14 =	sshll.u32 @!p1 s14, $0x7  }
0x1e9: {  	[tilespmem:s15], [sflag:$0x7] =	stream.linear.gather @!p1 [hbm:s16], s14, $0x38;
	[tilespmem:$0x1FDF8] =	vst v63  }
0x1ea: {  	p1 =	seq.s32 s12, $0x0  }
.Ltmp2:
0x1eb: {  	_ = 	snop;
	(pc) =	sbr.rel @p1 .LBB2_14-.Ltmp2, $1  }
0x1ec: {  	_ =	sdelay $0x3  }
0x1ed: {  	p1 =	sgt.s32 s13, $0x29740  }
0x1ee: {  	s14 =	smov.u32 s13;
	s15 =	sshra.s32 s13, $0x1F;
	s19 =	ssub.s32 $0x29810, s13  }
0x1ef: {  	s14 =	simm.s32 @!p1 $0x29740;
	s15 =	sand.u32 s15, s13;
	p1 =	sgt.s32 s19, $0x0  }
0x1f0: {  	s14 =	ssub.s32 s14, s15;
	s19 =	simm.s32 @!p1 $0x0  }
0x1f1: {  	s14 =	sadd.s32 $0xFFFD68C0, s14;
	s29 =	smin.u32 s19, $0x1C0  }
0x1f2: {  	s16 =	sshll.u32 s14, $0x2;
	s15 =	sshll.u32 s29, $0x7  }
0x1f3: {  	p1 =	sgt.s32 s14, $0x1BF;
	s30 =	ssub.s32 $0x700, s16;
	_ =	swait.ge [sflag:s9], s15  }
0x1f4: {  	s15 =	ssub.s32 $0x0, s15;
	[sflag:s9] =	ssyncset.done $0x0;
	s14 =	sshrl.u32 s30, $0x2  }
0x1f5: {  	[sflag:s9] =	ssyncadd.s32 s15;
	s14 =	simm.s32 @p1 $0x0  }
0x1f6: {  	_ =	swait.ge [sflag:s9], s14  }
0x1f7: {  	s14 =	ssub.s32 $0x0, s14;
	[sflag:s9] =	ssyncset.done $0x0  }
0x1f8: {  	[sflag:s9] =	ssyncadd.s32 s14  }
0x1f9: {  	v1 =	vld [tilespmem:$0x3848];
	_ =	sdelay $0x4  }
0x1fa: {  	(v2sf) =	vpush v1, $0x0  }
0x1fb: {  	(v2sf) =	vpush v1, $0x1  }
0x1fc: {  	(v2sf) =	vpush v1, $0x2;
	_ =	sdelay $0x3  }
0x1fd: {  	s14 =	sadd.s32 $0x1C0, s13  }
0x1fe: {  	p1 =	slt.s32 s6, s14  }
0x1ff: {  	s14 =	smov.u32 @p1 s6  }
0x200: {  	s17 =	ssub.s32 s14, s13  }
0x201: {  	p1 =	slt.s32 s19, s17  }
0x202: {  	s17 =	smov.u32 @p1 s19  }
0x203: {  	s16 =	simm.s32 $0x1;
	p1 =	slt.s32 s17, $0x1  }
.Ltmp3:
0x204: {  	s16 =	simm.s32 @!p0 $0x0;
	(pc) =	sbr.rel @p1 .LBB2_6-.Ltmp3, $4  }
0x205: {  	s31 =	smul.u32 $0x700, s16  }
0x206: {  	s18 =	spop (v2sf)  }
0x207: {  	s13 =	sshrl.u32 s31, $0x2;
	s20 =	spop (v2sf)  }
0x208: {  	s14 =	sadd.s32 $0x3A78, s13;
	s13 =	spop (v2sf)  }
0x209: {  	s15 =	smin.u32 s17, $0x10  }
0x20a: {  	v1 =	vmov s15  }
0x20b: {  	p2 =	sgt.s32 s17, $0x10;
	vm1 =	vgt.u32 v1, v0  }
.Ltmp4:
0x20c: {  	_ = 	snop;
	(pc) =	sbr.rel @!p2 .LBB2_5-.Ltmp4, $2  }
0x20d: {  	_ =	sdelay $0x2  }
0x20e: {  	s19 =	simm.s32 $0x10;
	s21 =	sadd.s32 $0xFFFFFFF0, s17;
	s15 =	smov.u32 s14;
	vm0 =	vmmov vm1  }
.LBB2_4:
0x20f: {  	s22 =	smin.u32 s21, $0x10;
	s19 =	sadd.s32 $0x10, s19;
	v1 =	vld.msk [tilespmem:s15+$0x0 ss:$0x1], vm1  }
0x210: {  	v2 =	vmov s22;
	p2 =	slt.s32 s19, s17  }
0x211: {  	vm1 =	vgt.u32 v2, v0  }
.Ltmp5:
0x212: {  	(pc) =	sbr.rel @p2 .LBB2_4-.Ltmp5, $3  }
0x213: {  	_ =	sdelay $0x1  }
0x214: {  	v1 =	vshll.u32 v1, $0x4  }
0x215: {  	s21 =	sadd.s32 $0xFFFFFFF0, s21;
	[tilespmem:s15+$0x0] =	vst.msk vm0, v1;
	s15 =	sadd.s32 $0x10, s15;
	vm0 =	vmmov vm1  }
.LBB2_5:
0x216: {  	_ =	sdelay $0x4  }
0x217: {  	v1 =	vld.msk [tilespmem:s15+$0x0 ss:$0x1], vm1;
	_ =	sdelay $0x4  }
0x218: {  	v1 =	vshll.u32 v1, $0x4  }
0x219: {  	[tilespmem:s15+$0x0] =	vst.msk vm0, v1  }
.LBB2_6:
0x21a: {  	s15 =	sand.u32 $0x1, s12  }
0x21b: {  	s19 =	smul.u32 $0x1C0, s15  }
0x21c: {  	p2 =	sne.s32 s20, $0xFFFFFFFF  }
0x21d: {  	v1 =	vld.msk @!p2 [tilespmem:s19+$0x3A78], $0x1;
	_ =	sdelay $0x4  }
0x21e: {  	(v2sf) =	vpush @!p2 v1, $0x0;
	_ =	sdelay $0x8  }
0x21f: {  	s15 =	smul.u32 $0xE000, s15;
	_ =	sdelay $0x1  }
0x220: {  	v1 =	vld.msk @!p2 [tilespmem:s15+$0x3DF8], $0xf;
	_ =	sdelay $0x1  }
.Ltmp6:
0x221: {  	_ = 	snop;
	(pc) =	sbr.rel @p1 .LBB2_12-.Ltmp6, $4  }
0x222: {  	_ = 	snop  }
0x223: {  	s15 =	simm.s32 @!p2 $0x28;
	s19 =	spop @!p2 (v2sf)  }
0x224: {  	s13 =	simm.s32 @!p2 $0x0;
	[tilespmem:s15+$0x0] =	vst.msk @!p2 $0xf, v1;
	s15 =	smov.u32 s19  }
0x225: {  	[sflag:s10] =	ssyncpa.u1 $0x0;
	s19 =	smov.u32 @p2 s18;
	s15 =	smov.u32 @p2 s20  }
0x226: {  	v1 =	vld.msk [tilespmem:s14+$0x0], $0x1;
	_ =	sdelay $0x4  }
0x227: {  	(v2sf) =	vpush v1, $0x0;
	_ =	sdelay $0xe  }
0x228: {  	s22 =	spop (v2sf)  }
0x229: {  	p1 =	seq.s32 s19, s22  }
0x22a: {  	s20 =	ssub.s32 $0x0, s17;
	p2 =	sgt.s32 @!p1 s19, $0x0  }
0x22b: {  	s21 =	smov.u32 s19;
	s18 =	sadd.s32 $0x1, s20;
	p2 =	por !p2, p1  }
0x22c: {  	s16 =	smul.u32 $0x38000, s16;
	s21 =	simm.s32 @p2 $0x0;
	p2 =	seq.s32 s18, $0x0  }
.Ltmp7:
0x22d: {  	_ = 	snop;
	(pc) =	sbr.rel @p2 .LBB2_9-.Ltmp7, $4  }
0x22e: {  	s17 =	simm.s32 $0x0;
	s16 =	sshrl.u32 s16, $0x2  }
0x22f: {  	s16 =	sadd.s32 $0x3DF8, s16;
	s23 =	simm.s32 @!p1 $0x1;
	s21 =	smin.u32 @!p1 s21, $0x270FF  }
0x230: {  	s24 =	simm.s32 @!p1 $0x1C38;
	s23 =	smov.u32 @p1 s17;
	s26 =	sand.u32 @!p1 $0x3FFF8, s21  }
0x231: {  	s25 =	sand.u32 @!p1 $0x7, s21;
	s21 =	sadd.s32 $0x1, s14;
	s26 =	sadd.s32 @!p1 s1, s26  }
.LBB2_8:
0x232: {  	s28 =	smov.u32 s23  }
0x233: {  	[tilespmem:s24], [sflag:$0x2] =	stream.linear.gather @!p1 [hbm4b:s26+s25], $0x4, $0x38;
	[tilespmem:$0x1FDF8] =	vst v63  }
0x234: {  	s18 =	sadd.s32 $0x1, s18;
	s25 =	smov.u32 s22;
	v1 =	vld.msk [tilespmem:s21+$0x0], $0x1  }
0x235: {  	p2 =	seq.s32 s18, $0x0;
	_ =	sdelay $0x3  }
0x236: {  	(v2sf) =	vpush v1, $0x0;
	_ =	sdelay $0xe  }
0x237: {  	s22 =	spop (v2sf)  }
0x238: {  	p1 =	seq.s32 s25, s22  }
0x239: {  	p3 =	sgt.s32 @!p1 s25, $0x0;
	s24 =	sshll.u32 @!p1 s23, $0x6;
	s23 =	sadd.s32 @!p1 $0x1, s23  }
.Ltmp8:
0x23a: {  	p3 =	por !p3, p1;
	s24 =	sshra.s32 @!p1 s24, $0x2;
	(pc) =	sbr.rel @!p2 .LBB2_8-.Ltmp8, $4  }
0x23b: {  	s23 =	smov.u32 @p1 s28;
	s25 =	simm.s32 @p3 $0x0;
	s24 =	sadd.s32 @!p1 $0x1C38, s24  }
0x23c: {  	s25 =	smin.u32 @!p1 s25, $0x270FF  }
0x23d: {  	s26 =	sand.u32 @!p1 $0x3FFF8, s25;
	s25 =	sand.u32 @!p1 $0x7, s25  }
0x23e: {  	s21 =	sadd.s32 $0x1, s21;
	s26 =	sadd.s32 @!p1 s1, s26  }
.LBB2_9:
0x23f: {  	[tilespmem:s24], [sflag:$0x2] =	stream.linear.gather @!p1 [hbm4b:s26+s25], $0x4, $0x38;
	[tilespmem:$0x1FDF8] =	vst v63  }
0x240: {  	s18 =	sshll.u32 s23, $0x2  }
0x241: {  	s18 =	sand.u32 $0x3FFFFFFC, s18  }
0x242: {  	_ =	swait.ge [sflag:s7], s18  }
0x243: {  	s18 =	ssub.s32 $0x0, s18;
	[sflag:s7] =	ssyncset.done $0x0  }
0x244: {  	[sflag:s7] =	ssyncadd.s32 s18  }
0x245: {  	v1 =	vld.msk [tilespmem:s14+$0x0], $0x1;
	_ =	sdelay $0x4  }
0x246: {  	(v2sf) =	vpush v1, $0x0;
	_ =	sdelay $0xe  }
0x247: {  	s18 =	spop (v2sf)  }
0x248: {  	p1 =	sne.s32 s19, s18  }
0x249: {  	p3 =	sne.s32 @p1 s19, s15  }
0x24a: {  	p2 =	por !p3, !p1  }
0x24b: {  	s21 =	sshll.u32 @!p2 s13, $0x6;
	s22 =	simm.s32 @!p2 $0x0  }
0x24c: {  	s21 =	sshra.s32 @!p2 s21, $0x2;
	v1 =	vld.msk @!p2 [tilespmem:s22+$0x1C38], $0xf  }
0x24d: {  	v2 =	vld.msk @!p2 [tilespmem:s21+$0x28], $0xf;
	_ =	sdelay $0x1  }
0x24e: {  	p4 =	sgt.u32 @!p2 s19, $0x270FF  }
0x24f: {  	p5 =	por @p1 p4, !p3  }
0x250: {  	p6 =	por p5, !p1;
	p5 =	por p3, !p1  }
0x251: {  	s23 =	sadd.s32 @!p2 $0x28, s21;
	s22 =	sand.u32 @!p6 $0x3FFF8, s19;
	s24 =	sshll.u32 @!p5 s13, $0x6;
	v1 =	vmax.f32 @!p2 v1, v2  }
0x252: {  	s19 =	sand.u32 @!p6 $0x7, s19;
	s22 =	sadd.s32 @!p6 s1, s22;
	[tilespmem:s21+$0x28] =	vst.msk @!p2 $0xf, v1;
	s21 =	sshra.s32 @!p5 s24, $0x2  }
0x253: {  	[hbm4b:s22+s19] =	stream.linear.scatter @!p6 [tilespmem:s23], [sflag:$0x8], $0x4, $0x38;
	[tilespmem:$0x1FDF8] =	vst v63  }
0x254: {  	s25 =	rddreg [dreg:$0x3];
	s19 =	sadd.s32 @!p5 $0x28, s21;
	s21 =	simm.s32 @!p5 $0x1  }
0x255: {  	[spmem:s25] =	stream.linear.scatter @!p5 [tilespmem:s19], [sflag:$0x1], $0x4, $0x38;
	[tilespmem:$0x1FDF8] =	vst v63  }
0x256: {  	s22 =	sadd.s32 @p1 $0x1, s13;
	_ =	swait.ge @!p5 [sflag:s21], $0x4  }
0x257: {  	s19 =	sshrl.u32 @p1 s22, $0x6;
	[sflag:s21] =	ssyncset.done @!p5 $0x0  }
0x258: {  	s23 =	smulhi.u32 @p1 $0x24924925, s19;
	[sflag:s21] =	ssyncadd.s32 @!p5 $0xFFFFFFFC  }
0x259: {  	v1 =	vld.msk @p1 [tilespmem:s16+$0x0], $0xf  }
0x25a: {  	p3 =	por @p1 !p4, !p3;
	s19 =	sadd.s32 $0x1, s20;
	s20 =	smul.u32 @p1 $0x1C0, s23  }
0x25b: {  	p3 =	por !p3, !p1;
	p5 =	seq.s32 s19, $0x0  }
.Ltmp9:
0x25c: {  	s21 =	simm.s32 @!p2 $0x0;
	s23 =	ssub.s32 @p1 s22, s20;
	(pc) =	sbr.rel @p5 .LBB2_11-.Ltmp9, $4  }
0x25d: {  	s21 =	simm.s32 @!p3 $0x10;
	s24 =	sshll.u32 @p1 s23, $0x4  }
0x25e: {  	s25 =	simm.s32 @p1 $0x1;
	s22 =	sshll.u32 @!p1 s13, $0x6;
	s21 =	sadd.s32 @!p2 $0x0, s21;
	[tilespmem:s24+$0x28] =	vst.msk @p1 $0xf, v1  }
0x25f: {  	s20 =	simm.s32 $0x0;
	s21 =	smov.u32 @p2 s17;
	s22 =	sshra.s32 @!p1 s22, $0x2;
	v1 =	vld.msk @!p1 [tilespmem:s16+$0x0], $0xf  }
0x260: {  	s20 =	smov.u32 @p1 s25;
	s13 =	smov.u32 @p1 s23;
	s17 =	smov.u32 @p1 s21;
	v2 =	vld.msk @!p1 [tilespmem:s22+$0x28], $0xf  }
.LBB2_10:
0x261: {  	_ =	sdelay $0x3  }
0x262: {  	v1 =	vmax.f32 @!p1 v1, v2  }
0x263: {  	s14 =	sadd.s32 $0x1, s14;
	[tilespmem:s22+$0x28] =	vst.msk @!p1 $0xf, v1  }
0x264: {  	v1 =	vld.msk [tilespmem:s14+$0x0], $0x1;
	_ =	sdelay $0x4  }
0x265: {  	(v2sf) =	vpush v1, $0x0;
	_ =	sdelay $0xe  }
0x266: {  	s21 =	smov.u32 s18;
	s18 =	spop (v2sf)  }
0x267: {  	p1 =	sne.s32 s21, s18  }
0x268: {  	p4 =	sne.s32 @p1 s21, s15  }
0x269: {  	s23 =	sadd.s32 @p1 $0x1, s13;
	p3 =	por !p4, !p1  }
0x26a: {  	s22 =	sshll.u32 @!p1 s13, $0x6;
	s25 =	sadd.s32 @p1 $0x1, s20;
	s26 =	sshll.u32 @!p3 s20, $0x6  }
0x26b: {  	s24 =	sshrl.u32 @p1 s23, $0x6;
	s28 =	sshll.u32 @!p3 s13, $0x6;
	s26 =	sshra.s32 @!p3 s26, $0x2  }
0x26c: {  	p6 =	sgt.u32 @!p3 s21, $0x270FF;
	s24 =	smulhi.u32 @p1 $0x24924925, s24;
	s28 =	sshra.s32 @!p3 s28, $0x2;
	v1 =	vld.msk @!p3 [tilespmem:s26+$0x1C38], $0xf  }
0x26d: {  	s29 =	simm.s32 @!p3 $0x0;
	s20 =	smov.u32 @p1 s25;
	p5 =	por @p1 p6, !p4;
	v2 =	vld.msk @!p3 [tilespmem:s28+$0x28], $0xf  }
0x26e: {  	p6 =	por @p1 !p6, !p4;
	p4 =	por p4, !p1;
	s26 =	sadd.s32 @!p3 $0x28, s28  }
0x26f: {  	p5 =	por p5, !p1;
	p6 =	por !p6, !p1;
	s24 =	smul.u32 @p1 $0x1C0, s24  }
0x270: {  	s31 =	sshll.u32 @!p4 s13, $0x6;
	s30 =	sand.u32 @!p5 $0x3FFF8, s21;
	s29 =	simm.s32 @!p6 $0x10  }
0x271: {  	s21 =	sand.u32 @!p5 $0x7, s21;
	s30 =	sadd.s32 @!p5 s1, s30;
	s25 =	sadd.s32 @!p3 s29, s17  }
0x272: {  	s29 =	rddreg [dreg:$0x3];
	s23 =	ssub.s32 @p1 s23, s24;
	s25 =	smov.u32 @p3 s17;
	v1 =	vmax.f32 @!p3 v1, v2  }
0x273: {  	s24 =	sshll.u32 @p1 s23, $0x4;
	s17 =	smov.u32 @p1 s25;
	s25 =	sshra.s32 @!p4 s31, $0x2;
	[tilespmem:s28+$0x28] =	vst.msk @!p3 $0xf, v1  }
0x274: {  	[hbm4b:s30+s21] =	stream.linear.scatter @!p5 [tilespmem:s26], [sflag:$0x8], $0x4, $0x38;
	[tilespmem:$0x1FDF8] =	vst v63  }
0x275: {  	s13 =	smov.u32 @p1 s23;
	s23 =	simm.s32 @!p4 $0x1;
	s21 =	sadd.s32 @!p4 $0x28, s25  }
0x276: {  	[spmem:s29] =	stream.linear.scatter @!p4 [tilespmem:s21], [sflag:$0x1], $0x4, $0x38;
	[tilespmem:$0x1FDF8] =	vst v63  }
0x277: {  	_ =	swait.ge @!p4 [sflag:s23], $0x4  }
0x278: {  	[sflag:s23] =	ssyncset.done @!p4 $0x0  }
0x279: {  	s16 =	sadd.s32 $0x80, s16;
	[sflag:s23] =	ssyncadd.s32 @!p4 $0xFFFFFFFC  }
0x27a: {  	v1 =	vld.msk @p1 [tilespmem:s16+$0x0], $0xf  }
0x27b: {  	s19 =	sadd.s32 $0x1, s19  }
0x27c: {  	p2 =	seq.s32 s19, $0x0  }
.Ltmp10:
0x27d: {  	_ = 	snop;
	(pc) =	sbr.rel @!p2 .LBB2_10-.Ltmp10, $4  }
0x27e: {  	_ = 	snop  }
0x27f: {  	[tilespmem:s24+$0x28] =	vst.msk @p1 $0xf, v1  }
0x280: {  	s22 =	sshra.s32 @!p1 s22, $0x2;
	v1 =	vld.msk @!p1 [tilespmem:s16+$0x0], $0xf  }
0x281: {  	v2 =	vld.msk @!p1 [tilespmem:s22+$0x28], $0xf  }
.LBB2_11:
0x282: {  	_ = 	snop  }
.Ltmp11:
0x283: {  	_ = 	snop;
	(pc) =	sbr.rel .LBB2_13-.Ltmp11, $3  }
0x284: {  	_ =	sdelay $0x1  }
0x285: {  	v1 =	vmax.f32 @!p1 v1, v2  }
0x286: {  	s14 =	sshrl.u32 s17, $0x2;
	s19 =	smov.u32 s18;
	[tilespmem:s22+$0x28] =	vst.msk @!p1 $0xf, v1  }
.LBB2_15:
0x287: {  	_ =	sfence.sel $0x180000  }
0x288: {  	s3 =	simm.s32 $0x7;
	[bflag:$0x0] =	sbarrier.arrive $0xFFFF  }
0x289: {  	s28 =	simm.s32 $0x2;
	[sflag:s3] =	ssyncpa.u1 $0x1  }
0x28a: {  	[sflag:s28] =	ssyncpa.u1 $0x1  }
0x28b: {  	v0 =	vld [tilespmem:$0x3848];
	_ =	sdelay $0x4  }
0x28c: {  	(v2sf) =	vpush v0, $0x0  }
0x28d: {  	(v2sf) =	vpush v0, $0x1;
	_ =	sdelay $0x1  }
0x28e: {  	(v2sf) =	vpush v0, $0x2;
	_ =	sdelay $0xb  }
0x28f: {  	s3 =	spop (v2sf)  }
0x290: {  	s4 =	spop (v2sf)  }
0x291: {  	s5 =	smov.u32 s3;
	p0 =	sne.s32 s3, s4  }
0x292: {  	s6 =	spop (v2sf);
	s5 =	simm.s32 @!p0 $0xFFFFFFFF  }
0x293: {  	v2 =	vimm.s32 $0x1;
	v3 =	vlaneseq.u32;
	p0 =	seq.s32 s6, $0xFFFFFFFF;
	v1 =	vmov s5  }
0x294: {  	v0 =	vperm.xlane v0, v2;
	p1 =	sne.s32 @!p0 s3, s4;
	v1 =	vperm.xlane v1, v3  }
0x295: {  	vm0 =	vcmask $0x3F04;
	s8 =	simm.s32 $0x3848;
	s3 =	simm.s32 @!p0 $0x1;
	p1 =	por !p1, p0  }
0x296: {  	s5 =	sshll.u32 s2, $0x1;
	s4 =	sshll.u32 @!p0 s6, $0x6;
	s3 =	simm.s32 @p1 $0x0;
	v0 =	vsel vm0, v1, v0  }
0x297: {  	s7 =	sor.u32 $0x200, s5;
	s4 =	sshra.s32 @!p0 s4, $0x2;
	s3 =	sor.u32 @!p0 s3, s5;
	[tilespmem:$0x3848] =	vst v0  }
0x298: {  	[spmem:s7] =	stream.linear.scatter [tilespmem:s8], [sflag:$0x1], $0x2, $0x38;
	[tilespmem:$0x1FDF8] =	vst v63  }
0x299: {  	s4 =	sadd.s32 @!p0 $0x28, s4;
	s3 =	sshll.u32 @!p0 s3, $0x4  }
0x29a: {  	[spmem:s3] =	stream.linear.scatter @!p0 [tilespmem:s4], [sflag:$0x1], $0x10, $0x38;
	[tilespmem:$0x1FDF8] =	vst v63  }
0x29b: {  	s4 =	simm.s32 @!p0 $0x12  }
0x29c: {  	s3 =	simm.s32 $0x1;
	s4 =	simm.s32 @p0 $0x2  }
0x29d: {  	_ =	swait.ge [sflag:s3], s4  }
0x29e: {  	s4 =	ssub.s32 $0x0, s4;
	[sflag:s3] =	ssyncset.done $0x0  }
0x29f: {  	[sflag:s3] =	ssyncadd.s32 s4  }
0x2a0: {  	_ =	sfence.stream.spmem  }
0x2a1: {  	s29 =	simm.s32 $0x3;
	[bflag:$0x0] =	sbarrier.arrive $0xFFFF  }
0x2a2: {  	s30 =	simm.s32 $0x4;
	[sflag:s29] =	ssyncpa.u1 $0x1  }
0x2a3: {  	s31 =	simm.s32 $0x3C;
	[sflag:s30] =	ssyncpa.u1 $0x1  }
0x2a4: {  	p0 =	sne.s32 s2, $0x0;
	[sflag:s31] =	ssyncpa.u1 $0x1  }
0x2a5: {  	_ =	sfence @p0  }
0x2a6: {  	[sflag:s3] =	ssyncpa.u1 @p0 $0x1  }
0x2a7: {  	_ =	strace @p0 $0x9000004D  }
0x2a8: {  	[bflag:$0x2] =	sbarrier.arrive @p0 $0xFFFF  }
0x2a9: {  	_ =	shalt @p0  }
.LBB2_16:
0x2aa: {  	_ =	sfence.stream.spmem;
	s3 =	simm.s32 $0x5  }
0x2ab: {  	s2 =	simm.s32 $0x200;
	s4 =	simm.s32 $0x3858;
	[sflag:s3] =	ssyncpa.u1 $0x0  }
0x2ac: {  	[tilespmem:s4], [sflag:$0x5] =	stream.linear.gather [spmem:s2], $0x20, $0x38;
	[tilespmem:$0x1FDF8] =	vst v63  }
0x2ad: {  	s30 =	simm.s32 $0x3878;
	s2 =	simm.s32 $0x0  }
0x2ae: {  	[tilespmem:s30], [sflag:$0x5] =	stream.linear.gather [spmem:s2], $0x200, $0x38;
	[tilespmem:$0x1FDF8] =	vst v63  }
.Ltmp12:
0x2af: {  	_ = 	snop;
	(pc) =	sbr.rel .LBB2_17-.Ltmp12, $4  }
0x2b0: {  	_ =	swait.ge [sflag:s3], $0x220  }
0x2b1: {  	[sflag:s3] =	ssyncset.done $0x0  }
0x2b2: {  	s31 =	simm.s32 $0x6;
	[sflag:s3] =	ssyncadd.s32 $0xFFFFFDE0  }
0x2b3: {  	s3 =	simm.s32 $0x0;
	[sflag:s31] =	ssyncpa.u1 $0x0  }
.LBB2_22:
0x2b4: {  	p0 =	slt.u32 s4, $0x27100  }
0x2b5: {  	s5 =	sand.u32 @p0 $0x3FFF8, s4  }
0x2b6: {  	s4 =	sand.u32 @p0 $0x7, s4;
	s6 =	simm.s32 @p0 $0x3838;
	s5 =	sadd.s32 @p0 s1, s5  }
0x2b7: {  	[tilespmem:s6], [sflag:$0x6] =	stream.linear.gather @p0 [hbm4b:s5+s4], $0x4, $0x38;
	[tilespmem:$0x1FDF8] =	vst v63  }
0x2b8: {  	s4 =	simm.s32 @p0 $0x6  }
0x2b9: {  	_ =	swait.ge @p0 [sflag:s4], $0x4  }
0x2ba: {  	[sflag:s4] =	ssyncset.done @p0 $0x0  }
0x2bb: {  	[sflag:s4] =	ssyncadd.s32 @p0 $0xFFFFFFFC;
	s4 =	sshll.u32 @p0 s3, $0x6  }
0x2bc: {  	v1 =	vld @p0 [tilespmem:$0x3838];
	s5 =	sshrl.u32 @p0 s4, $0x2  }
0x2bd: {  	v2 =	vld @p0 [tilespmem:s5+$0x3878];
	_ =	sdelay $0x4  }
0x2be: {  	s6 =	sshll.u32 @!p0 s3, $0x6;
	v1 =	vmax.f32 @p0 v1, v2  }
0x2bf: {  	s6 =	smov.u32 @p0 s4;
	[tilespmem:s5+$0x3878] =	vst @p0 v1  }
0x2c0: {  	s4 =	sshrl.u32 s6, $0x2;
	[tilespmem:s2+$0x3858] =	vst.msk $0x1, v0  }
0x2c1: {  	v0 =	vld [tilespmem:s4+$0x3878];
	_ =	sdelay $0x2  }
0x2c2: {  	s31 =	sshll.u32 s2, $0x6  }
0x2c3: {  	s4 =	sshra.s32 s31, $0x2  }
0x2c4: {  	s2 =	sadd.s32 $0x1, s2;
	[tilespmem:s4+$0x3878] =	vst v0  }
.LBB2_24:
0x2c5: {  	s3 =	sadd.s32 $0x1, s3  }
0x2c6: {  	p0 =	sne.s32 s3, $0x20  }
.Ltmp13:
0x2c7: {  	_ = 	snop;
	(pc) =	sbr.rel @!p0 .LBB2_25-.Ltmp13, $1  }
0x2c8: {  	_ =	sdelay $0x3  }
.LBB2_17:
0x2c9: {  	v0 =	vld.msk [tilespmem:s3+$0x3858], $0x1;
	_ =	sdelay $0x4  }
0x2ca: {  	(v2sf) =	vpush v0, $0x0;
	_ =	sdelay $0xe  }
0x2cb: {  	s4 =	spop (v2sf)  }
0x2cc: {  	p0 =	seq.s32 s4, $0xFFFFFFFF  }
.Ltmp14:
0x2cd: {  	_ = 	snop;
	(pc) =	sbr.rel @p0 .LBB2_24-.Ltmp14, $1  }
0x2ce: {  	_ =	sdelay $0x3  }
0x2cf: {  	p0 =	slt.s32 s2, $0x1  }
.Ltmp15:
0x2d0: {  	_ = 	snop;
	(pc) =	sbr.rel @p0 .LBB2_22-.Ltmp15, $1  }
0x2d1: {  	_ =	sdelay $0x3  }
0x2d2: {  	s5 =	simm.s32 $0x3858;
	p0 =	por $0x0, $0x0  }
0x2d3: {  	v1 =	vld.msk @!p0 [tilespmem:s5+$0x0], $0x1;
	_ =	sdelay $0x4  }
0x2d4: {  	(v2sf) =	vpush @!p0 v1, $0x0;
	_ =	sdelay $0xd  }
0x2d5: {  	p2 =	sne.s32 s2, $0x1  }
.Ltmp16:
0x2d6: {  	s6 =	spop @!p0 (v2sf);
	(pc) =	sbr.rel @!p2 .LBB2_21-.Ltmp16, $4  }
0x2d7: {  	p1 =	seq.s32 @!p0 s4, s6  }
0x2d8: {  	s6 =	simm.s32 $0x0;
	p1 =	por !p1, p0  }
0x2d9: {  	s8 =	simm.s32 $0xFFFFFFFF;
	s6 =	simm.s32 @p1 $0xFFFFFFFF  }
0x2da: {  	s7 =	simm.s32 $0x1;
	s6 =	smov.u32 @p0 s8  }
.LBB2_20:
0x2db: {  	s8 =	smov.u32 s6;
	p0 =	sne.s32 s6, $0xFFFFFFFF  }
0x2dc: {  	s5 =	sadd.s32 $0x1, s5;
	s6 =	smov.u32 s7;
	s7 =	sadd.s32 $0x1, s7  }
0x2dd: {  	p1 =	sne.s32 s2, s7;
	v1 =	vld.msk @!p0 [tilespmem:s5+$0x0], $0x1;
	_ =	sdelay $0x4  }
0x2de: {  	(v2sf) =	vpush @!p0 v1, $0x0;
	_ =	sdelay $0xe  }
.Ltmp17:
0x2df: {  	s9 =	spop @!p0 (v2sf);
	(pc) =	sbr.rel @p1 .LBB2_20-.Ltmp17, $4  }
0x2e0: {  	p2 =	seq.s32 @!p0 s4, s9  }
0x2e1: {  	p2 =	por !p2, p0  }
0x2e2: {  	s6 =	simm.s32 @p2 $0xFFFFFFFF  }
0x2e3: {  	s6 =	smov.u32 @p0 s8  }
.LBB2_21:
0x2e4: {  	p0 =	sne.s32 s6, $0xFFFFFFFF  }
.Ltmp18:
0x2e5: {  	_ = 	snop;
	(pc) =	sbr.rel @!p0 .LBB2_22-.Ltmp18, $1  }
0x2e6: {  	_ =	sdelay $0x3  }
0x2e7: {  	s4 =	sshll.u32 s3, $0x4  }
0x2e8: {  	s5 =	sshll.u32 s6, $0x6;
	s4 =	sand.u32 $0x3FFFFFF0, s4  }
0x2e9: {  	s31 =	sshra.s32 s5, $0x2;
	v0 =	vld [tilespmem:s4+$0x3878]  }
0x2ea: {  	v1 =	vld [tilespmem:s31+$0x3878];
	_ =	sdelay $0x1  }
.Ltmp19:
0x2eb: {  	_ = 	snop;
	(pc) =	sbr.rel .LBB2_24-.Ltmp19, $3  }
0x2ec: {  	_ =	sdelay $0x1  }
0x2ed: {  	v0 =	vmax.f32 v0, v1  }
0x2ee: {  	[tilespmem:s31+$0x3878] =	vst v0  }
.LBB2_25:
0x2ef: {  	p0 =	slt.s32 s2, $0x1  }
.Ltmp20:
0x2f0: {  	_ = 	snop;
	(pc) =	sbr.rel @p0 .LBB2_29-.Ltmp20, $3  }
0x2f1: {  	_ =	sdelay $0x1  }
0x2f2: {  	s3 =	simm.s32 $0x6  }
0x2f3: {  	[sflag:s3] =	ssyncpa.u1 $0x1;
	s3 =	simm.s32 $0x0  }
0x2f4: {  	s4 =	simm.s32 $0x3858  }
0x2f5: {  	v0 =	vld.msk [tilespmem:s4+$0x0], $0x1;
	_ =	sdelay $0x4  }
0x2f6: {  	(v2sf) =	vpush v0, $0x0;
	_ =	sdelay $0xe  }
0x2f7: {  	s2 =	sadd.s32 $0xFFFFFFFF, s2;
	s5 =	spop (v2sf)  }
0x2f8: {  	p1 =	sne.s32 s2, $0x0;
	p0 =	sgt.u32 s5, $0x270FF  }
.Ltmp21:
0x2f9: {  	s6 =	sand.u32 @!p0 $0x3FFF8, s5;
	(pc) =	sbr.rel @!p1 .LBB2_28-.Ltmp21, $4  }
0x2fa: {  	s4 =	simm.s32 $0x3878;
	s5 =	sand.u32 @!p0 $0x7, s5;
	s6 =	sadd.s32 @!p0 s1, s6  }
0x2fb: {  	[hbm4b:s6+s5] =	stream.linear.scatter @!p0 [tilespmem:s4], [sflag:$0x5], $0x4, $0x38;
	[tilespmem:$0x1FDF8] =	vst v63  }
0x2fc: {  	s6 =	simm.s32 $0x0  }
0x2fd: {  	s5 =	simm.s32 $0x3859;
	s6 =	simm.s32 @!p0 $0x10  }
.LBB2_27:
0x2fe: {  	v0 =	vld.msk [tilespmem:s5+$0x0], $0x1;
	s2 =	sadd.s32 $0xFFFFFFFF, s2;
	s3 =	sadd.s32 s3, s6  }
0x2ff: {  	p0 =	sne.s32 s2, $0x0;
	_ =	sdelay $0x3  }
0x300: {  	(v2sf) =	vpush v0, $0x0;
	_ =	sdelay $0xe  }
.Ltmp22:
0x301: {  	s7 =	spop (v2sf);
	(pc) =	sbr.rel @p0 .LBB2_27-.Ltmp22, $4  }
0x302: {  	s6 =	simm.s32 $0x0;
	p1 =	sgt.u32 s7, $0x270FF  }
0x303: {  	s4 =	sadd.s32 $0x10, s4;
	s6 =	simm.s32 @!p1 $0x10;
	s8 =	sand.u32 @!p1 $0x3FFF8, s7  }
0x304: {  	s5 =	sadd.s32 $0x1, s5;
	s7 =	sand.u32 @!p1 $0x7, s7;
	s8 =	sadd.s32 @!p1 s1, s8  }
0x305: {  	[hbm4b:s8+s7] =	stream.linear.scatter @!p1 [tilespmem:s4], [sflag:$0x5], $0x4, $0x38;
	[tilespmem:$0x1FDF8] =	vst v63  }
.LBB2_28:
0x306: {  	s1 =	sadd.s32 s3, s6  }
0x307: {  	s3 =	sshrl.u32 s1, $0x2  }
.LBB2_29:
0x308: {  	s1 =	simm.s32 $0x5  }
0x309: {  	_ =	swait.ge [sflag:s1], s3  }
0x30a: {  	s2 =	ssub.s32 $0x0, s3;
	[sflag:s1] =	ssyncset.done $0x0  }
0x30b: {  	[sflag:s1] =	ssyncadd.s32 s2  }
0x30c: {  	[sflag:s1] =	ssyncpa.u1 $0x1  }
0x30d: {  	s31 =	simm.s32 $0x1;
	_ =	sfence  }
0x30e: {  	[sflag:s31] =	ssyncpa.u1 $0x1  }
0x30f: {  	_ =	strace $0x9000004D  }
0x310: {  	s0 =	sadd.s32 $0x100000, s0;
	[bflag:$0x2] =	sbarrier.arrive $0xFFFF  }
0x311: {  	[sflag:s0] =	ssyncadd.tile.s32 $0x1;
	_ =	shalt  }
.Lfunc_end2:
_tile_overlayer_lowered:
.L_overlay_start_2:
0x312: {  	(tag) =	ssettag $0x2  }
0x313: {  	s0 =	rddreg [dreg:$0x0];
	s2 =	stileid.u32  }
0x314: {  	s1 =	rddreg [dreg:$0x1];
	p0 =	sne.s32 s2, $0x0  }
0x315: {  	s3 =	rddreg [dreg:$0x2];
	[bflag:$0x3] =	sbarrier.arrive $0xFFFF;
	s2 =	simm.s32 @!p0 $0x1C01  }
0x316: {  	[timem:s3], [sflag:s2] =	dma.local @!p0 [hbm:s0], s1  }
0x317: {  	s0 =	simm.s32 @!p0 $0x1  }
0x318: {  	_ =	swait.ge @!p0 [sflag:s0], s1  }
0x319: {  	s1 =	ssub.s32 @!p0 $0x0, s1;
	[sflag:s0] =	ssyncset.done @!p0 $0x0  }
0x31a: {  	[sflag:s0] =	ssyncadd.s32 @!p0 s1  }
0x31b: {  	[bflag:$0x3] =	sbarrier.arrive $0xFFFF  }
0x31c: {  	_ =	shalt  }

// kernel: sparse-core-data-format-call.cloned.1.call-start
scs
called_computation.5_lowered:
.L_overlay_start_0:
0x0: {  	s1 =	sld [smem:$0x3FD9]  }
0x1: {  	s2 =	sld [smem:$0x3FFE];
	_ =	sdelay $0x1  }
0x2: {  	s3 =	srdreg.scid  }
0x3: {  	s0 =	sand.u32 $0x1, s3  }
0x4: {  	s17 =	sshll.u32 s0, $0xA;
	s1 =	sadd.s32 s2, s1  }
0x5: {  	s1 =	sadd.s32 s1, s17  }
0x6: {  	[smem:$0x3FBE] =	sst s1  }
0x7: {  	_ = 	snop  }
0x8: {  	(tm) =	ssettm $0x1  }
0x9: {  	s18 =	sld [smem:$0x3FFB];
	_ =	sdelay $0x3  }
0xa: {  	_ =	strace s18  }
0xb: {  	s1 =	sld [smem:$0x3FFC];
	_ =	sdelay $0x3  }
0xc: {  	_ =	strace s1  }
0xd: {  	s1 =	sld [smem:$0x3FFD];
	_ =	sdelay $0x3  }
0xe: {  	_ =	strace s1  }
0xf: {  	_ =	strace $0x8FFFFFFF  }
0x10: {  	s19 =	sld [smem:$0x3FDB];
	_ =	sdelay $0x1  }
0x11: {  	s20 =	simm.s32 $_scs_section_size  }
0x12: {  	s4 =	simm.s32 $_size__tile_overlayer_lowered;
	s5 =	simm.s32 $_tile_overlayer_lowered  }
0x13: {  	s23 =	simm.s32 $0x1BFF;
	s22 =	sshll.u32 s5, $0x1;
	s1 =	sadd.s32 s20, s19  }
0x14: {  	s6 =	simm.s32 $0x0;
	s21 =	sshll.u32 s4, $0x1;
	s4 =	sadd.s32 s22, s1  }
0x15: {  	[timem:s6], [sflag:s23] =	dma.local [hbm:s4], s21  }
0x16: {  	_ =	swait.ge [sflag:s23], s21  }
0x17: {  	s2 =	ssub.s32 $0x0, s21;
	[sflag:s23] =	ssyncset.done $0x0  }
0x18: {  	[sflag:s23] =	ssyncadd.s32 s2;
	_ =	sdelay $0x1  }
0x19: {  	s24 =	simm.s32 $0x1B8B  }
0x1a: {  	_ =	swait.ge [sflag:s24], $0x1  }
0x1b: {  	[sflag:s24] =	ssyncset.done $0x0  }
0x1c: {  	s26 =	simm.s32 $0x1B8E;
	s25 =	sld [smem:$0x3FFE];
	[sflag:s24] =	ssyncadd.s32 $0xFFFFFFFF  }
0x1d: {  	s27 =	simm.s32 $execute0_lowered;
	[smem:$0x3FD2] =	sst s26  }
0x1e: {  	s4 =	sshll.u32 s27, $0x1;
	_ =	strace $0x80000055;
	[dreg:$0x1] =	wrdreg $0xFFFFFFFF  }
0x1f: {  	s28 =	simm.s32 $_size_execute0_lowered;
	s1 =	sadd.s32 s1, s4;
	[dreg:$0x0] =	wrdreg $0x0  }
0x20: {  	s4 =	sshll.u32 s28, $0x1;
	[dreg:$0x2] =	wrdreg s1  }
0x21: {  	[dreg:$0x3] =	wrdreg s4  }
0x22: {  	[dreg:$0x4] =	wrdreg $0xC0  }
0x23: {  	_ =	task [dreg:s6], $0x5FFFF  }
0x24: {  	[dreg:$0x1] =	wrdreg $0xFFFFFFFF  }
0x25: {  	[dreg:$0x0] =	wrdreg $0x60  }
0x26: {  	[dreg:$0x2] =	wrdreg s25  }
0x27: {  	[dreg:$0x3] =	wrdreg $0x9  }
0x28: {  	_ =	task.clear_ibuf [dreg:s6], $0x4FFFF;
	_ =	strace $0x90000055  }
0x29: {  	s29 =	simm.s32 $0x9;
	_ =	strace $0x80000057  }
0x2a: {  	_ =	swait.ge [sflag:s29], $0x1  }
0x2b: {  	[sflag:s29] =	ssyncadd.s32 $0xFFFFFFFF  }
0x2c: {  	_ =	strace $0x90000057  }
0x2d: {  	_ =	sfence  }
0x2e: {  	s30 =	sld [smem:$0x0];
	_ =	sdelay $0x2  }
0x2f: {  	s31 =	sshll.u32 s3, $0xD;
	s3 =	sshrl.u32 s3, $0x2  }
0x30: {  	s2 =	sand.u32 $0x4000, s31;
	s1 =	sadd.s32 s3, s30  }
0x31: {  	s0 =	sor.u32 s2, s0;
	s1 =	sshll.u32 s1, $0x11  }
0x32: {  	s0 =	sor.u32 s1, s0  }
0x33: {  	s0 =	sadd.s32 $0x8F2B, s0  }
0x34: {  	[sflag:s0] =	ssyncadd.remote.s32 $0x1  }
0x35: {  	_ =	sfence.sel $0xFFFF  }
0x36: {  	[dreg:$0x0] =	wrdreg $0xFFFFFFFF;
	(pc) =	sbr.abs _section_cstart, $3  }
0x37: {  	[dreg:$0x1] =	wrdreg $0xFFFFFFFF  }
0x38: {  	_ =	task.clear_ibuf [dreg:s6], $0x2FFFF;
	_ =	strace $0x9FFFFFFF  }
0x39: {  	(tm) =	ssettm $0x7FFFFFFF  }
tec
execute0_lowered:
.L_overlay_start_1:
0x0: {  	(tag) =	ssettag $0x1  }
0x1: {  	s0 =	srdreg.scid  }
0x2: {  	s1 =	sshll.u32 s0, $0x4  }
0x3: {  	s4 =	rddreg [dreg:$0x0];
	s0 =	stileid.u32;
	s1 =	sand.u32 $0x10, s1  }
0x4: {  	s7 =	simm.s32 $0x1;
	s8 =	simm.s32 $0x2;
	s1 =	sor.u32 s0, s1  }
0x5: {  	s9 =	simm.s32 $0x0;
	s12 =	simm.s32 $0x0;
	s2 =	sshll.u32 s1, $0x1  }
0x6: {  	s11 =	simm.s32 $0x0;
	s3 =	sadd.s32 $0x15200, s4;
	s6 =	ssub.s32 $0x4E2, s2  }
.Ltmp0:
0x7: {  	s4 =	sadd.s32 $0x14DA00, s4;
	s5 =	sand.u32 $0x3E, s6;
	(pc) =	sbr.rel .LBB1_1-.Ltmp0, $4  }
0x8: {  	s1 =	rddreg [dreg:$0x1];
	_ =	strace $0x80000056;
	p0 =	sne.s32 s5, $0x0  }
0x9: {  	s6 =	sshrl.u32 s6, $0x6;
	s5 =	simm.s32 $0x1;
	s7 =	simm.s32 @!p0 $0x0  }
0xa: {  	s10 =	smov.u32 s2;
	[sflag:s5] =	ssyncpa.u1 $0x0;
	s6 =	sadd.s32 s7, s6  }
0xb: {  	[sflag:s8] =	ssyncpa.u1 $0x0;
	s8 =	simm.s32 $0x0;
	s7 =	sadd.s32 $0x1, s6  }
.LBB1_9:
0xc: {  	s14 =	sadd.s32 $0x40, s10  }
0xd: {  	p1 =	sgt.s32 s14, $0x4E1  }
0xe: {  	s14 =	smov.u32 @p1 s2;
	p1 =	sne.s32 s11, s7  }
.Ltmp1:
0xf: {  	p0 =	slt.u32 s11, $0x2;
	(pc) =	sbr.rel @!p1 .LBB1_10-.Ltmp1, $4  }
0x10: {  	s13 =	simm.s32 @!p0 $0x2  }
0x11: {  	s15 =	sadd.s32 $0x1, s11;
	_ =	swait.ge @!p0 [sflag:s13], $0x4000  }
0x12: {  	s12 =	smov.u32 s10;
	s9 =	sadd.s32 $0x4000, s9;
	[sflag:s13] =	ssyncset.done @!p0 $0x0  }
0x13: {  	s11 =	smov.u32 s15;
	s10 =	smov.u32 s14;
	[sflag:s13] =	ssyncadd.s32 @!p0 $0xFFFFC000  }
.LBB1_1:
0x14: {  	p0 =	sge.u32 s11, s6  }
0x15: {  	s13 =	sxor.u32 @!p0 $0xFFFFFFFF, s11  }
0x16: {  	s31 =	sadd.s32 $0xFFFFFFFF, s11;
	s14 =	sshll.u32 @!p0 s10, $0xA;
	s13 =	sshll.u32 @!p0 s13, $0xE  }
0x17: {  	s15 =	simm.s32 @!p0 $0x0;
	s14 =	sadd.s32 @!p0 s3, s14;
	s13 =	sand.u32 @!p0 $0x4000, s13  }
0x18: {  	[tilespmem:s13], [sflag:$0x1] =	stream.linear.gather @!p0 [hbm4b:s14+s15], $0x4000, $0x38;
	[tilespmem:$0x10000] =	vst v63  }
0x19: {  	p0 =	sge.u32 s31, s6  }
.Ltmp2:
0x1a: {  	_ = 	snop;
	(pc) =	sbr.rel @p0 .LBB1_9-.Ltmp2, $1  }
0x1b: {  	_ =	sdelay $0x3  }
0x1c: {  	s13 =	sshll.u32 s9, $0x2  }
0x1d: {  	_ =	swait.ge [sflag:s5], $0x4000;
	s14 =	sshll.u32 s11, $0xE;
	s18 =	simm.s32 $0x0  }
0x1e: {  	p1 =	por $0x1, $0x1;
	s13 =	sand.u32 $0x10000, s13;
	[sflag:s5] =	ssyncset.done $0x0  }
0x1f: {  	s15 =	sand.u32 $0x4000, s14;
	s13 =	sshrl.u32 s13, $0x2;
	[sflag:s5] =	ssyncadd.s32 $0xFFFFC000  }
0x20: {  	s14 =	sor.u32 $0x8000, s15;
	s16 =	sor.u32 $0x8000, s13;
	s17 =	sadd.s32 $0x8400, s13  }
.LBB1_3:
0x21: {  	s19 =	sshll.u32 s18, $0x2  }
0x22: {  	s19 =	sshrl.u32 s19, $0x2  }
0x23: {  	v0 =	vmov s19;
	_ =	sdelay $0x2  }
0x24: {  	p0 =	por p1, p1;
	p1 =	por $0x0, $0x0;
	s20 =	simm.s32 $0x0  }
0x25: {  	s21 =	smov.u32 s13;
	s22 =	simm.s32 $0x0;
	s19 =	smov.u32 s16  }
.LBB1_4:
0x26: {  	_ =	sdelay $0x3  }
0x27: {  	v2 =	vld.idx.msk [tilespmem:v0+s21+$0x10 ss:$0x1], $0xffff  }
0x28: {  	v3 =	vld.idx.msk [tilespmem:v0+s21+$0x270 ss:$0x1], $0xffff  }
0x29: {  	s23 =	sshll.u32 s22, $0xA;
	v5 =	vld.idx.msk [tilespmem:v0+s21+$0x20 ss:$0x1], $0xffff  }
0x2a: {  	v8 =	vld.idx.msk [tilespmem:v0+s21+$0x30 ss:$0x1], $0xffff;
	s23 =	sadd.s32 s18, s23  }
0x2b: {  	v9 =	vld.idx.msk [tilespmem:v0+s21+$0x40 ss:$0x1], $0xffff;
	v1 =	vmov s23  }
0x2c: {  	s30 =	simm.s32 $0x0;
	v10 =	vld.idx.msk [tilespmem:v0+s21+$0x50 ss:$0x1], $0xffff  }
0x2d: {  	v11 =	vld.idx.msk [tilespmem:v0+s21+$0x60 ss:$0x1], $0xffff;
	s24 =	sand.u32 $0x100, s30  }
0x2e: {  	v12 =	vld.idx.msk [tilespmem:v0+s21+$0x70 ss:$0x1], $0xffff;
	s23 =	sand.u32 $0x80, s30;
	s24 =	sadd.s32 s24, s15;
	[tilespmem:v0+s19+$0x470 ss:$0x1] =	vst.idx.msk $0xffff, v3  }
0x2f: {  	v7 =	vld.idx.msk [tilespmem:v0+s21+$0x210 ss:$0x1], $0xffff;
	s23 =	sadd.s32 s23, s24;
	s24 =	simm.s32 $0x1;
	[tilespmem:v0+s19+$0x10 ss:$0x1] =	vst.idx.msk $0xffff, v2  }
0x30: {  	s31 =	sshll.u32 s20, $0x2;
	s24 =	simm.s32 @!p1 $0x0;
	[tilespmem:v0+s19+$0x20 ss:$0x1] =	vst.idx.msk $0xffff, v5;
	v4 =	vld.idx.msk [tilespmem:v1+s23+$0x200 ss:$0x1], $0xffff  }
0x31: {  	v6 =	vld.idx.msk [tilespmem:v0+s21+$0x220 ss:$0x1], $0xffff;
	s24 =	sshll.u32 s24, $0x9;
	[tilespmem:v0+s19+$0x30 ss:$0x1] =	vst.idx.msk $0xffff, v8;
	s23 =	sand.u32 $0xFFFFFC00, s31  }
0x32: {  	v3 =	vld.idx.msk [tilespmem:v0+s21+$0x230 ss:$0x1], $0xffff;
	[tilespmem:v0+s19+$0x40 ss:$0x1] =	vst.idx.msk $0xffff, v9;
	s23 =	sor.u32 s24, s23  }
0x33: {  	[tilespmem:v0+s19+$0x50 ss:$0x1] =	vst.idx.msk $0xffff, v10;
	v5 =	vld.idx.msk [tilespmem:v0+s21+$0x250 ss:$0x1], $0xffff;
	s23 =	sshrl.u32 s23, $0x2  }
0x34: {  	[tilespmem:v0+s19+$0x60 ss:$0x1] =	vst.idx.msk $0xffff, v11;
	v2 =	vld.idx.msk [tilespmem:v0+s21+$0x260 ss:$0x1], $0xffff;
	s23 =	sadd.s32 s23, s17  }
0x35: {  	s27 =	simm.s32 $0x80;
	s26 =	simm.s32 $0x100;
	[tilespmem:v0+s23+$0x0 ss:$0x1] =	vst.idx.msk $0xffff, v4;
	v4 =	vld.idx.msk [tilespmem:v0+s21+$0x240 ss:$0x1], $0xffff  }
0x36: {  	s25 =	smov.u32 s19;
	s28 =	sand.u32 $0x100, s27;
	v8 =	vld.idx.msk [tilespmem:v0+s21+$0x0 ss:$0x1], $0xffff;
	[tilespmem:v0+s19+$0x70 ss:$0x1] =	vst.idx.msk $0xffff, v12;
	s24 =	sadd.s32 $0x80, s21  }
.LBB1_5:
0x37: {  	p2 =	sne.s32 s26, $0x180;
	v9 =	vld.idx.msk [tilespmem:v0+s24+$0x10 ss:$0x1], $0xffff;
	s27 =	sand.u32 $0x80, s27;
	s28 =	sadd.s32 s28, s15;
	[tilespmem:v0+s25+$0x410 ss:$0x1] =	vst.idx.msk $0xffff, v7  }
0x38: {  	s28 =	sadd.s32 s27, s28;
	v7 =	vld.idx.msk [tilespmem:v0+s24+$0x270 ss:$0x1], $0xffff;
	[tilespmem:v0+s25+$0x420 ss:$0x1] =	vst.idx.msk $0xffff, v6;
	s27 =	smov.u32 s26  }
0x39: {  	v6 =	vld.idx.msk [tilespmem:v1+s28+$0x200 ss:$0x1], $0xffff;
	[tilespmem:v0+s25+$0x430 ss:$0x1] =	vst.idx.msk $0xffff, v3  }
0x3a: {  	v3 =	vld.idx.msk [tilespmem:v0+s24+$0x20 ss:$0x1], $0xffff;
	[tilespmem:v0+s25+$0x440 ss:$0x1] =	vst.idx.msk $0xffff, v4  }
0x3b: {  	v4 =	vld.idx.msk [tilespmem:v0+s24+$0x30 ss:$0x1], $0xffff;
	[tilespmem:v0+s25+$0x450 ss:$0x1] =	vst.idx.msk $0xffff, v5  }
0x3c: {  	v5 =	vld.idx.msk [tilespmem:v0+s24+$0x40 ss:$0x1], $0xffff;
	[tilespmem:v0+s25+$0x0 ss:$0x1] =	vst.idx.msk $0xffff, v8  }
0x3d: {  	v8 =	vld.idx.msk [tilespmem:v0+s24+$0x50 ss:$0x1], $0xffff;
	[tilespmem:v0+s25+$0x460 ss:$0x1] =	vst.idx.msk $0xffff, v2;
	s25 =	sadd.s32 $0x800, s25  }
0x3e: {  	s23 =	sadd.s32 $0x800, s23;
	v2 =	vld.idx.msk [tilespmem:v0+s24+$0x60 ss:$0x1], $0xffff;
	[tilespmem:v0+s25+$0x470 ss:$0x1] =	vst.idx.msk $0xffff, v7  }
0x3f: {  	v10 =	vld.idx.msk [tilespmem:v0+s24+$0x70 ss:$0x1], $0xffff;
	[tilespmem:v0+s23+$0x0 ss:$0x1] =	vst.idx.msk $0xffff, v6  }
0x40: {  	[tilespmem:v0+s25+$0x10 ss:$0x1] =	vst.idx.msk $0xffff, v9;
	v7 =	vld.idx.msk [tilespmem:v0+s24+$0x210 ss:$0x1], $0xffff  }
0x41: {  	[tilespmem:v0+s25+$0x20 ss:$0x1] =	vst.idx.msk $0xffff, v3;
	v6 =	vld.idx.msk [tilespmem:v0+s24+$0x220 ss:$0x1], $0xffff  }
.Ltmp3:
0x42: {  	[tilespmem:v0+s25+$0x30 ss:$0x1] =	vst.idx.msk $0xffff, v4;
	v3 =	vld.idx.msk [tilespmem:v0+s24+$0x230 ss:$0x1], $0xffff;
	(pc) =	sbr.rel @p2 .LBB1_5-.Ltmp3, $4  }
0x43: {  	[tilespmem:v0+s25+$0x40 ss:$0x1] =	vst.idx.msk $0xffff, v5;
	v4 =	vld.idx.msk [tilespmem:v0+s24+$0x240 ss:$0x1], $0xffff  }
0x44: {  	[tilespmem:v0+s25+$0x50 ss:$0x1] =	vst.idx.msk $0xffff, v8;
	v5 =	vld.idx.msk [tilespmem:v0+s24+$0x250 ss:$0x1], $0xffff  }
0x45: {  	[tilespmem:v0+s25+$0x60 ss:$0x1] =	vst.idx.msk $0xffff, v2;
	v2 =	vld.idx.msk [tilespmem:v0+s24+$0x260 ss:$0x1], $0xffff  }
0x46: {  	s26 =	sadd.s32 $0x80, s26;
	s28 =	sand.u32 $0x100, s27;
	v8 =	vld.idx.msk [tilespmem:v0+s24+$0x0 ss:$0x1], $0xffff;
	[tilespmem:v0+s25+$0x70 ss:$0x1] =	vst.idx.msk $0xffff, v10;
	s24 =	sadd.s32 $0x80, s24  }
0x47: {  	_ =	sdelay $0x3  }
0x48: {  	[tilespmem:v0+s25+$0x410 ss:$0x1] =	vst.idx.msk $0xffff, v7  }
0x49: {  	[tilespmem:v0+s25+$0x420 ss:$0x1] =	vst.idx.msk $0xffff, v6  }
0x4a: {  	v56 =	vld.idx.msk [tilespmem:v0+s24+$0x270 ss:$0x1], $0xffff;
	[tilespmem:v0+s25+$0x430 ss:$0x1] =	vst.idx.msk $0xffff, v3  }
0x4b: {  	v3 =	vld.idx.msk [tilespmem:v0+s24+$0x10 ss:$0x1], $0xffff;
	[tilespmem:v0+s25+$0x440 ss:$0x1] =	vst.idx.msk $0xffff, v4  }
0x4c: {  	v57 =	vld.idx.msk [tilespmem:v0+s24+$0x20 ss:$0x1], $0xffff;
	[tilespmem:v0+s25+$0x450 ss:$0x1] =	vst.idx.msk $0xffff, v5  }
0x4d: {  	s26 =	sand.u32 $0x80, s27;
	s30 =	sadd.s32 s28, s15;
	v58 =	vld.idx.msk [tilespmem:v0+s24+$0x30 ss:$0x1], $0xffff;
	[tilespmem:v0+s25+$0x460 ss:$0x1] =	vst.idx.msk $0xffff, v2  }
0x4e: {  	s31 =	sadd.s32 $0x800, s25;
	v59 =	vld.idx.msk [tilespmem:v0+s24+$0x50 ss:$0x1], $0xffff;
	s26 =	sadd.s32 s26, s30;
	[tilespmem:v0+s25+$0x0 ss:$0x1] =	vst.idx.msk $0xffff, v8  }
0x4f: {  	v1 =	vld.idx.msk [tilespmem:v1+s26+$0x200 ss:$0x1], $0xffff;
	[tilespmem:v0+s31+$0x470 ss:$0x1] =	vst.idx.msk $0xffff, v56  }
0x50: {  	v60 =	vld.idx.msk [tilespmem:v0+s24+$0x210 ss:$0x1], $0xffff;
	[tilespmem:v0+s31+$0x10 ss:$0x1] =	vst.idx.msk $0xffff, v3  }
0x51: {  	v61 =	vld.idx.msk [tilespmem:v0+s24+$0x220 ss:$0x1], $0xffff;
	[tilespmem:v0+s31+$0x20 ss:$0x1] =	vst.idx.msk $0xffff, v57  }
0x52: {  	v2 =	vld.idx.msk [tilespmem:v0+s24+$0x40 ss:$0x1], $0xffff;
	[tilespmem:v0+s31+$0x30 ss:$0x1] =	vst.idx.msk $0xffff, v58  }
0x53: {  	s23 =	sadd.s32 $0x800, s23;
	v3 =	vld.idx.msk [tilespmem:v0+s24+$0x70 ss:$0x1], $0xffff;
	[tilespmem:v0+s31+$0x50 ss:$0x1] =	vst.idx.msk $0xffff, v59  }
0x54: {  	[tilespmem:v0+s23+$0x0 ss:$0x1] =	vst.idx.msk $0xffff, v1;
	v1 =	vld.idx.msk [tilespmem:v0+s24+$0x60 ss:$0x1], $0xffff  }
0x55: {  	v62 =	vld.idx.msk [tilespmem:v0+s24+$0x240 ss:$0x1], $0xffff;
	[tilespmem:v0+s31+$0x410 ss:$0x1] =	vst.idx.msk $0xffff, v60  }
0x56: {  	v63 =	vld.idx.msk [tilespmem:v0+s24+$0x260 ss:$0x1], $0xffff;
	[tilespmem:v0+s31+$0x420 ss:$0x1] =	vst.idx.msk $0xffff, v61  }
0x57: {  	[tilespmem:v0+s31+$0x40 ss:$0x1] =	vst.idx.msk $0xffff, v2;
	v2 =	vld.idx.msk [tilespmem:v0+s24+$0x230 ss:$0x1], $0xffff  }
0x58: {  	s22 =	sadd.s32 $0x1, s22;
	[tilespmem:v0+s31+$0x70 ss:$0x1] =	vst.idx.msk $0xffff, v3;
	v3 =	vld.idx.msk [tilespmem:v0+s24+$0x0 ss:$0x1], $0xffff  }
0x59: {  	p2 =	sne.s32 s22, $0x8;
	[tilespmem:v0+s31+$0x60 ss:$0x1] =	vst.idx.msk $0xffff, v1;
	v1 =	vld.idx.msk [tilespmem:v0+s24+$0x250 ss:$0x1], $0xffff  }
.Ltmp4:
0x5a: {  	[tilespmem:v0+s31+$0x440 ss:$0x1] =	vst.idx.msk $0xffff, v62;
	(pc) =	sbr.rel @p2 .LBB1_4-.Ltmp4, $4  }
0x5b: {  	[tilespmem:v0+s31+$0x460 ss:$0x1] =	vst.idx.msk $0xffff, v63  }
0x5c: {  	[tilespmem:v0+s31+$0x430 ss:$0x1] =	vst.idx.msk $0xffff, v2  }
0x5d: {  	s21 =	sadd.s32 $0x400, s21;
	[tilespmem:v0+s31+$0x0 ss:$0x1] =	vst.idx.msk $0xffff, v3  }
0x5e: {  	s20 =	sadd.s32 $0x80, s20;
	p1 =	por !p1, !p1;
	s19 =	sadd.s32 $0x80, s19;
	[tilespmem:v0+s31+$0x450 ss:$0x1] =	vst.idx.msk $0xffff, v1  }
.Ltmp5:
0x5f: {  	(pc) =	sbr.rel @p0 .LBB1_3-.Ltmp5, $2  }
0x60: {  	_ =	sdelay $0x2  }
0x61: {  	s18 =	simm.s32 $0x2000;
	p1 =	por $0x0, $0x0  }
.Ltmp6:
0x62: {  	(pc) =	sbr.rel .LBB1_9-.Ltmp6, $4  }
0x63: {  	_ = 	snop  }
0x64: {  	s12 =	sshll.u32 s12, $0xA  }
0x65: {  	s12 =	sadd.s32 s4, s12  }
0x66: {  	[hbm4b:s12+s8] =	stream.linear.scatter [tilespmem:s14], [sflag:$0x2], $0x4000, $0x38;
	[tilespmem:$0x10000] =	vst v63  }
.LBB1_10:
0x67: {  	_ =	sfence.sel $0x180000  }
0x68: {  	s2 =	simm.s32 $0x1;
	[bflag:$0x0] =	sbarrier.arrive $0xFFFF  }
0x69: {  	s31 =	simm.s32 $0x2;
	[sflag:s2] =	ssyncpa.u1 $0x1  }
0x6a: {  	[sflag:s31] =	ssyncpa.u1 $0x1  }
0x6b: {  	p0 =	sne.s32 s0, $0x0;
	_ =	strace $0x90000056  }
0x6c: {  	s0 =	sadd.s32 @!p0 $0x100000, s1;
	[bflag:$0x2] =	sbarrier.arrive $0xFFFF  }
0x6d: {  	[sflag:s0] =	ssyncadd.tile.s32 @!p0 $0x1;
	_ =	shalt  }
.Lfunc_end1:
_tile_overlayer_lowered:
.L_overlay_start_2:
0x6e: {  	(tag) =	ssettag $0x2  }
0x6f: {  	s0 =	rddreg [dreg:$0x0];
	s2 =	stileid.u32  }
0x70: {  	s1 =	rddreg [dreg:$0x1];
	p0 =	sne.s32 s2, $0x0  }
0x71: {  	s3 =	rddreg [dreg:$0x2];
	[bflag:$0x3] =	sbarrier.arrive $0xFFFF;
	s2 =	simm.s32 @!p0 $0x1C01  }
0x72: {  	[timem:s3], [sflag:s2] =	dma.local @!p0 [hbm:s0], s1  }
0x73: {  	s0 =	simm.s32 @!p0 $0x1  }
0x74: {  	_ =	swait.ge @!p0 [sflag:s0], s1  }
0x75: {  	s1 =	ssub.s32 @!p0 $0x0, s1;
	[sflag:s0] =	ssyncset.done @!p0 $0x0  }
0x76: {  	[sflag:s0] =	ssyncadd.s32 @!p0 s1  }
0x77: {  	[bflag:$0x3] =	sbarrier.arrive $0xFFFF  }
0x78: {  	_ =	shalt  }

</sc_bundles>
